<compile_context>
chip_gen: v7x
topology: tpu7x:2x2x1
jax: 0.10.2.dev20260603
libtpu: 0.0.44.dev20260713+nightly
codegen_flags: <defaults>
</compile_context>

<pallas_src>
import functools
import jax
import jax.numpy as jnp
from jax import lax
from jax.experimental import pallas as pl
from jax.experimental.pallas import tpu as pltpu
from jax.experimental.pallas import tpu_sc as plsc

_EPS = 1e-5
_INTERPRET = False

_NP_PAD = 60416
_NPTS = 60000
_IMG_WORDS = 180928
_REG_WORDS = 36608
_CELLS_PAD = 40960
_PITCH1 = 89
_G1 = 32 * _PITCH1
_PITCH2 = 90
_G2 = 34 * _PITCH2
_APAD = _G2 + 182
_SENT = 2878
_TROWS = 6 * _G2



def _k6_voxels(wc_ref, v_ref, widx_ref, cnt_ref):
    w = jnp.full((4, 2048), _SENT, jnp.int32)
    anyv = jnp.zeros((4, 2048), jnp.bool_)
    for j in range(6):
        val = v_ref[j] > 0
        w = jnp.where(val, wc_ref[j], w)
        anyv = anyv | val
    widx_ref[...] = w
    cnt_ref[...] = jnp.sum(anyv.astype(jnp.float32), axis=0, keepdims=True)


def _k3_conv1(d_ref, w_ref, b_ref, out_ref, ps_ref):
    cmask = (lax.broadcasted_iota(jnp.int32, (1, _G1), 1) % _PITCH1
             < 88).astype(jnp.float32)
    s1 = jnp.zeros((32, 1), jnp.float32)
    s2 = jnp.zeros((32, 1), jnp.float32)
    for b in range(2):
        for d in range(2):
            taps = []
            for ky in range(5):
                for kx in range(5):
                    rr = 4 * b + ky
                    cc = 4 * d + kx
                    s = (rr // 8) * _PITCH1 + (cc // 8)
                    taps.append(d_ref[rr % 8, cc % 8, s:s + _G1])
            T = jnp.stack(taps)
            o = lax.dot_general(w_ref[...], T, (((1,), (0,)), ((), ())),
                                preferred_element_type=jnp.float32)
            o = o + b_ref[...]
            out_ref[b, d] = o
            om = o * cmask
            s1 = s1 + jnp.sum(om, axis=1, keepdims=True)
            s2 = s2 + jnp.sum(om * om, axis=1, keepdims=True)
    ps_ref[...] = jnp.concatenate([s1, s2], axis=1)


def _k4_conv2(o1_ref, a1_ref, b1_ref, w_ref, b2_ref, out_ref, ps_ref, f_ref):
    f_ref[...] = jnp.zeros((2, 2, 32, _APAD), jnp.float32)
    for b in range(2):
        for d in range(2):
            act = jnp.maximum(o1_ref[b, d] * a1_ref[...] + b1_ref[...], 0.)
            for k in range(32):
                f_ref[b, d, :, (k + 1) * _PITCH2 + 1:(k + 1) * _PITCH2 + 89] = (
                    act[:, k * _PITCH1:k * _PITCH1 + 88])
    taps = []
    for ky in range(5):
        for kx in range(5):
            s = (ky // 2) * _PITCH2 + (kx // 2)
            taps.append(f_ref[ky % 2, kx % 2, :, s:s + _G2])
    T = jnp.concatenate(taps, axis=0)
    o = lax.dot_general(w_ref[...], T, (((1,), (0,)), ((), ())),
                        preferred_element_type=jnp.float32)
    o = o + b2_ref[...]
    gi = lax.broadcasted_iota(jnp.int32, (1, _G2), 1)
    mask = ((gi % _PITCH2 < 88) & (gi < 32 * _PITCH2)).astype(jnp.float32)
    o = o * mask
    out_ref[...] = o
    ps_ref[...] = jnp.concatenate(
        [jnp.sum(o, axis=1, keepdims=True),
         jnp.sum(o * o, axis=1, keepdims=True)], axis=1)


def _k5_fuse(d2_ref, ft_ref, a2_ref, b2_ref, w_ref, bf_ref, tab_ref, ps_ref,
             a_ref):
    a_ref[...] = jnp.zeros((320, _APAD), jnp.float32)
    act2 = jnp.maximum(d2_ref[...] * a2_ref[...] + b2_ref[...], 0.)
    ft = ft_ref[...]
    for y in range(32):
        row = jnp.concatenate(
            [act2[:, y * _PITCH2:y * _PITCH2 + 88], ft[:, y, :]], axis=0)
        a_ref[:, (y + 1) * _PITCH2 + 1:(y + 1) * _PITCH2 + 89] = row
    acc = None
    for dy in range(3):
        for dx in range(3):
            T = a_ref[:, dy * _PITCH2 + dx:dy * _PITCH2 + dx + _G2]
            r = lax.dot_general(
                w_ref[:, (dy * 3 + dx) * 320:(dy * 3 + dx + 1) * 320], T,
                (((1,), (0,)), ((), ())),
                preferred_element_type=jnp.float32)
            acc = r if acc is None else acc + r
    o = acc + bf_ref[...]
    gi = lax.broadcasted_iota(jnp.int32, (1, _G2), 1)
    mask = ((gi % _PITCH2 < 88) & (gi < 32 * _PITCH2)).astype(jnp.float32)
    o = o * mask
    ps_ref[...] = jnp.concatenate(
        [jnp.sum(o, axis=1, keepdims=True),
         jnp.sum(o * o, axis=1, keepdims=True)], axis=1)
    tab_ref[...] = jnp.swapaxes(o, 0, 1)


def _k8a_final(x_ref, w_ref, cnt_ref, kv_ref, bf_ref, y_ref, ps_ref):
    i = pl.program_id(0)
    y = lax.dot_general(w_ref[...], x_ref[...], (((1,), (1,)), ((), ())),
                        preferred_element_type=jnp.float32)
    y = y + kv_ref[...] * cnt_ref[...] + bf_ref[...]
    gcol = lax.broadcasted_iota(jnp.int32, (1, 2048), 1) + i * 2048
    y = y * (gcol < 40000).astype(jnp.float32)
    y_ref[...] = y
    ps_ref[...] = jnp.concatenate(
        [jnp.sum(y, axis=1, keepdims=True),
         jnp.sum(y * y, axis=1, keepdims=True)], axis=1)


def _k8b_mask(y_ref, a_ref, b_ref, watt_ref, batt_ref, out_ref):
    f1 = jnp.maximum(y_ref[...] * a_ref[...] + b_ref[...], 0.)
    s = lax.dot_general(watt_ref[...], f1, (((1,), (0,)), ((), ())),
                        preferred_element_type=jnp.float32) + batt_ref[...]
    m = jax.nn.sigmoid(s)
    out_ref[...] = f1 * m



def _depth_scatter(pix, dval, zreg):
    mesh = plsc.VectorSubcoreMesh(core_axis_name="c", subcore_axis_name="s")

    @functools.partial(
        pl.kernel, mesh=mesh,
        out_type=jax.ShapeDtypeStruct((6, _IMG_WORDS), jnp.float32),
        scratch_types=[pltpu.VMEM((_REG_WORDS,), jnp.float32),
                       pltpu.VMEM((1024,), jnp.int32),
                       pltpu.VMEM((1024,), jnp.float32)],
        compiler_params=pltpu.CompilerParams(needs_layout_passes=False,
                                             use_tc_tiling_on_sc=False))
    def k(pix_hbm, dv_hbm, z_hbm, out_hbm, buf, pbuf, vbuf):
        wid = lax.axis_index("s") * 2 + lax.axis_index("c")

        @pl.when(wid < 30)
        def _():
            cam = wid // 5
            reg = wid % 5
            lo = reg * _REG_WORDS
            hi = jnp.where(reg == 4, _IMG_WORDS, lo + _REG_WORDS)
            pltpu.sync_copy(z_hbm, buf)

            def chunk(ch, carry):
                pltpu.sync_copy(pix_hbm.at[ch, cam], pbuf)
                pltpu.sync_copy(dv_hbm.at[ch, cam], vbuf)
                for i in range(64):
                    pv = pbuf[i * 16:(i + 1) * 16]
                    dv = vbuf[i * 16:(i + 1) * 16]
                    msk = (pv >= lo) & (pv < hi)
                    off = jnp.where(msk, pv - lo, 0)
                    plsc.store_scatter(buf, [off], dv, mask=msk)
                return carry

            lax.fori_loop(0, 59, chunk, 0)

            @pl.when(reg < 4)
            def _w():
                pltpu.sync_copy(buf, out_hbm.at[cam, pl.ds(lo, _REG_WORDS)])

            @pl.when(reg == 4)
            def _w2():
                pltpu.sync_copy(buf.at[pl.ds(0, _IMG_WORDS - 4 * _REG_WORDS)],
                                out_hbm.at[cam, pl.ds(lo, _IMG_WORDS
                                                      - 4 * _REG_WORDS)])

    return k(pix, dval, zreg)


def _gather_bev(widx, table):
    mesh = plsc.VectorSubcoreMesh(core_axis_name="c", subcore_axis_name="s")

    @functools.partial(
        pl.kernel, mesh=mesh,
        out_type=jax.ShapeDtypeStruct((_CELLS_PAD, 256), jnp.float32),
        scratch_types=[pltpu.VMEM((64,), jnp.int32),
                       pltpu.VMEM((64,), jnp.int32),
                       pltpu.VMEM((64,), jnp.int32),
                       pltpu.VMEM((64,), jnp.int32),
                       pltpu.VMEM((64, 256), jnp.float32),
                       pltpu.VMEM((64, 256), jnp.float32),
                       pltpu.VMEM((64, 256), jnp.float32),
                       pltpu.VMEM((64, 256), jnp.float32),
                       pltpu.VMEM((64, 256), jnp.float32),
                       pltpu.SemaphoreType.DMA,
                       pltpu.SemaphoreType.DMA,
                       pltpu.SemaphoreType.DMA,
                       pltpu.SemaphoreType.DMA],
        compiler_params=pltpu.CompilerParams(needs_layout_passes=False,
                                             use_tc_tiling_on_sc=False))
    def k(widx_hbm, tab_hbm, out_hbm, i0, i1, i2, i3, r0, r1, r2, r3, acc,
          s0, s1, s2, s3):
        wid = lax.axis_index("s") * 2 + lax.axis_index("c")
        base = wid * 1280

        def chunk(ch, carry):
            cb = base + ch * 64
            blk = cb // 2048
            off = cb % 2048
            pltpu.sync_copy(widx_hbm.at[blk, 0, pl.ds(off, 64)], i0)
            pltpu.sync_copy(widx_hbm.at[blk, 1, pl.ds(off, 64)], i1)
            pltpu.sync_copy(widx_hbm.at[blk, 2, pl.ds(off, 64)], i2)
            pltpu.sync_copy(widx_hbm.at[blk, 3, pl.ds(off, 64)], i3)
            cps = []
            for (ib, rb, sb) in ((i0, r0, s0), (i1, r1, s1), (i2, r2, s2),
                                 (i3, r3, s3)):
                for q in range(4):
                    cps.append(pltpu.async_copy(
                        tab_hbm.at[ib.at[pl.ds(q * 16, 16)]],
                        rb.at[pl.ds(q * 16, 16)], sb))
            for c in cps:
                c.wait()

            def row(rr, c2_):
                for g in range(16):
                    sl = pl.ds(g * 16, 16)
                    acc[rr, sl] = (r0[rr, sl] + r1[rr, sl] + r2[rr, sl]
                                   + r3[rr, sl])
                return c2_

            lax.fori_loop(0, 64, row, 0)
            pltpu.sync_copy(acc, out_hbm.at[pl.ds(cb, 64)])
            return carry

        pass

    return k(widx, table)



def _bn_fold(ps, g, beta, n):
    s = ps[..., 0].sum(axis=0)
    ss = ps[..., 1].sum(axis=0)
    mean = s / n
    var = ss / n - mean * mean
    a = g / jnp.sqrt(var + _EPS)
    b = beta - mean * a
    return a, b


def kernel(mlvl_feats, ori_points, img, lidar2image, img_aug_matrix,
           lidar_aug_matrix, img_metas, Wd1, bd1, gd1, betad1, Wd2, bd2, gd2,
           betad2, Wf, bf, gf, betaf, Wfin, bfin, gbn, betabn, Watt, batt):
    f32 = jnp.float32
    feats = mlvl_feats[0]
    la = lidar_aug_matrix[0]
    la_t = la[:3, -1]
    la_r = la[:3, :3]
    ia = img_aug_matrix[0]
    ia_t = ia[..., -1]
    ia_r = ia.at[:, :-1, -1].set(0.0)
    proj = jnp.matmul(ia_r, lidar2image[0])[:, :3, :]

    p = ori_points[0][:, :3].T[None]
    p = p - la_t.reshape(1, 3, 1)
    p = jnp.matmul(la_r.T[None], p)
    p4 = jnp.concatenate([p, jnp.ones_like(p[:, :1])], axis=1)
    p4 = jnp.broadcast_to(p4, (6, 4, p4.shape[-1]))
    pi = jnp.matmul(proj, p4)
    Z = pi[:, 2]
    u = pi[:, 0] / Z + ia_t[:, 0:1]
    v = pi[:, 1] / Z + ia_t[:, 1:2]
    on = (u >= 0) & (v >= 0) & (u < 704) & (v < 256) & (Z > 0)
    ui = jnp.where(on, jnp.clip(u, 0.0, 703.0), 0.0).astype(jnp.int32)
    vi = jnp.where(on, jnp.clip(v, 0.0, 255.0), 256.0).astype(jnp.int32)
    dvals = jnp.where(on, Z, 0.0)
    pixf = vi * 704 + ui
    pixp = jnp.pad(pixf, ((0, 0), (0, _NP_PAD - _NPTS)),
                   constant_values=256 * 704)
    dvp = jnp.pad(dvals, ((0, 0), (0, _NP_PAD - _NPTS)))
    pix = pixp.reshape(6, 59, 1024).transpose(1, 0, 2)
    dval = dvp.reshape(6, 59, 1024).transpose(1, 0, 2)

    nx, ny, nz = 200, 200, 4
    gx, gy, gz = jnp.meshgrid(jnp.arange(nx), jnp.arange(ny), jnp.arange(nz),
                              indexing='ij')
    pts = jnp.stack([gx, gy, gz]).astype(f32)
    vs = jnp.array([0.5, 0.5, 1.5], dtype=f32)
    new_origin = (jnp.array([0.0, 0.0, -1.7], dtype=f32)
                  - jnp.array([nx, ny, nz], dtype=f32) / 2.0 * vs)
    pts = pts * vs.reshape(3, 1, 1, 1) + new_origin.reshape(3, 1, 1, 1)
    pts = pts.reshape(1, 3, -1)
    pts = pts - la_t.reshape(1, 3, 1)
    pts = jnp.matmul(la_r.T[None], pts)
    pts4 = jnp.concatenate([pts, jnp.ones_like(pts[:, :1])], axis=1)
    pts4 = jnp.broadcast_to(pts4, (6, 4, pts4.shape[-1]))
    pim = jnp.matmul(proj, pts4)
    Z2 = pim[:, 2]
    u2 = pim[:, 0] / Z2 + ia_t[:, 0:1]
    v2 = pim[:, 1] / Z2 + ia_t[:, 1:2]
    ufm = jnp.round(u2 / 8)
    vfm = jnp.round(v2 / 8)
    valid = (ufm >= 0) & (vfm >= 0) & (ufm < 88) & (vfm < 32) & (Z2 > 0)
    ufi = jnp.where(valid, jnp.clip(ufm, 0.0, 87.0), 0.0).astype(jnp.int32)
    vfi = jnp.where(valid, jnp.clip(vfm, 0.0, 31.0), 0.0).astype(jnp.int32)
    cams = jnp.arange(6, dtype=jnp.int32).reshape(6, 1)
    wcand = cams * _G2 + vfi * _PITCH2 + ufi
    def to_blocks(x, padval):
        x = x.reshape(6, 40000, 4).transpose(0, 2, 1)
        x = jnp.pad(x, ((0, 0), (0, 0), (0, _CELLS_PAD - 40000)),
                    constant_values=padval)
        return x.reshape(6, 4, 20, 2048).transpose(2, 0, 1, 3)
    wcb = to_blocks(wcand, _SENT)
    vb = to_blocks(valid.astype(jnp.int32), 0)

    zreg = jnp.zeros((_REG_WORDS,), f32)
    depth = _depth_scatter(pix, dval, zreg)

    dimg = depth.reshape(6, 257, 704)[:, :256, :]
    dpad = jnp.pad(dimg, ((0, 0), (2, 6), (2, 6)))
    d8 = (dpad.reshape(6, 33, 8, 89, 8).transpose(0, 2, 4, 1, 3)
          .reshape(6, 8, 8, 33 * 89))
    d8 = jnp.pad(d8, ((0, 0), (0, 0), (0, 0), (0, 2944 - 33 * 89)))

    w1r = Wd1.reshape(32, 25)
    o1, ps1 = pl.pallas_call(
        _k3_conv1,
        grid=(6,),
        in_specs=[pl.BlockSpec((None, 8, 8, 2944), lambda i: (i, 0, 0, 0)),
                  pl.BlockSpec((32, 25), lambda i: (0, 0)),
                  pl.BlockSpec((32, 1), lambda i: (0, 0))],
        out_specs=[pl.BlockSpec((None, 2, 2, 32, _G1),
                                lambda i: (i, 0, 0, 0, 0)),
                   pl.BlockSpec((None, 32, 2), lambda i: (i, 0, 0))],
        out_shape=[jax.ShapeDtypeStruct((6, 2, 2, 32, _G1), f32),
                   jax.ShapeDtypeStruct((6, 32, 2), f32)],
        interpret=_INTERPRET,
    )(d8, w1r, bd1.reshape(32, 1))

    a1, b1 = _bn_fold(ps1, gd1, betad1, 6.0 * 64 * 176)

    w2r = Wd2.transpose(0, 2, 3, 1).reshape(64, 800)
    d2, ps2 = pl.pallas_call(
        _k4_conv2,
        grid=(6,),
        in_specs=[pl.BlockSpec((None, 2, 2, 32, _G1),
                               lambda i: (i, 0, 0, 0, 0)),
                  pl.BlockSpec((32, 1), lambda i: (0, 0)),
                  pl.BlockSpec((32, 1), lambda i: (0, 0)),
                  pl.BlockSpec((64, 800), lambda i: (0, 0)),
                  pl.BlockSpec((64, 1), lambda i: (0, 0))],
        out_specs=[pl.BlockSpec((None, 64, _G2), lambda i: (i, 0, 0)),
                   pl.BlockSpec((None, 64, 2), lambda i: (i, 0, 0))],
        out_shape=[jax.ShapeDtypeStruct((6, 64, _G2), f32),
                   jax.ShapeDtypeStruct((6, 64, 2), f32)],
        scratch_shapes=[pltpu.VMEM((2, 2, 32, _APAD), f32)],
        interpret=_INTERPRET,
    )(o1, a1.reshape(32, 1), b1.reshape(32, 1), w2r, bd2.reshape(64, 1))

    a2, b2 = _bn_fold(ps2, gd2, betad2, 6.0 * 32 * 88)

    wfr = Wf.transpose(0, 2, 3, 1).reshape(256, 2880)
    table, ps3 = pl.pallas_call(
        _k5_fuse,
        grid=(6,),
        in_specs=[pl.BlockSpec((None, 64, _G2), lambda i: (i, 0, 0)),
                  pl.BlockSpec((None, 256, 32, 88), lambda i: (i, 0, 0, 0)),
                  pl.BlockSpec((64, 1), lambda i: (0, 0)),
                  pl.BlockSpec((64, 1), lambda i: (0, 0)),
                  pl.BlockSpec((256, 2880), lambda i: (0, 0)),
                  pl.BlockSpec((256, 1), lambda i: (0, 0))],
        out_specs=[pl.BlockSpec((None, _G2, 256), lambda i: (i, 0, 0)),
                   pl.BlockSpec((None, 256, 2), lambda i: (i, 0, 0))],
        out_shape=[jax.ShapeDtypeStruct((6, _G2, 256), f32),
                   jax.ShapeDtypeStruct((6, 256, 2), f32)],
        scratch_shapes=[pltpu.VMEM((320, _APAD), f32)],
        interpret=_INTERPRET,
    )(d2, feats, a2.reshape(64, 1), b2.reshape(64, 1), wfr,
      bf.reshape(256, 1))

    a3, b3 = _bn_fold(ps3, gf, betaf, 6.0 * 32 * 88)

    widx, cnt = pl.pallas_call(
        _k6_voxels,
        grid=(20,),
        in_specs=[pl.BlockSpec((None, 6, 4, 2048), lambda i: (i, 0, 0, 0)),
                  pl.BlockSpec((None, 6, 4, 2048), lambda i: (i, 0, 0, 0))],
        out_specs=[pl.BlockSpec((None, 4, 2048), lambda i: (i, 0, 0)),
                   pl.BlockSpec((None, 1, 2048), lambda i: (i, 0, 0))],
        out_shape=[jax.ShapeDtypeStruct((20, 4, 2048), jnp.int32),
                   jax.ShapeDtypeStruct((20, 1, 2048), f32)],
        interpret=_INTERPRET,
    )(wcb, vb)

    bev = _gather_bev(widx, table.reshape(_TROWS, 256))

    wfin = Wfin[:, :, 0, 0]
    w2 = wfin * a3[None, :]
    kv = wfin @ b3
    yT, ps4 = pl.pallas_call(
        _k8a_final,
        grid=(20,),
        in_specs=[pl.BlockSpec((2048, 256), lambda i: (i, 0)),
                  pl.BlockSpec((80, 256), lambda i: (0, 0)),
                  pl.BlockSpec((None, 1, 2048), lambda i: (i, 0, 0)),
                  pl.BlockSpec((80, 1), lambda i: (0, 0)),
                  pl.BlockSpec((80, 1), lambda i: (0, 0))],
        out_specs=[pl.BlockSpec((80, 2048), lambda i: (0, i)),
                   pl.BlockSpec((None, 80, 2), lambda i: (i, 0, 0))],
        out_shape=[jax.ShapeDtypeStruct((80, _CELLS_PAD), f32),
                   jax.ShapeDtypeStruct((20, 80, 2), f32)],
        interpret=_INTERPRET,
    )(bev, w2, cnt, kv.reshape(80, 1), bfin.reshape(80, 1))

    a4, b4 = _bn_fold(ps4, gbn, betabn, 40000.0)

    outT = pl.pallas_call(
        _k8b_mask,
        grid=(20,),
        in_specs=[pl.BlockSpec((80, 2048), lambda i: (0, i)),
                  pl.BlockSpec((80, 1), lambda i: (0, 0)),
                  pl.BlockSpec((80, 1), lambda i: (0, 0)),
                  pl.BlockSpec((1, 80), lambda i: (0, 0)),
                  pl.BlockSpec((1, 1), lambda i: (0, 0))],
        out_specs=pl.BlockSpec((80, 2048), lambda i: (0, i)),
        out_shape=jax.ShapeDtypeStruct((80, _CELLS_PAD), f32),
        interpret=_INTERPRET,
    )(yT, a4.reshape(80, 1), b4.reshape(80, 1), Watt.reshape(1, 80),
      batt.reshape(1, 1))

    return outT[:, :40000].reshape(1, 80, 200, 200)

# --- scband reference (transcript-rebuilt; emitter-appended) ---
"""Pipeline reference for scband-fast-bev-10488310137171 (READ-ONLY COPY).

The authoritative reference and input builder live on the scoring server;
editing this copy changes nothing except your own understanding.
"""

import math
import jax, jax.numpy as jnp
import numpy as np

IMAGE_SIZE = (256, 704)
N_VOXELS = (200, 200, 4)
VOXEL_SIZE = (0.5, 0.5, 1.5)

def conv2d(x, w, b, stride=1, padding=0):
    out = jax.lax.conv_general_dilated(x, w, (stride, stride), [(padding, padding), (padding, padding)], dimension_numbers=('NCHW', 'OIHW', 'NCHW'))
    return out + b.reshape(1, -1, 1, 1)

def bn_train(x, g, b, eps=1e-5):
    m = x.mean(axis=(0, 2, 3), keepdims=True)
    v = x.var(axis=(0, 2, 3), keepdims=True)
    return (x - m) / jnp.sqrt(v + eps) * g.reshape(1, -1, 1, 1) + b.reshape(1, -1, 1, 1)

def get_points():
    nx, ny, nz = N_VOXELS
    gx, gy, gz = jnp.meshgrid(jnp.arange(nx), jnp.arange(ny), jnp.arange(nz), indexing='ij')
    pts = jnp.stack([gx, gy, gz]).astype(jnp.float32)
    vs = jnp.array(VOXEL_SIZE, dtype=jnp.float32)
    new_origin = jnp.array([0.0, 0.0, -1.7], dtype=jnp.float32) - jnp.array(N_VOXELS, dtype=jnp.float32) / 2.0 * vs
    return pts * vs.reshape(3, 1, 1, 1) + new_origin.reshape(3, 1, 1, 1)

def setup_inputs(seed: int = 0):
    key = jax.random.key(seed)
    ks = jax.random.split(key, 20)
    inp = {}
    inp['mlvl_feats'] = jax.random.normal(ks[0], (1, 6, 256, 32, 88), dtype=jnp.float32)
    inp['ori_points'] = jax.random.normal(ks[1], (1, 60000, 5), dtype=jnp.float32)
    inp['img'] = jax.random.normal(ks[2], (1, 6, 3, 256, 704), dtype=jnp.float32)
    inp['lidar2image'] = jax.random.normal(ks[3], (1, 6, 4, 4), dtype=jnp.float32)
    inp['img_aug_matrix'] = jax.random.normal(ks[4], (1, 6, 4, 4), dtype=jnp.float32)
    inp['lidar_aug_matrix'] = jax.random.normal(ks[5], (1, 4, 4), dtype=jnp.float32)
    inp['img_metas'] = 0
    inp['Wd1'] = jax.random.normal(ks[6], (32, 1, 5, 5), dtype=jnp.float32) * 0.05
    inp['bd1'] = jnp.zeros((32,), dtype=jnp.float32)
    inp['gd1'] = jnp.ones((32,), dtype=jnp.float32)
    inp['betad1'] = jnp.zeros((32,), dtype=jnp.float32)
    inp['Wd2'] = jax.random.normal(ks[7], (64, 32, 5, 5), dtype=jnp.float32) * 0.05
    inp['bd2'] = jnp.zeros((64,), dtype=jnp.float32)
    inp['gd2'] = jnp.ones((64,), dtype=jnp.float32)
    inp['betad2'] = jnp.zeros((64,), dtype=jnp.float32)
    inp['Wf'] = jax.random.normal(ks[8], (256, 320, 3, 3), dtype=jnp.float32) * 0.02
    inp['bf'] = jnp.zeros((256,), dtype=jnp.float32)
    inp['gf'] = jnp.ones((256,), dtype=jnp.float32)
    inp['betaf'] = jnp.zeros((256,), dtype=jnp.float32)
    inp['Wfin'] = jax.random.normal(ks[9], (80, 256, 1, 1), dtype=jnp.float32) * 0.05
    inp['bfin'] = jnp.zeros((80,), dtype=jnp.float32)
    inp['gbn'] = jnp.ones((80,), dtype=jnp.float32)
    inp['betabn'] = jnp.zeros((80,), dtype=jnp.float32)
    inp['Watt'] = jax.random.normal(ks[10], (1, 80, 1, 1), dtype=jnp.float32) * 0.05
    inp['batt'] = jnp.zeros((1,), dtype=jnp.float32)
    return inp

def _forward(mlvl_feats, ori_points, img, lidar2image, img_aug_matrix, lidar_aug_matrix, Wd1, bd1, gd1, betad1, Wd2, bd2, gd2, betad2, Wf, bf, gf, betaf, Wfin, bfin, gbn, betabn, Watt, batt):
    H_img, W_img = IMAGE_SIZE
    nx, ny, nz = N_VOXELS
    stride_i = math.ceil(W_img / mlvl_feats.shape[-1])
    B = mlvl_feats.shape[0]
    volumes = []
    for i in range(B):
        feat_i = mlvl_feats[i]
        n_images, n_channels, height, width = feat_i.shape
        la = lidar_aug_matrix[i]
        la_t = la[:3, -1]
        la_r = la[:3, :3]
        ia = img_aug_matrix[i]
        ia_t = ia[..., -1]
        ia_r = ia.at[:, :-1, -1].set(0.0)
        proj = jnp.matmul(ia_r, lidar2image[i])[:, :3, :]
        p = ori_points[i][:, :3].T[None]
        p = p - la_t.reshape(1, 3, 1)
        p = jnp.matmul(la_r.T[None], p)
        p4 = jnp.concatenate([p, jnp.ones_like(p[:, :1])], axis=1)
        p4 = jnp.broadcast_to(p4, (n_images, 4, p4.shape[-1]))
        pi = jnp.matmul(proj, p4)
        Z = pi[:, 2]
        u = pi[:, 0] / Z + ia_t[:, 0:1]
        v = pi[:, 1] / Z + ia_t[:, 1:2]
        dist = pi[:, 2]
        on = (u >= 0) & (v >= 0) & (u < 704) & (v < 256) & (Z > 0)
        ui = jnp.where(on, jnp.clip(u, 0.0, 703.0), 0.0).astype(jnp.int32)
        vi = jnp.where(on, jnp.clip(v, 0.0, 255.0), 256.0).astype(jnp.int32)
        dvals = jnp.where(on, dist, 0.0)
        Np = ui.shape[-1]
        cam = jnp.broadcast_to(jnp.arange(n_images)[:, None], (n_images, Np))
        depth_pad = jnp.zeros((n_images, 1, H_img + 1, W_img), dtype=feat_i.dtype)
        depth_pad = depth_pad.at[cam.ravel(), 0, vi.ravel(), ui.ravel()].set(dvals.ravel())
        depth = depth_pad[:, :, :H_img, :]
        d = jax.nn.relu(bn_train(conv2d(depth, Wd1, bd1, stride=4, padding=2), gd1, betad1))
        d = jax.nn.relu(bn_train(conv2d(d, Wd2, bd2, stride=2, padding=2), gd2, betad2))
        fuse = bn_train(conv2d(jnp.concatenate([d, feat_i], axis=1), Wf, bf, stride=1, padding=1), gf, betaf)
        pts = get_points().reshape(1, 3, -1)
        pts = pts - la_t.reshape(1, 3, 1)
        pts = jnp.matmul(la_r.T[None], pts)
        pts4 = jnp.concatenate([pts, jnp.ones_like(pts[:, :1])], axis=1)
        pts4 = jnp.broadcast_to(pts4, (n_images, 4, pts4.shape[-1]))
        pim = jnp.matmul(proj, pts4)
        Z2 = pim[:, 2]
        u2 = pim[:, 0] / Z2 + ia_t[:, 0:1]
        v2 = pim[:, 1] / Z2 + ia_t[:, 1:2]
        ufm = jnp.round(u2 / stride_i)
        vfm = jnp.round(v2 / stride_i)
        valid = (ufm >= 0) & (vfm >= 0) & (ufm < width) & (vfm < height) & (Z2 > 0)
        ufi = jnp.where(valid, jnp.clip(ufm, 0.0, width - 1.0), 0.0).astype(jnp.int32)
        vfi = jnp.where(valid, jnp.clip(vfm, 0.0, height - 1.0), 0.0).astype(jnp.int32)
        volume = jnp.zeros((n_channels, pts4.shape[-1]), dtype=feat_i.dtype)
        for j in range(n_images):
            gathered = fuse[j][:, vfi[j], ufi[j]]
            volume = jnp.where(valid[j][None, :], gathered, volume)
        volumes.append(volume.reshape(n_channels, nx, ny, nz))
    vol = jnp.stack(volumes)
    vol = vol.sum(axis=-1, keepdims=True)
    final_1 = vol[..., 0]
    final_1 = jax.nn.relu(bn_train(conv2d(final_1, Wfin, bfin), gbn, betabn))
    final_mask = jax.nn.sigmoid(conv2d(final_1, Watt, batt))
    return final_mask * final_1

def reference(mlvl_feats, ori_points, img, lidar2image, img_aug_matrix, lidar_aug_matrix, img_metas, Wd1, bd1, gd1, betad1, Wd2, bd2, gd2, betad2, Wf, bf, gf, betaf, Wfin, bfin, gbn, betabn, Watt, batt):
    return _forward(mlvl_feats, ori_points, img, lidar2image, img_aug_matrix, lidar_aug_matrix, Wd1, bd1, gd1, betad1, Wd2, bd2, gd2, betad2, Wf, bf, gf, betaf, Wfin, bfin, gbn, betabn, Watt, batt)

if __name__ == "__main__":
    import jax
    _d = setup_inputs()
    print(jax.jit(kernel)(*tuple(_d.values())))

</pallas_src>

<mosaic_0001>
#map = affine_map<(d0, d1) -> (0, 0, 0)>
#map1 = affine_map<(d0, d1) -> (0)>
#map2 = affine_map<(d0, d1) -> (0, 0)>
module attributes {stable_mosaic.version = 14 : i64} {
  func.func @k(%arg0: i32, %arg1: i32, %arg2: memref<59x6x1024xi32, #tpu.memory_space<hbm>>, %arg3: memref<59x6x1024xf32, #tpu.memory_space<hbm>>, %arg4: memref<36608xf32, #tpu.memory_space<hbm>>, %arg5: memref<6x180928xf32, #tpu.memory_space<hbm>>, %arg6: memref<36608xf32, #tpu.memory_space<vmem>>, %arg7: memref<1024xi32, #tpu.memory_space<vmem>>, %arg8: memref<1024xf32, #tpu.memory_space<vmem>>) attributes {dimension_semantics = [#tpu.dimension_semantics<core_parallel>, #tpu.dimension_semantics<subcore_parallel>], iteration_bounds = array<i64: 2, 16>, scalar_prefetch = 0 : i64, scratch_operands = 3 : i64, tpu.core_type = #tpu.core_type<sc_vector_subcore>, window_params = [{transform_indices = #map}, {transform_indices = #map}, {transform_indices = #map1}, {transform_indices = #map2}]} {
    %mul3A = arith.constant 2 : i32
    %mul3A_0 = arith.muli %arg1, %mul3A : i32
    %add3A = arith.addi %mul3A_0, %arg0 : i32
    %lt3A = arith.constant 30 : i32
    %lt3A_1 = arith.cmpi slt, %add3A, %lt3A : i32
    %convert_element_type3A = arith.extui %lt3A_1 : i1 to i32
    %cond3A = arith.constant 0 : i32
    %cond3A_2 = arith.cmpi ne, %convert_element_type3A, %cond3A : i32
    scf.if %cond3A_2 {
      %jit3A = arith.constant 5 : i32
      %div3A = arith.divsi %add3A, %jit3A : i32
      %sign3A = arith.constant 0 : i32
      %sign3A_3 = arith.cmpi sgt, %add3A, %sign3A : i32
      %sign3A_4 = arith.extui %sign3A_3 : i1 to i32
      %sign3A_5 = arith.constant 0 : i32
      %sign3A_6 = arith.cmpi slt, %add3A, %sign3A_5 : i32
      %sign3A_7 = arith.extui %sign3A_6 : i1 to i32
      %sign3A_8 = arith.subi %sign3A_4, %sign3A_7 : i32
      %sign3A_9 = arith.constant 0 : i32
      %sign3A_10 = arith.cmpi sgt, %jit3A, %sign3A_9 : i32
      %sign3A_11 = arith.extui %sign3A_10 : i1 to i32
      %sign3A_12 = arith.constant 0 : i32
      %sign3A_13 = arith.cmpi slt, %jit3A, %sign3A_12 : i32
      %sign3A_14 = arith.extui %sign3A_13 : i1 to i32
      %sign3A_15 = arith.subi %sign3A_11, %sign3A_14 : i32
      %ne3A = arith.cmpi ne, %sign3A_8, %sign3A_15 : i32
      %rem3A = arith.remsi %add3A, %jit3A : i32
      %ne3A_16 = arith.constant 0 : i32
      %ne3A_17 = arith.cmpi ne, %rem3A, %ne3A_16 : i32
      %and3A = arith.andi %ne3A, %ne3A_17 : i1
      %sub3A = arith.constant 1 : i32
      %sub3A_18 = arith.subi %div3A, %sub3A : i32
      %select_n3A = arith.select %and3A, %sub3A_18, %div3A : i32
      %jit3A_19 = arith.constant 5 : i32
      %eq3A = arith.constant 0 : i32
      %eq3A_20 = arith.cmpi eq, %jit3A_19, %eq3A : i32
      %jit3A_21 = arith.constant 1 : i32
      %select_n3A_22 = arith.select %eq3A_20, %jit3A_21, %jit3A_19 : i32
      %rem3A_23 = arith.remsi %add3A, %select_n3A_22 : i32
      %ne3A_24 = arith.constant 0 : i32
      %ne3A_25 = arith.cmpi ne, %rem3A_23, %ne3A_24 : i32
      %lt3A_26 = arith.constant 0 : i32
      %lt3A_27 = arith.cmpi slt, %rem3A_23, %lt3A_26 : i32
      %lt3A_28 = arith.constant 0 : i32
      %lt3A_29 = arith.cmpi slt, %select_n3A_22, %lt3A_28 : i32
      %ne3A_30 = arith.xori %lt3A_27, %lt3A_29 : i1
      %and3A_31 = arith.andi %ne3A_30, %ne3A_25 : i1
      %add3A_32 = arith.addi %rem3A_23, %select_n3A_22 : i32
      %select_n3A_33 = arith.select %and3A_31, %add3A_32, %rem3A_23 : i32
      %mul3A_34 = arith.constant 36608 : i32
      %mul3A_35 = arith.muli %select_n3A_33, %mul3A_34 : i32
      %eq3A_36 = arith.constant 4 : i32
      %eq3A_37 = arith.cmpi eq, %select_n3A_33, %eq3A_36 : i32
      %add3A_38 = arith.constant 36608 : i32
      %add3A_39 = arith.addi %mul3A_35, %add3A_38 : i32
      %jit3A_40 = arith.constant 180928 : i32
      %select_n3A_41 = arith.select %eq3A_37, %jit3A_40, %add3A_39 : i32
      "tpu.region"() ({
        %run_scoped3A = tpu.sem_alloc : memref<!tpu.dma_semaphore, #tpu.memory_space<semaphore_mem>>
        tpu.enqueue_dma source(%arg4 : memref<36608xf32, #tpu.memory_space<hbm>>) target(%arg6 : memref<36608xf32, #tpu.memory_space<vmem>>) target_semaphore(%run_scoped3A : memref<!tpu.dma_semaphore, #tpu.memory_space<semaphore_mem>>)
        tpu.wait_dma2 semaphore(%run_scoped3A : memref<!tpu.dma_semaphore, #tpu.memory_space<semaphore_mem>>) src(%arg4 : memref<36608xf32, #tpu.memory_space<hbm>>) dst(%arg6 : memref<36608xf32, #tpu.memory_space<vmem>>)
        tpu.yield
      }) : () -> ()
      %scan3A = arith.constant 0 : i32
      %scan3A_42 = arith.constant 0 : i32
      %scan3A_43 = arith.constant 59 : i32
      %scan3A_44 = arith.addi %scan3A_42, %scan3A_43 : i32
      %scan3A_45 = arith.constant 1 : i32
      scf.for %scan3A_57 = %scan3A_42 to %scan3A_44 step %scan3A_45  : i32 {
        "tpu.region"() ({
          %run_scoped3A = tpu.sem_alloc : memref<!tpu.dma_semaphore, #tpu.memory_space<semaphore_mem>>
          %dma_start3A = arith.constant 0 : i32
          %dma_start3A_951 = tpu.memref_slice %arg2[%scan3A_57, %select_n3A, %dma_start3A] : memref<59x6x1024xi32, #tpu.memory_space<hbm>> -> memref<1x1x1024xi32, #tpu.memory_space<hbm>>
          %dma_start3A_952 = tpu.memref_squeeze %dma_start3A_951 : memref<1x1x1024xi32, #tpu.memory_space<hbm>> -> memref<1024xi32, #tpu.memory_space<hbm>>
          %dma_start3A_953 = arith.constant 0 : i32
          %dma_start3A_954 = tpu.memref_slice %arg2[%scan3A_57, %select_n3A, %dma_start3A_953] : memref<59x6x1024xi32, #tpu.memory_space<hbm>> -> memref<1x1x1024xi32, #tpu.memory_space<hbm>>
          %dma_start3A_955 = tpu.memref_squeeze %dma_start3A_954 : memref<1x1x1024xi32, #tpu.memory_space<hbm>> -> memref<1024xi32, #tpu.memory_space<hbm>>
          tpu.enqueue_dma source(%dma_start3A_955 : memref<1024xi32, #tpu.memory_space<hbm>>) target(%arg7 : memref<1024xi32, #tpu.memory_space<vmem>>) target_semaphore(%run_scoped3A : memref<!tpu.dma_semaphore, #tpu.memory_space<semaphore_mem>>)
          %dma_wait3A = arith.constant 0 : i32
          %dma_wait3A_956 = tpu.memref_slice %arg2[%scan3A_57, %select_n3A, %dma_wait3A] : memref<59x6x1024xi32, #tpu.memory_space<hbm>> -> memref<1x1x1024xi32, #tpu.memory_space<hbm>>
          %dma_wait3A_957 = tpu.memref_squeeze %dma_wait3A_956 : memref<1x1x1024xi32, #tpu.memory_space<hbm>> -> memref<1024xi32, #tpu.memory_space<hbm>>
          %dma_wait3A_958 = arith.constant 0 : i32
          %dma_wait3A_959 = tpu.memref_slice %arg2[%scan3A_57, %select_n3A, %dma_wait3A_958] : memref<59x6x1024xi32, #tpu.memory_space<hbm>> -> memref<1x1x1024xi32, #tpu.memory_space<hbm>>
          %dma_wait3A_960 = tpu.memref_squeeze %dma_wait3A_959 : memref<1x1x1024xi32, #tpu.memory_space<hbm>> -> memref<1024xi32, #tpu.memory_space<hbm>>
          tpu.wait_dma2 semaphore(%run_scoped3A : memref<!tpu.dma_semaphore, #tpu.memory_space<semaphore_mem>>) src(%dma_wait3A_960 : memref<1024xi32, #tpu.memory_space<hbm>>) dst(%arg7 : memref<1024xi32, #tpu.memory_space<vmem>>)
          tpu.yield
        }) : () -> ()
        "tpu.region"() ({
          %run_scoped3A = tpu.sem_alloc : memref<!tpu.dma_semaphore, #tpu.memory_space<semaphore_mem>>
          %dma_start3A = arith.constant 0 : i32
          %dma_start3A_951 = tpu.memref_slice %arg3[%scan3A_57, %select_n3A, %dma_start3A] : memref<59x6x1024xf32, #tpu.memory_space<hbm>> -> memref<1x1x1024xf32, #tpu.memory_space<hbm>>
          %dma_start3A_952 = tpu.memref_squeeze %dma_start3A_951 : memref<1x1x1024xf32, #tpu.memory_space<hbm>> -> memref<1024xf32, #tpu.memory_space<hbm>>
          %dma_start3A_953 = arith.constant 0 : i32
          %dma_start3A_954 = tpu.memref_slice %arg3[%scan3A_57, %select_n3A, %dma_start3A_953] : memref<59x6x1024xf32, #tpu.memory_space<hbm>> -> memref<1x1x1024xf32, #tpu.memory_space<hbm>>
          %dma_start3A_955 = tpu.memref_squeeze %dma_start3A_954 : memref<1x1x1024xf32, #tpu.memory_space<hbm>> -> memref<1024xf32, #tpu.memory_space<hbm>>
          tpu.enqueue_dma source(%dma_start3A_955 : memref<1024xf32, #tpu.memory_space<hbm>>) target(%arg8 : memref<1024xf32, #tpu.memory_space<vmem>>) target_semaphore(%run_scoped3A : memref<!tpu.dma_semaphore, #tpu.memory_space<semaphore_mem>>)
          %dma_wait3A = arith.constant 0 : i32
          %dma_wait3A_956 = tpu.memref_slice %arg3[%scan3A_57, %select_n3A, %dma_wait3A] : memref<59x6x1024xf32, #tpu.memory_space<hbm>> -> memref<1x1x1024xf32, #tpu.memory_space<hbm>>
          %dma_wait3A_957 = tpu.memref_squeeze %dma_wait3A_956 : memref<1x1x1024xf32, #tpu.memory_space<hbm>> -> memref<1024xf32, #tpu.memory_space<hbm>>
          %dma_wait3A_958 = arith.constant 0 : i32
          %dma_wait3A_959 = tpu.memref_slice %arg3[%scan3A_57, %select_n3A, %dma_wait3A_958] : memref<59x6x1024xf32, #tpu.memory_space<hbm>> -> memref<1x1x1024xf32, #tpu.memory_space<hbm>>
          %dma_wait3A_960 = tpu.memref_squeeze %dma_wait3A_959 : memref<1x1x1024xf32, #tpu.memory_space<hbm>> -> memref<1024xf32, #tpu.memory_space<hbm>>
          tpu.wait_dma2 semaphore(%run_scoped3A : memref<!tpu.dma_semaphore, #tpu.memory_space<semaphore_mem>>) src(%dma_wait3A_960 : memref<1024xf32, #tpu.memory_space<hbm>>) dst(%arg8 : memref<1024xf32, #tpu.memory_space<vmem>>)
          tpu.yield
        }) : () -> ()
        %get3A = arith.constant 0 : index
        %get3A_58 = tpu.vector_load %arg7[%get3A] {strides = array<i32>} : memref<1024xi32, #tpu.memory_space<vmem>>, vector<16xi32>,
        %get3A_59 = arith.constant 0 : index
        %get3A_60 = tpu.vector_load %arg8[%get3A_59] {strides = array<i32>} : memref<1024xf32, #tpu.memory_space<vmem>>, vector<16xf32>,
        %ge3A = vector.broadcast %mul3A_35 : i32 to vector<16xi32>
        %ge3A_61 = arith.cmpi sge, %get3A_58, %ge3A : vector<16xi32>
        %lt3A_62 = vector.broadcast %select_n3A_41 : i32 to vector<16xi32>
        %lt3A_63 = arith.cmpi slt, %get3A_58, %lt3A_62 : vector<16xi32>
        %and3A_64 = arith.andi %ge3A_61, %lt3A_63 : vector<16xi1>
        %sub3A_65 = vector.broadcast %mul3A_35 : i32 to vector<16xi32>
        %sub3A_66 = arith.subi %get3A_58, %sub3A_65 : vector<16xi32>
        %jit3A_67 = arith.constant 0 : i32
        %broadcast_in_dim3A = vector.broadcast %jit3A_67 : i32 to vector<16xi32>
        %select_n3A_68 = arith.select %and3A_64, %sub3A_66, %broadcast_in_dim3A : vector<16xi1>, vector<16xi32>
        tpu.vector_store_idx %arg6[%select_n3A_68], %get3A_60 masked %and3A_64 : memref<36608xf32, #tpu.memory_space<vmem>>[vector<16xi32>], vector<16xf32>, vector<16xi1>
        %get3A_69 = arith.constant 16 : index
        %get3A_70 = tpu.vector_load %arg7[%get3A_69] {strides = array<i32>} : memref<1024xi32, #tpu.memory_space<vmem>>, vector<16xi32>,
        %get3A_71 = arith.constant 16 : index
        %get3A_72 = tpu.vector_load %arg8[%get3A_71] {strides = array<i32>} : memref<1024xf32, #tpu.memory_space<vmem>>, vector<16xf32>,
        %ge3A_73 = vector.broadcast %mul3A_35 : i32 to vector<16xi32>
        %ge3A_74 = arith.cmpi sge, %get3A_70, %ge3A_73 : vector<16xi32>
        %lt3A_75 = vector.broadcast %select_n3A_41 : i32 to vector<16xi32>
        %lt3A_76 = arith.cmpi slt, %get3A_70, %lt3A_75 : vector<16xi32>
        %and3A_77 = arith.andi %ge3A_74, %lt3A_76 : vector<16xi1>
        %sub3A_78 = vector.broadcast %mul3A_35 : i32 to vector<16xi32>
        %sub3A_79 = arith.subi %get3A_70, %sub3A_78 : vector<16xi32>
        %jit3A_80 = arith.constant 0 : i32
        %broadcast_in_dim3A_81 = vector.broadcast %jit3A_80 : i32 to vector<16xi32>
        %select_n3A_82 = arith.select %and3A_77, %sub3A_79, %broadcast_in_dim3A_81 : vector<16xi1>, vector<16xi32>
        tpu.vector_store_idx %arg6[%select_n3A_82], %get3A_72 masked %and3A_77 : memref<36608xf32, #tpu.memory_space<vmem>>[vector<16xi32>], vector<16xf32>, vector<16xi1>
        %get3A_83 = arith.constant 32 : index
        %get3A_84 = tpu.vector_load %arg7[%get3A_83] {strides = array<i32>} : memref<1024xi32, #tpu.memory_space<vmem>>, vector<16xi32>,
        %get3A_85 = arith.constant 32 : index
        %get3A_86 = tpu.vector_load %arg8[%get3A_85] {strides = array<i32>} : memref<1024xf32, #tpu.memory_space<vmem>>, vector<16xf32>,
        %ge3A_87 = vector.broadcast %mul3A_35 : i32 to vector<16xi32>
        %ge3A_88 = arith.cmpi sge, %get3A_84, %ge3A_87 : vector<16xi32>
        %lt3A_89 = vector.broadcast %select_n3A_41 : i32 to vector<16xi32>
        %lt3A_90 = arith.cmpi slt, %get3A_84, %lt3A_89 : vector<16xi32>
        %and3A_91 = arith.andi %ge3A_88, %lt3A_90 : vector<16xi1>
        %sub3A_92 = vector.broadcast %mul3A_35 : i32 to vector<16xi32>
        %sub3A_93 = arith.subi %get3A_84, %sub3A_92 : vector<16xi32>
        %jit3A_94 = arith.constant 0 : i32
        %broadcast_in_dim3A_95 = vector.broadcast %jit3A_94 : i32 to vector<16xi32>
        %select_n3A_96 = arith.select %and3A_91, %sub3A_93, %broadcast_in_dim3A_95 : vector<16xi1>, vector<16xi32>
        tpu.vector_store_idx %arg6[%select_n3A_96], %get3A_86 masked %and3A_91 : memref<36608xf32, #tpu.memory_space<vmem>>[vector<16xi32>], vector<16xf32>, vector<16xi1>
        %get3A_97 = arith.constant 48 : index
        %get3A_98 = tpu.vector_load %arg7[%get3A_97] {strides = array<i32>} : memref<1024xi32, #tpu.memory_space<vmem>>, vector<16xi32>,
        %get3A_99 = arith.constant 48 : index
        %get3A_100 = tpu.vector_load %arg8[%get3A_99] {strides = array<i32>} : memref<1024xf32, #tpu.memory_space<vmem>>, vector<16xf32>,
        %ge3A_101 = vector.broadcast %mul3A_35 : i32 to vector<16xi32>
        %ge3A_102 = arith.cmpi sge, %get3A_98, %ge3A_101 : vector<16xi32>
        %lt3A_103 = vector.broadcast %select_n3A_41 : i32 to vector<16xi32>
        %lt3A_104 = arith.cmpi slt, %get3A_98, %lt3A_103 : vector<16xi32>
        %and3A_105 = arith.andi %ge3A_102, %lt3A_104 : vector<16xi1>
        %sub3A_106 = vector.broadcast %mul3A_35 : i32 to vector<16xi32>
        %sub3A_107 = arith.subi %get3A_98, %sub3A_106 : vector<16xi32>
        %jit3A_108 = arith.constant 0 : i32
        %broadcast_in_dim3A_109 = vector.broadcast %jit3A_108 : i32 to vector<16xi32>
        %select_n3A_110 = arith.select %and3A_105, %sub3A_107, %broadcast_in_dim3A_109 : vector<16xi1>, vector<16xi32>
        tpu.vector_store_idx %arg6[%select_n3A_110], %get3A_100 masked %and3A_105 : memref<36608xf32, #tpu.memory_space<vmem>>[vector<16xi32>], vector<16xf32>, vector<16xi1>
        %get3A_111 = arith.constant 64 : index
        %get3A_112 = tpu.vector_load %arg7[%get3A_111] {strides = array<i32>} : memref<1024xi32, #tpu.memory_space<vmem>>, vector<16xi32>,
        %get3A_113 = arith.constant 64 : index
        %get3A_114 = tpu.vector_load %arg8[%get3A_113] {strides = array<i32>} : memref<1024xf32, #tpu.memory_space<vmem>>, vector<16xf32>,
        %ge3A_115 = vector.broadcast %mul3A_35 : i32 to vector<16xi32>
        %ge3A_116 = arith.cmpi sge, %get3A_112, %ge3A_115 : vector<16xi32>
        %lt3A_117 = vector.broadcast %select_n3A_41 : i32 to vector<16xi32>
        %lt3A_118 = arith.cmpi slt, %get3A_112, %lt3A_117 : vector<16xi32>
        %and3A_119 = arith.andi %ge3A_116, %lt3A_118 : vector<16xi1>
        %sub3A_120 = vector.broadcast %mul3A_35 : i32 to vector<16xi32>
        %sub3A_121 = arith.subi %get3A_112, %sub3A_120 : vector<16xi32>
        %jit3A_122 = arith.constant 0 : i32
        %broadcast_in_dim3A_123 = vector.broadcast %jit3A_122 : i32 to vector<16xi32>
        %select_n3A_124 = arith.select %and3A_119, %sub3A_121, %broadcast_in_dim3A_123 : vector<16xi1>, vector<16xi32>
        tpu.vector_store_idx %arg6[%select_n3A_124], %get3A_114 masked %and3A_119 : memref<36608xf32, #tpu.memory_space<vmem>>[vector<16xi32>], vector<16xf32>, vector<16xi1>
        %get3A_125 = arith.constant 80 : index
        %get3A_126 = tpu.vector_load %arg7[%get3A_125] {strides = array<i32>} : memref<1024xi32, #tpu.memory_space<vmem>>, vector<16xi32>,
        %get3A_127 = arith.constant 80 : index
        %get3A_128 = tpu.vector_load %arg8[%get3A_127] {strides = array<i32>} : memref<1024xf32, #tpu.memory_space<vmem>>, vector<16xf32>,
        %ge3A_129 = vector.broadcast %mul3A_35 : i32 to vector<16xi32>
        %ge3A_130 = arith.cmpi sge, %get3A_126, %ge3A_129 : vector<16xi32>
        %lt3A_131 = vector.broadcast %select_n3A_41 : i32 to vector<16xi32>
        %lt3A_132 = arith.cmpi slt, %get3A_126, %lt3A_131 : vector<16xi32>
        %and3A_133 = arith.andi %ge3A_130, %lt3A_132 : vector<16xi1>
        %sub3A_134 = vector.broadcast %mul3A_35 : i32 to vector<16xi32>
        %sub3A_135 = arith.subi %get3A_126, %sub3A_134 : vector<16xi32>
        %jit3A_136 = arith.constant 0 : i32
        %broadcast_in_dim3A_137 = vector.broadcast %jit3A_136 : i32 to vector<16xi32>
        %select_n3A_138 = arith.select %and3A_133, %sub3A_135, %broadcast_in_dim3A_137 : vector<16xi1>, vector<16xi32>
        tpu.vector_store_idx %arg6[%select_n3A_138], %get3A_128 masked %and3A_133 : memref<36608xf32, #tpu.memory_space<vmem>>[vector<16xi32>], vector<16xf32>, vector<16xi1>
        %get3A_139 = arith.constant 96 : index
        %get3A_140 = tpu.vector_load %arg7[%get3A_139] {strides = array<i32>} : memref<1024xi32, #tpu.memory_space<vmem>>, vector<16xi32>,
        %get3A_141 = arith.constant 96 : index
        %get3A_142 = tpu.vector_load %arg8[%get3A_141] {strides = array<i32>} : memref<1024xf32, #tpu.memory_space<vmem>>, vector<16xf32>,
        %ge3A_143 = vector.broadcast %mul3A_35 : i32 to vector<16xi32>
        %ge3A_144 = arith.cmpi sge, %get3A_140, %ge3A_143 : vector<16xi32>
        %lt3A_145 = vector.broadcast %select_n3A_41 : i32 to vector<16xi32>
        %lt3A_146 = arith.cmpi slt, %get3A_140, %lt3A_145 : vector<16xi32>
        %and3A_147 = arith.andi %ge3A_144, %lt3A_146 : vector<16xi1>
        %sub3A_148 = vector.broadcast %mul3A_35 : i32 to vector<16xi32>
        %sub3A_149 = arith.subi %get3A_140, %sub3A_148 : vector<16xi32>
        %jit3A_150 = arith.constant 0 : i32
        %broadcast_in_dim3A_151 = vector.broadcast %jit3A_150 : i32 to vector<16xi32>
        %select_n3A_152 = arith.select %and3A_147, %sub3A_149, %broadcast_in_dim3A_151 : vector<16xi1>, vector<16xi32>
        tpu.vector_store_idx %arg6[%select_n3A_152], %get3A_142 masked %and3A_147 : memref<36608xf32, #tpu.memory_space<vmem>>[vector<16xi32>], vector<16xf32>, vector<16xi1>
        %get3A_153 = arith.constant 112 : index
        %get3A_154 = tpu.vector_load %arg7[%get3A_153] {strides = array<i32>} : memref<1024xi32, #tpu.memory_space<vmem>>, vector<16xi32>,
        %get3A_155 = arith.constant 112 : index
        %get3A_156 = tpu.vector_load %arg8[%get3A_155] {strides = array<i32>} : memref<1024xf32, #tpu.memory_space<vmem>>, vector<16xf32>,
        %ge3A_157 = vector.broadcast %mul3A_35 : i32 to vector<16xi32>
        %ge3A_158 = arith.cmpi sge, %get3A_154, %ge3A_157 : vector<16xi32>
        %lt3A_159 = vector.broadcast %select_n3A_41 : i32 to vector<16xi32>
        %lt3A_160 = arith.cmpi slt, %get3A_154, %lt3A_159 : vector<16xi32>
        %and3A_161 = arith.andi %ge3A_158, %lt3A_160 : vector<16xi1>
        %sub3A_162 = vector.broadcast %mul3A_35 : i32 to vector<16xi32>
        %sub3A_163 = arith.subi %get3A_154, %sub3A_162 : vector<16xi32>
        %jit3A_164 = arith.constant 0 : i32
        %broadcast_in_dim3A_165 = vector.broadcast %jit3A_164 : i32 to vector<16xi32>
        %select_n3A_166 = arith.select %and3A_161, %sub3A_163, %broadcast_in_dim3A_165 : vector<16xi1>, vector<16xi32>
        tpu.vector_store_idx %arg6[%select_n3A_166], %get3A_156 masked %and3A_161 : memref<36608xf32, #tpu.memory_space<vmem>>[vector<16xi32>], vector<16xf32>, vector<16xi1>
        %get3A_167 = arith.constant 128 : index
        %get3A_168 = tpu.vector_load %arg7[%get3A_167] {strides = array<i32>} : memref<1024xi32, #tpu.memory_space<vmem>>, vector<16xi32>,
        %get3A_169 = arith.constant 128 : index
        %get3A_170 = tpu.vector_load %arg8[%get3A_169] {strides = array<i32>} : memref<1024xf32, #tpu.memory_space<vmem>>, vector<16xf32>,
        %ge3A_171 = vector.broadcast %mul3A_35 : i32 to vector<16xi32>
        %ge3A_172 = arith.cmpi sge, %get3A_168, %ge3A_171 : vector<16xi32>
        %lt3A_173 = vector.broadcast %select_n3A_41 : i32 to vector<16xi32>
        %lt3A_174 = arith.cmpi slt, %get3A_168, %lt3A_173 : vector<16xi32>
        %and3A_175 = arith.andi %ge3A_172, %lt3A_174 : vector<16xi1>
        %sub3A_176 = vector.broadcast %mul3A_35 : i32 to vector<16xi32>
        %sub3A_177 = arith.subi %get3A_168, %sub3A_176 : vector<16xi32>
        %jit3A_178 = arith.constant 0 : i32
        %broadcast_in_dim3A_179 = vector.broadcast %jit3A_178 : i32 to vector<16xi32>
        %select_n3A_180 = arith.select %and3A_175, %sub3A_177, %broadcast_in_dim3A_179 : vector<16xi1>, vector<16xi32>
        tpu.vector_store_idx %arg6[%select_n3A_180], %get3A_170 masked %and3A_175 : memref<36608xf32, #tpu.memory_space<vmem>>[vector<16xi32>], vector<16xf32>, vector<16xi1>
        %get3A_181 = arith.constant 144 : index
        %get3A_182 = tpu.vector_load %arg7[%get3A_181] {strides = array<i32>} : memref<1024xi32, #tpu.memory_space<vmem>>, vector<16xi32>,
        %get3A_183 = arith.constant 144 : index
        %get3A_184 = tpu.vector_load %arg8[%get3A_183] {strides = array<i32>} : memref<1024xf32, #tpu.memory_space<vmem>>, vector<16xf32>,
        %ge3A_185 = vector.broadcast %mul3A_35 : i32 to vector<16xi32>
        %ge3A_186 = arith.cmpi sge, %get3A_182, %ge3A_185 : vector<16xi32>
        %lt3A_187 = vector.broadcast %select_n3A_41 : i32 to vector<16xi32>
        %lt3A_188 = arith.cmpi slt, %get3A_182, %lt3A_187 : vector<16xi32>
        %and3A_189 = arith.andi %ge3A_186, %lt3A_188 : vector<16xi1>
        %sub3A_190 = vector.broadcast %mul3A_35 : i32 to vector<16xi32>
        %sub3A_191 = arith.subi %get3A_182, %sub3A_190 : vector<16xi32>
        %jit3A_192 = arith.constant 0 : i32
        %broadcast_in_dim3A_193 = vector.broadcast %jit3A_192 : i32 to vector<16xi32>
        %select_n3A_194 = arith.select %and3A_189, %sub3A_191, %broadcast_in_dim3A_193 : vector<16xi1>, vector<16xi32>
        tpu.vector_store_idx %arg6[%select_n3A_194], %get3A_184 masked %and3A_189 : memref<36608xf32, #tpu.memory_space<vmem>>[vector<16xi32>], vector<16xf32>, vector<16xi1>
        %get3A_195 = arith.constant 160 : index
        %get3A_196 = tpu.vector_load %arg7[%get3A_195] {strides = array<i32>} : memref<1024xi32, #tpu.memory_space<vmem>>, vector<16xi32>,
        %get3A_197 = arith.constant 160 : index
        %get3A_198 = tpu.vector_load %arg8[%get3A_197] {strides = array<i32>} : memref<1024xf32, #tpu.memory_space<vmem>>, vector<16xf32>,
        %ge3A_199 = vector.broadcast %mul3A_35 : i32 to vector<16xi32>
        %ge3A_200 = arith.cmpi sge, %get3A_196, %ge3A_199 : vector<16xi32>
        %lt3A_201 = vector.broadcast %select_n3A_41 : i32 to vector<16xi32>
        %lt3A_202 = arith.cmpi slt, %get3A_196, %lt3A_201 : vector<16xi32>
        %and3A_203 = arith.andi %ge3A_200, %lt3A_202 : vector<16xi1>
        %sub3A_204 = vector.broadcast %mul3A_35 : i32 to vector<16xi32>
        %sub3A_205 = arith.subi %get3A_196, %sub3A_204 : vector<16xi32>
        %jit3A_206 = arith.constant 0 : i32
        %broadcast_in_dim3A_207 = vector.broadcast %jit3A_206 : i32 to vector<16xi32>
        %select_n3A_208 = arith.select %and3A_203, %sub3A_205, %broadcast_in_dim3A_207 : vector<16xi1>, vector<16xi32>
        tpu.vector_store_idx %arg6[%select_n3A_208], %get3A_198 masked %and3A_203 : memref<36608xf32, #tpu.memory_space<vmem>>[vector<16xi32>], vector<16xf32>, vector<16xi1>
        %get3A_209 = arith.constant 176 : index
        %get3A_210 = tpu.vector_load %arg7[%get3A_209] {strides = array<i32>} : memref<1024xi32, #tpu.memory_space<vmem>>, vector<16xi32>,
        %get3A_211 = arith.constant 176 : index
        %get3A_212 = tpu.vector_load %arg8[%get3A_211] {strides = array<i32>} : memref<1024xf32, #tpu.memory_space<vmem>>, vector<16xf32>,
        %ge3A_213 = vector.broadcast %mul3A_35 : i32 to vector<16xi32>
        %ge3A_214 = arith.cmpi sge, %get3A_210, %ge3A_213 : vector<16xi32>
        %lt3A_215 = vector.broadcast %select_n3A_41 : i32 to vector<16xi32>
        %lt3A_216 = arith.cmpi slt, %get3A_210, %lt3A_215 : vector<16xi32>
        %and3A_217 = arith.andi %ge3A_214, %lt3A_216 : vector<16xi1>
        %sub3A_218 = vector.broadcast %mul3A_35 : i32 to vector<16xi32>
        %sub3A_219 = arith.subi %get3A_210, %sub3A_218 : vector<16xi32>
        %jit3A_220 = arith.constant 0 : i32
        %broadcast_in_dim3A_221 = vector.broadcast %jit3A_220 : i32 to vector<16xi32>
        %select_n3A_222 = arith.select %and3A_217, %sub3A_219, %broadcast_in_dim3A_221 : vector<16xi1>, vector<16xi32>
        tpu.vector_store_idx %arg6[%select_n3A_222], %get3A_212 masked %and3A_217 : memref<36608xf32, #tpu.memory_space<vmem>>[vector<16xi32>], vector<16xf32>, vector<16xi1>
        %get3A_223 = arith.constant 192 : index
        %get3A_224 = tpu.vector_load %arg7[%get3A_223] {strides = array<i32>} : memref<1024xi32, #tpu.memory_space<vmem>>, vector<16xi32>,
        %get3A_225 = arith.constant 192 : index
        %get3A_226 = tpu.vector_load %arg8[%get3A_225] {strides = array<i32>} : memref<1024xf32, #tpu.memory_space<vmem>>, vector<16xf32>,
        %ge3A_227 = vector.broadcast %mul3A_35 : i32 to vector<16xi32>
        %ge3A_228 = arith.cmpi sge, %get3A_224, %ge3A_227 : vector<16xi32>
        %lt3A_229 = vector.broadcast %select_n3A_41 : i32 to vector<16xi32>
        %lt3A_230 = arith.cmpi slt, %get3A_224, %lt3A_229 : vector<16xi32>
        %and3A_231 = arith.andi %ge3A_228, %lt3A_230 : vector<16xi1>
        %sub3A_232 = vector.broadcast %mul3A_35 : i32 to vector<16xi32>
        %sub3A_233 = arith.subi %get3A_224, %sub3A_232 : vector<16xi32>
        %jit3A_234 = arith.constant 0 : i32
        %broadcast_in_dim3A_235 = vector.broadcast %jit3A_234 : i32 to vector<16xi32>
        %select_n3A_236 = arith.select %and3A_231, %sub3A_233, %broadcast_in_dim3A_235 : vector<16xi1>, vector<16xi32>
        tpu.vector_store_idx %arg6[%select_n3A_236], %get3A_226 masked %and3A_231 : memref<36608xf32, #tpu.memory_space<vmem>>[vector<16xi32>], vector<16xf32>, vector<16xi1>
        %get3A_237 = arith.constant 208 : index
        %get3A_238 = tpu.vector_load %arg7[%get3A_237] {strides = array<i32>} : memref<1024xi32, #tpu.memory_space<vmem>>, vector<16xi32>,
        %get3A_239 = arith.constant 208 : index
        %get3A_240 = tpu.vector_load %arg8[%get3A_239] {strides = array<i32>} : memref<1024xf32, #tpu.memory_space<vmem>>, vector<16xf32>,
        %ge3A_241 = vector.broadcast %mul3A_35 : i32 to vector<16xi32>
        %ge3A_242 = arith.cmpi sge, %get3A_238, %ge3A_241 : vector<16xi32>
        %lt3A_243 = vector.broadcast %select_n3A_41 : i32 to vector<16xi32>
        %lt3A_244 = arith.cmpi slt, %get3A_238, %lt3A_243 : vector<16xi32>
        %and3A_245 = arith.andi %ge3A_242, %lt3A_244 : vector<16xi1>
        %sub3A_246 = vector.broadcast %mul3A_35 : i32 to vector<16xi32>
        %sub3A_247 = arith.subi %get3A_238, %sub3A_246 : vector<16xi32>
        %jit3A_248 = arith.constant 0 : i32
        %broadcast_in_dim3A_249 = vector.broadcast %jit3A_248 : i32 to vector<16xi32>
        %select_n3A_250 = arith.select %and3A_245, %sub3A_247, %broadcast_in_dim3A_249 : vector<16xi1>, vector<16xi32>
        tpu.vector_store_idx %arg6[%select_n3A_250], %get3A_240 masked %and3A_245 : memref<36608xf32, #tpu.memory_space<vmem>>[vector<16xi32>], vector<16xf32>, vector<16xi1>
        %get3A_251 = arith.constant 224 : index
        %get3A_252 = tpu.vector_load %arg7[%get3A_251] {strides = array<i32>} : memref<1024xi32, #tpu.memory_space<vmem>>, vector<16xi32>,
        %get3A_253 = arith.constant 224 : index
        %get3A_254 = tpu.vector_load %arg8[%get3A_253] {strides = array<i32>} : memref<1024xf32, #tpu.memory_space<vmem>>, vector<16xf32>,
        %ge3A_255 = vector.broadcast %mul3A_35 : i32 to vector<16xi32>
        %ge3A_256 = arith.cmpi sge, %get3A_252, %ge3A_255 : vector<16xi32>
        %lt3A_257 = vector.broadcast %select_n3A_41 : i32 to vector<16xi32>
        %lt3A_258 = arith.cmpi slt, %get3A_252, %lt3A_257 : vector<16xi32>
        %and3A_259 = arith.andi %ge3A_256, %lt3A_258 : vector<16xi1>
        %sub3A_260 = vector.broadcast %mul3A_35 : i32 to vector<16xi32>
        %sub3A_261 = arith.subi %get3A_252, %sub3A_260 : vector<16xi32>
        %jit3A_262 = arith.constant 0 : i32
        %broadcast_in_dim3A_263 = vector.broadcast %jit3A_262 : i32 to vector<16xi32>
        %select_n3A_264 = arith.select %and3A_259, %sub3A_261, %broadcast_in_dim3A_263 : vector<16xi1>, vector<16xi32>
        tpu.vector_store_idx %arg6[%select_n3A_264], %get3A_254 masked %and3A_259 : memref<36608xf32, #tpu.memory_space<vmem>>[vector<16xi32>], vector<16xf32>, vector<16xi1>
        %get3A_265 = arith.constant 240 : index
        %get3A_266 = tpu.vector_load %arg7[%get3A_265] {strides = array<i32>} : memref<1024xi32, #tpu.memory_space<vmem>>, vector<16xi32>,
        %get3A_267 = arith.constant 240 : index
        %get3A_268 = tpu.vector_load %arg8[%get3A_267] {strides = array<i32>} : memref<1024xf32, #tpu.memory_space<vmem>>, vector<16xf32>,
        %ge3A_269 = vector.broadcast %mul3A_35 : i32 to vector<16xi32>
        %ge3A_270 = arith.cmpi sge, %get3A_266, %ge3A_269 : vector<16xi32>
        %lt3A_271 = vector.broadcast %select_n3A_41 : i32 to vector<16xi32>
        %lt3A_272 = arith.cmpi slt, %get3A_266, %lt3A_271 : vector<16xi32>
        %and3A_273 = arith.andi %ge3A_270, %lt3A_272 : vector<16xi1>
        %sub3A_274 = vector.broadcast %mul3A_35 : i32 to vector<16xi32>
        %sub3A_275 = arith.subi %get3A_266, %sub3A_274 : vector<16xi32>
        %jit3A_276 = arith.constant 0 : i32
        %broadcast_in_dim3A_277 = vector.broadcast %jit3A_276 : i32 to vector<16xi32>
        %select_n3A_278 = arith.select %and3A_273, %sub3A_275, %broadcast_in_dim3A_277 : vector<16xi1>, vector<16xi32>
        tpu.vector_store_idx %arg6[%select_n3A_278], %get3A_268 masked %and3A_273 : memref<36608xf32, #tpu.memory_space<vmem>>[vector<16xi32>], vector<16xf32>, vector<16xi1>
        %get3A_279 = arith.constant 256 : index
        %get3A_280 = tpu.vector_load %arg7[%get3A_279] {strides = array<i32>} : memref<1024xi32, #tpu.memory_space<vmem>>, vector<16xi32>,
        %get3A_281 = arith.constant 256 : index
        %get3A_282 = tpu.vector_load %arg8[%get3A_281] {strides = array<i32>} : memref<1024xf32, #tpu.memory_space<vmem>>, vector<16xf32>,
        %ge3A_283 = vector.broadcast %mul3A_35 : i32 to vector<16xi32>
        %ge3A_284 = arith.cmpi sge, %get3A_280, %ge3A_283 : vector<16xi32>
        %lt3A_285 = vector.broadcast %select_n3A_41 : i32 to vector<16xi32>
        %lt3A_286 = arith.cmpi slt, %get3A_280, %lt3A_285 : vector<16xi32>
        %and3A_287 = arith.andi %ge3A_284, %lt3A_286 : vector<16xi1>
        %sub3A_288 = vector.broadcast %mul3A_35 : i32 to vector<16xi32>
        %sub3A_289 = arith.subi %get3A_280, %sub3A_288 : vector<16xi32>
        %jit3A_290 = arith.constant 0 : i32
        %broadcast_in_dim3A_291 = vector.broadcast %jit3A_290 : i32 to vector<16xi32>
        %select_n3A_292 = arith.select %and3A_287, %sub3A_289, %broadcast_in_dim3A_291 : vector<16xi1>, vector<16xi32>
        tpu.vector_store_idx %arg6[%select_n3A_292], %get3A_282 masked %and3A_287 : memref<36608xf32, #tpu.memory_space<vmem>>[vector<16xi32>], vector<16xf32>, vector<16xi1>
        %get3A_293 = arith.constant 272 : index
        %get3A_294 = tpu.vector_load %arg7[%get3A_293] {strides = array<i32>} : memref<1024xi32, #tpu.memory_space<vmem>>, vector<16xi32>,
        %get3A_295 = arith.constant 272 : index
        %get3A_296 = tpu.vector_load %arg8[%get3A_295] {strides = array<i32>} : memref<1024xf32, #tpu.memory_space<vmem>>, vector<16xf32>,
        %ge3A_297 = vector.broadcast %mul3A_35 : i32 to vector<16xi32>
        %ge3A_298 = arith.cmpi sge, %get3A_294, %ge3A_297 : vector<16xi32>
        %lt3A_299 = vector.broadcast %select_n3A_41 : i32 to vector<16xi32>
        %lt3A_300 = arith.cmpi slt, %get3A_294, %lt3A_299 : vector<16xi32>
        %and3A_301 = arith.andi %ge3A_298, %lt3A_300 : vector<16xi1>
        %sub3A_302 = vector.broadcast %mul3A_35 : i32 to vector<16xi32>
        %sub3A_303 = arith.subi %get3A_294, %sub3A_302 : vector<16xi32>
        %jit3A_304 = arith.constant 0 : i32
        %broadcast_in_dim3A_305 = vector.broadcast %jit3A_304 : i32 to vector<16xi32>
        %select_n3A_306 = arith.select %and3A_301, %sub3A_303, %broadcast_in_dim3A_305 : vector<16xi1>, vector<16xi32>
        tpu.vector_store_idx %arg6[%select_n3A_306], %get3A_296 masked %and3A_301 : memref<36608xf32, #tpu.memory_space<vmem>>[vector<16xi32>], vector<16xf32>, vector<16xi1>
        %get3A_307 = arith.constant 288 : index
        %get3A_308 = tpu.vector_load %arg7[%get3A_307] {strides = array<i32>} : memref<1024xi32, #tpu.memory_space<vmem>>, vector<16xi32>,
        %get3A_309 = arith.constant 288 : index
        %get3A_310 = tpu.vector_load %arg8[%get3A_309] {strides = array<i32>} : memref<1024xf32, #tpu.memory_space<vmem>>, vector<16xf32>,
        %ge3A_311 = vector.broadcast %mul3A_35 : i32 to vector<16xi32>
        %ge3A_312 = arith.cmpi sge, %get3A_308, %ge3A_311 : vector<16xi32>
        %lt3A_313 = vector.broadcast %select_n3A_41 : i32 to vector<16xi32>
        %lt3A_314 = arith.cmpi slt, %get3A_308, %lt3A_313 : vector<16xi32>
        %and3A_315 = arith.andi %ge3A_312, %lt3A_314 : vector<16xi1>
        %sub3A_316 = vector.broadcast %mul3A_35 : i32 to vector<16xi32>
        %sub3A_317 = arith.subi %get3A_308, %sub3A_316 : vector<16xi32>
        %jit3A_318 = arith.constant 0 : i32
        %broadcast_in_dim3A_319 = vector.broadcast %jit3A_318 : i32 to vector<16xi32>
        %select_n3A_320 = arith.select %and3A_315, %sub3A_317, %broadcast_in_dim3A_319 : vector<16xi1>, vector<16xi32>
        tpu.vector_store_idx %arg6[%select_n3A_320], %get3A_310 masked %and3A_315 : memref<36608xf32, #tpu.memory_space<vmem>>[vector<16xi32>], vector<16xf32>, vector<16xi1>
        %get3A_321 = arith.constant 304 : index
        %get3A_322 = tpu.vector_load %arg7[%get3A_321] {strides = array<i32>} : memref<1024xi32, #tpu.memory_space<vmem>>, vector<16xi32>,
        %get3A_323 = arith.constant 304 : index
        %get3A_324 = tpu.vector_load %arg8[%get3A_323] {strides = array<i32>} : memref<1024xf32, #tpu.memory_space<vmem>>, vector<16xf32>,
        %ge3A_325 = vector.broadcast %mul3A_35 : i32 to vector<16xi32>
        %ge3A_326 = arith.cmpi sge, %get3A_322, %ge3A_325 : vector<16xi32>
        %lt3A_327 = vector.broadcast %select_n3A_41 : i32 to vector<16xi32>
        %lt3A_328 = arith.cmpi slt, %get3A_322, %lt3A_327 : vector<16xi32>
        %and3A_329 = arith.andi %ge3A_326, %lt3A_328 : vector<16xi1>
        %sub3A_330 = vector.broadcast %mul3A_35 : i32 to vector<16xi32>
        %sub3A_331 = arith.subi %get3A_322, %sub3A_330 : vector<16xi32>
        %jit3A_332 = arith.constant 0 : i32
        %broadcast_in_dim3A_333 = vector.broadcast %jit3A_332 : i32 to vector<16xi32>
        %select_n3A_334 = arith.select %and3A_329, %sub3A_331, %broadcast_in_dim3A_333 : vector<16xi1>, vector<16xi32>
        tpu.vector_store_idx %arg6[%select_n3A_334], %get3A_324 masked %and3A_329 : memref<36608xf32, #tpu.memory_space<vmem>>[vector<16xi32>], vector<16xf32>, vector<16xi1>
        %get3A_335 = arith.constant 320 : index
        %get3A_336 = tpu.vector_load %arg7[%get3A_335] {strides = array<i32>} : memref<1024xi32, #tpu.memory_space<vmem>>, vector<16xi32>,
        %get3A_337 = arith.constant 320 : index
        %get3A_338 = tpu.vector_load %arg8[%get3A_337] {strides = array<i32>} : memref<1024xf32, #tpu.memory_space<vmem>>, vector<16xf32>,
        %ge3A_339 = vector.broadcast %mul3A_35 : i32 to vector<16xi32>
        %ge3A_340 = arith.cmpi sge, %get3A_336, %ge3A_339 : vector<16xi32>
        %lt3A_341 = vector.broadcast %select_n3A_41 : i32 to vector<16xi32>
        %lt3A_342 = arith.cmpi slt, %get3A_336, %lt3A_341 : vector<16xi32>
        %and3A_343 = arith.andi %ge3A_340, %lt3A_342 : vector<16xi1>
        %sub3A_344 = vector.broadcast %mul3A_35 : i32 to vector<16xi32>
        %sub3A_345 = arith.subi %get3A_336, %sub3A_344 : vector<16xi32>
        %jit3A_346 = arith.constant 0 : i32
        %broadcast_in_dim3A_347 = vector.broadcast %jit3A_346 : i32 to vector<16xi32>
        %select_n3A_348 = arith.select %and3A_343, %sub3A_345, %broadcast_in_dim3A_347 : vector<16xi1>, vector<16xi32>
        tpu.vector_store_idx %arg6[%select_n3A_348], %get3A_338 masked %and3A_343 : memref<36608xf32, #tpu.memory_space<vmem>>[vector<16xi32>], vector<16xf32>, vector<16xi1>
        %get3A_349 = arith.constant 336 : index
        %get3A_350 = tpu.vector_load %arg7[%get3A_349] {strides = array<i32>} : memref<1024xi32, #tpu.memory_space<vmem>>, vector<16xi32>,
        %get3A_351 = arith.constant 336 : index
        %get3A_352 = tpu.vector_load %arg8[%get3A_351] {strides = array<i32>} : memref<1024xf32, #tpu.memory_space<vmem>>, vector<16xf32>,
        %ge3A_353 = vector.broadcast %mul3A_35 : i32 to vector<16xi32>
        %ge3A_354 = arith.cmpi sge, %get3A_350, %ge3A_353 : vector<16xi32>
        %lt3A_355 = vector.broadcast %select_n3A_41 : i32 to vector<16xi32>
        %lt3A_356 = arith.cmpi slt, %get3A_350, %lt3A_355 : vector<16xi32>
        %and3A_357 = arith.andi %ge3A_354, %lt3A_356 : vector<16xi1>
        %sub3A_358 = vector.broadcast %mul3A_35 : i32 to vector<16xi32>
        %sub3A_359 = arith.subi %get3A_350, %sub3A_358 : vector<16xi32>
        %jit3A_360 = arith.constant 0 : i32
        %broadcast_in_dim3A_361 = vector.broadcast %jit3A_360 : i32 to vector<16xi32>
        %select_n3A_362 = arith.select %and3A_357, %sub3A_359, %broadcast_in_dim3A_361 : vector<16xi1>, vector<16xi32>
        tpu.vector_store_idx %arg6[%select_n3A_362], %get3A_352 masked %and3A_357 : memref<36608xf32, #tpu.memory_space<vmem>>[vector<16xi32>], vector<16xf32>, vector<16xi1>
        %get3A_363 = arith.constant 352 : index
        %get3A_364 = tpu.vector_load %arg7[%get3A_363] {strides = array<i32>} : memref<1024xi32, #tpu.memory_space<vmem>>, vector<16xi32>,
        %get3A_365 = arith.constant 352 : index
        %get3A_366 = tpu.vector_load %arg8[%get3A_365] {strides = array<i32>} : memref<1024xf32, #tpu.memory_space<vmem>>, vector<16xf32>,
        %ge3A_367 = vector.broadcast %mul3A_35 : i32 to vector<16xi32>
        %ge3A_368 = arith.cmpi sge, %get3A_364, %ge3A_367 : vector<16xi32>
        %lt3A_369 = vector.broadcast %select_n3A_41 : i32 to vector<16xi32>
        %lt3A_370 = arith.cmpi slt, %get3A_364, %lt3A_369 : vector<16xi32>
        %and3A_371 = arith.andi %ge3A_368, %lt3A_370 : vector<16xi1>
        %sub3A_372 = vector.broadcast %mul3A_35 : i32 to vector<16xi32>
        %sub3A_373 = arith.subi %get3A_364, %sub3A_372 : vector<16xi32>
        %jit3A_374 = arith.constant 0 : i32
        %broadcast_in_dim3A_375 = vector.broadcast %jit3A_374 : i32 to vector<16xi32>
        %select_n3A_376 = arith.select %and3A_371, %sub3A_373, %broadcast_in_dim3A_375 : vector<16xi1>, vector<16xi32>
        tpu.vector_store_idx %arg6[%select_n3A_376], %get3A_366 masked %and3A_371 : memref<36608xf32, #tpu.memory_space<vmem>>[vector<16xi32>], vector<16xf32>, vector<16xi1>
        %get3A_377 = arith.constant 368 : index
        %get3A_378 = tpu.vector_load %arg7[%get3A_377] {strides = array<i32>} : memref<1024xi32, #tpu.memory_space<vmem>>, vector<16xi32>,
        %get3A_379 = arith.constant 368 : index
        %get3A_380 = tpu.vector_load %arg8[%get3A_379] {strides = array<i32>} : memref<1024xf32, #tpu.memory_space<vmem>>, vector<16xf32>,
        %ge3A_381 = vector.broadcast %mul3A_35 : i32 to vector<16xi32>
        %ge3A_382 = arith.cmpi sge, %get3A_378, %ge3A_381 : vector<16xi32>
        %lt3A_383 = vector.broadcast %select_n3A_41 : i32 to vector<16xi32>
        %lt3A_384 = arith.cmpi slt, %get3A_378, %lt3A_383 : vector<16xi32>
        %and3A_385 = arith.andi %ge3A_382, %lt3A_384 : vector<16xi1>
        %sub3A_386 = vector.broadcast %mul3A_35 : i32 to vector<16xi32>
        %sub3A_387 = arith.subi %get3A_378, %sub3A_386 : vector<16xi32>
        %jit3A_388 = arith.constant 0 : i32
        %broadcast_in_dim3A_389 = vector.broadcast %jit3A_388 : i32 to vector<16xi32>
        %select_n3A_390 = arith.select %and3A_385, %sub3A_387, %broadcast_in_dim3A_389 : vector<16xi1>, vector<16xi32>
        tpu.vector_store_idx %arg6[%select_n3A_390], %get3A_380 masked %and3A_385 : memref<36608xf32, #tpu.memory_space<vmem>>[vector<16xi32>], vector<16xf32>, vector<16xi1>
        %get3A_391 = arith.constant 384 : index
        %get3A_392 = tpu.vector_load %arg7[%get3A_391] {strides = array<i32>} : memref<1024xi32, #tpu.memory_space<vmem>>, vector<16xi32>,
        %get3A_393 = arith.constant 384 : index
        %get3A_394 = tpu.vector_load %arg8[%get3A_393] {strides = array<i32>} : memref<1024xf32, #tpu.memory_space<vmem>>, vector<16xf32>,
        %ge3A_395 = vector.broadcast %mul3A_35 : i32 to vector<16xi32>
        %ge3A_396 = arith.cmpi sge, %get3A_392, %ge3A_395 : vector<16xi32>
        %lt3A_397 = vector.broadcast %select_n3A_41 : i32 to vector<16xi32>
        %lt3A_398 = arith.cmpi slt, %get3A_392, %lt3A_397 : vector<16xi32>
        %and3A_399 = arith.andi %ge3A_396, %lt3A_398 : vector<16xi1>
        %sub3A_400 = vector.broadcast %mul3A_35 : i32 to vector<16xi32>
        %sub3A_401 = arith.subi %get3A_392, %sub3A_400 : vector<16xi32>
        %jit3A_402 = arith.constant 0 : i32
        %broadcast_in_dim3A_403 = vector.broadcast %jit3A_402 : i32 to vector<16xi32>
        %select_n3A_404 = arith.select %and3A_399, %sub3A_401, %broadcast_in_dim3A_403 : vector<16xi1>, vector<16xi32>
        tpu.vector_store_idx %arg6[%select_n3A_404], %get3A_394 masked %and3A_399 : memref<36608xf32, #tpu.memory_space<vmem>>[vector<16xi32>], vector<16xf32>, vector<16xi1>
        %get3A_405 = arith.constant 400 : index
        %get3A_406 = tpu.vector_load %arg7[%get3A_405] {strides = array<i32>} : memref<1024xi32, #tpu.memory_space<vmem>>, vector<16xi32>,
        %get3A_407 = arith.constant 400 : index
        %get3A_408 = tpu.vector_load %arg8[%get3A_407] {strides = array<i32>} : memref<1024xf32, #tpu.memory_space<vmem>>, vector<16xf32>,
        %ge3A_409 = vector.broadcast %mul3A_35 : i32 to vector<16xi32>
        %ge3A_410 = arith.cmpi sge, %get3A_406, %ge3A_409 : vector<16xi32>
        %lt3A_411 = vector.broadcast %select_n3A_41 : i32 to vector<16xi32>
        %lt3A_412 = arith.cmpi slt, %get3A_406, %lt3A_411 : vector<16xi32>
        %and3A_413 = arith.andi %ge3A_410, %lt3A_412 : vector<16xi1>
        %sub3A_414 = vector.broadcast %mul3A_35 : i32 to vector<16xi32>
        %sub3A_415 = arith.subi %get3A_406, %sub3A_414 : vector<16xi32>
        %jit3A_416 = arith.constant 0 : i32
        %broadcast_in_dim3A_417 = vector.broadcast %jit3A_416 : i32 to vector<16xi32>
        %select_n3A_418 = arith.select %and3A_413, %sub3A_415, %broadcast_in_dim3A_417 : vector<16xi1>, vector<16xi32>
        tpu.vector_store_idx %arg6[%select_n3A_418], %get3A_408 masked %and3A_413 : memref<36608xf32, #tpu.memory_space<vmem>>[vector<16xi32>], vector<16xf32>, vector<16xi1>
        %get3A_419 = arith.constant 416 : index
        %get3A_420 = tpu.vector_load %arg7[%get3A_419] {strides = array<i32>} : memref<1024xi32, #tpu.memory_space<vmem>>, vector<16xi32>,
        %get3A_421 = arith.constant 416 : index
        %get3A_422 = tpu.vector_load %arg8[%get3A_421] {strides = array<i32>} : memref<1024xf32, #tpu.memory_space<vmem>>, vector<16xf32>,
        %ge3A_423 = vector.broadcast %mul3A_35 : i32 to vector<16xi32>
        %ge3A_424 = arith.cmpi sge, %get3A_420, %ge3A_423 : vector<16xi32>
        %lt3A_425 = vector.broadcast %select_n3A_41 : i32 to vector<16xi32>
        %lt3A_426 = arith.cmpi slt, %get3A_420, %lt3A_425 : vector<16xi32>
        %and3A_427 = arith.andi %ge3A_424, %lt3A_426 : vector<16xi1>
        %sub3A_428 = vector.broadcast %mul3A_35 : i32 to vector<16xi32>
        %sub3A_429 = arith.subi %get3A_420, %sub3A_428 : vector<16xi32>
        %jit3A_430 = arith.constant 0 : i32
        %broadcast_in_dim3A_431 = vector.broadcast %jit3A_430 : i32 to vector<16xi32>
        %select_n3A_432 = arith.select %and3A_427, %sub3A_429, %broadcast_in_dim3A_431 : vector<16xi1>, vector<16xi32>
        tpu.vector_store_idx %arg6[%select_n3A_432], %get3A_422 masked %and3A_427 : memref<36608xf32, #tpu.memory_space<vmem>>[vector<16xi32>], vector<16xf32>, vector<16xi1>
        %get3A_433 = arith.constant 432 : index
        %get3A_434 = tpu.vector_load %arg7[%get3A_433] {strides = array<i32>} : memref<1024xi32, #tpu.memory_space<vmem>>, vector<16xi32>,
        %get3A_435 = arith.constant 432 : index
        %get3A_436 = tpu.vector_load %arg8[%get3A_435] {strides = array<i32>} : memref<1024xf32, #tpu.memory_space<vmem>>, vector<16xf32>,
        %ge3A_437 = vector.broadcast %mul3A_35 : i32 to vector<16xi32>
        %ge3A_438 = arith.cmpi sge, %get3A_434, %ge3A_437 : vector<16xi32>
        %lt3A_439 = vector.broadcast %select_n3A_41 : i32 to vector<16xi32>
        %lt3A_440 = arith.cmpi slt, %get3A_434, %lt3A_439 : vector<16xi32>
        %and3A_441 = arith.andi %ge3A_438, %lt3A_440 : vector<16xi1>
        %sub3A_442 = vector.broadcast %mul3A_35 : i32 to vector<16xi32>
        %sub3A_443 = arith.subi %get3A_434, %sub3A_442 : vector<16xi32>
        %jit3A_444 = arith.constant 0 : i32
        %broadcast_in_dim3A_445 = vector.broadcast %jit3A_444 : i32 to vector<16xi32>
        %select_n3A_446 = arith.select %and3A_441, %sub3A_443, %broadcast_in_dim3A_445 : vector<16xi1>, vector<16xi32>
        tpu.vector_store_idx %arg6[%select_n3A_446], %get3A_436 masked %and3A_441 : memref<36608xf32, #tpu.memory_space<vmem>>[vector<16xi32>], vector<16xf32>, vector<16xi1>
        %get3A_447 = arith.constant 448 : index
        %get3A_448 = tpu.vector_load %arg7[%get3A_447] {strides = array<i32>} : memref<1024xi32, #tpu.memory_space<vmem>>, vector<16xi32>,
        %get3A_449 = arith.constant 448 : index
        %get3A_450 = tpu.vector_load %arg8[%get3A_449] {strides = array<i32>} : memref<1024xf32, #tpu.memory_space<vmem>>, vector<16xf32>,
        %ge3A_451 = vector.broadcast %mul3A_35 : i32 to vector<16xi32>
        %ge3A_452 = arith.cmpi sge, %get3A_448, %ge3A_451 : vector<16xi32>
        %lt3A_453 = vector.broadcast %select_n3A_41 : i32 to vector<16xi32>
        %lt3A_454 = arith.cmpi slt, %get3A_448, %lt3A_453 : vector<16xi32>
        %and3A_455 = arith.andi %ge3A_452, %lt3A_454 : vector<16xi1>
        %sub3A_456 = vector.broadcast %mul3A_35 : i32 to vector<16xi32>
        %sub3A_457 = arith.subi %get3A_448, %sub3A_456 : vector<16xi32>
        %jit3A_458 = arith.constant 0 : i32
        %broadcast_in_dim3A_459 = vector.broadcast %jit3A_458 : i32 to vector<16xi32>
        %select_n3A_460 = arith.select %and3A_455, %sub3A_457, %broadcast_in_dim3A_459 : vector<16xi1>, vector<16xi32>
        tpu.vector_store_idx %arg6[%select_n3A_460], %get3A_450 masked %and3A_455 : memref<36608xf32, #tpu.memory_space<vmem>>[vector<16xi32>], vector<16xf32>, vector<16xi1>
        %get3A_461 = arith.constant 464 : index
        %get3A_462 = tpu.vector_load %arg7[%get3A_461] {strides = array<i32>} : memref<1024xi32, #tpu.memory_space<vmem>>, vector<16xi32>,
        %get3A_463 = arith.constant 464 : index
        %get3A_464 = tpu.vector_load %arg8[%get3A_463] {strides = array<i32>} : memref<1024xf32, #tpu.memory_space<vmem>>, vector<16xf32>,
        %ge3A_465 = vector.broadcast %mul3A_35 : i32 to vector<16xi32>
        %ge3A_466 = arith.cmpi sge, %get3A_462, %ge3A_465 : vector<16xi32>
        %lt3A_467 = vector.broadcast %select_n3A_41 : i32 to vector<16xi32>
        %lt3A_468 = arith.cmpi slt, %get3A_462, %lt3A_467 : vector<16xi32>
        %and3A_469 = arith.andi %ge3A_466, %lt3A_468 : vector<16xi1>
        %sub3A_470 = vector.broadcast %mul3A_35 : i32 to vector<16xi32>
        %sub3A_471 = arith.subi %get3A_462, %sub3A_470 : vector<16xi32>
        %jit3A_472 = arith.constant 0 : i32
        %broadcast_in_dim3A_473 = vector.broadcast %jit3A_472 : i32 to vector<16xi32>
        %select_n3A_474 = arith.select %and3A_469, %sub3A_471, %broadcast_in_dim3A_473 : vector<16xi1>, vector<16xi32>
        tpu.vector_store_idx %arg6[%select_n3A_474], %get3A_464 masked %and3A_469 : memref<36608xf32, #tpu.memory_space<vmem>>[vector<16xi32>], vector<16xf32>, vector<16xi1>
        %get3A_475 = arith.constant 480 : index
        %get3A_476 = tpu.vector_load %arg7[%get3A_475] {strides = array<i32>} : memref<1024xi32, #tpu.memory_space<vmem>>, vector<16xi32>,
        %get3A_477 = arith.constant 480 : index
        %get3A_478 = tpu.vector_load %arg8[%get3A_477] {strides = array<i32>} : memref<1024xf32, #tpu.memory_space<vmem>>, vector<16xf32>,
        %ge3A_479 = vector.broadcast %mul3A_35 : i32 to vector<16xi32>
        %ge3A_480 = arith.cmpi sge, %get3A_476, %ge3A_479 : vector<16xi32>
        %lt3A_481 = vector.broadcast %select_n3A_41 : i32 to vector<16xi32>
        %lt3A_482 = arith.cmpi slt, %get3A_476, %lt3A_481 : vector<16xi32>
        %and3A_483 = arith.andi %ge3A_480, %lt3A_482 : vector<16xi1>
        %sub3A_484 = vector.broadcast %mul3A_35 : i32 to vector<16xi32>
        %sub3A_485 = arith.subi %get3A_476, %sub3A_484 : vector<16xi32>
        %jit3A_486 = arith.constant 0 : i32
        %broadcast_in_dim3A_487 = vector.broadcast %jit3A_486 : i32 to vector<16xi32>
        %select_n3A_488 = arith.select %and3A_483, %sub3A_485, %broadcast_in_dim3A_487 : vector<16xi1>, vector<16xi32>
        tpu.vector_store_idx %arg6[%select_n3A_488], %get3A_478 masked %and3A_483 : memref<36608xf32, #tpu.memory_space<vmem>>[vector<16xi32>], vector<16xf32>, vector<16xi1>
        %get3A_489 = arith.constant 496 : index
        %get3A_490 = tpu.vector_load %arg7[%get3A_489] {strides = array<i32>} : memref<1024xi32, #tpu.memory_space<vmem>>, vector<16xi32>,
        %get3A_491 = arith.constant 496 : index
        %get3A_492 = tpu.vector_load %arg8[%get3A_491] {strides = array<i32>} : memref<1024xf32, #tpu.memory_space<vmem>>, vector<16xf32>,
        %ge3A_493 = vector.broadcast %mul3A_35 : i32 to vector<16xi32>
        %ge3A_494 = arith.cmpi sge, %get3A_490, %ge3A_493 : vector<16xi32>
        %lt3A_495 = vector.broadcast %select_n3A_41 : i32 to vector<16xi32>
        %lt3A_496 = arith.cmpi slt, %get3A_490, %lt3A_495 : vector<16xi32>
        %and3A_497 = arith.andi %ge3A_494, %lt3A_496 : vector<16xi1>
        %sub3A_498 = vector.broadcast %mul3A_35 : i32 to vector<16xi32>
        %sub3A_499 = arith.subi %get3A_490, %sub3A_498 : vector<16xi32>
        %jit3A_500 = arith.constant 0 : i32
        %broadcast_in_dim3A_501 = vector.broadcast %jit3A_500 : i32 to vector<16xi32>
        %select_n3A_502 = arith.select %and3A_497, %sub3A_499, %broadcast_in_dim3A_501 : vector<16xi1>, vector<16xi32>
        tpu.vector_store_idx %arg6[%select_n3A_502], %get3A_492 masked %and3A_497 : memref<36608xf32, #tpu.memory_space<vmem>>[vector<16xi32>], vector<16xf32>, vector<16xi1>
        %get3A_503 = arith.constant 512 : index
        %get3A_504 = tpu.vector_load %arg7[%get3A_503] {strides = array<i32>} : memref<1024xi32, #tpu.memory_space<vmem>>, vector<16xi32>,
        %get3A_505 = arith.constant 512 : index
        %get3A_506 = tpu.vector_load %arg8[%get3A_505] {strides = array<i32>} : memref<1024xf32, #tpu.memory_space<vmem>>, vector<16xf32>,
        %ge3A_507 = vector.broadcast %mul3A_35 : i32 to vector<16xi32>
        %ge3A_508 = arith.cmpi sge, %get3A_504, %ge3A_507 : vector<16xi32>
        %lt3A_509 = vector.broadcast %select_n3A_41 : i32 to vector<16xi32>
        %lt3A_510 = arith.cmpi slt, %get3A_504, %lt3A_509 : vector<16xi32>
        %and3A_511 = arith.andi %ge3A_508, %lt3A_510 : vector<16xi1>
        %sub3A_512 = vector.broadcast %mul3A_35 : i32 to vector<16xi32>
        %sub3A_513 = arith.subi %get3A_504, %sub3A_512 : vector<16xi32>
        %jit3A_514 = arith.constant 0 : i32
        %broadcast_in_dim3A_515 = vector.broadcast %jit3A_514 : i32 to vector<16xi32>
        %select_n3A_516 = arith.select %and3A_511, %sub3A_513, %broadcast_in_dim3A_515 : vector<16xi1>, vector<16xi32>
        tpu.vector_store_idx %arg6[%select_n3A_516], %get3A_506 masked %and3A_511 : memref<36608xf32, #tpu.memory_space<vmem>>[vector<16xi32>], vector<16xf32>, vector<16xi1>
        %get3A_517 = arith.constant 528 : index
        %get3A_518 = tpu.vector_load %arg7[%get3A_517] {strides = array<i32>} : memref<1024xi32, #tpu.memory_space<vmem>>, vector<16xi32>,
        %get3A_519 = arith.constant 528 : index
        %get3A_520 = tpu.vector_load %arg8[%get3A_519] {strides = array<i32>} : memref<1024xf32, #tpu.memory_space<vmem>>, vector<16xf32>,
        %ge3A_521 = vector.broadcast %mul3A_35 : i32 to vector<16xi32>
        %ge3A_522 = arith.cmpi sge, %get3A_518, %ge3A_521 : vector<16xi32>
        %lt3A_523 = vector.broadcast %select_n3A_41 : i32 to vector<16xi32>
        %lt3A_524 = arith.cmpi slt, %get3A_518, %lt3A_523 : vector<16xi32>
        %and3A_525 = arith.andi %ge3A_522, %lt3A_524 : vector<16xi1>
        %sub3A_526 = vector.broadcast %mul3A_35 : i32 to vector<16xi32>
        %sub3A_527 = arith.subi %get3A_518, %sub3A_526 : vector<16xi32>
        %jit3A_528 = arith.constant 0 : i32
        %broadcast_in_dim3A_529 = vector.broadcast %jit3A_528 : i32 to vector<16xi32>
        %select_n3A_530 = arith.select %and3A_525, %sub3A_527, %broadcast_in_dim3A_529 : vector<16xi1>, vector<16xi32>
        tpu.vector_store_idx %arg6[%select_n3A_530], %get3A_520 masked %and3A_525 : memref<36608xf32, #tpu.memory_space<vmem>>[vector<16xi32>], vector<16xf32>, vector<16xi1>
        %get3A_531 = arith.constant 544 : index
        %get3A_532 = tpu.vector_load %arg7[%get3A_531] {strides = array<i32>} : memref<1024xi32, #tpu.memory_space<vmem>>, vector<16xi32>,
        %get3A_533 = arith.constant 544 : index
        %get3A_534 = tpu.vector_load %arg8[%get3A_533] {strides = array<i32>} : memref<1024xf32, #tpu.memory_space<vmem>>, vector<16xf32>,
        %ge3A_535 = vector.broadcast %mul3A_35 : i32 to vector<16xi32>
        %ge3A_536 = arith.cmpi sge, %get3A_532, %ge3A_535 : vector<16xi32>
        %lt3A_537 = vector.broadcast %select_n3A_41 : i32 to vector<16xi32>
        %lt3A_538 = arith.cmpi slt, %get3A_532, %lt3A_537 : vector<16xi32>
        %and3A_539 = arith.andi %ge3A_536, %lt3A_538 : vector<16xi1>
        %sub3A_540 = vector.broadcast %mul3A_35 : i32 to vector<16xi32>
        %sub3A_541 = arith.subi %get3A_532, %sub3A_540 : vector<16xi32>
        %jit3A_542 = arith.constant 0 : i32
        %broadcast_in_dim3A_543 = vector.broadcast %jit3A_542 : i32 to vector<16xi32>
        %select_n3A_544 = arith.select %and3A_539, %sub3A_541, %broadcast_in_dim3A_543 : vector<16xi1>, vector<16xi32>
        tpu.vector_store_idx %arg6[%select_n3A_544], %get3A_534 masked %and3A_539 : memref<36608xf32, #tpu.memory_space<vmem>>[vector<16xi32>], vector<16xf32>, vector<16xi1>
        %get3A_545 = arith.constant 560 : index
        %get3A_546 = tpu.vector_load %arg7[%get3A_545] {strides = array<i32>} : memref<1024xi32, #tpu.memory_space<vmem>>, vector<16xi32>,
        %get3A_547 = arith.constant 560 : index
        %get3A_548 = tpu.vector_load %arg8[%get3A_547] {strides = array<i32>} : memref<1024xf32, #tpu.memory_space<vmem>>, vector<16xf32>,
        %ge3A_549 = vector.broadcast %mul3A_35 : i32 to vector<16xi32>
        %ge3A_550 = arith.cmpi sge, %get3A_546, %ge3A_549 : vector<16xi32>
        %lt3A_551 = vector.broadcast %select_n3A_41 : i32 to vector<16xi32>
        %lt3A_552 = arith.cmpi slt, %get3A_546, %lt3A_551 : vector<16xi32>
        %and3A_553 = arith.andi %ge3A_550, %lt3A_552 : vector<16xi1>
        %sub3A_554 = vector.broadcast %mul3A_35 : i32 to vector<16xi32>
        %sub3A_555 = arith.subi %get3A_546, %sub3A_554 : vector<16xi32>
        %jit3A_556 = arith.constant 0 : i32
        %broadcast_in_dim3A_557 = vector.broadcast %jit3A_556 : i32 to vector<16xi32>
        %select_n3A_558 = arith.select %and3A_553, %sub3A_555, %broadcast_in_dim3A_557 : vector<16xi1>, vector<16xi32>
        tpu.vector_store_idx %arg6[%select_n3A_558], %get3A_548 masked %and3A_553 : memref<36608xf32, #tpu.memory_space<vmem>>[vector<16xi32>], vector<16xf32>, vector<16xi1>
        %get3A_559 = arith.constant 576 : index
        %get3A_560 = tpu.vector_load %arg7[%get3A_559] {strides = array<i32>} : memref<1024xi32, #tpu.memory_space<vmem>>, vector<16xi32>,
        %get3A_561 = arith.constant 576 : index
        %get3A_562 = tpu.vector_load %arg8[%get3A_561] {strides = array<i32>} : memref<1024xf32, #tpu.memory_space<vmem>>, vector<16xf32>,
        %ge3A_563 = vector.broadcast %mul3A_35 : i32 to vector<16xi32>
        %ge3A_564 = arith.cmpi sge, %get3A_560, %ge3A_563 : vector<16xi32>
        %lt3A_565 = vector.broadcast %select_n3A_41 : i32 to vector<16xi32>
        %lt3A_566 = arith.cmpi slt, %get3A_560, %lt3A_565 : vector<16xi32>
        %and3A_567 = arith.andi %ge3A_564, %lt3A_566 : vector<16xi1>
        %sub3A_568 = vector.broadcast %mul3A_35 : i32 to vector<16xi32>
        %sub3A_569 = arith.subi %get3A_560, %sub3A_568 : vector<16xi32>
        %jit3A_570 = arith.constant 0 : i32
        %broadcast_in_dim3A_571 = vector.broadcast %jit3A_570 : i32 to vector<16xi32>
        %select_n3A_572 = arith.select %and3A_567, %sub3A_569, %broadcast_in_dim3A_571 : vector<16xi1>, vector<16xi32>
        tpu.vector_store_idx %arg6[%select_n3A_572], %get3A_562 masked %and3A_567 : memref<36608xf32, #tpu.memory_space<vmem>>[vector<16xi32>], vector<16xf32>, vector<16xi1>
        %get3A_573 = arith.constant 592 : index
        %get3A_574 = tpu.vector_load %arg7[%get3A_573] {strides = array<i32>} : memref<1024xi32, #tpu.memory_space<vmem>>, vector<16xi32>,
        %get3A_575 = arith.constant 592 : index
        %get3A_576 = tpu.vector_load %arg8[%get3A_575] {strides = array<i32>} : memref<1024xf32, #tpu.memory_space<vmem>>, vector<16xf32>,
        %ge3A_577 = vector.broadcast %mul3A_35 : i32 to vector<16xi32>
        %ge3A_578 = arith.cmpi sge, %get3A_574, %ge3A_577 : vector<16xi32>
        %lt3A_579 = vector.broadcast %select_n3A_41 : i32 to vector<16xi32>
        %lt3A_580 = arith.cmpi slt, %get3A_574, %lt3A_579 : vector<16xi32>
        %and3A_581 = arith.andi %ge3A_578, %lt3A_580 : vector<16xi1>
        %sub3A_582 = vector.broadcast %mul3A_35 : i32 to vector<16xi32>
        %sub3A_583 = arith.subi %get3A_574, %sub3A_582 : vector<16xi32>
        %jit3A_584 = arith.constant 0 : i32
        %broadcast_in_dim3A_585 = vector.broadcast %jit3A_584 : i32 to vector<16xi32>
        %select_n3A_586 = arith.select %and3A_581, %sub3A_583, %broadcast_in_dim3A_585 : vector<16xi1>, vector<16xi32>
        tpu.vector_store_idx %arg6[%select_n3A_586], %get3A_576 masked %and3A_581 : memref<36608xf32, #tpu.memory_space<vmem>>[vector<16xi32>], vector<16xf32>, vector<16xi1>
        %get3A_587 = arith.constant 608 : index
        %get3A_588 = tpu.vector_load %arg7[%get3A_587] {strides = array<i32>} : memref<1024xi32, #tpu.memory_space<vmem>>, vector<16xi32>,
        %get3A_589 = arith.constant 608 : index
        %get3A_590 = tpu.vector_load %arg8[%get3A_589] {strides = array<i32>} : memref<1024xf32, #tpu.memory_space<vmem>>, vector<16xf32>,
        %ge3A_591 = vector.broadcast %mul3A_35 : i32 to vector<16xi32>
        %ge3A_592 = arith.cmpi sge, %get3A_588, %ge3A_591 : vector<16xi32>
        %lt3A_593 = vector.broadcast %select_n3A_41 : i32 to vector<16xi32>
        %lt3A_594 = arith.cmpi slt, %get3A_588, %lt3A_593 : vector<16xi32>
        %and3A_595 = arith.andi %ge3A_592, %lt3A_594 : vector<16xi1>
        %sub3A_596 = vector.broadcast %mul3A_35 : i32 to vector<16xi32>
        %sub3A_597 = arith.subi %get3A_588, %sub3A_596 : vector<16xi32>
        %jit3A_598 = arith.constant 0 : i32
        %broadcast_in_dim3A_599 = vector.broadcast %jit3A_598 : i32 to vector<16xi32>
        %select_n3A_600 = arith.select %and3A_595, %sub3A_597, %broadcast_in_dim3A_599 : vector<16xi1>, vector<16xi32>
        tpu.vector_store_idx %arg6[%select_n3A_600], %get3A_590 masked %and3A_595 : memref<36608xf32, #tpu.memory_space<vmem>>[vector<16xi32>], vector<16xf32>, vector<16xi1>
        %get3A_601 = arith.constant 624 : index
        %get3A_602 = tpu.vector_load %arg7[%get3A_601] {strides = array<i32>} : memref<1024xi32, #tpu.memory_space<vmem>>, vector<16xi32>,
        %get3A_603 = arith.constant 624 : index
        %get3A_604 = tpu.vector_load %arg8[%get3A_603] {strides = array<i32>} : memref<1024xf32, #tpu.memory_space<vmem>>, vector<16xf32>,
        %ge3A_605 = vector.broadcast %mul3A_35 : i32 to vector<16xi32>
        %ge3A_606 = arith.cmpi sge, %get3A_602, %ge3A_605 : vector<16xi32>
        %lt3A_607 = vector.broadcast %select_n3A_41 : i32 to vector<16xi32>
        %lt3A_608 = arith.cmpi slt, %get3A_602, %lt3A_607 : vector<16xi32>
        %and3A_609 = arith.andi %ge3A_606, %lt3A_608 : vector<16xi1>
        %sub3A_610 = vector.broadcast %mul3A_35 : i32 to vector<16xi32>
        %sub3A_611 = arith.subi %get3A_602, %sub3A_610 : vector<16xi32>
        %jit3A_612 = arith.constant 0 : i32
        %broadcast_in_dim3A_613 = vector.broadcast %jit3A_612 : i32 to vector<16xi32>
        %select_n3A_614 = arith.select %and3A_609, %sub3A_611, %broadcast_in_dim3A_613 : vector<16xi1>, vector<16xi32>
        tpu.vector_store_idx %arg6[%select_n3A_614], %get3A_604 masked %and3A_609 : memref<36608xf32, #tpu.memory_space<vmem>>[vector<16xi32>], vector<16xf32>, vector<16xi1>
        %get3A_615 = arith.constant 640 : index
        %get3A_616 = tpu.vector_load %arg7[%get3A_615] {strides = array<i32>} : memref<1024xi32, #tpu.memory_space<vmem>>, vector<16xi32>,
        %get3A_617 = arith.constant 640 : index
        %get3A_618 = tpu.vector_load %arg8[%get3A_617] {strides = array<i32>} : memref<1024xf32, #tpu.memory_space<vmem>>, vector<16xf32>,
        %ge3A_619 = vector.broadcast %mul3A_35 : i32 to vector<16xi32>
        %ge3A_620 = arith.cmpi sge, %get3A_616, %ge3A_619 : vector<16xi32>
        %lt3A_621 = vector.broadcast %select_n3A_41 : i32 to vector<16xi32>
        %lt3A_622 = arith.cmpi slt, %get3A_616, %lt3A_621 : vector<16xi32>
        %and3A_623 = arith.andi %ge3A_620, %lt3A_622 : vector<16xi1>
        %sub3A_624 = vector.broadcast %mul3A_35 : i32 to vector<16xi32>
        %sub3A_625 = arith.subi %get3A_616, %sub3A_624 : vector<16xi32>
        %jit3A_626 = arith.constant 0 : i32
        %broadcast_in_dim3A_627 = vector.broadcast %jit3A_626 : i32 to vector<16xi32>
        %select_n3A_628 = arith.select %and3A_623, %sub3A_625, %broadcast_in_dim3A_627 : vector<16xi1>, vector<16xi32>
        tpu.vector_store_idx %arg6[%select_n3A_628], %get3A_618 masked %and3A_623 : memref<36608xf32, #tpu.memory_space<vmem>>[vector<16xi32>], vector<16xf32>, vector<16xi1>
        %get3A_629 = arith.constant 656 : index
        %get3A_630 = tpu.vector_load %arg7[%get3A_629] {strides = array<i32>} : memref<1024xi32, #tpu.memory_space<vmem>>, vector<16xi32>,
        %get3A_631 = arith.constant 656 : index
        %get3A_632 = tpu.vector_load %arg8[%get3A_631] {strides = array<i32>} : memref<1024xf32, #tpu.memory_space<vmem>>, vector<16xf32>,
        %ge3A_633 = vector.broadcast %mul3A_35 : i32 to vector<16xi32>
        %ge3A_634 = arith.cmpi sge, %get3A_630, %ge3A_633 : vector<16xi32>
        %lt3A_635 = vector.broadcast %select_n3A_41 : i32 to vector<16xi32>
        %lt3A_636 = arith.cmpi slt, %get3A_630, %lt3A_635 : vector<16xi32>
        %and3A_637 = arith.andi %ge3A_634, %lt3A_636 : vector<16xi1>
        %sub3A_638 = vector.broadcast %mul3A_35 : i32 to vector<16xi32>
        %sub3A_639 = arith.subi %get3A_630, %sub3A_638 : vector<16xi32>
        %jit3A_640 = arith.constant 0 : i32
        %broadcast_in_dim3A_641 = vector.broadcast %jit3A_640 : i32 to vector<16xi32>
        %select_n3A_642 = arith.select %and3A_637, %sub3A_639, %broadcast_in_dim3A_641 : vector<16xi1>, vector<16xi32>
        tpu.vector_store_idx %arg6[%select_n3A_642], %get3A_632 masked %and3A_637 : memref<36608xf32, #tpu.memory_space<vmem>>[vector<16xi32>], vector<16xf32>, vector<16xi1>
        %get3A_643 = arith.constant 672 : index
        %get3A_644 = tpu.vector_load %arg7[%get3A_643] {strides = array<i32>} : memref<1024xi32, #tpu.memory_space<vmem>>, vector<16xi32>,
        %get3A_645 = arith.constant 672 : index
        %get3A_646 = tpu.vector_load %arg8[%get3A_645] {strides = array<i32>} : memref<1024xf32, #tpu.memory_space<vmem>>, vector<16xf32>,
        %ge3A_647 = vector.broadcast %mul3A_35 : i32 to vector<16xi32>
        %ge3A_648 = arith.cmpi sge, %get3A_644, %ge3A_647 : vector<16xi32>
        %lt3A_649 = vector.broadcast %select_n3A_41 : i32 to vector<16xi32>
        %lt3A_650 = arith.cmpi slt, %get3A_644, %lt3A_649 : vector<16xi32>
        %and3A_651 = arith.andi %ge3A_648, %lt3A_650 : vector<16xi1>
        %sub3A_652 = vector.broadcast %mul3A_35 : i32 to vector<16xi32>
        %sub3A_653 = arith.subi %get3A_644, %sub3A_652 : vector<16xi32>
        %jit3A_654 = arith.constant 0 : i32
        %broadcast_in_dim3A_655 = vector.broadcast %jit3A_654 : i32 to vector<16xi32>
        %select_n3A_656 = arith.select %and3A_651, %sub3A_653, %broadcast_in_dim3A_655 : vector<16xi1>, vector<16xi32>
        tpu.vector_store_idx %arg6[%select_n3A_656], %get3A_646 masked %and3A_651 : memref<36608xf32, #tpu.memory_space<vmem>>[vector<16xi32>], vector<16xf32>, vector<16xi1>
        %get3A_657 = arith.constant 688 : index
        %get3A_658 = tpu.vector_load %arg7[%get3A_657] {strides = array<i32>} : memref<1024xi32, #tpu.memory_space<vmem>>, vector<16xi32>,
        %get3A_659 = arith.constant 688 : index
        %get3A_660 = tpu.vector_load %arg8[%get3A_659] {strides = array<i32>} : memref<1024xf32, #tpu.memory_space<vmem>>, vector<16xf32>,
        %ge3A_661 = vector.broadcast %mul3A_35 : i32 to vector<16xi32>
        %ge3A_662 = arith.cmpi sge, %get3A_658, %ge3A_661 : vector<16xi32>
        %lt3A_663 = vector.broadcast %select_n3A_41 : i32 to vector<16xi32>
        %lt3A_664 = arith.cmpi slt, %get3A_658, %lt3A_663 : vector<16xi32>
        %and3A_665 = arith.andi %ge3A_662, %lt3A_664 : vector<16xi1>
        %sub3A_666 = vector.broadcast %mul3A_35 : i32 to vector<16xi32>
        %sub3A_667 = arith.subi %get3A_658, %sub3A_666 : vector<16xi32>
        %jit3A_668 = arith.constant 0 : i32
        %broadcast_in_dim3A_669 = vector.broadcast %jit3A_668 : i32 to vector<16xi32>
        %select_n3A_670 = arith.select %and3A_665, %sub3A_667, %broadcast_in_dim3A_669 : vector<16xi1>, vector<16xi32>
        tpu.vector_store_idx %arg6[%select_n3A_670], %get3A_660 masked %and3A_665 : memref<36608xf32, #tpu.memory_space<vmem>>[vector<16xi32>], vector<16xf32>, vector<16xi1>
        %get3A_671 = arith.constant 704 : index
        %get3A_672 = tpu.vector_load %arg7[%get3A_671] {strides = array<i32>} : memref<1024xi32, #tpu.memory_space<vmem>>, vector<16xi32>,
        %get3A_673 = arith.constant 704 : index
        %get3A_674 = tpu.vector_load %arg8[%get3A_673] {strides = array<i32>} : memref<1024xf32, #tpu.memory_space<vmem>>, vector<16xf32>,
        %ge3A_675 = vector.broadcast %mul3A_35 : i32 to vector<16xi32>
        %ge3A_676 = arith.cmpi sge, %get3A_672, %ge3A_675 : vector<16xi32>
        %lt3A_677 = vector.broadcast %select_n3A_41 : i32 to vector<16xi32>
        %lt3A_678 = arith.cmpi slt, %get3A_672, %lt3A_677 : vector<16xi32>
        %and3A_679 = arith.andi %ge3A_676, %lt3A_678 : vector<16xi1>
        %sub3A_680 = vector.broadcast %mul3A_35 : i32 to vector<16xi32>
        %sub3A_681 = arith.subi %get3A_672, %sub3A_680 : vector<16xi32>
        %jit3A_682 = arith.constant 0 : i32
        %broadcast_in_dim3A_683 = vector.broadcast %jit3A_682 : i32 to vector<16xi32>
        %select_n3A_684 = arith.select %and3A_679, %sub3A_681, %broadcast_in_dim3A_683 : vector<16xi1>, vector<16xi32>
        tpu.vector_store_idx %arg6[%select_n3A_684], %get3A_674 masked %and3A_679 : memref<36608xf32, #tpu.memory_space<vmem>>[vector<16xi32>], vector<16xf32>, vector<16xi1>
        %get3A_685 = arith.constant 720 : index
        %get3A_686 = tpu.vector_load %arg7[%get3A_685] {strides = array<i32>} : memref<1024xi32, #tpu.memory_space<vmem>>, vector<16xi32>,
        %get3A_687 = arith.constant 720 : index
        %get3A_688 = tpu.vector_load %arg8[%get3A_687] {strides = array<i32>} : memref<1024xf32, #tpu.memory_space<vmem>>, vector<16xf32>,
        %ge3A_689 = vector.broadcast %mul3A_35 : i32 to vector<16xi32>
        %ge3A_690 = arith.cmpi sge, %get3A_686, %ge3A_689 : vector<16xi32>
        %lt3A_691 = vector.broadcast %select_n3A_41 : i32 to vector<16xi32>
        %lt3A_692 = arith.cmpi slt, %get3A_686, %lt3A_691 : vector<16xi32>
        %and3A_693 = arith.andi %ge3A_690, %lt3A_692 : vector<16xi1>
        %sub3A_694 = vector.broadcast %mul3A_35 : i32 to vector<16xi32>
        %sub3A_695 = arith.subi %get3A_686, %sub3A_694 : vector<16xi32>
        %jit3A_696 = arith.constant 0 : i32
        %broadcast_in_dim3A_697 = vector.broadcast %jit3A_696 : i32 to vector<16xi32>
        %select_n3A_698 = arith.select %and3A_693, %sub3A_695, %broadcast_in_dim3A_697 : vector<16xi1>, vector<16xi32>
        tpu.vector_store_idx %arg6[%select_n3A_698], %get3A_688 masked %and3A_693 : memref<36608xf32, #tpu.memory_space<vmem>>[vector<16xi32>], vector<16xf32>, vector<16xi1>
        %get3A_699 = arith.constant 736 : index
        %get3A_700 = tpu.vector_load %arg7[%get3A_699] {strides = array<i32>} : memref<1024xi32, #tpu.memory_space<vmem>>, vector<16xi32>,
        %get3A_701 = arith.constant 736 : index
        %get3A_702 = tpu.vector_load %arg8[%get3A_701] {strides = array<i32>} : memref<1024xf32, #tpu.memory_space<vmem>>, vector<16xf32>,
        %ge3A_703 = vector.broadcast %mul3A_35 : i32 to vector<16xi32>
        %ge3A_704 = arith.cmpi sge, %get3A_700, %ge3A_703 : vector<16xi32>
        %lt3A_705 = vector.broadcast %select_n3A_41 : i32 to vector<16xi32>
        %lt3A_706 = arith.cmpi slt, %get3A_700, %lt3A_705 : vector<16xi32>
        %and3A_707 = arith.andi %ge3A_704, %lt3A_706 : vector<16xi1>
        %sub3A_708 = vector.broadcast %mul3A_35 : i32 to vector<16xi32>
        %sub3A_709 = arith.subi %get3A_700, %sub3A_708 : vector<16xi32>
        %jit3A_710 = arith.constant 0 : i32
        %broadcast_in_dim3A_711 = vector.broadcast %jit3A_710 : i32 to vector<16xi32>
        %select_n3A_712 = arith.select %and3A_707, %sub3A_709, %broadcast_in_dim3A_711 : vector<16xi1>, vector<16xi32>
        tpu.vector_store_idx %arg6[%select_n3A_712], %get3A_702 masked %and3A_707 : memref<36608xf32, #tpu.memory_space<vmem>>[vector<16xi32>], vector<16xf32>, vector<16xi1>
        %get3A_713 = arith.constant 752 : index
        %get3A_714 = tpu.vector_load %arg7[%get3A_713] {strides = array<i32>} : memref<1024xi32, #tpu.memory_space<vmem>>, vector<16xi32>,
        %get3A_715 = arith.constant 752 : index
        %get3A_716 = tpu.vector_load %arg8[%get3A_715] {strides = array<i32>} : memref<1024xf32, #tpu.memory_space<vmem>>, vector<16xf32>,
        %ge3A_717 = vector.broadcast %mul3A_35 : i32 to vector<16xi32>
        %ge3A_718 = arith.cmpi sge, %get3A_714, %ge3A_717 : vector<16xi32>
        %lt3A_719 = vector.broadcast %select_n3A_41 : i32 to vector<16xi32>
        %lt3A_720 = arith.cmpi slt, %get3A_714, %lt3A_719 : vector<16xi32>
        %and3A_721 = arith.andi %ge3A_718, %lt3A_720 : vector<16xi1>
        %sub3A_722 = vector.broadcast %mul3A_35 : i32 to vector<16xi32>
        %sub3A_723 = arith.subi %get3A_714, %sub3A_722 : vector<16xi32>
        %jit3A_724 = arith.constant 0 : i32
        %broadcast_in_dim3A_725 = vector.broadcast %jit3A_724 : i32 to vector<16xi32>
        %select_n3A_726 = arith.select %and3A_721, %sub3A_723, %broadcast_in_dim3A_725 : vector<16xi1>, vector<16xi32>
        tpu.vector_store_idx %arg6[%select_n3A_726], %get3A_716 masked %and3A_721 : memref<36608xf32, #tpu.memory_space<vmem>>[vector<16xi32>], vector<16xf32>, vector<16xi1>
        %get3A_727 = arith.constant 768 : index
        %get3A_728 = tpu.vector_load %arg7[%get3A_727] {strides = array<i32>} : memref<1024xi32, #tpu.memory_space<vmem>>, vector<16xi32>,
        %get3A_729 = arith.constant 768 : index
        %get3A_730 = tpu.vector_load %arg8[%get3A_729] {strides = array<i32>} : memref<1024xf32, #tpu.memory_space<vmem>>, vector<16xf32>,
        %ge3A_731 = vector.broadcast %mul3A_35 : i32 to vector<16xi32>
        %ge3A_732 = arith.cmpi sge, %get3A_728, %ge3A_731 : vector<16xi32>
        %lt3A_733 = vector.broadcast %select_n3A_41 : i32 to vector<16xi32>
        %lt3A_734 = arith.cmpi slt, %get3A_728, %lt3A_733 : vector<16xi32>
        %and3A_735 = arith.andi %ge3A_732, %lt3A_734 : vector<16xi1>
        %sub3A_736 = vector.broadcast %mul3A_35 : i32 to vector<16xi32>
        %sub3A_737 = arith.subi %get3A_728, %sub3A_736 : vector<16xi32>
        %jit3A_738 = arith.constant 0 : i32
        %broadcast_in_dim3A_739 = vector.broadcast %jit3A_738 : i32 to vector<16xi32>
        %select_n3A_740 = arith.select %and3A_735, %sub3A_737, %broadcast_in_dim3A_739 : vector<16xi1>, vector<16xi32>
        tpu.vector_store_idx %arg6[%select_n3A_740], %get3A_730 masked %and3A_735 : memref<36608xf32, #tpu.memory_space<vmem>>[vector<16xi32>], vector<16xf32>, vector<16xi1>
        %get3A_741 = arith.constant 784 : index
        %get3A_742 = tpu.vector_load %arg7[%get3A_741] {strides = array<i32>} : memref<1024xi32, #tpu.memory_space<vmem>>, vector<16xi32>,
        %get3A_743 = arith.constant 784 : index
        %get3A_744 = tpu.vector_load %arg8[%get3A_743] {strides = array<i32>} : memref<1024xf32, #tpu.memory_space<vmem>>, vector<16xf32>,
        %ge3A_745 = vector.broadcast %mul3A_35 : i32 to vector<16xi32>
        %ge3A_746 = arith.cmpi sge, %get3A_742, %ge3A_745 : vector<16xi32>
        %lt3A_747 = vector.broadcast %select_n3A_41 : i32 to vector<16xi32>
        %lt3A_748 = arith.cmpi slt, %get3A_742, %lt3A_747 : vector<16xi32>
        %and3A_749 = arith.andi %ge3A_746, %lt3A_748 : vector<16xi1>
        %sub3A_750 = vector.broadcast %mul3A_35 : i32 to vector<16xi32>
        %sub3A_751 = arith.subi %get3A_742, %sub3A_750 : vector<16xi32>
        %jit3A_752 = arith.constant 0 : i32
        %broadcast_in_dim3A_753 = vector.broadcast %jit3A_752 : i32 to vector<16xi32>
        %select_n3A_754 = arith.select %and3A_749, %sub3A_751, %broadcast_in_dim3A_753 : vector<16xi1>, vector<16xi32>
        tpu.vector_store_idx %arg6[%select_n3A_754], %get3A_744 masked %and3A_749 : memref<36608xf32, #tpu.memory_space<vmem>>[vector<16xi32>], vector<16xf32>, vector<16xi1>
        %get3A_755 = arith.constant 800 : index
        %get3A_756 = tpu.vector_load %arg7[%get3A_755] {strides = array<i32>} : memref<1024xi32, #tpu.memory_space<vmem>>, vector<16xi32>,
        %get3A_757 = arith.constant 800 : index
        %get3A_758 = tpu.vector_load %arg8[%get3A_757] {strides = array<i32>} : memref<1024xf32, #tpu.memory_space<vmem>>, vector<16xf32>,
        %ge3A_759 = vector.broadcast %mul3A_35 : i32 to vector<16xi32>
        %ge3A_760 = arith.cmpi sge, %get3A_756, %ge3A_759 : vector<16xi32>
        %lt3A_761 = vector.broadcast %select_n3A_41 : i32 to vector<16xi32>
        %lt3A_762 = arith.cmpi slt, %get3A_756, %lt3A_761 : vector<16xi32>
        %and3A_763 = arith.andi %ge3A_760, %lt3A_762 : vector<16xi1>
        %sub3A_764 = vector.broadcast %mul3A_35 : i32 to vector<16xi32>
        %sub3A_765 = arith.subi %get3A_756, %sub3A_764 : vector<16xi32>
        %jit3A_766 = arith.constant 0 : i32
        %broadcast_in_dim3A_767 = vector.broadcast %jit3A_766 : i32 to vector<16xi32>
        %select_n3A_768 = arith.select %and3A_763, %sub3A_765, %broadcast_in_dim3A_767 : vector<16xi1>, vector<16xi32>
        tpu.vector_store_idx %arg6[%select_n3A_768], %get3A_758 masked %and3A_763 : memref<36608xf32, #tpu.memory_space<vmem>>[vector<16xi32>], vector<16xf32>, vector<16xi1>
        %get3A_769 = arith.constant 816 : index
        %get3A_770 = tpu.vector_load %arg7[%get3A_769] {strides = array<i32>} : memref<1024xi32, #tpu.memory_space<vmem>>, vector<16xi32>,
        %get3A_771 = arith.constant 816 : index
        %get3A_772 = tpu.vector_load %arg8[%get3A_771] {strides = array<i32>} : memref<1024xf32, #tpu.memory_space<vmem>>, vector<16xf32>,
        %ge3A_773 = vector.broadcast %mul3A_35 : i32 to vector<16xi32>
        %ge3A_774 = arith.cmpi sge, %get3A_770, %ge3A_773 : vector<16xi32>
        %lt3A_775 = vector.broadcast %select_n3A_41 : i32 to vector<16xi32>
        %lt3A_776 = arith.cmpi slt, %get3A_770, %lt3A_775 : vector<16xi32>
        %and3A_777 = arith.andi %ge3A_774, %lt3A_776 : vector<16xi1>
        %sub3A_778 = vector.broadcast %mul3A_35 : i32 to vector<16xi32>
        %sub3A_779 = arith.subi %get3A_770, %sub3A_778 : vector<16xi32>
        %jit3A_780 = arith.constant 0 : i32
        %broadcast_in_dim3A_781 = vector.broadcast %jit3A_780 : i32 to vector<16xi32>
        %select_n3A_782 = arith.select %and3A_777, %sub3A_779, %broadcast_in_dim3A_781 : vector<16xi1>, vector<16xi32>
        tpu.vector_store_idx %arg6[%select_n3A_782], %get3A_772 masked %and3A_777 : memref<36608xf32, #tpu.memory_space<vmem>>[vector<16xi32>], vector<16xf32>, vector<16xi1>
        %get3A_783 = arith.constant 832 : index
        %get3A_784 = tpu.vector_load %arg7[%get3A_783] {strides = array<i32>} : memref<1024xi32, #tpu.memory_space<vmem>>, vector<16xi32>,
        %get3A_785 = arith.constant 832 : index
        %get3A_786 = tpu.vector_load %arg8[%get3A_785] {strides = array<i32>} : memref<1024xf32, #tpu.memory_space<vmem>>, vector<16xf32>,
        %ge3A_787 = vector.broadcast %mul3A_35 : i32 to vector<16xi32>
        %ge3A_788 = arith.cmpi sge, %get3A_784, %ge3A_787 : vector<16xi32>
        %lt3A_789 = vector.broadcast %select_n3A_41 : i32 to vector<16xi32>
        %lt3A_790 = arith.cmpi slt, %get3A_784, %lt3A_789 : vector<16xi32>
        %and3A_791 = arith.andi %ge3A_788, %lt3A_790 : vector<16xi1>
        %sub3A_792 = vector.broadcast %mul3A_35 : i32 to vector<16xi32>
        %sub3A_793 = arith.subi %get3A_784, %sub3A_792 : vector<16xi32>
        %jit3A_794 = arith.constant 0 : i32
        %broadcast_in_dim3A_795 = vector.broadcast %jit3A_794 : i32 to vector<16xi32>
        %select_n3A_796 = arith.select %and3A_791, %sub3A_793, %broadcast_in_dim3A_795 : vector<16xi1>, vector<16xi32>
        tpu.vector_store_idx %arg6[%select_n3A_796], %get3A_786 masked %and3A_791 : memref<36608xf32, #tpu.memory_space<vmem>>[vector<16xi32>], vector<16xf32>, vector<16xi1>
        %get3A_797 = arith.constant 848 : index
        %get3A_798 = tpu.vector_load %arg7[%get3A_797] {strides = array<i32>} : memref<1024xi32, #tpu.memory_space<vmem>>, vector<16xi32>,
        %get3A_799 = arith.constant 848 : index
        %get3A_800 = tpu.vector_load %arg8[%get3A_799] {strides = array<i32>} : memref<1024xf32, #tpu.memory_space<vmem>>, vector<16xf32>,
        %ge3A_801 = vector.broadcast %mul3A_35 : i32 to vector<16xi32>
        %ge3A_802 = arith.cmpi sge, %get3A_798, %ge3A_801 : vector<16xi32>
        %lt3A_803 = vector.broadcast %select_n3A_41 : i32 to vector<16xi32>
        %lt3A_804 = arith.cmpi slt, %get3A_798, %lt3A_803 : vector<16xi32>
        %and3A_805 = arith.andi %ge3A_802, %lt3A_804 : vector<16xi1>
        %sub3A_806 = vector.broadcast %mul3A_35 : i32 to vector<16xi32>
        %sub3A_807 = arith.subi %get3A_798, %sub3A_806 : vector<16xi32>
        %jit3A_808 = arith.constant 0 : i32
        %broadcast_in_dim3A_809 = vector.broadcast %jit3A_808 : i32 to vector<16xi32>
        %select_n3A_810 = arith.select %and3A_805, %sub3A_807, %broadcast_in_dim3A_809 : vector<16xi1>, vector<16xi32>
        tpu.vector_store_idx %arg6[%select_n3A_810], %get3A_800 masked %and3A_805 : memref<36608xf32, #tpu.memory_space<vmem>>[vector<16xi32>], vector<16xf32>, vector<16xi1>
        %get3A_811 = arith.constant 864 : index
        %get3A_812 = tpu.vector_load %arg7[%get3A_811] {strides = array<i32>} : memref<1024xi32, #tpu.memory_space<vmem>>, vector<16xi32>,
        %get3A_813 = arith.constant 864 : index
        %get3A_814 = tpu.vector_load %arg8[%get3A_813] {strides = array<i32>} : memref<1024xf32, #tpu.memory_space<vmem>>, vector<16xf32>,
        %ge3A_815 = vector.broadcast %mul3A_35 : i32 to vector<16xi32>
        %ge3A_816 = arith.cmpi sge, %get3A_812, %ge3A_815 : vector<16xi32>
        %lt3A_817 = vector.broadcast %select_n3A_41 : i32 to vector<16xi32>
        %lt3A_818 = arith.cmpi slt, %get3A_812, %lt3A_817 : vector<16xi32>
        %and3A_819 = arith.andi %ge3A_816, %lt3A_818 : vector<16xi1>
        %sub3A_820 = vector.broadcast %mul3A_35 : i32 to vector<16xi32>
        %sub3A_821 = arith.subi %get3A_812, %sub3A_820 : vector<16xi32>
        %jit3A_822 = arith.constant 0 : i32
        %broadcast_in_dim3A_823 = vector.broadcast %jit3A_822 : i32 to vector<16xi32>
        %select_n3A_824 = arith.select %and3A_819, %sub3A_821, %broadcast_in_dim3A_823 : vector<16xi1>, vector<16xi32>
        tpu.vector_store_idx %arg6[%select_n3A_824], %get3A_814 masked %and3A_819 : memref<36608xf32, #tpu.memory_space<vmem>>[vector<16xi32>], vector<16xf32>, vector<16xi1>
        %get3A_825 = arith.constant 880 : index
        %get3A_826 = tpu.vector_load %arg7[%get3A_825] {strides = array<i32>} : memref<1024xi32, #tpu.memory_space<vmem>>, vector<16xi32>,
        %get3A_827 = arith.constant 880 : index
        %get3A_828 = tpu.vector_load %arg8[%get3A_827] {strides = array<i32>} : memref<1024xf32, #tpu.memory_space<vmem>>, vector<16xf32>,
        %ge3A_829 = vector.broadcast %mul3A_35 : i32 to vector<16xi32>
        %ge3A_830 = arith.cmpi sge, %get3A_826, %ge3A_829 : vector<16xi32>
        %lt3A_831 = vector.broadcast %select_n3A_41 : i32 to vector<16xi32>
        %lt3A_832 = arith.cmpi slt, %get3A_826, %lt3A_831 : vector<16xi32>
        %and3A_833 = arith.andi %ge3A_830, %lt3A_832 : vector<16xi1>
        %sub3A_834 = vector.broadcast %mul3A_35 : i32 to vector<16xi32>
        %sub3A_835 = arith.subi %get3A_826, %sub3A_834 : vector<16xi32>
        %jit3A_836 = arith.constant 0 : i32
        %broadcast_in_dim3A_837 = vector.broadcast %jit3A_836 : i32 to vector<16xi32>
        %select_n3A_838 = arith.select %and3A_833, %sub3A_835, %broadcast_in_dim3A_837 : vector<16xi1>, vector<16xi32>
        tpu.vector_store_idx %arg6[%select_n3A_838], %get3A_828 masked %and3A_833 : memref<36608xf32, #tpu.memory_space<vmem>>[vector<16xi32>], vector<16xf32>, vector<16xi1>
        %get3A_839 = arith.constant 896 : index
        %get3A_840 = tpu.vector_load %arg7[%get3A_839] {strides = array<i32>} : memref<1024xi32, #tpu.memory_space<vmem>>, vector<16xi32>,
        %get3A_841 = arith.constant 896 : index
        %get3A_842 = tpu.vector_load %arg8[%get3A_841] {strides = array<i32>} : memref<1024xf32, #tpu.memory_space<vmem>>, vector<16xf32>,
        %ge3A_843 = vector.broadcast %mul3A_35 : i32 to vector<16xi32>
        %ge3A_844 = arith.cmpi sge, %get3A_840, %ge3A_843 : vector<16xi32>
        %lt3A_845 = vector.broadcast %select_n3A_41 : i32 to vector<16xi32>
        %lt3A_846 = arith.cmpi slt, %get3A_840, %lt3A_845 : vector<16xi32>
        %and3A_847 = arith.andi %ge3A_844, %lt3A_846 : vector<16xi1>
        %sub3A_848 = vector.broadcast %mul3A_35 : i32 to vector<16xi32>
        %sub3A_849 = arith.subi %get3A_840, %sub3A_848 : vector<16xi32>
        %jit3A_850 = arith.constant 0 : i32
        %broadcast_in_dim3A_851 = vector.broadcast %jit3A_850 : i32 to vector<16xi32>
        %select_n3A_852 = arith.select %and3A_847, %sub3A_849, %broadcast_in_dim3A_851 : vector<16xi1>, vector<16xi32>
        tpu.vector_store_idx %arg6[%select_n3A_852], %get3A_842 masked %and3A_847 : memref<36608xf32, #tpu.memory_space<vmem>>[vector<16xi32>], vector<16xf32>, vector<16xi1>
        %get3A_853 = arith.constant 912 : index
        %get3A_854 = tpu.vector_load %arg7[%get3A_853] {strides = array<i32>} : memref<1024xi32, #tpu.memory_space<vmem>>, vector<16xi32>,
        %get3A_855 = arith.constant 912 : index
        %get3A_856 = tpu.vector_load %arg8[%get3A_855] {strides = array<i32>} : memref<1024xf32, #tpu.memory_space<vmem>>, vector<16xf32>,
        %ge3A_857 = vector.broadcast %mul3A_35 : i32 to vector<16xi32>
        %ge3A_858 = arith.cmpi sge, %get3A_854, %ge3A_857 : vector<16xi32>
        %lt3A_859 = vector.broadcast %select_n3A_41 : i32 to vector<16xi32>
        %lt3A_860 = arith.cmpi slt, %get3A_854, %lt3A_859 : vector<16xi32>
        %and3A_861 = arith.andi %ge3A_858, %lt3A_860 : vector<16xi1>
        %sub3A_862 = vector.broadcast %mul3A_35 : i32 to vector<16xi32>
        %sub3A_863 = arith.subi %get3A_854, %sub3A_862 : vector<16xi32>
        %jit3A_864 = arith.constant 0 : i32
        %broadcast_in_dim3A_865 = vector.broadcast %jit3A_864 : i32 to vector<16xi32>
        %select_n3A_866 = arith.select %and3A_861, %sub3A_863, %broadcast_in_dim3A_865 : vector<16xi1>, vector<16xi32>
        tpu.vector_store_idx %arg6[%select_n3A_866], %get3A_856 masked %and3A_861 : memref<36608xf32, #tpu.memory_space<vmem>>[vector<16xi32>], vector<16xf32>, vector<16xi1>
        %get3A_867 = arith.constant 928 : index
        %get3A_868 = tpu.vector_load %arg7[%get3A_867] {strides = array<i32>} : memref<1024xi32, #tpu.memory_space<vmem>>, vector<16xi32>,
        %get3A_869 = arith.constant 928 : index
        %get3A_870 = tpu.vector_load %arg8[%get3A_869] {strides = array<i32>} : memref<1024xf32, #tpu.memory_space<vmem>>, vector<16xf32>,
        %ge3A_871 = vector.broadcast %mul3A_35 : i32 to vector<16xi32>
        %ge3A_872 = arith.cmpi sge, %get3A_868, %ge3A_871 : vector<16xi32>
        %lt3A_873 = vector.broadcast %select_n3A_41 : i32 to vector<16xi32>
        %lt3A_874 = arith.cmpi slt, %get3A_868, %lt3A_873 : vector<16xi32>
        %and3A_875 = arith.andi %ge3A_872, %lt3A_874 : vector<16xi1>
        %sub3A_876 = vector.broadcast %mul3A_35 : i32 to vector<16xi32>
        %sub3A_877 = arith.subi %get3A_868, %sub3A_876 : vector<16xi32>
        %jit3A_878 = arith.constant 0 : i32
        %broadcast_in_dim3A_879 = vector.broadcast %jit3A_878 : i32 to vector<16xi32>
        %select_n3A_880 = arith.select %and3A_875, %sub3A_877, %broadcast_in_dim3A_879 : vector<16xi1>, vector<16xi32>
        tpu.vector_store_idx %arg6[%select_n3A_880], %get3A_870 masked %and3A_875 : memref<36608xf32, #tpu.memory_space<vmem>>[vector<16xi32>], vector<16xf32>, vector<16xi1>
        %get3A_881 = arith.constant 944 : index
        %get3A_882 = tpu.vector_load %arg7[%get3A_881] {strides = array<i32>} : memref<1024xi32, #tpu.memory_space<vmem>>, vector<16xi32>,
        %get3A_883 = arith.constant 944 : index
        %get3A_884 = tpu.vector_load %arg8[%get3A_883] {strides = array<i32>} : memref<1024xf32, #tpu.memory_space<vmem>>, vector<16xf32>,
        %ge3A_885 = vector.broadcast %mul3A_35 : i32 to vector<16xi32>
        %ge3A_886 = arith.cmpi sge, %get3A_882, %ge3A_885 : vector<16xi32>
        %lt3A_887 = vector.broadcast %select_n3A_41 : i32 to vector<16xi32>
        %lt3A_888 = arith.cmpi slt, %get3A_882, %lt3A_887 : vector<16xi32>
        %and3A_889 = arith.andi %ge3A_886, %lt3A_888 : vector<16xi1>
        %sub3A_890 = vector.broadcast %mul3A_35 : i32 to vector<16xi32>
        %sub3A_891 = arith.subi %get3A_882, %sub3A_890 : vector<16xi32>
        %jit3A_892 = arith.constant 0 : i32
        %broadcast_in_dim3A_893 = vector.broadcast %jit3A_892 : i32 to vector<16xi32>
        %select_n3A_894 = arith.select %and3A_889, %sub3A_891, %broadcast_in_dim3A_893 : vector<16xi1>, vector<16xi32>
        tpu.vector_store_idx %arg6[%select_n3A_894], %get3A_884 masked %and3A_889 : memref<36608xf32, #tpu.memory_space<vmem>>[vector<16xi32>], vector<16xf32>, vector<16xi1>
        %get3A_895 = arith.constant 960 : index
        %get3A_896 = tpu.vector_load %arg7[%get3A_895] {strides = array<i32>} : memref<1024xi32, #tpu.memory_space<vmem>>, vector<16xi32>,
        %get3A_897 = arith.constant 960 : index
        %get3A_898 = tpu.vector_load %arg8[%get3A_897] {strides = array<i32>} : memref<1024xf32, #tpu.memory_space<vmem>>, vector<16xf32>,
        %ge3A_899 = vector.broadcast %mul3A_35 : i32 to vector<16xi32>
        %ge3A_900 = arith.cmpi sge, %get3A_896, %ge3A_899 : vector<16xi32>
        %lt3A_901 = vector.broadcast %select_n3A_41 : i32 to vector<16xi32>
        %lt3A_902 = arith.cmpi slt, %get3A_896, %lt3A_901 : vector<16xi32>
        %and3A_903 = arith.andi %ge3A_900, %lt3A_902 : vector<16xi1>
        %sub3A_904 = vector.broadcast %mul3A_35 : i32 to vector<16xi32>
        %sub3A_905 = arith.subi %get3A_896, %sub3A_904 : vector<16xi32>
        %jit3A_906 = arith.constant 0 : i32
        %broadcast_in_dim3A_907 = vector.broadcast %jit3A_906 : i32 to vector<16xi32>
        %select_n3A_908 = arith.select %and3A_903, %sub3A_905, %broadcast_in_dim3A_907 : vector<16xi1>, vector<16xi32>
        tpu.vector_store_idx %arg6[%select_n3A_908], %get3A_898 masked %and3A_903 : memref<36608xf32, #tpu.memory_space<vmem>>[vector<16xi32>], vector<16xf32>, vector<16xi1>
        %get3A_909 = arith.constant 976 : index
        %get3A_910 = tpu.vector_load %arg7[%get3A_909] {strides = array<i32>} : memref<1024xi32, #tpu.memory_space<vmem>>, vector<16xi32>,
        %get3A_911 = arith.constant 976 : index
        %get3A_912 = tpu.vector_load %arg8[%get3A_911] {strides = array<i32>} : memref<1024xf32, #tpu.memory_space<vmem>>, vector<16xf32>,
        %ge3A_913 = vector.broadcast %mul3A_35 : i32 to vector<16xi32>
        %ge3A_914 = arith.cmpi sge, %get3A_910, %ge3A_913 : vector<16xi32>
        %lt3A_915 = vector.broadcast %select_n3A_41 : i32 to vector<16xi32>
        %lt3A_916 = arith.cmpi slt, %get3A_910, %lt3A_915 : vector<16xi32>
        %and3A_917 = arith.andi %ge3A_914, %lt3A_916 : vector<16xi1>
        %sub3A_918 = vector.broadcast %mul3A_35 : i32 to vector<16xi32>
        %sub3A_919 = arith.subi %get3A_910, %sub3A_918 : vector<16xi32>
        %jit3A_920 = arith.constant 0 : i32
        %broadcast_in_dim3A_921 = vector.broadcast %jit3A_920 : i32 to vector<16xi32>
        %select_n3A_922 = arith.select %and3A_917, %sub3A_919, %broadcast_in_dim3A_921 : vector<16xi1>, vector<16xi32>
        tpu.vector_store_idx %arg6[%select_n3A_922], %get3A_912 masked %and3A_917 : memref<36608xf32, #tpu.memory_space<vmem>>[vector<16xi32>], vector<16xf32>, vector<16xi1>
        %get3A_923 = arith.constant 992 : index
        %get3A_924 = tpu.vector_load %arg7[%get3A_923] {strides = array<i32>} : memref<1024xi32, #tpu.memory_space<vmem>>, vector<16xi32>,
        %get3A_925 = arith.constant 992 : index
        %get3A_926 = tpu.vector_load %arg8[%get3A_925] {strides = array<i32>} : memref<1024xf32, #tpu.memory_space<vmem>>, vector<16xf32>,
        %ge3A_927 = vector.broadcast %mul3A_35 : i32 to vector<16xi32>
        %ge3A_928 = arith.cmpi sge, %get3A_924, %ge3A_927 : vector<16xi32>
        %lt3A_929 = vector.broadcast %select_n3A_41 : i32 to vector<16xi32>
        %lt3A_930 = arith.cmpi slt, %get3A_924, %lt3A_929 : vector<16xi32>
        %and3A_931 = arith.andi %ge3A_928, %lt3A_930 : vector<16xi1>
        %sub3A_932 = vector.broadcast %mul3A_35 : i32 to vector<16xi32>
        %sub3A_933 = arith.subi %get3A_924, %sub3A_932 : vector<16xi32>
        %jit3A_934 = arith.constant 0 : i32
        %broadcast_in_dim3A_935 = vector.broadcast %jit3A_934 : i32 to vector<16xi32>
        %select_n3A_936 = arith.select %and3A_931, %sub3A_933, %broadcast_in_dim3A_935 : vector<16xi1>, vector<16xi32>
        tpu.vector_store_idx %arg6[%select_n3A_936], %get3A_926 masked %and3A_931 : memref<36608xf32, #tpu.memory_space<vmem>>[vector<16xi32>], vector<16xf32>, vector<16xi1>
        %get3A_937 = arith.constant 1008 : index
        %get3A_938 = tpu.vector_load %arg7[%get3A_937] {strides = array<i32>} : memref<1024xi32, #tpu.memory_space<vmem>>, vector<16xi32>,
        %get3A_939 = arith.constant 1008 : index
        %get3A_940 = tpu.vector_load %arg8[%get3A_939] {strides = array<i32>} : memref<1024xf32, #tpu.memory_space<vmem>>, vector<16xf32>,
        %ge3A_941 = vector.broadcast %mul3A_35 : i32 to vector<16xi32>
        %ge3A_942 = arith.cmpi sge, %get3A_938, %ge3A_941 : vector<16xi32>
        %lt3A_943 = vector.broadcast %select_n3A_41 : i32 to vector<16xi32>
        %lt3A_944 = arith.cmpi slt, %get3A_938, %lt3A_943 : vector<16xi32>
        %and3A_945 = arith.andi %ge3A_942, %lt3A_944 : vector<16xi1>
        %sub3A_946 = vector.broadcast %mul3A_35 : i32 to vector<16xi32>
        %sub3A_947 = arith.subi %get3A_938, %sub3A_946 : vector<16xi32>
        %jit3A_948 = arith.constant 0 : i32
        %broadcast_in_dim3A_949 = vector.broadcast %jit3A_948 : i32 to vector<16xi32>
        %select_n3A_950 = arith.select %and3A_945, %sub3A_947, %broadcast_in_dim3A_949 : vector<16xi1>, vector<16xi32>
        tpu.vector_store_idx %arg6[%select_n3A_950], %get3A_940 masked %and3A_945 : memref<36608xf32, #tpu.memory_space<vmem>>[vector<16xi32>], vector<16xf32>, vector<16xi1>
      }
      %scan3A_46 = arith.constant 59 : i32
      %lt3A_47 = arith.constant 4 : i32
      %lt3A_48 = arith.cmpi slt, %select_n3A_33, %lt3A_47 : i32
      %convert_element_type3A_49 = arith.extui %lt3A_48 : i1 to i32
      %cond3A_50 = arith.constant 0 : i32
      %cond3A_51 = arith.cmpi ne, %convert_element_type3A_49, %cond3A_50 : i32
      scf.if %cond3A_51 {
        "tpu.region"() ({
          %run_scoped3A = tpu.sem_alloc : memref<!tpu.dma_semaphore, #tpu.memory_space<semaphore_mem>>
          %dma_start3A = tpu.memref_slice %arg5[%select_n3A, %mul3A_35] : memref<6x180928xf32, #tpu.memory_space<hbm>> -> memref<1x36608xf32, #tpu.memory_space<hbm>>
          %dma_start3A_57 = tpu.memref_squeeze %dma_start3A : memref<1x36608xf32, #tpu.memory_space<hbm>> -> memref<36608xf32, #tpu.memory_space<hbm>>
          %dma_start3A_58 = tpu.memref_slice %arg5[%select_n3A, %mul3A_35] : memref<6x180928xf32, #tpu.memory_space<hbm>> -> memref<1x36608xf32, #tpu.memory_space<hbm>>
          %dma_start3A_59 = tpu.memref_squeeze %dma_start3A_58 : memref<1x36608xf32, #tpu.memory_space<hbm>> -> memref<36608xf32, #tpu.memory_space<hbm>>
          tpu.enqueue_dma source(%arg6 : memref<36608xf32, #tpu.memory_space<vmem>>) target(%dma_start3A_59 : memref<36608xf32, #tpu.memory_space<hbm>>) target_semaphore(%run_scoped3A : memref<!tpu.dma_semaphore, #tpu.memory_space<semaphore_mem>>)
          %dma_wait3A = tpu.memref_slice %arg5[%select_n3A, %mul3A_35] : memref<6x180928xf32, #tpu.memory_space<hbm>> -> memref<1x36608xf32, #tpu.memory_space<hbm>>
          %dma_wait3A_60 = tpu.memref_squeeze %dma_wait3A : memref<1x36608xf32, #tpu.memory_space<hbm>> -> memref<36608xf32, #tpu.memory_space<hbm>>
          %dma_wait3A_61 = tpu.memref_slice %arg5[%select_n3A, %mul3A_35] : memref<6x180928xf32, #tpu.memory_space<hbm>> -> memref<1x36608xf32, #tpu.memory_space<hbm>>
          %dma_wait3A_62 = tpu.memref_squeeze %dma_wait3A_61 : memref<1x36608xf32, #tpu.memory_space<hbm>> -> memref<36608xf32, #tpu.memory_space<hbm>>
          tpu.wait_dma2 semaphore(%run_scoped3A : memref<!tpu.dma_semaphore, #tpu.memory_space<semaphore_mem>>) src(%arg6 : memref<36608xf32, #tpu.memory_space<vmem>>) dst(%dma_wait3A_62 : memref<36608xf32, #tpu.memory_space<hbm>>)
          tpu.yield
        }) : () -> ()
      } else {
      }
      %eq3A_52 = arith.constant 4 : i32
      %eq3A_53 = arith.cmpi eq, %select_n3A_33, %eq3A_52 : i32
      %convert_element_type3A_54 = arith.extui %eq3A_53 : i1 to i32
      %cond3A_55 = arith.constant 0 : i32
      %cond3A_56 = arith.cmpi ne, %convert_element_type3A_54, %cond3A_55 : i32
      scf.if %cond3A_56 {
        "tpu.region"() ({
          %run_scoped3A = tpu.sem_alloc : memref<!tpu.dma_semaphore, #tpu.memory_space<semaphore_mem>>
          %dma_start3A = arith.constant 0 : i32
          %dma_start3A_57 = tpu.memref_slice %arg6[%dma_start3A] : memref<36608xf32, #tpu.memory_space<vmem>> -> memref<34496xf32, #tpu.memory_space<vmem>>
          %dma_start3A_58 = tpu.memref_slice %arg5[%select_n3A, %mul3A_35] : memref<6x180928xf32, #tpu.memory_space<hbm>> -> memref<1x34496xf32, #tpu.memory_space<hbm>>
          %dma_start3A_59 = tpu.memref_squeeze %dma_start3A_58 : memref<1x34496xf32, #tpu.memory_space<hbm>> -> memref<34496xf32, #tpu.memory_space<hbm>>
          %dma_start3A_60 = tpu.memref_slice %arg5[%select_n3A, %mul3A_35] : memref<6x180928xf32, #tpu.memory_space<hbm>> -> memref<1x34496xf32, #tpu.memory_space<hbm>>
          %dma_start3A_61 = tpu.memref_squeeze %dma_start3A_60 : memref<1x34496xf32, #tpu.memory_space<hbm>> -> memref<34496xf32, #tpu.memory_space<hbm>>
          %dma_start3A_62 = arith.constant 0 : i32
          %dma_start3A_63 = tpu.memref_slice %arg6[%dma_start3A_62] : memref<36608xf32, #tpu.memory_space<vmem>> -> memref<34496xf32, #tpu.memory_space<vmem>>
          tpu.enqueue_dma source(%dma_start3A_63 : memref<34496xf32, #tpu.memory_space<vmem>>) target(%dma_start3A_61 : memref<34496xf32, #tpu.memory_space<hbm>>) target_semaphore(%run_scoped3A : memref<!tpu.dma_semaphore, #tpu.memory_space<semaphore_mem>>)
          %dma_wait3A = arith.constant 0 : i32
          %dma_wait3A_64 = tpu.memref_slice %arg6[%dma_wait3A] : memref<36608xf32, #tpu.memory_space<vmem>> -> memref<34496xf32, #tpu.memory_space<vmem>>
          %dma_wait3A_65 = tpu.memref_slice %arg5[%select_n3A, %mul3A_35] : memref<6x180928xf32, #tpu.memory_space<hbm>> -> memref<1x34496xf32, #tpu.memory_space<hbm>>
          %dma_wait3A_66 = tpu.memref_squeeze %dma_wait3A_65 : memref<1x34496xf32, #tpu.memory_space<hbm>> -> memref<34496xf32, #tpu.memory_space<hbm>>
          %dma_wait3A_67 = tpu.memref_slice %arg5[%select_n3A, %mul3A_35] : memref<6x180928xf32, #tpu.memory_space<hbm>> -> memref<1x34496xf32, #tpu.memory_space<hbm>>
          %dma_wait3A_68 = tpu.memref_squeeze %dma_wait3A_67 : memref<1x34496xf32, #tpu.memory_space<hbm>> -> memref<34496xf32, #tpu.memory_space<hbm>>
          %dma_wait3A_69 = arith.constant 0 : i32
          %dma_wait3A_70 = tpu.memref_slice %arg6[%dma_wait3A_69] : memref<36608xf32, #tpu.memory_space<vmem>> -> memref<34496xf32, #tpu.memory_space<vmem>>
          tpu.wait_dma2 semaphore(%run_scoped3A : memref<!tpu.dma_semaphore, #tpu.memory_space<semaphore_mem>>) src(%dma_wait3A_70 : memref<34496xf32, #tpu.memory_space<vmem>>) dst(%dma_wait3A_68 : memref<34496xf32, #tpu.memory_space<hbm>>)
          tpu.yield
        }) : () -> ()
      } else {
      }
    } else {
    }
    return
  }
}

#map = affine_map<(d0, d1) -> (0, 0, 0)>
#map1 = affine_map<(d0, d1) -> (0, 0)>
module attributes {stable_mosaic.version = 14 : i64} {
  func.func @k(%arg0: i32, %arg1: i32, %arg2: memref<20x4x2048xi32, #tpu.memory_space<hbm>>, %arg3: memref<18360x256xf32, #tpu.memory_space<hbm>>, %arg4: memref<40960x256xf32, #tpu.memory_space<hbm>>, %arg5: memref<64xi32, #tpu.memory_space<vmem>>, %arg6: memref<64xi32, #tpu.memory_space<vmem>>, %arg7: memref<64xi32, #tpu.memory_space<vmem>>, %arg8: memref<64xi32, #tpu.memory_space<vmem>>, %arg9: memref<64x256xf32, #tpu.memory_space<vmem>>, %arg10: memref<64x256xf32, #tpu.memory_space<vmem>>, %arg11: memref<64x256xf32, #tpu.memory_space<vmem>>, %arg12: memref<64x256xf32, #tpu.memory_space<vmem>>, %arg13: memref<64x256xf32, #tpu.memory_space<vmem>>, %arg14: memref<!tpu.dma_semaphore, #tpu.memory_space<semaphore_mem>>, %arg15: memref<!tpu.dma_semaphore, #tpu.memory_space<semaphore_mem>>, %arg16: memref<!tpu.dma_semaphore, #tpu.memory_space<semaphore_mem>>, %arg17: memref<!tpu.dma_semaphore, #tpu.memory_space<semaphore_mem>>) attributes {dimension_semantics = [#tpu.dimension_semantics<core_parallel>, #tpu.dimension_semantics<subcore_parallel>], iteration_bounds = array<i64: 2, 16>, scalar_prefetch = 0 : i64, scratch_operands = 13 : i64, tpu.core_type = #tpu.core_type<sc_vector_subcore>, window_params = [{transform_indices = #map}, {transform_indices = #map1}, {transform_indices = #map1}]} {
    %mul3A = arith.constant 2 : i32
    %mul3A_0 = arith.muli %arg1, %mul3A : i32
    %add3A = arith.addi %mul3A_0, %arg0 : i32
    %mul3A_1 = arith.constant 1280 : i32
    %mul3A_2 = arith.muli %add3A, %mul3A_1 : i32
    return
  }
}

module attributes {stable_mosaic.version = 14 : i64} {
  func.func @_k6_voxels(%arg0: i32, %arg1: memref<1x6x4x2048xi32, #tpu.memory_space<vmem>>, %arg2: memref<1x6x4x2048xi32, #tpu.memory_space<vmem>>, %arg3: memref<1x4x2048xi32, #tpu.memory_space<vmem>>, %arg4: memref<1x1x2048xf32, #tpu.memory_space<vmem>>) attributes {dimension_semantics = [#tpu.dimension_semantics<arbitrary>], iteration_bounds = array<i64: 20>, scalar_prefetch = 0 : i64, scratch_operands = 0 : i64, tpu.core_type = #tpu.core_type<tc>, window_params = [{transform_indices = @transform_0, window_bounds = array<i64: 1, 6, 4, 2048>}, {transform_indices = @transform_1, window_bounds = array<i64: 1, 6, 4, 2048>}, {transform_indices = @transform_2, window_bounds = array<i64: 1, 4, 2048>}, {transform_indices = @transform_3, window_bounds = array<i64: 1, 1, 2048>}]} {
    %broadcast_in_dim3A = arith.constant 2878 : i32
    %broadcast_in_dim3A_0 = vector.broadcast %broadcast_in_dim3A : i32 to vector<4x2048xi32>
    %broadcast_in_dim3A_1 = arith.constant false
    %broadcast_in_dim3A_2 = vector.broadcast %broadcast_in_dim3A_1 : i1 to vector<4x2048xi1>
    %get3A = arith.constant 0 : index
    %get3A_3 = arith.constant 0 : index
    %get3A_4 = arith.constant 0 : index
    %get3A_5 = arith.constant 0 : index
    %get3A_6 = vector.load %arg2[%get3A, %get3A_3, %get3A_4, %get3A_5] : memref<1x6x4x2048xi32, #tpu.memory_space<vmem>>, vector<1x1x4x2048xi32>
    %get3A_7 = vector.shape_cast %get3A_6 : vector<1x1x4x2048xi32> to vector<4x2048xi32>
    %gt3A = arith.constant 0 : i32
    %gt3A_8 = vector.broadcast %gt3A : i32 to vector<4x2048xi32>
    %gt3A_9 = arith.cmpi sgt, %get3A_7, %gt3A_8 : vector<4x2048xi32>
    %get3A_10 = arith.constant 0 : index
    %get3A_11 = arith.constant 0 : index
    %get3A_12 = arith.constant 0 : index
    %get3A_13 = arith.constant 0 : index
    %get3A_14 = vector.load %arg1[%get3A_10, %get3A_11, %get3A_12, %get3A_13] : memref<1x6x4x2048xi32, #tpu.memory_space<vmem>>, vector<1x1x4x2048xi32>
    %get3A_15 = vector.shape_cast %get3A_14 : vector<1x1x4x2048xi32> to vector<4x2048xi32>
    %select_n3A = arith.select %gt3A_9, %get3A_15, %broadcast_in_dim3A_0 : vector<4x2048xi1>, vector<4x2048xi32>
    %or3A = arith.ori %broadcast_in_dim3A_2, %gt3A_9 : vector<4x2048xi1>
    %get3A_16 = arith.constant 0 : index
    %get3A_17 = arith.constant 1 : index
    %get3A_18 = arith.constant 0 : index
    %get3A_19 = arith.constant 0 : index
    %get3A_20 = vector.load %arg2[%get3A_16, %get3A_17, %get3A_18, %get3A_19] : memref<1x6x4x2048xi32, #tpu.memory_space<vmem>>, vector<1x1x4x2048xi32>
    %get3A_21 = vector.shape_cast %get3A_20 : vector<1x1x4x2048xi32> to vector<4x2048xi32>
    %gt3A_22 = arith.constant 0 : i32
    %gt3A_23 = vector.broadcast %gt3A_22 : i32 to vector<4x2048xi32>
    %gt3A_24 = arith.cmpi sgt, %get3A_21, %gt3A_23 : vector<4x2048xi32>
    %get3A_25 = arith.constant 0 : index
    %get3A_26 = arith.constant 1 : index
    %get3A_27 = arith.constant 0 : index
    %get3A_28 = arith.constant 0 : index
    %get3A_29 = vector.load %arg1[%get3A_25, %get3A_26, %get3A_27, %get3A_28] : memref<1x6x4x2048xi32, #tpu.memory_space<vmem>>, vector<1x1x4x2048xi32>
    %get3A_30 = vector.shape_cast %get3A_29 : vector<1x1x4x2048xi32> to vector<4x2048xi32>
    %select_n3A_31 = arith.select %gt3A_24, %get3A_30, %select_n3A : vector<4x2048xi1>, vector<4x2048xi32>
    %or3A_32 = arith.ori %or3A, %gt3A_24 : vector<4x2048xi1>
    %get3A_33 = arith.constant 0 : index
    %get3A_34 = arith.constant 2 : index
    %get3A_35 = arith.constant 0 : index
    %get3A_36 = arith.constant 0 : index
    %get3A_37 = vector.load %arg2[%get3A_33, %get3A_34, %get3A_35, %get3A_36] : memref<1x6x4x2048xi32, #tpu.memory_space<vmem>>, vector<1x1x4x2048xi32>
    %get3A_38 = vector.shape_cast %get3A_37 : vector<1x1x4x2048xi32> to vector<4x2048xi32>
    %gt3A_39 = arith.constant 0 : i32
    %gt3A_40 = vector.broadcast %gt3A_39 : i32 to vector<4x2048xi32>
    %gt3A_41 = arith.cmpi sgt, %get3A_38, %gt3A_40 : vector<4x2048xi32>
    %get3A_42 = arith.constant 0 : index
    %get3A_43 = arith.constant 2 : index
    %get3A_44 = arith.constant 0 : index
    %get3A_45 = arith.constant 0 : index
    %get3A_46 = vector.load %arg1[%get3A_42, %get3A_43, %get3A_44, %get3A_45] : memref<1x6x4x2048xi32, #tpu.memory_space<vmem>>, vector<1x1x4x2048xi32>
    %get3A_47 = vector.shape_cast %get3A_46 : vector<1x1x4x2048xi32> to vector<4x2048xi32>
    %select_n3A_48 = arith.select %gt3A_41, %get3A_47, %select_n3A_31 : vector<4x2048xi1>, vector<4x2048xi32>
    %or3A_49 = arith.ori %or3A_32, %gt3A_41 : vector<4x2048xi1>
    %get3A_50 = arith.constant 0 : index
    %get3A_51 = arith.constant 3 : index
    %get3A_52 = arith.constant 0 : index
    %get3A_53 = arith.constant 0 : index
    %get3A_54 = vector.load %arg2[%get3A_50, %get3A_51, %get3A_52, %get3A_53] : memref<1x6x4x2048xi32, #tpu.memory_space<vmem>>, vector<1x1x4x2048xi32>
    %get3A_55 = vector.shape_cast %get3A_54 : vector<1x1x4x2048xi32> to vector<4x2048xi32>
    %gt3A_56 = arith.constant 0 : i32
    %gt3A_57 = vector.broadcast %gt3A_56 : i32 to vector<4x2048xi32>
    %gt3A_58 = arith.cmpi sgt, %get3A_55, %gt3A_57 : vector<4x2048xi32>
    %get3A_59 = arith.constant 0 : index
    %get3A_60 = arith.constant 3 : index
    %get3A_61 = arith.constant 0 : index
    %get3A_62 = arith.constant 0 : index
    %get3A_63 = vector.load %arg1[%get3A_59, %get3A_60, %get3A_61, %get3A_62] : memref<1x6x4x2048xi32, #tpu.memory_space<vmem>>, vector<1x1x4x2048xi32>
    %get3A_64 = vector.shape_cast %get3A_63 : vector<1x1x4x2048xi32> to vector<4x2048xi32>
    %select_n3A_65 = arith.select %gt3A_58, %get3A_64, %select_n3A_48 : vector<4x2048xi1>, vector<4x2048xi32>
    %or3A_66 = arith.ori %or3A_49, %gt3A_58 : vector<4x2048xi1>
    %get3A_67 = arith.constant 0 : index
    %get3A_68 = arith.constant 4 : index
    %get3A_69 = arith.constant 0 : index
    %get3A_70 = arith.constant 0 : index
    %get3A_71 = vector.load %arg2[%get3A_67, %get3A_68, %get3A_69, %get3A_70] : memref<1x6x4x2048xi32, #tpu.memory_space<vmem>>, vector<1x1x4x2048xi32>
    %get3A_72 = vector.shape_cast %get3A_71 : vector<1x1x4x2048xi32> to vector<4x2048xi32>
    %gt3A_73 = arith.constant 0 : i32
    %gt3A_74 = vector.broadcast %gt3A_73 : i32 to vector<4x2048xi32>
    %gt3A_75 = arith.cmpi sgt, %get3A_72, %gt3A_74 : vector<4x2048xi32>
    %get3A_76 = arith.constant 0 : index
    %get3A_77 = arith.constant 4 : index
    %get3A_78 = arith.constant 0 : index
    %get3A_79 = arith.constant 0 : index
    %get3A_80 = vector.load %arg1[%get3A_76, %get3A_77, %get3A_78, %get3A_79] : memref<1x6x4x2048xi32, #tpu.memory_space<vmem>>, vector<1x1x4x2048xi32>
    %get3A_81 = vector.shape_cast %get3A_80 : vector<1x1x4x2048xi32> to vector<4x2048xi32>
    %select_n3A_82 = arith.select %gt3A_75, %get3A_81, %select_n3A_65 : vector<4x2048xi1>, vector<4x2048xi32>
    %or3A_83 = arith.ori %or3A_66, %gt3A_75 : vector<4x2048xi1>
    %get3A_84 = arith.constant 0 : index
    %get3A_85 = arith.constant 5 : index
    %get3A_86 = arith.constant 0 : index
    %get3A_87 = arith.constant 0 : index
    %get3A_88 = vector.load %arg2[%get3A_84, %get3A_85, %get3A_86, %get3A_87] : memref<1x6x4x2048xi32, #tpu.memory_space<vmem>>, vector<1x1x4x2048xi32>
    %get3A_89 = vector.shape_cast %get3A_88 : vector<1x1x4x2048xi32> to vector<4x2048xi32>
    %gt3A_90 = arith.constant 0 : i32
    %gt3A_91 = vector.broadcast %gt3A_90 : i32 to vector<4x2048xi32>
    %gt3A_92 = arith.cmpi sgt, %get3A_89, %gt3A_91 : vector<4x2048xi32>
    %get3A_93 = arith.constant 0 : index
    %get3A_94 = arith.constant 5 : index
    %get3A_95 = arith.constant 0 : index
    %get3A_96 = arith.constant 0 : index
    %get3A_97 = vector.load %arg1[%get3A_93, %get3A_94, %get3A_95, %get3A_96] : memref<1x6x4x2048xi32, #tpu.memory_space<vmem>>, vector<1x1x4x2048xi32>
    %get3A_98 = vector.shape_cast %get3A_97 : vector<1x1x4x2048xi32> to vector<4x2048xi32>
    %select_n3A_99 = arith.select %gt3A_92, %get3A_98, %select_n3A_82 : vector<4x2048xi1>, vector<4x2048xi32>
    %or3A_100 = arith.ori %or3A_83, %gt3A_92 : vector<4x2048xi1>
    %swap3A = arith.constant 0 : index
    %swap3A_101 = arith.constant 0 : index
    %swap3A_102 = arith.constant 0 : index
    %swap3A_103 = vector.load %arg3[%swap3A, %swap3A_101, %swap3A_102] : memref<1x4x2048xi32, #tpu.memory_space<vmem>>, vector<1x4x2048xi32>
    %swap3A_104 = vector.shape_cast %swap3A_103 : vector<1x4x2048xi32> to vector<4x2048xi32>
    %swap3A_105 = vector.shape_cast %select_n3A_99 : vector<4x2048xi32> to vector<1x4x2048xi32>
    tpu.vector_store %arg3[%swap3A, %swap3A_101, %swap3A_102], %swap3A_105 {strides = array<i32>} : memref<1x4x2048xi32, #tpu.memory_space<vmem>>, vector<1x4x2048xi32>,
    %convert_element_type3A = arith.extui %or3A_100 : vector<4x2048xi1> to vector<4x2048xi32>
    %convert_element_type3A_106 = arith.sitofp %convert_element_type3A : vector<4x2048xi32> to vector<4x2048xf32>
    %reduce_sum3A = arith.constant dense<0.000000e+00> : vector<2048xf32>
    %reduce_sum3A_107 = vector.multi_reduction <add>, %convert_element_type3A_106, %reduce_sum3A [0] : vector<4x2048xf32> to vector<2048xf32>
    %broadcast_in_dim3A_108 = vector.shape_cast %reduce_sum3A_107 : vector<2048xf32> to vector<1x2048xf32>
    %swap3A_109 = arith.constant 0 : index
    %swap3A_110 = arith.constant 0 : index
    %swap3A_111 = arith.constant 0 : index
    %swap3A_112 = vector.load %arg4[%swap3A_109, %swap3A_110, %swap3A_111] : memref<1x1x2048xf32, #tpu.memory_space<vmem>>, vector<1x1x2048xf32>
    %swap3A_113 = vector.shape_cast %swap3A_112 : vector<1x1x2048xf32> to vector<1x2048xf32>
    %swap3A_114 = vector.shape_cast %broadcast_in_dim3A_108 : vector<1x2048xf32> to vector<1x1x2048xf32>
    tpu.vector_store %arg4[%swap3A_109, %swap3A_110, %swap3A_111], %swap3A_114 {strides = array<i32>} : memref<1x1x2048xf32, #tpu.memory_space<vmem>>, vector<1x1x2048xf32>,
    return
  }
  func.func @transform_0(%arg0: i32) -> (i32, i32, i32, i32) {
    %c0_i32 = arith.constant 0 : i32
    %c0_i32_0 = arith.constant 0 : i32
    %c0_i32_1 = arith.constant 0 : i32
    %c0_i32_2 = arith.constant 0 : i32
    return %arg0, %c0_i32, %c0_i32_0, %c0_i32_1 : i32, i32, i32, i32
  }
  func.func @transform_1(%arg0: i32) -> (i32, i32, i32, i32) {
    %c0_i32 = arith.constant 0 : i32
    %c0_i32_0 = arith.constant 0 : i32
    %c0_i32_1 = arith.constant 0 : i32
    %c0_i32_2 = arith.constant 0 : i32
    return %arg0, %c0_i32, %c0_i32_0, %c0_i32_1 : i32, i32, i32, i32
  }
  func.func @transform_2(%arg0: i32) -> (i32, i32, i32) {
    %c0_i32 = arith.constant 0 : i32
    %c0_i32_0 = arith.constant 0 : i32
    %c0_i32_1 = arith.constant 0 : i32
    return %arg0, %c0_i32, %c0_i32_0 : i32, i32, i32
  }
  func.func @transform_3(%arg0: i32) -> (i32, i32, i32) {
    %c0_i32 = arith.constant 0 : i32
    %c0_i32_0 = arith.constant 0 : i32
    %c0_i32_1 = arith.constant 0 : i32
    return %arg0, %c0_i32, %c0_i32_0 : i32, i32, i32
  }
}

module attributes {stable_mosaic.version = 14 : i64} {
  func.func @_k3_conv1(%arg0: i32, %arg1: memref<1x8x8x2944xf32, #tpu.memory_space<vmem>>, %arg2: memref<32x25xf32, #tpu.memory_space<vmem>>, %arg3: memref<32x1xf32, #tpu.memory_space<vmem>>, %arg4: memref<1x2x2x32x2848xf32, #tpu.memory_space<vmem>>, %arg5: memref<1x32x2xf32, #tpu.memory_space<vmem>>) attributes {dimension_semantics = [#tpu.dimension_semantics<arbitrary>], iteration_bounds = array<i64: 6>, scalar_prefetch = 0 : i64, scratch_operands = 0 : i64, tpu.core_type = #tpu.core_type<tc>, window_params = [{transform_indices = @transform_0, window_bounds = array<i64: 1, 8, 8, 2944>}, {pipeline_mode = #tpu.pipeline_mode<synchronous>, transform_indices = @transform_1, window_bounds = array<i64: 32, 25>}, {pipeline_mode = #tpu.pipeline_mode<synchronous>, transform_indices = @transform_2, window_bounds = array<i64: 32, 1>}, {transform_indices = @transform_3, window_bounds = array<i64: 1, 2, 2, 32, 2848>}, {transform_indices = @transform_4, window_bounds = array<i64: 1, 32, 2>}]} {
    %iota3A = tpu.iota {dimensions = array<i32: 1>} : vector<1x2848xi32>
    %jit3A = arith.constant 89 : i32
    %eq3A = arith.constant 0 : i32
    %eq3A_0 = arith.cmpi eq, %jit3A, %eq3A : i32
    %jit3A_1 = arith.constant 1 : i32
    %select_n3A = arith.select %eq3A_0, %jit3A_1, %jit3A : i32
    %rem3A = vector.broadcast %select_n3A : i32 to vector<1x2848xi32>
    %rem3A_2 = arith.remsi %iota3A, %rem3A : vector<1x2848xi32>
    %ne3A = arith.constant 0 : i32
    %ne3A_3 = vector.broadcast %ne3A : i32 to vector<1x2848xi32>
    %ne3A_4 = arith.cmpi ne, %rem3A_2, %ne3A_3 : vector<1x2848xi32>
    %lt3A = arith.constant 0 : i32
    %lt3A_5 = vector.broadcast %lt3A : i32 to vector<1x2848xi32>
    %lt3A_6 = arith.cmpi slt, %rem3A_2, %lt3A_5 : vector<1x2848xi32>
    %lt3A_7 = arith.constant 0 : i32
    %lt3A_8 = arith.cmpi slt, %select_n3A, %lt3A_7 : i32
    %ne3A_9 = vector.broadcast %lt3A_8 : i1 to vector<1x2848xi1>
    %ne3A_10 = vector.broadcast %ne3A_9 : vector<1x2848xi1> to vector<1x2848xi1>
    %ne3A_11 = arith.xori %lt3A_6, %ne3A_10 : vector<1x2848xi1>
    %and3A = arith.andi %ne3A_11, %ne3A_4 : vector<1x2848xi1>
    %add3A = vector.broadcast %select_n3A : i32 to vector<1x2848xi32>
    %add3A_12 = arith.addi %rem3A_2, %add3A : vector<1x2848xi32>
    %select_n3A_13 = arith.select %and3A, %add3A_12, %rem3A_2 : vector<1x2848xi1>, vector<1x2848xi32>
    %lt3A_14 = arith.constant 88 : i32
    %lt3A_15 = vector.broadcast %lt3A_14 : i32 to vector<1x2848xi32>
    %lt3A_16 = arith.cmpi slt, %select_n3A_13, %lt3A_15 : vector<1x2848xi32>
    %convert_element_type3A = arith.extui %lt3A_16 : vector<1x2848xi1> to vector<1x2848xi32>
    %convert_element_type3A_17 = arith.sitofp %convert_element_type3A : vector<1x2848xi32> to vector<1x2848xf32>
    %broadcast_in_dim3A = arith.constant 0.000000e+00 : f32
    %broadcast_in_dim3A_18 = vector.broadcast %broadcast_in_dim3A : f32 to vector<32x1xf32>
    %broadcast_in_dim3A_19 = arith.constant 0.000000e+00 : f32
    %broadcast_in_dim3A_20 = vector.broadcast %broadcast_in_dim3A_19 : f32 to vector<32x1xf32>
    %get3A = arith.constant 0 : index
    %get3A_21 = arith.constant 0 : index
    %get3A_22 = arith.constant 0 : index
    %get3A_23 = arith.constant 0 : index
    %get3A_24 = vector.load %arg1[%get3A, %get3A_21, %get3A_22, %get3A_23] : memref<1x8x8x2944xf32, #tpu.memory_space<vmem>>, vector<1x1x1x2848xf32>
    %get3A_25 = vector.shape_cast %get3A_24 : vector<1x1x1x2848xf32> to vector<2848xf32>
    %get3A_26 = arith.constant 0 : index
    %get3A_27 = arith.constant 0 : index
    %get3A_28 = arith.constant 1 : index
    %get3A_29 = arith.constant 0 : index
    %get3A_30 = vector.load %arg1[%get3A_26, %get3A_27, %get3A_28, %get3A_29] : memref<1x8x8x2944xf32, #tpu.memory_space<vmem>>, vector<1x1x1x2848xf32>
    %get3A_31 = vector.shape_cast %get3A_30 : vector<1x1x1x2848xf32> to vector<2848xf32>
    %get3A_32 = arith.constant 0 : index
    %get3A_33 = arith.constant 0 : index
    %get3A_34 = arith.constant 2 : index
    %get3A_35 = arith.constant 0 : index
    %get3A_36 = vector.load %arg1[%get3A_32, %get3A_33, %get3A_34, %get3A_35] : memref<1x8x8x2944xf32, #tpu.memory_space<vmem>>, vector<1x1x1x2848xf32>
    %get3A_37 = vector.shape_cast %get3A_36 : vector<1x1x1x2848xf32> to vector<2848xf32>
    %get3A_38 = arith.constant 0 : index
    %get3A_39 = arith.constant 0 : index
    %get3A_40 = arith.constant 3 : index
    %get3A_41 = arith.constant 0 : index
    %get3A_42 = vector.load %arg1[%get3A_38, %get3A_39, %get3A_40, %get3A_41] : memref<1x8x8x2944xf32, #tpu.memory_space<vmem>>, vector<1x1x1x2848xf32>
    %get3A_43 = vector.shape_cast %get3A_42 : vector<1x1x1x2848xf32> to vector<2848xf32>
    %get3A_44 = arith.constant 0 : index
    %get3A_45 = arith.constant 0 : index
    %get3A_46 = arith.constant 4 : index
    %get3A_47 = arith.constant 0 : index
    %get3A_48 = vector.load %arg1[%get3A_44, %get3A_45, %get3A_46, %get3A_47] : memref<1x8x8x2944xf32, #tpu.memory_space<vmem>>, vector<1x1x1x2848xf32>
    %get3A_49 = vector.shape_cast %get3A_48 : vector<1x1x1x2848xf32> to vector<2848xf32>
    %get3A_50 = arith.constant 0 : index
    %get3A_51 = arith.constant 1 : index
    %get3A_52 = arith.constant 0 : index
    %get3A_53 = arith.constant 0 : index
    %get3A_54 = vector.load %arg1[%get3A_50, %get3A_51, %get3A_52, %get3A_53] : memref<1x8x8x2944xf32, #tpu.memory_space<vmem>>, vector<1x1x1x2848xf32>
    %get3A_55 = vector.shape_cast %get3A_54 : vector<1x1x1x2848xf32> to vector<2848xf32>
    %get3A_56 = arith.constant 0 : index
    %get3A_57 = arith.constant 1 : index
    %get3A_58 = arith.constant 1 : index
    %get3A_59 = arith.constant 0 : index
    %get3A_60 = vector.load %arg1[%get3A_56, %get3A_57, %get3A_58, %get3A_59] : memref<1x8x8x2944xf32, #tpu.memory_space<vmem>>, vector<1x1x1x2848xf32>
    %get3A_61 = vector.shape_cast %get3A_60 : vector<1x1x1x2848xf32> to vector<2848xf32>
    %get3A_62 = arith.constant 0 : index
    %get3A_63 = arith.constant 1 : index
    %get3A_64 = arith.constant 2 : index
    %get3A_65 = arith.constant 0 : index
    %get3A_66 = vector.load %arg1[%get3A_62, %get3A_63, %get3A_64, %get3A_65] : memref<1x8x8x2944xf32, #tpu.memory_space<vmem>>, vector<1x1x1x2848xf32>
    %get3A_67 = vector.shape_cast %get3A_66 : vector<1x1x1x2848xf32> to vector<2848xf32>
    %get3A_68 = arith.constant 0 : index
    %get3A_69 = arith.constant 1 : index
    %get3A_70 = arith.constant 3 : index
    %get3A_71 = arith.constant 0 : index
    %get3A_72 = vector.load %arg1[%get3A_68, %get3A_69, %get3A_70, %get3A_71] : memref<1x8x8x2944xf32, #tpu.memory_space<vmem>>, vector<1x1x1x2848xf32>
    %get3A_73 = vector.shape_cast %get3A_72 : vector<1x1x1x2848xf32> to vector<2848xf32>
    %get3A_74 = arith.constant 0 : index
    %get3A_75 = arith.constant 1 : index
    %get3A_76 = arith.constant 4 : index
    %get3A_77 = arith.constant 0 : index
    %get3A_78 = vector.load %arg1[%get3A_74, %get3A_75, %get3A_76, %get3A_77] : memref<1x8x8x2944xf32, #tpu.memory_space<vmem>>, vector<1x1x1x2848xf32>
    %get3A_79 = vector.shape_cast %get3A_78 : vector<1x1x1x2848xf32> to vector<2848xf32>
    %get3A_80 = arith.constant 0 : index
    %get3A_81 = arith.constant 2 : index
    %get3A_82 = arith.constant 0 : index
    %get3A_83 = arith.constant 0 : index
    %get3A_84 = vector.load %arg1[%get3A_80, %get3A_81, %get3A_82, %get3A_83] : memref<1x8x8x2944xf32, #tpu.memory_space<vmem>>, vector<1x1x1x2848xf32>
    %get3A_85 = vector.shape_cast %get3A_84 : vector<1x1x1x2848xf32> to vector<2848xf32>
    %get3A_86 = arith.constant 0 : index
    %get3A_87 = arith.constant 2 : index
    %get3A_88 = arith.constant 1 : index
    %get3A_89 = arith.constant 0 : index
    %get3A_90 = vector.load %arg1[%get3A_86, %get3A_87, %get3A_88, %get3A_89] : memref<1x8x8x2944xf32, #tpu.memory_space<vmem>>, vector<1x1x1x2848xf32>
    %get3A_91 = vector.shape_cast %get3A_90 : vector<1x1x1x2848xf32> to vector<2848xf32>
    %get3A_92 = arith.constant 0 : index
    %get3A_93 = arith.constant 2 : index
    %get3A_94 = arith.constant 2 : index
    %get3A_95 = arith.constant 0 : index
    %get3A_96 = vector.load %arg1[%get3A_92, %get3A_93, %get3A_94, %get3A_95] : memref<1x8x8x2944xf32, #tpu.memory_space<vmem>>, vector<1x1x1x2848xf32>
    %get3A_97 = vector.shape_cast %get3A_96 : vector<1x1x1x2848xf32> to vector<2848xf32>
    %get3A_98 = arith.constant 0 : index
    %get3A_99 = arith.constant 2 : index
    %get3A_100 = arith.constant 3 : index
    %get3A_101 = arith.constant 0 : index
    %get3A_102 = vector.load %arg1[%get3A_98, %get3A_99, %get3A_100, %get3A_101] : memref<1x8x8x2944xf32, #tpu.memory_space<vmem>>, vector<1x1x1x2848xf32>
    %get3A_103 = vector.shape_cast %get3A_102 : vector<1x1x1x2848xf32> to vector<2848xf32>
    %get3A_104 = arith.constant 0 : index
    %get3A_105 = arith.constant 2 : index
    %get3A_106 = arith.constant 4 : index
    %get3A_107 = arith.constant 0 : index
    %get3A_108 = vector.load %arg1[%get3A_104, %get3A_105, %get3A_106, %get3A_107] : memref<1x8x8x2944xf32, #tpu.memory_space<vmem>>, vector<1x1x1x2848xf32>
    %get3A_109 = vector.shape_cast %get3A_108 : vector<1x1x1x2848xf32> to vector<2848xf32>
    %get3A_110 = arith.constant 0 : index
    %get3A_111 = arith.constant 3 : index
    %get3A_112 = arith.constant 0 : index
    %get3A_113 = arith.constant 0 : index
    %get3A_114 = vector.load %arg1[%get3A_110, %get3A_111, %get3A_112, %get3A_113] : memref<1x8x8x2944xf32, #tpu.memory_space<vmem>>, vector<1x1x1x2848xf32>
    %get3A_115 = vector.shape_cast %get3A_114 : vector<1x1x1x2848xf32> to vector<2848xf32>
    %get3A_116 = arith.constant 0 : index
    %get3A_117 = arith.constant 3 : index
    %get3A_118 = arith.constant 1 : index
    %get3A_119 = arith.constant 0 : index
    %get3A_120 = vector.load %arg1[%get3A_116, %get3A_117, %get3A_118, %get3A_119] : memref<1x8x8x2944xf32, #tpu.memory_space<vmem>>, vector<1x1x1x2848xf32>
    %get3A_121 = vector.shape_cast %get3A_120 : vector<1x1x1x2848xf32> to vector<2848xf32>
    %get3A_122 = arith.constant 0 : index
    %get3A_123 = arith.constant 3 : index
    %get3A_124 = arith.constant 2 : index
    %get3A_125 = arith.constant 0 : index
    %get3A_126 = vector.load %arg1[%get3A_122, %get3A_123, %get3A_124, %get3A_125] : memref<1x8x8x2944xf32, #tpu.memory_space<vmem>>, vector<1x1x1x2848xf32>
    %get3A_127 = vector.shape_cast %get3A_126 : vector<1x1x1x2848xf32> to vector<2848xf32>
    %get3A_128 = arith.constant 0 : index
    %get3A_129 = arith.constant 3 : index
    %get3A_130 = arith.constant 3 : index
    %get3A_131 = arith.constant 0 : index
    %get3A_132 = vector.load %arg1[%get3A_128, %get3A_129, %get3A_130, %get3A_131] : memref<1x8x8x2944xf32, #tpu.memory_space<vmem>>, vector<1x1x1x2848xf32>
    %get3A_133 = vector.shape_cast %get3A_132 : vector<1x1x1x2848xf32> to vector<2848xf32>
    %get3A_134 = arith.constant 0 : index
    %get3A_135 = arith.constant 3 : index
    %get3A_136 = arith.constant 4 : index
    %get3A_137 = arith.constant 0 : index
    %get3A_138 = vector.load %arg1[%get3A_134, %get3A_135, %get3A_136, %get3A_137] : memref<1x8x8x2944xf32, #tpu.memory_space<vmem>>, vector<1x1x1x2848xf32>
    %get3A_139 = vector.shape_cast %get3A_138 : vector<1x1x1x2848xf32> to vector<2848xf32>
    %get3A_140 = arith.constant 0 : index
    %get3A_141 = arith.constant 4 : index
    %get3A_142 = arith.constant 0 : index
    %get3A_143 = arith.constant 0 : index
    %get3A_144 = vector.load %arg1[%get3A_140, %get3A_141, %get3A_142, %get3A_143] : memref<1x8x8x2944xf32, #tpu.memory_space<vmem>>, vector<1x1x1x2848xf32>
    %get3A_145 = vector.shape_cast %get3A_144 : vector<1x1x1x2848xf32> to vector<2848xf32>
    %get3A_146 = arith.constant 0 : index
    %get3A_147 = arith.constant 4 : index
    %get3A_148 = arith.constant 1 : index
    %get3A_149 = arith.constant 0 : index
    %get3A_150 = vector.load %arg1[%get3A_146, %get3A_147, %get3A_148, %get3A_149] : memref<1x8x8x2944xf32, #tpu.memory_space<vmem>>, vector<1x1x1x2848xf32>
    %get3A_151 = vector.shape_cast %get3A_150 : vector<1x1x1x2848xf32> to vector<2848xf32>
    %get3A_152 = arith.constant 0 : index
    %get3A_153 = arith.constant 4 : index
    %get3A_154 = arith.constant 2 : index
    %get3A_155 = arith.constant 0 : index
    %get3A_156 = vector.load %arg1[%get3A_152, %get3A_153, %get3A_154, %get3A_155] : memref<1x8x8x2944xf32, #tpu.memory_space<vmem>>, vector<1x1x1x2848xf32>
    %get3A_157 = vector.shape_cast %get3A_156 : vector<1x1x1x2848xf32> to vector<2848xf32>
    %get3A_158 = arith.constant 0 : index
    %get3A_159 = arith.constant 4 : index
    %get3A_160 = arith.constant 3 : index
    %get3A_161 = arith.constant 0 : index
    %get3A_162 = vector.load %arg1[%get3A_158, %get3A_159, %get3A_160, %get3A_161] : memref<1x8x8x2944xf32, #tpu.memory_space<vmem>>, vector<1x1x1x2848xf32>
    %get3A_163 = vector.shape_cast %get3A_162 : vector<1x1x1x2848xf32> to vector<2848xf32>
    %get3A_164 = arith.constant 0 : index
    %get3A_165 = arith.constant 4 : index
    %get3A_166 = arith.constant 4 : index
    %get3A_167 = arith.constant 0 : index
    %get3A_168 = vector.load %arg1[%get3A_164, %get3A_165, %get3A_166, %get3A_167] : memref<1x8x8x2944xf32, #tpu.memory_space<vmem>>, vector<1x1x1x2848xf32>
    %get3A_169 = vector.shape_cast %get3A_168 : vector<1x1x1x2848xf32> to vector<2848xf32>
    %stack3A = vector.shape_cast %get3A_25 : vector<2848xf32> to vector<1x2848xf32>
    %stack3A_170 = vector.shape_cast %get3A_31 : vector<2848xf32> to vector<1x2848xf32>
    %stack3A_171 = vector.shape_cast %get3A_37 : vector<2848xf32> to vector<1x2848xf32>
    %stack3A_172 = vector.shape_cast %get3A_43 : vector<2848xf32> to vector<1x2848xf32>
    %stack3A_173 = vector.shape_cast %get3A_49 : vector<2848xf32> to vector<1x2848xf32>
    %stack3A_174 = vector.shape_cast %get3A_55 : vector<2848xf32> to vector<1x2848xf32>
    %stack3A_175 = vector.shape_cast %get3A_61 : vector<2848xf32> to vector<1x2848xf32>
    %stack3A_176 = vector.shape_cast %get3A_67 : vector<2848xf32> to vector<1x2848xf32>
    %stack3A_177 = vector.shape_cast %get3A_73 : vector<2848xf32> to vector<1x2848xf32>
    %stack3A_178 = vector.shape_cast %get3A_79 : vector<2848xf32> to vector<1x2848xf32>
    %stack3A_179 = vector.shape_cast %get3A_85 : vector<2848xf32> to vector<1x2848xf32>
    %stack3A_180 = vector.shape_cast %get3A_91 : vector<2848xf32> to vector<1x2848xf32>
    %stack3A_181 = vector.shape_cast %get3A_97 : vector<2848xf32> to vector<1x2848xf32>
    %stack3A_182 = vector.shape_cast %get3A_103 : vector<2848xf32> to vector<1x2848xf32>
    %stack3A_183 = vector.shape_cast %get3A_109 : vector<2848xf32> to vector<1x2848xf32>
    %stack3A_184 = vector.shape_cast %get3A_115 : vector<2848xf32> to vector<1x2848xf32>
    %stack3A_185 = vector.shape_cast %get3A_121 : vector<2848xf32> to vector<1x2848xf32>
    %stack3A_186 = vector.shape_cast %get3A_127 : vector<2848xf32> to vector<1x2848xf32>
    %stack3A_187 = vector.shape_cast %get3A_133 : vector<2848xf32> to vector<1x2848xf32>
    %stack3A_188 = vector.shape_cast %get3A_139 : vector<2848xf32> to vector<1x2848xf32>
    %stack3A_189 = vector.shape_cast %get3A_145 : vector<2848xf32> to vector<1x2848xf32>
    %stack3A_190 = vector.shape_cast %get3A_151 : vector<2848xf32> to vector<1x2848xf32>
    %stack3A_191 = vector.shape_cast %get3A_157 : vector<2848xf32> to vector<1x2848xf32>
    %stack3A_192 = vector.shape_cast %get3A_163 : vector<2848xf32> to vector<1x2848xf32>
    %stack3A_193 = vector.shape_cast %get3A_169 : vector<2848xf32> to vector<1x2848xf32>
    %stack3A_194 = tpu.concatenate %stack3A, %stack3A_170, %stack3A_171, %stack3A_172, %stack3A_173, %stack3A_174, %stack3A_175, %stack3A_176, %stack3A_177, %stack3A_178, %stack3A_179, %stack3A_180, %stack3A_181, %stack3A_182, %stack3A_183, %stack3A_184, %stack3A_185, %stack3A_186, %stack3A_187, %stack3A_188, %stack3A_189, %stack3A_190, %stack3A_191, %stack3A_192, %stack3A_193 in 0 : vector<1x2848xf32>, vector<1x2848xf32>, vector<1x2848xf32>, vector<1x2848xf32>, vector<1x2848xf32>, vector<1x2848xf32>, vector<1x2848xf32>, vector<1x2848xf32>, vector<1x2848xf32>, vector<1x2848xf32>, vector<1x2848xf32>, vector<1x2848xf32>, vector<1x2848xf32>, vector<1x2848xf32>, vector<1x2848xf32>, vector<1x2848xf32>, vector<1x2848xf32>, vector<1x2848xf32>, vector<1x2848xf32>, vector<1x2848xf32>, vector<1x2848xf32>, vector<1x2848xf32>, vector<1x2848xf32>, vector<1x2848xf32>, vector<1x2848xf32> -> vector<25x2848xf32>
    %get3A_195 = arith.constant 0 : index
    %get3A_196 = arith.constant 0 : index
    %get3A_197 = vector.load %arg2[%get3A_195, %get3A_196] : memref<32x25xf32, #tpu.memory_space<vmem>>, vector<32x25xf32>
    %dot_general3A = arith.constant dense<0.000000e+00> : vector<32x2848xf32>
    %dot_general3A_198 = tpu.matmul %get3A_197, %stack3A_194, %dot_general3A {dimension_numbers = #tpu.dot_dimension_numbers<[1], [0], [0], [1], [0, 0, 1, 1], [], []>, transpose_lhs_hint = false} : vector<32x25xf32>, vector<25x2848xf32>, vector<32x2848xf32> -> vector<32x2848xf32>
    %get3A_199 = arith.constant 0 : index
    %get3A_200 = arith.constant 0 : index
    %get3A_201 = vector.load %arg3[%get3A_199, %get3A_200] : memref<32x1xf32, #tpu.memory_space<vmem>>, vector<32x1xf32>
    %add3A_202 = vector.broadcast %get3A_201 : vector<32x1xf32> to vector<32x2848xf32>
    %add3A_203 = arith.addf %dot_general3A_198, %add3A_202 : vector<32x2848xf32>
    %swap3A = arith.constant 0 : index
    %swap3A_204 = arith.constant 0 : index
    %swap3A_205 = arith.constant 0 : index
    %swap3A_206 = arith.constant 0 : index
    %swap3A_207 = arith.constant 0 : index
    %swap3A_208 = vector.load %arg4[%swap3A, %swap3A_204, %swap3A_205, %swap3A_206, %swap3A_207] : memref<1x2x2x32x2848xf32, #tpu.memory_space<vmem>>, vector<1x1x1x32x2848xf32>
    %swap3A_209 = vector.shape_cast %swap3A_208 : vector<1x1x1x32x2848xf32> to vector<32x2848xf32>
    %swap3A_210 = vector.shape_cast %add3A_203 : vector<32x2848xf32> to vector<1x1x1x32x2848xf32>
    tpu.vector_store %arg4[%swap3A, %swap3A_204, %swap3A_205, %swap3A_206, %swap3A_207], %swap3A_210 {strides = array<i32>} : memref<1x2x2x32x2848xf32, #tpu.memory_space<vmem>>, vector<1x1x1x32x2848xf32>,
    %mul3A = vector.broadcast %convert_element_type3A_17 : vector<1x2848xf32> to vector<32x2848xf32>
    %mul3A_211 = arith.mulf %add3A_203, %mul3A : vector<32x2848xf32>
    %reduce_sum3A = arith.constant dense<0.000000e+00> : vector<32xf32>
    %reduce_sum3A_212 = vector.multi_reduction <add>, %mul3A_211, %reduce_sum3A [1] : vector<32x2848xf32> to vector<32xf32>
    %broadcast_in_dim3A_213 = vector.shape_cast %reduce_sum3A_212 : vector<32xf32> to vector<32x1xf32>
    %add3A_214 = arith.addf %broadcast_in_dim3A_18, %broadcast_in_dim3A_213 : vector<32x1xf32>
    %mul3A_215 = arith.mulf %mul3A_211, %mul3A_211 : vector<32x2848xf32>
    %reduce_sum3A_216 = arith.constant dense<0.000000e+00> : vector<32xf32>
    %reduce_sum3A_217 = vector.multi_reduction <add>, %mul3A_215, %reduce_sum3A_216 [1] : vector<32x2848xf32> to vector<32xf32>
    %broadcast_in_dim3A_218 = vector.shape_cast %reduce_sum3A_217 : vector<32xf32> to vector<32x1xf32>
    %add3A_219 = arith.addf %broadcast_in_dim3A_20, %broadcast_in_dim3A_218 : vector<32x1xf32>
    %get3A_220 = arith.constant 0 : index
    %get3A_221 = arith.constant 0 : index
    %get3A_222 = arith.constant 4 : index
    %get3A_223 = arith.constant 0 : index
    %get3A_224 = vector.load %arg1[%get3A_220, %get3A_221, %get3A_222, %get3A_223] : memref<1x8x8x2944xf32, #tpu.memory_space<vmem>>, vector<1x1x1x2848xf32>
    %get3A_225 = vector.shape_cast %get3A_224 : vector<1x1x1x2848xf32> to vector<2848xf32>
    %get3A_226 = arith.constant 0 : index
    %get3A_227 = arith.constant 0 : index
    %get3A_228 = arith.constant 5 : index
    %get3A_229 = arith.constant 0 : index
    %get3A_230 = vector.load %arg1[%get3A_226, %get3A_227, %get3A_228, %get3A_229] : memref<1x8x8x2944xf32, #tpu.memory_space<vmem>>, vector<1x1x1x2848xf32>
    %get3A_231 = vector.shape_cast %get3A_230 : vector<1x1x1x2848xf32> to vector<2848xf32>
    %get3A_232 = arith.constant 0 : index
    %get3A_233 = arith.constant 0 : index
    %get3A_234 = arith.constant 6 : index
    %get3A_235 = arith.constant 0 : index
    %get3A_236 = vector.load %arg1[%get3A_232, %get3A_233, %get3A_234, %get3A_235] : memref<1x8x8x2944xf32, #tpu.memory_space<vmem>>, vector<1x1x1x2848xf32>
    %get3A_237 = vector.shape_cast %get3A_236 : vector<1x1x1x2848xf32> to vector<2848xf32>
    %get3A_238 = arith.constant 0 : index
    %get3A_239 = arith.constant 0 : index
    %get3A_240 = arith.constant 7 : index
    %get3A_241 = arith.constant 0 : index
    %get3A_242 = vector.load %arg1[%get3A_238, %get3A_239, %get3A_240, %get3A_241] : memref<1x8x8x2944xf32, #tpu.memory_space<vmem>>, vector<1x1x1x2848xf32>
    %get3A_243 = vector.shape_cast %get3A_242 : vector<1x1x1x2848xf32> to vector<2848xf32>
    %get3A_244 = arith.constant 0 : index
    %get3A_245 = arith.constant 0 : index
    %get3A_246 = arith.constant 0 : index
    %get3A_247 = arith.constant 1 : index
    %get3A_248 = vector.load %arg1[%get3A_244, %get3A_245, %get3A_246, %get3A_247] : memref<1x8x8x2944xf32, #tpu.memory_space<vmem>>, vector<1x1x1x2848xf32>
    %get3A_249 = vector.shape_cast %get3A_248 : vector<1x1x1x2848xf32> to vector<2848xf32>
    %get3A_250 = arith.constant 0 : index
    %get3A_251 = arith.constant 1 : index
    %get3A_252 = arith.constant 4 : index
    %get3A_253 = arith.constant 0 : index
    %get3A_254 = vector.load %arg1[%get3A_250, %get3A_251, %get3A_252, %get3A_253] : memref<1x8x8x2944xf32, #tpu.memory_space<vmem>>, vector<1x1x1x2848xf32>
    %get3A_255 = vector.shape_cast %get3A_254 : vector<1x1x1x2848xf32> to vector<2848xf32>
    %get3A_256 = arith.constant 0 : index
    %get3A_257 = arith.constant 1 : index
    %get3A_258 = arith.constant 5 : index
    %get3A_259 = arith.constant 0 : index
    %get3A_260 = vector.load %arg1[%get3A_256, %get3A_257, %get3A_258, %get3A_259] : memref<1x8x8x2944xf32, #tpu.memory_space<vmem>>, vector<1x1x1x2848xf32>
    %get3A_261 = vector.shape_cast %get3A_260 : vector<1x1x1x2848xf32> to vector<2848xf32>
    %get3A_262 = arith.constant 0 : index
    %get3A_263 = arith.constant 1 : index
    %get3A_264 = arith.constant 6 : index
    %get3A_265 = arith.constant 0 : index
    %get3A_266 = vector.load %arg1[%get3A_262, %get3A_263, %get3A_264, %get3A_265] : memref<1x8x8x2944xf32, #tpu.memory_space<vmem>>, vector<1x1x1x2848xf32>
    %get3A_267 = vector.shape_cast %get3A_266 : vector<1x1x1x2848xf32> to vector<2848xf32>
    %get3A_268 = arith.constant 0 : index
    %get3A_269 = arith.constant 1 : index
    %get3A_270 = arith.constant 7 : index
    %get3A_271 = arith.constant 0 : index
    %get3A_272 = vector.load %arg1[%get3A_268, %get3A_269, %get3A_270, %get3A_271] : memref<1x8x8x2944xf32, #tpu.memory_space<vmem>>, vector<1x1x1x2848xf32>
    %get3A_273 = vector.shape_cast %get3A_272 : vector<1x1x1x2848xf32> to vector<2848xf32>
    %get3A_274 = arith.constant 0 : index
    %get3A_275 = arith.constant 1 : index
    %get3A_276 = arith.constant 0 : index
    %get3A_277 = arith.constant 1 : index
    %get3A_278 = vector.load %arg1[%get3A_274, %get3A_275, %get3A_276, %get3A_277] : memref<1x8x8x2944xf32, #tpu.memory_space<vmem>>, vector<1x1x1x2848xf32>
    %get3A_279 = vector.shape_cast %get3A_278 : vector<1x1x1x2848xf32> to vector<2848xf32>
    %get3A_280 = arith.constant 0 : index
    %get3A_281 = arith.constant 2 : index
    %get3A_282 = arith.constant 4 : index
    %get3A_283 = arith.constant 0 : index
    %get3A_284 = vector.load %arg1[%get3A_280, %get3A_281, %get3A_282, %get3A_283] : memref<1x8x8x2944xf32, #tpu.memory_space<vmem>>, vector<1x1x1x2848xf32>
    %get3A_285 = vector.shape_cast %get3A_284 : vector<1x1x1x2848xf32> to vector<2848xf32>
    %get3A_286 = arith.constant 0 : index
    %get3A_287 = arith.constant 2 : index
    %get3A_288 = arith.constant 5 : index
    %get3A_289 = arith.constant 0 : index
    %get3A_290 = vector.load %arg1[%get3A_286, %get3A_287, %get3A_288, %get3A_289] : memref<1x8x8x2944xf32, #tpu.memory_space<vmem>>, vector<1x1x1x2848xf32>
    %get3A_291 = vector.shape_cast %get3A_290 : vector<1x1x1x2848xf32> to vector<2848xf32>
    %get3A_292 = arith.constant 0 : index
    %get3A_293 = arith.constant 2 : index
    %get3A_294 = arith.constant 6 : index
    %get3A_295 = arith.constant 0 : index
    %get3A_296 = vector.load %arg1[%get3A_292, %get3A_293, %get3A_294, %get3A_295] : memref<1x8x8x2944xf32, #tpu.memory_space<vmem>>, vector<1x1x1x2848xf32>
    %get3A_297 = vector.shape_cast %get3A_296 : vector<1x1x1x2848xf32> to vector<2848xf32>
    %get3A_298 = arith.constant 0 : index
    %get3A_299 = arith.constant 2 : index
    %get3A_300 = arith.constant 7 : index
    %get3A_301 = arith.constant 0 : index
    %get3A_302 = vector.load %arg1[%get3A_298, %get3A_299, %get3A_300, %get3A_301] : memref<1x8x8x2944xf32, #tpu.memory_space<vmem>>, vector<1x1x1x2848xf32>
    %get3A_303 = vector.shape_cast %get3A_302 : vector<1x1x1x2848xf32> to vector<2848xf32>
    %get3A_304 = arith.constant 0 : index
    %get3A_305 = arith.constant 2 : index
    %get3A_306 = arith.constant 0 : index
    %get3A_307 = arith.constant 1 : index
    %get3A_308 = vector.load %arg1[%get3A_304, %get3A_305, %get3A_306, %get3A_307] : memref<1x8x8x2944xf32, #tpu.memory_space<vmem>>, vector<1x1x1x2848xf32>
    %get3A_309 = vector.shape_cast %get3A_308 : vector<1x1x1x2848xf32> to vector<2848xf32>
    %get3A_310 = arith.constant 0 : index
    %get3A_311 = arith.constant 3 : index
    %get3A_312 = arith.constant 4 : index
    %get3A_313 = arith.constant 0 : index
    %get3A_314 = vector.load %arg1[%get3A_310, %get3A_311, %get3A_312, %get3A_313] : memref<1x8x8x2944xf32, #tpu.memory_space<vmem>>, vector<1x1x1x2848xf32>
    %get3A_315 = vector.shape_cast %get3A_314 : vector<1x1x1x2848xf32> to vector<2848xf32>
    %get3A_316 = arith.constant 0 : index
    %get3A_317 = arith.constant 3 : index
    %get3A_318 = arith.constant 5 : index
    %get3A_319 = arith.constant 0 : index
    %get3A_320 = vector.load %arg1[%get3A_316, %get3A_317, %get3A_318, %get3A_319] : memref<1x8x8x2944xf32, #tpu.memory_space<vmem>>, vector<1x1x1x2848xf32>
    %get3A_321 = vector.shape_cast %get3A_320 : vector<1x1x1x2848xf32> to vector<2848xf32>
    %get3A_322 = arith.constant 0 : index
    %get3A_323 = arith.constant 3 : index
    %get3A_324 = arith.constant 6 : index
    %get3A_325 = arith.constant 0 : index
    %get3A_326 = vector.load %arg1[%get3A_322, %get3A_323, %get3A_324, %get3A_325] : memref<1x8x8x2944xf32, #tpu.memory_space<vmem>>, vector<1x1x1x2848xf32>
    %get3A_327 = vector.shape_cast %get3A_326 : vector<1x1x1x2848xf32> to vector<2848xf32>
    %get3A_328 = arith.constant 0 : index
    %get3A_329 = arith.constant 3 : index
    %get3A_330 = arith.constant 7 : index
    %get3A_331 = arith.constant 0 : index
    %get3A_332 = vector.load %arg1[%get3A_328, %get3A_329, %get3A_330, %get3A_331] : memref<1x8x8x2944xf32, #tpu.memory_space<vmem>>, vector<1x1x1x2848xf32>
    %get3A_333 = vector.shape_cast %get3A_332 : vector<1x1x1x2848xf32> to vector<2848xf32>
    %get3A_334 = arith.constant 0 : index
    %get3A_335 = arith.constant 3 : index
    %get3A_336 = arith.constant 0 : index
    %get3A_337 = arith.constant 1 : index
    %get3A_338 = vector.load %arg1[%get3A_334, %get3A_335, %get3A_336, %get3A_337] : memref<1x8x8x2944xf32, #tpu.memory_space<vmem>>, vector<1x1x1x2848xf32>
    %get3A_339 = vector.shape_cast %get3A_338 : vector<1x1x1x2848xf32> to vector<2848xf32>
    %get3A_340 = arith.constant 0 : index
    %get3A_341 = arith.constant 4 : index
    %get3A_342 = arith.constant 4 : index
    %get3A_343 = arith.constant 0 : index
    %get3A_344 = vector.load %arg1[%get3A_340, %get3A_341, %get3A_342, %get3A_343] : memref<1x8x8x2944xf32, #tpu.memory_space<vmem>>, vector<1x1x1x2848xf32>
    %get3A_345 = vector.shape_cast %get3A_344 : vector<1x1x1x2848xf32> to vector<2848xf32>
    %get3A_346 = arith.constant 0 : index
    %get3A_347 = arith.constant 4 : index
    %get3A_348 = arith.constant 5 : index
    %get3A_349 = arith.constant 0 : index
    %get3A_350 = vector.load %arg1[%get3A_346, %get3A_347, %get3A_348, %get3A_349] : memref<1x8x8x2944xf32, #tpu.memory_space<vmem>>, vector<1x1x1x2848xf32>
    %get3A_351 = vector.shape_cast %get3A_350 : vector<1x1x1x2848xf32> to vector<2848xf32>
    %get3A_352 = arith.constant 0 : index
    %get3A_353 = arith.constant 4 : index
    %get3A_354 = arith.constant 6 : index
    %get3A_355 = arith.constant 0 : index
    %get3A_356 = vector.load %arg1[%get3A_352, %get3A_353, %get3A_354, %get3A_355] : memref<1x8x8x2944xf32, #tpu.memory_space<vmem>>, vector<1x1x1x2848xf32>
    %get3A_357 = vector.shape_cast %get3A_356 : vector<1x1x1x2848xf32> to vector<2848xf32>
    %get3A_358 = arith.constant 0 : index
    %get3A_359 = arith.constant 4 : index
    %get3A_360 = arith.constant 7 : index
    %get3A_361 = arith.constant 0 : index
    %get3A_362 = vector.load %arg1[%get3A_358, %get3A_359, %get3A_360, %get3A_361] : memref<1x8x8x2944xf32, #tpu.memory_space<vmem>>, vector<1x1x1x2848xf32>
    %get3A_363 = vector.shape_cast %get3A_362 : vector<1x1x1x2848xf32> to vector<2848xf32>
    %get3A_364 = arith.constant 0 : index
    %get3A_365 = arith.constant 4 : index
    %get3A_366 = arith.constant 0 : index
    %get3A_367 = arith.constant 1 : index
    %get3A_368 = vector.load %arg1[%get3A_364, %get3A_365, %get3A_366, %get3A_367] : memref<1x8x8x2944xf32, #tpu.memory_space<vmem>>, vector<1x1x1x2848xf32>
    %get3A_369 = vector.shape_cast %get3A_368 : vector<1x1x1x2848xf32> to vector<2848xf32>
    %stack3A_370 = vector.shape_cast %get3A_225 : vector<2848xf32> to vector<1x2848xf32>
    %stack3A_371 = vector.shape_cast %get3A_231 : vector<2848xf32> to vector<1x2848xf32>
    %stack3A_372 = vector.shape_cast %get3A_237 : vector<2848xf32> to vector<1x2848xf32>
    %stack3A_373 = vector.shape_cast %get3A_243 : vector<2848xf32> to vector<1x2848xf32>
    %stack3A_374 = vector.shape_cast %get3A_249 : vector<2848xf32> to vector<1x2848xf32>
    %stack3A_375 = vector.shape_cast %get3A_255 : vector<2848xf32> to vector<1x2848xf32>
    %stack3A_376 = vector.shape_cast %get3A_261 : vector<2848xf32> to vector<1x2848xf32>
    %stack3A_377 = vector.shape_cast %get3A_267 : vector<2848xf32> to vector<1x2848xf32>
    %stack3A_378 = vector.shape_cast %get3A_273 : vector<2848xf32> to vector<1x2848xf32>
    %stack3A_379 = vector.shape_cast %get3A_279 : vector<2848xf32> to vector<1x2848xf32>
    %stack3A_380 = vector.shape_cast %get3A_285 : vector<2848xf32> to vector<1x2848xf32>
    %stack3A_381 = vector.shape_cast %get3A_291 : vector<2848xf32> to vector<1x2848xf32>
    %stack3A_382 = vector.shape_cast %get3A_297 : vector<2848xf32> to vector<1x2848xf32>
    %stack3A_383 = vector.shape_cast %get3A_303 : vector<2848xf32> to vector<1x2848xf32>
    %stack3A_384 = vector.shape_cast %get3A_309 : vector<2848xf32> to vector<1x2848xf32>
    %stack3A_385 = vector.shape_cast %get3A_315 : vector<2848xf32> to vector<1x2848xf32>
    %stack3A_386 = vector.shape_cast %get3A_321 : vector<2848xf32> to vector<1x2848xf32>
    %stack3A_387 = vector.shape_cast %get3A_327 : vector<2848xf32> to vector<1x2848xf32>
    %stack3A_388 = vector.shape_cast %get3A_333 : vector<2848xf32> to vector<1x2848xf32>
    %stack3A_389 = vector.shape_cast %get3A_339 : vector<2848xf32> to vector<1x2848xf32>
    %stack3A_390 = vector.shape_cast %get3A_345 : vector<2848xf32> to vector<1x2848xf32>
    %stack3A_391 = vector.shape_cast %get3A_351 : vector<2848xf32> to vector<1x2848xf32>
    %stack3A_392 = vector.shape_cast %get3A_357 : vector<2848xf32> to vector<1x2848xf32>
    %stack3A_393 = vector.shape_cast %get3A_363 : vector<2848xf32> to vector<1x2848xf32>
    %stack3A_394 = vector.shape_cast %get3A_369 : vector<2848xf32> to vector<1x2848xf32>
    %stack3A_395 = tpu.concatenate %stack3A_370, %stack3A_371, %stack3A_372, %stack3A_373, %stack3A_374, %stack3A_375, %stack3A_376, %stack3A_377, %stack3A_378, %stack3A_379, %stack3A_380, %stack3A_381, %stack3A_382, %stack3A_383, %stack3A_384, %stack3A_385, %stack3A_386, %stack3A_387, %stack3A_388, %stack3A_389, %stack3A_390, %stack3A_391, %stack3A_392, %stack3A_393, %stack3A_394 in 0 : vector<1x2848xf32>, vector<1x2848xf32>, vector<1x2848xf32>, vector<1x2848xf32>, vector<1x2848xf32>, vector<1x2848xf32>, vector<1x2848xf32>, vector<1x2848xf32>, vector<1x2848xf32>, vector<1x2848xf32>, vector<1x2848xf32>, vector<1x2848xf32>, vector<1x2848xf32>, vector<1x2848xf32>, vector<1x2848xf32>, vector<1x2848xf32>, vector<1x2848xf32>, vector<1x2848xf32>, vector<1x2848xf32>, vector<1x2848xf32>, vector<1x2848xf32>, vector<1x2848xf32>, vector<1x2848xf32>, vector<1x2848xf32>, vector<1x2848xf32> -> vector<25x2848xf32>
    %get3A_396 = arith.constant 0 : index
    %get3A_397 = arith.constant 0 : index
    %get3A_398 = vector.load %arg2[%get3A_396, %get3A_397] : memref<32x25xf32, #tpu.memory_space<vmem>>, vector<32x25xf32>
    %dot_general3A_399 = arith.constant dense<0.000000e+00> : vector<32x2848xf32>
    %dot_general3A_400 = tpu.matmul %get3A_398, %stack3A_395, %dot_general3A_399 {dimension_numbers = #tpu.dot_dimension_numbers<[1], [0], [0], [1], [0, 0, 1, 1], [], []>, transpose_lhs_hint = false} : vector<32x25xf32>, vector<25x2848xf32>, vector<32x2848xf32> -> vector<32x2848xf32>
    %get3A_401 = arith.constant 0 : index
    %get3A_402 = arith.constant 0 : index
    %get3A_403 = vector.load %arg3[%get3A_401, %get3A_402] : memref<32x1xf32, #tpu.memory_space<vmem>>, vector<32x1xf32>
    %add3A_404 = vector.broadcast %get3A_403 : vector<32x1xf32> to vector<32x2848xf32>
    %add3A_405 = arith.addf %dot_general3A_400, %add3A_404 : vector<32x2848xf32>
    %swap3A_406 = arith.constant 0 : index
    %swap3A_407 = arith.constant 0 : index
    %swap3A_408 = arith.constant 1 : index
    %swap3A_409 = arith.constant 0 : index
    %swap3A_410 = arith.constant 0 : index
    %swap3A_411 = vector.load %arg4[%swap3A_406, %swap3A_407, %swap3A_408, %swap3A_409, %swap3A_410] : memref<1x2x2x32x2848xf32, #tpu.memory_space<vmem>>, vector<1x1x1x32x2848xf32>
    %swap3A_412 = vector.shape_cast %swap3A_411 : vector<1x1x1x32x2848xf32> to vector<32x2848xf32>
    %swap3A_413 = vector.shape_cast %add3A_405 : vector<32x2848xf32> to vector<1x1x1x32x2848xf32>
    tpu.vector_store %arg4[%swap3A_406, %swap3A_407, %swap3A_408, %swap3A_409, %swap3A_410], %swap3A_413 {strides = array<i32>} : memref<1x2x2x32x2848xf32, #tpu.memory_space<vmem>>, vector<1x1x1x32x2848xf32>,
    %mul3A_414 = vector.broadcast %convert_element_type3A_17 : vector<1x2848xf32> to vector<32x2848xf32>
    %mul3A_415 = arith.mulf %add3A_405, %mul3A_414 : vector<32x2848xf32>
    %reduce_sum3A_416 = arith.constant dense<0.000000e+00> : vector<32xf32>
    %reduce_sum3A_417 = vector.multi_reduction <add>, %mul3A_415, %reduce_sum3A_416 [1] : vector<32x2848xf32> to vector<32xf32>
    %broadcast_in_dim3A_418 = vector.shape_cast %reduce_sum3A_417 : vector<32xf32> to vector<32x1xf32>
    %add3A_419 = arith.addf %add3A_214, %broadcast_in_dim3A_418 : vector<32x1xf32>
    %mul3A_420 = arith.mulf %mul3A_415, %mul3A_415 : vector<32x2848xf32>
    %reduce_sum3A_421 = arith.constant dense<0.000000e+00> : vector<32xf32>
    %reduce_sum3A_422 = vector.multi_reduction <add>, %mul3A_420, %reduce_sum3A_421 [1] : vector<32x2848xf32> to vector<32xf32>
    %broadcast_in_dim3A_423 = vector.shape_cast %reduce_sum3A_422 : vector<32xf32> to vector<32x1xf32>
    %add3A_424 = arith.addf %add3A_219, %broadcast_in_dim3A_423 : vector<32x1xf32>
    %get3A_425 = arith.constant 0 : index
    %get3A_426 = arith.constant 4 : index
    %get3A_427 = arith.constant 0 : index
    %get3A_428 = arith.constant 0 : index
    %get3A_429 = vector.load %arg1[%get3A_425, %get3A_426, %get3A_427, %get3A_428] : memref<1x8x8x2944xf32, #tpu.memory_space<vmem>>, vector<1x1x1x2848xf32>
    %get3A_430 = vector.shape_cast %get3A_429 : vector<1x1x1x2848xf32> to vector<2848xf32>
    %get3A_431 = arith.constant 0 : index
    %get3A_432 = arith.constant 4 : index
    %get3A_433 = arith.constant 1 : index
    %get3A_434 = arith.constant 0 : index
    %get3A_435 = vector.load %arg1[%get3A_431, %get3A_432, %get3A_433, %get3A_434] : memref<1x8x8x2944xf32, #tpu.memory_space<vmem>>, vector<1x1x1x2848xf32>
    %get3A_436 = vector.shape_cast %get3A_435 : vector<1x1x1x2848xf32> to vector<2848xf32>
    %get3A_437 = arith.constant 0 : index
    %get3A_438 = arith.constant 4 : index
    %get3A_439 = arith.constant 2 : index
    %get3A_440 = arith.constant 0 : index
    %get3A_441 = vector.load %arg1[%get3A_437, %get3A_438, %get3A_439, %get3A_440] : memref<1x8x8x2944xf32, #tpu.memory_space<vmem>>, vector<1x1x1x2848xf32>
    %get3A_442 = vector.shape_cast %get3A_441 : vector<1x1x1x2848xf32> to vector<2848xf32>
    %get3A_443 = arith.constant 0 : index
    %get3A_444 = arith.constant 4 : index
    %get3A_445 = arith.constant 3 : index
    %get3A_446 = arith.constant 0 : index
    %get3A_447 = vector.load %arg1[%get3A_443, %get3A_444, %get3A_445, %get3A_446] : memref<1x8x8x2944xf32, #tpu.memory_space<vmem>>, vector<1x1x1x2848xf32>
    %get3A_448 = vector.shape_cast %get3A_447 : vector<1x1x1x2848xf32> to vector<2848xf32>
    %get3A_449 = arith.constant 0 : index
    %get3A_450 = arith.constant 4 : index
    %get3A_451 = arith.constant 4 : index
    %get3A_452 = arith.constant 0 : index
    %get3A_453 = vector.load %arg1[%get3A_449, %get3A_450, %get3A_451, %get3A_452] : memref<1x8x8x2944xf32, #tpu.memory_space<vmem>>, vector<1x1x1x2848xf32>
    %get3A_454 = vector.shape_cast %get3A_453 : vector<1x1x1x2848xf32> to vector<2848xf32>
    %get3A_455 = arith.constant 0 : index
    %get3A_456 = arith.constant 5 : index
    %get3A_457 = arith.constant 0 : index
    %get3A_458 = arith.constant 0 : index
    %get3A_459 = vector.load %arg1[%get3A_455, %get3A_456, %get3A_457, %get3A_458] : memref<1x8x8x2944xf32, #tpu.memory_space<vmem>>, vector<1x1x1x2848xf32>
    %get3A_460 = vector.shape_cast %get3A_459 : vector<1x1x1x2848xf32> to vector<2848xf32>
    %get3A_461 = arith.constant 0 : index
    %get3A_462 = arith.constant 5 : index
    %get3A_463 = arith.constant 1 : index
    %get3A_464 = arith.constant 0 : index
    %get3A_465 = vector.load %arg1[%get3A_461, %get3A_462, %get3A_463, %get3A_464] : memref<1x8x8x2944xf32, #tpu.memory_space<vmem>>, vector<1x1x1x2848xf32>
    %get3A_466 = vector.shape_cast %get3A_465 : vector<1x1x1x2848xf32> to vector<2848xf32>
    %get3A_467 = arith.constant 0 : index
    %get3A_468 = arith.constant 5 : index
    %get3A_469 = arith.constant 2 : index
    %get3A_470 = arith.constant 0 : index
    %get3A_471 = vector.load %arg1[%get3A_467, %get3A_468, %get3A_469, %get3A_470] : memref<1x8x8x2944xf32, #tpu.memory_space<vmem>>, vector<1x1x1x2848xf32>
    %get3A_472 = vector.shape_cast %get3A_471 : vector<1x1x1x2848xf32> to vector<2848xf32>
    %get3A_473 = arith.constant 0 : index
    %get3A_474 = arith.constant 5 : index
    %get3A_475 = arith.constant 3 : index
    %get3A_476 = arith.constant 0 : index
    %get3A_477 = vector.load %arg1[%get3A_473, %get3A_474, %get3A_475, %get3A_476] : memref<1x8x8x2944xf32, #tpu.memory_space<vmem>>, vector<1x1x1x2848xf32>
    %get3A_478 = vector.shape_cast %get3A_477 : vector<1x1x1x2848xf32> to vector<2848xf32>
    %get3A_479 = arith.constant 0 : index
    %get3A_480 = arith.constant 5 : index
    %get3A_481 = arith.constant 4 : index
    %get3A_482 = arith.constant 0 : index
    %get3A_483 = vector.load %arg1[%get3A_479, %get3A_480, %get3A_481, %get3A_482] : memref<1x8x8x2944xf32, #tpu.memory_space<vmem>>, vector<1x1x1x2848xf32>
    %get3A_484 = vector.shape_cast %get3A_483 : vector<1x1x1x2848xf32> to vector<2848xf32>
    %get3A_485 = arith.constant 0 : index
    %get3A_486 = arith.constant 6 : index
    %get3A_487 = arith.constant 0 : index
    %get3A_488 = arith.constant 0 : index
    %get3A_489 = vector.load %arg1[%get3A_485, %get3A_486, %get3A_487, %get3A_488] : memref<1x8x8x2944xf32, #tpu.memory_space<vmem>>, vector<1x1x1x2848xf32>
    %get3A_490 = vector.shape_cast %get3A_489 : vector<1x1x1x2848xf32> to vector<2848xf32>
    %get3A_491 = arith.constant 0 : index
    %get3A_492 = arith.constant 6 : index
    %get3A_493 = arith.constant 1 : index
    %get3A_494 = arith.constant 0 : index
    %get3A_495 = vector.load %arg1[%get3A_491, %get3A_492, %get3A_493, %get3A_494] : memref<1x8x8x2944xf32, #tpu.memory_space<vmem>>, vector<1x1x1x2848xf32>
    %get3A_496 = vector.shape_cast %get3A_495 : vector<1x1x1x2848xf32> to vector<2848xf32>
    %get3A_497 = arith.constant 0 : index
    %get3A_498 = arith.constant 6 : index
    %get3A_499 = arith.constant 2 : index
    %get3A_500 = arith.constant 0 : index
    %get3A_501 = vector.load %arg1[%get3A_497, %get3A_498, %get3A_499, %get3A_500] : memref<1x8x8x2944xf32, #tpu.memory_space<vmem>>, vector<1x1x1x2848xf32>
    %get3A_502 = vector.shape_cast %get3A_501 : vector<1x1x1x2848xf32> to vector<2848xf32>
    %get3A_503 = arith.constant 0 : index
    %get3A_504 = arith.constant 6 : index
    %get3A_505 = arith.constant 3 : index
    %get3A_506 = arith.constant 0 : index
    %get3A_507 = vector.load %arg1[%get3A_503, %get3A_504, %get3A_505, %get3A_506] : memref<1x8x8x2944xf32, #tpu.memory_space<vmem>>, vector<1x1x1x2848xf32>
    %get3A_508 = vector.shape_cast %get3A_507 : vector<1x1x1x2848xf32> to vector<2848xf32>
    %get3A_509 = arith.constant 0 : index
    %get3A_510 = arith.constant 6 : index
    %get3A_511 = arith.constant 4 : index
    %get3A_512 = arith.constant 0 : index
    %get3A_513 = vector.load %arg1[%get3A_509, %get3A_510, %get3A_511, %get3A_512] : memref<1x8x8x2944xf32, #tpu.memory_space<vmem>>, vector<1x1x1x2848xf32>
    %get3A_514 = vector.shape_cast %get3A_513 : vector<1x1x1x2848xf32> to vector<2848xf32>
    %get3A_515 = arith.constant 0 : index
    %get3A_516 = arith.constant 7 : index
    %get3A_517 = arith.constant 0 : index
    %get3A_518 = arith.constant 0 : index
    %get3A_519 = vector.load %arg1[%get3A_515, %get3A_516, %get3A_517, %get3A_518] : memref<1x8x8x2944xf32, #tpu.memory_space<vmem>>, vector<1x1x1x2848xf32>
    %get3A_520 = vector.shape_cast %get3A_519 : vector<1x1x1x2848xf32> to vector<2848xf32>
    %get3A_521 = arith.constant 0 : index
    %get3A_522 = arith.constant 7 : index
    %get3A_523 = arith.constant 1 : index
    %get3A_524 = arith.constant 0 : index
    %get3A_525 = vector.load %arg1[%get3A_521, %get3A_522, %get3A_523, %get3A_524] : memref<1x8x8x2944xf32, #tpu.memory_space<vmem>>, vector<1x1x1x2848xf32>
    %get3A_526 = vector.shape_cast %get3A_525 : vector<1x1x1x2848xf32> to vector<2848xf32>
    %get3A_527 = arith.constant 0 : index
    %get3A_528 = arith.constant 7 : index
    %get3A_529 = arith.constant 2 : index
    %get3A_530 = arith.constant 0 : index
    %get3A_531 = vector.load %arg1[%get3A_527, %get3A_528, %get3A_529, %get3A_530] : memref<1x8x8x2944xf32, #tpu.memory_space<vmem>>, vector<1x1x1x2848xf32>
    %get3A_532 = vector.shape_cast %get3A_531 : vector<1x1x1x2848xf32> to vector<2848xf32>
    %get3A_533 = arith.constant 0 : index
    %get3A_534 = arith.constant 7 : index
    %get3A_535 = arith.constant 3 : index
    %get3A_536 = arith.constant 0 : index
    %get3A_537 = vector.load %arg1[%get3A_533, %get3A_534, %get3A_535, %get3A_536] : memref<1x8x8x2944xf32, #tpu.memory_space<vmem>>, vector<1x1x1x2848xf32>
    %get3A_538 = vector.shape_cast %get3A_537 : vector<1x1x1x2848xf32> to vector<2848xf32>
    %get3A_539 = arith.constant 0 : index
    %get3A_540 = arith.constant 7 : index
    %get3A_541 = arith.constant 4 : index
    %get3A_542 = arith.constant 0 : index
    %get3A_543 = vector.load %arg1[%get3A_539, %get3A_540, %get3A_541, %get3A_542] : memref<1x8x8x2944xf32, #tpu.memory_space<vmem>>, vector<1x1x1x2848xf32>
    %get3A_544 = vector.shape_cast %get3A_543 : vector<1x1x1x2848xf32> to vector<2848xf32>
    %get3A_545 = arith.constant 0 : index
    %get3A_546 = arith.constant 0 : index
    %get3A_547 = arith.constant 0 : index
    %get3A_548 = arith.constant 89 : index
    %get3A_549 = vector.load %arg1[%get3A_545, %get3A_546, %get3A_547, %get3A_548] : memref<1x8x8x2944xf32, #tpu.memory_space<vmem>>, vector<1x1x1x2848xf32>
    %get3A_550 = vector.shape_cast %get3A_549 : vector<1x1x1x2848xf32> to vector<2848xf32>
    %get3A_551 = arith.constant 0 : index
    %get3A_552 = arith.constant 0 : index
    %get3A_553 = arith.constant 1 : index
    %get3A_554 = arith.constant 89 : index
    %get3A_555 = vector.load %arg1[%get3A_551, %get3A_552, %get3A_553, %get3A_554] : memref<1x8x8x2944xf32, #tpu.memory_space<vmem>>, vector<1x1x1x2848xf32>
    %get3A_556 = vector.shape_cast %get3A_555 : vector<1x1x1x2848xf32> to vector<2848xf32>
    %get3A_557 = arith.constant 0 : index
    %get3A_558 = arith.constant 0 : index
    %get3A_559 = arith.constant 2 : index
    %get3A_560 = arith.constant 89 : index
    %get3A_561 = vector.load %arg1[%get3A_557, %get3A_558, %get3A_559, %get3A_560] : memref<1x8x8x2944xf32, #tpu.memory_space<vmem>>, vector<1x1x1x2848xf32>
    %get3A_562 = vector.shape_cast %get3A_561 : vector<1x1x1x2848xf32> to vector<2848xf32>
    %get3A_563 = arith.constant 0 : index
    %get3A_564 = arith.constant 0 : index
    %get3A_565 = arith.constant 3 : index
    %get3A_566 = arith.constant 89 : index
    %get3A_567 = vector.load %arg1[%get3A_563, %get3A_564, %get3A_565, %get3A_566] : memref<1x8x8x2944xf32, #tpu.memory_space<vmem>>, vector<1x1x1x2848xf32>
    %get3A_568 = vector.shape_cast %get3A_567 : vector<1x1x1x2848xf32> to vector<2848xf32>
    %get3A_569 = arith.constant 0 : index
    %get3A_570 = arith.constant 0 : index
    %get3A_571 = arith.constant 4 : index
    %get3A_572 = arith.constant 89 : index
    %get3A_573 = vector.load %arg1[%get3A_569, %get3A_570, %get3A_571, %get3A_572] : memref<1x8x8x2944xf32, #tpu.memory_space<vmem>>, vector<1x1x1x2848xf32>
    %get3A_574 = vector.shape_cast %get3A_573 : vector<1x1x1x2848xf32> to vector<2848xf32>
    %stack3A_575 = vector.shape_cast %get3A_430 : vector<2848xf32> to vector<1x2848xf32>
    %stack3A_576 = vector.shape_cast %get3A_436 : vector<2848xf32> to vector<1x2848xf32>
    %stack3A_577 = vector.shape_cast %get3A_442 : vector<2848xf32> to vector<1x2848xf32>
    %stack3A_578 = vector.shape_cast %get3A_448 : vector<2848xf32> to vector<1x2848xf32>
    %stack3A_579 = vector.shape_cast %get3A_454 : vector<2848xf32> to vector<1x2848xf32>
    %stack3A_580 = vector.shape_cast %get3A_460 : vector<2848xf32> to vector<1x2848xf32>
    %stack3A_581 = vector.shape_cast %get3A_466 : vector<2848xf32> to vector<1x2848xf32>
    %stack3A_582 = vector.shape_cast %get3A_472 : vector<2848xf32> to vector<1x2848xf32>
    %stack3A_583 = vector.shape_cast %get3A_478 : vector<2848xf32> to vector<1x2848xf32>
    %stack3A_584 = vector.shape_cast %get3A_484 : vector<2848xf32> to vector<1x2848xf32>
    %stack3A_585 = vector.shape_cast %get3A_490 : vector<2848xf32> to vector<1x2848xf32>
    %stack3A_586 = vector.shape_cast %get3A_496 : vector<2848xf32> to vector<1x2848xf32>
    %stack3A_587 = vector.shape_cast %get3A_502 : vector<2848xf32> to vector<1x2848xf32>
    %stack3A_588 = vector.shape_cast %get3A_508 : vector<2848xf32> to vector<1x2848xf32>
    %stack3A_589 = vector.shape_cast %get3A_514 : vector<2848xf32> to vector<1x2848xf32>
    %stack3A_590 = vector.shape_cast %get3A_520 : vector<2848xf32> to vector<1x2848xf32>
    %stack3A_591 = vector.shape_cast %get3A_526 : vector<2848xf32> to vector<1x2848xf32>
    %stack3A_592 = vector.shape_cast %get3A_532 : vector<2848xf32> to vector<1x2848xf32>
    %stack3A_593 = vector.shape_cast %get3A_538 : vector<2848xf32> to vector<1x2848xf32>
    %stack3A_594 = vector.shape_cast %get3A_544 : vector<2848xf32> to vector<1x2848xf32>
    %stack3A_595 = vector.shape_cast %get3A_550 : vector<2848xf32> to vector<1x2848xf32>
    %stack3A_596 = vector.shape_cast %get3A_556 : vector<2848xf32> to vector<1x2848xf32>
    %stack3A_597 = vector.shape_cast %get3A_562 : vector<2848xf32> to vector<1x2848xf32>
    %stack3A_598 = vector.shape_cast %get3A_568 : vector<2848xf32> to vector<1x2848xf32>
    %stack3A_599 = vector.shape_cast %get3A_574 : vector<2848xf32> to vector<1x2848xf32>
    %stack3A_600 = tpu.concatenate %stack3A_575, %stack3A_576, %stack3A_577, %stack3A_578, %stack3A_579, %stack3A_580, %stack3A_581, %stack3A_582, %stack3A_583, %stack3A_584, %stack3A_585, %stack3A_586, %stack3A_587, %stack3A_588, %stack3A_589, %stack3A_590, %stack3A_591, %stack3A_592, %stack3A_593, %stack3A_594, %stack3A_595, %stack3A_596, %stack3A_597, %stack3A_598, %stack3A_599 in 0 : vector<1x2848xf32>, vector<1x2848xf32>, vector<1x2848xf32>, vector<1x2848xf32>, vector<1x2848xf32>, vector<1x2848xf32>, vector<1x2848xf32>, vector<1x2848xf32>, vector<1x2848xf32>, vector<1x2848xf32>, vector<1x2848xf32>, vector<1x2848xf32>, vector<1x2848xf32>, vector<1x2848xf32>, vector<1x2848xf32>, vector<1x2848xf32>, vector<1x2848xf32>, vector<1x2848xf32>, vector<1x2848xf32>, vector<1x2848xf32>, vector<1x2848xf32>, vector<1x2848xf32>, vector<1x2848xf32>, vector<1x2848xf32>, vector<1x2848xf32> -> vector<25x2848xf32>
    %get3A_601 = arith.constant 0 : index
    %get3A_602 = arith.constant 0 : index
    %get3A_603 = vector.load %arg2[%get3A_601, %get3A_602] : memref<32x25xf32, #tpu.memory_space<vmem>>, vector<32x25xf32>
    %dot_general3A_604 = arith.constant dense<0.000000e+00> : vector<32x2848xf32>
    %dot_general3A_605 = tpu.matmul %get3A_603, %stack3A_600, %dot_general3A_604 {dimension_numbers = #tpu.dot_dimension_numbers<[1], [0], [0], [1], [0, 0, 1, 1], [], []>, transpose_lhs_hint = false} : vector<32x25xf32>, vector<25x2848xf32>, vector<32x2848xf32> -> vector<32x2848xf32>
    %get3A_606 = arith.constant 0 : index
    %get3A_607 = arith.constant 0 : index
    %get3A_608 = vector.load %arg3[%get3A_606, %get3A_607] : memref<32x1xf32, #tpu.memory_space<vmem>>, vector<32x1xf32>
    %add3A_609 = vector.broadcast %get3A_608 : vector<32x1xf32> to vector<32x2848xf32>
    %add3A_610 = arith.addf %dot_general3A_605, %add3A_609 : vector<32x2848xf32>
    %swap3A_611 = arith.constant 0 : index
    %swap3A_612 = arith.constant 1 : index
    %swap3A_613 = arith.constant 0 : index
    %swap3A_614 = arith.constant 0 : index
    %swap3A_615 = arith.constant 0 : index
    %swap3A_616 = vector.load %arg4[%swap3A_611, %swap3A_612, %swap3A_613, %swap3A_614, %swap3A_615] : memref<1x2x2x32x2848xf32, #tpu.memory_space<vmem>>, vector<1x1x1x32x2848xf32>
    %swap3A_617 = vector.shape_cast %swap3A_616 : vector<1x1x1x32x2848xf32> to vector<32x2848xf32>
    %swap3A_618 = vector.shape_cast %add3A_610 : vector<32x2848xf32> to vector<1x1x1x32x2848xf32>
    tpu.vector_store %arg4[%swap3A_611, %swap3A_612, %swap3A_613, %swap3A_614, %swap3A_615], %swap3A_618 {strides = array<i32>} : memref<1x2x2x32x2848xf32, #tpu.memory_space<vmem>>, vector<1x1x1x32x2848xf32>,
    %mul3A_619 = vector.broadcast %convert_element_type3A_17 : vector<1x2848xf32> to vector<32x2848xf32>
    %mul3A_620 = arith.mulf %add3A_610, %mul3A_619 : vector<32x2848xf32>
    %reduce_sum3A_621 = arith.constant dense<0.000000e+00> : vector<32xf32>
    %reduce_sum3A_622 = vector.multi_reduction <add>, %mul3A_620, %reduce_sum3A_621 [1] : vector<32x2848xf32> to vector<32xf32>
    %broadcast_in_dim3A_623 = vector.shape_cast %reduce_sum3A_622 : vector<32xf32> to vector<32x1xf32>
    %add3A_624 = arith.addf %add3A_419, %broadcast_in_dim3A_623 : vector<32x1xf32>
    %mul3A_625 = arith.mulf %mul3A_620, %mul3A_620 : vector<32x2848xf32>
    %reduce_sum3A_626 = arith.constant dense<0.000000e+00> : vector<32xf32>
    %reduce_sum3A_627 = vector.multi_reduction <add>, %mul3A_625, %reduce_sum3A_626 [1] : vector<32x2848xf32> to vector<32xf32>
    %broadcast_in_dim3A_628 = vector.shape_cast %reduce_sum3A_627 : vector<32xf32> to vector<32x1xf32>
    %add3A_629 = arith.addf %add3A_424, %broadcast_in_dim3A_628 : vector<32x1xf32>
    %get3A_630 = arith.constant 0 : index
    %get3A_631 = arith.constant 4 : index
    %get3A_632 = arith.constant 4 : index
    %get3A_633 = arith.constant 0 : index
    %get3A_634 = vector.load %arg1[%get3A_630, %get3A_631, %get3A_632, %get3A_633] : memref<1x8x8x2944xf32, #tpu.memory_space<vmem>>, vector<1x1x1x2848xf32>
    %get3A_635 = vector.shape_cast %get3A_634 : vector<1x1x1x2848xf32> to vector<2848xf32>
    %get3A_636 = arith.constant 0 : index
    %get3A_637 = arith.constant 4 : index
    %get3A_638 = arith.constant 5 : index
    %get3A_639 = arith.constant 0 : index
    %get3A_640 = vector.load %arg1[%get3A_636, %get3A_637, %get3A_638, %get3A_639] : memref<1x8x8x2944xf32, #tpu.memory_space<vmem>>, vector<1x1x1x2848xf32>
    %get3A_641 = vector.shape_cast %get3A_640 : vector<1x1x1x2848xf32> to vector<2848xf32>
    %get3A_642 = arith.constant 0 : index
    %get3A_643 = arith.constant 4 : index
    %get3A_644 = arith.constant 6 : index
    %get3A_645 = arith.constant 0 : index
    %get3A_646 = vector.load %arg1[%get3A_642, %get3A_643, %get3A_644, %get3A_645] : memref<1x8x8x2944xf32, #tpu.memory_space<vmem>>, vector<1x1x1x2848xf32>
    %get3A_647 = vector.shape_cast %get3A_646 : vector<1x1x1x2848xf32> to vector<2848xf32>
    %get3A_648 = arith.constant 0 : index
    %get3A_649 = arith.constant 4 : index
    %get3A_650 = arith.constant 7 : index
    %get3A_651 = arith.constant 0 : index
    %get3A_652 = vector.load %arg1[%get3A_648, %get3A_649, %get3A_650, %get3A_651] : memref<1x8x8x2944xf32, #tpu.memory_space<vmem>>, vector<1x1x1x2848xf32>
    %get3A_653 = vector.shape_cast %get3A_652 : vector<1x1x1x2848xf32> to vector<2848xf32>
    %get3A_654 = arith.constant 0 : index
    %get3A_655 = arith.constant 4 : index
    %get3A_656 = arith.constant 0 : index
    %get3A_657 = arith.constant 1 : index
    %get3A_658 = vector.load %arg1[%get3A_654, %get3A_655, %get3A_656, %get3A_657] : memref<1x8x8x2944xf32, #tpu.memory_space<vmem>>, vector<1x1x1x2848xf32>
    %get3A_659 = vector.shape_cast %get3A_658 : vector<1x1x1x2848xf32> to vector<2848xf32>
    %get3A_660 = arith.constant 0 : index
    %get3A_661 = arith.constant 5 : index
    %get3A_662 = arith.constant 4 : index
    %get3A_663 = arith.constant 0 : index
    %get3A_664 = vector.load %arg1[%get3A_660, %get3A_661, %get3A_662, %get3A_663] : memref<1x8x8x2944xf32, #tpu.memory_space<vmem>>, vector<1x1x1x2848xf32>
    %get3A_665 = vector.shape_cast %get3A_664 : vector<1x1x1x2848xf32> to vector<2848xf32>
    %get3A_666 = arith.constant 0 : index
    %get3A_667 = arith.constant 5 : index
    %get3A_668 = arith.constant 5 : index
    %get3A_669 = arith.constant 0 : index
    %get3A_670 = vector.load %arg1[%get3A_666, %get3A_667, %get3A_668, %get3A_669] : memref<1x8x8x2944xf32, #tpu.memory_space<vmem>>, vector<1x1x1x2848xf32>
    %get3A_671 = vector.shape_cast %get3A_670 : vector<1x1x1x2848xf32> to vector<2848xf32>
    %get3A_672 = arith.constant 0 : index
    %get3A_673 = arith.constant 5 : index
    %get3A_674 = arith.constant 6 : index
    %get3A_675 = arith.constant 0 : index
    %get3A_676 = vector.load %arg1[%get3A_672, %get3A_673, %get3A_674, %get3A_675] : memref<1x8x8x2944xf32, #tpu.memory_space<vmem>>, vector<1x1x1x2848xf32>
    %get3A_677 = vector.shape_cast %get3A_676 : vector<1x1x1x2848xf32> to vector<2848xf32>
    %get3A_678 = arith.constant 0 : index
    %get3A_679 = arith.constant 5 : index
    %get3A_680 = arith.constant 7 : index
    %get3A_681 = arith.constant 0 : index
    %get3A_682 = vector.load %arg1[%get3A_678, %get3A_679, %get3A_680, %get3A_681] : memref<1x8x8x2944xf32, #tpu.memory_space<vmem>>, vector<1x1x1x2848xf32>
    %get3A_683 = vector.shape_cast %get3A_682 : vector<1x1x1x2848xf32> to vector<2848xf32>
    %get3A_684 = arith.constant 0 : index
    %get3A_685 = arith.constant 5 : index
    %get3A_686 = arith.constant 0 : index
    %get3A_687 = arith.constant 1 : index
    %get3A_688 = vector.load %arg1[%get3A_684, %get3A_685, %get3A_686, %get3A_687] : memref<1x8x8x2944xf32, #tpu.memory_space<vmem>>, vector<1x1x1x2848xf32>
    %get3A_689 = vector.shape_cast %get3A_688 : vector<1x1x1x2848xf32> to vector<2848xf32>
    %get3A_690 = arith.constant 0 : index
    %get3A_691 = arith.constant 6 : index
    %get3A_692 = arith.constant 4 : index
    %get3A_693 = arith.constant 0 : index
    %get3A_694 = vector.load %arg1[%get3A_690, %get3A_691, %get3A_692, %get3A_693] : memref<1x8x8x2944xf32, #tpu.memory_space<vmem>>, vector<1x1x1x2848xf32>
    %get3A_695 = vector.shape_cast %get3A_694 : vector<1x1x1x2848xf32> to vector<2848xf32>
    %get3A_696 = arith.constant 0 : index
    %get3A_697 = arith.constant 6 : index
    %get3A_698 = arith.constant 5 : index
    %get3A_699 = arith.constant 0 : index
    %get3A_700 = vector.load %arg1[%get3A_696, %get3A_697, %get3A_698, %get3A_699] : memref<1x8x8x2944xf32, #tpu.memory_space<vmem>>, vector<1x1x1x2848xf32>
    %get3A_701 = vector.shape_cast %get3A_700 : vector<1x1x1x2848xf32> to vector<2848xf32>
    %get3A_702 = arith.constant 0 : index
    %get3A_703 = arith.constant 6 : index
    %get3A_704 = arith.constant 6 : index
    %get3A_705 = arith.constant 0 : index
    %get3A_706 = vector.load %arg1[%get3A_702, %get3A_703, %get3A_704, %get3A_705] : memref<1x8x8x2944xf32, #tpu.memory_space<vmem>>, vector<1x1x1x2848xf32>
    %get3A_707 = vector.shape_cast %get3A_706 : vector<1x1x1x2848xf32> to vector<2848xf32>
    %get3A_708 = arith.constant 0 : index
    %get3A_709 = arith.constant 6 : index
    %get3A_710 = arith.constant 7 : index
    %get3A_711 = arith.constant 0 : index
    %get3A_712 = vector.load %arg1[%get3A_708, %get3A_709, %get3A_710, %get3A_711] : memref<1x8x8x2944xf32, #tpu.memory_space<vmem>>, vector<1x1x1x2848xf32>
    %get3A_713 = vector.shape_cast %get3A_712 : vector<1x1x1x2848xf32> to vector<2848xf32>
    %get3A_714 = arith.constant 0 : index
    %get3A_715 = arith.constant 6 : index
    %get3A_716 = arith.constant 0 : index
    %get3A_717 = arith.constant 1 : index
    %get3A_718 = vector.load %arg1[%get3A_714, %get3A_715, %get3A_716, %get3A_717] : memref<1x8x8x2944xf32, #tpu.memory_space<vmem>>, vector<1x1x1x2848xf32>
    %get3A_719 = vector.shape_cast %get3A_718 : vector<1x1x1x2848xf32> to vector<2848xf32>
    %get3A_720 = arith.constant 0 : index
    %get3A_721 = arith.constant 7 : index
    %get3A_722 = arith.constant 4 : index
    %get3A_723 = arith.constant 0 : index
    %get3A_724 = vector.load %arg1[%get3A_720, %get3A_721, %get3A_722, %get3A_723] : memref<1x8x8x2944xf32, #tpu.memory_space<vmem>>, vector<1x1x1x2848xf32>
    %get3A_725 = vector.shape_cast %get3A_724 : vector<1x1x1x2848xf32> to vector<2848xf32>
    %get3A_726 = arith.constant 0 : index
    %get3A_727 = arith.constant 7 : index
    %get3A_728 = arith.constant 5 : index
    %get3A_729 = arith.constant 0 : index
    %get3A_730 = vector.load %arg1[%get3A_726, %get3A_727, %get3A_728, %get3A_729] : memref<1x8x8x2944xf32, #tpu.memory_space<vmem>>, vector<1x1x1x2848xf32>
    %get3A_731 = vector.shape_cast %get3A_730 : vector<1x1x1x2848xf32> to vector<2848xf32>
    %get3A_732 = arith.constant 0 : index
    %get3A_733 = arith.constant 7 : index
    %get3A_734 = arith.constant 6 : index
    %get3A_735 = arith.constant 0 : index
    %get3A_736 = vector.load %arg1[%get3A_732, %get3A_733, %get3A_734, %get3A_735] : memref<1x8x8x2944xf32, #tpu.memory_space<vmem>>, vector<1x1x1x2848xf32>
    %get3A_737 = vector.shape_cast %get3A_736 : vector<1x1x1x2848xf32> to vector<2848xf32>
    %get3A_738 = arith.constant 0 : index
    %get3A_739 = arith.constant 7 : index
    %get3A_740 = arith.constant 7 : index
    %get3A_741 = arith.constant 0 : index
    %get3A_742 = vector.load %arg1[%get3A_738, %get3A_739, %get3A_740, %get3A_741] : memref<1x8x8x2944xf32, #tpu.memory_space<vmem>>, vector<1x1x1x2848xf32>
    %get3A_743 = vector.shape_cast %get3A_742 : vector<1x1x1x2848xf32> to vector<2848xf32>
    %get3A_744 = arith.constant 0 : index
    %get3A_745 = arith.constant 7 : index
    %get3A_746 = arith.constant 0 : index
    %get3A_747 = arith.constant 1 : index
    %get3A_748 = vector.load %arg1[%get3A_744, %get3A_745, %get3A_746, %get3A_747] : memref<1x8x8x2944xf32, #tpu.memory_space<vmem>>, vector<1x1x1x2848xf32>
    %get3A_749 = vector.shape_cast %get3A_748 : vector<1x1x1x2848xf32> to vector<2848xf32>
    %get3A_750 = arith.constant 0 : index
    %get3A_751 = arith.constant 0 : index
    %get3A_752 = arith.constant 4 : index
    %get3A_753 = arith.constant 89 : index
    %get3A_754 = vector.load %arg1[%get3A_750, %get3A_751, %get3A_752, %get3A_753] : memref<1x8x8x2944xf32, #tpu.memory_space<vmem>>, vector<1x1x1x2848xf32>
    %get3A_755 = vector.shape_cast %get3A_754 : vector<1x1x1x2848xf32> to vector<2848xf32>
    %get3A_756 = arith.constant 0 : index
    %get3A_757 = arith.constant 0 : index
    %get3A_758 = arith.constant 5 : index
    %get3A_759 = arith.constant 89 : index
    %get3A_760 = vector.load %arg1[%get3A_756, %get3A_757, %get3A_758, %get3A_759] : memref<1x8x8x2944xf32, #tpu.memory_space<vmem>>, vector<1x1x1x2848xf32>
    %get3A_761 = vector.shape_cast %get3A_760 : vector<1x1x1x2848xf32> to vector<2848xf32>
    %get3A_762 = arith.constant 0 : index
    %get3A_763 = arith.constant 0 : index
    %get3A_764 = arith.constant 6 : index
    %get3A_765 = arith.constant 89 : index
    %get3A_766 = vector.load %arg1[%get3A_762, %get3A_763, %get3A_764, %get3A_765] : memref<1x8x8x2944xf32, #tpu.memory_space<vmem>>, vector<1x1x1x2848xf32>
    %get3A_767 = vector.shape_cast %get3A_766 : vector<1x1x1x2848xf32> to vector<2848xf32>
    %get3A_768 = arith.constant 0 : index
    %get3A_769 = arith.constant 0 : index
    %get3A_770 = arith.constant 7 : index
    %get3A_771 = arith.constant 89 : index
    %get3A_772 = vector.load %arg1[%get3A_768, %get3A_769, %get3A_770, %get3A_771] : memref<1x8x8x2944xf32, #tpu.memory_space<vmem>>, vector<1x1x1x2848xf32>
    %get3A_773 = vector.shape_cast %get3A_772 : vector<1x1x1x2848xf32> to vector<2848xf32>
    %get3A_774 = arith.constant 0 : index
    %get3A_775 = arith.constant 0 : index
    %get3A_776 = arith.constant 0 : index
    %get3A_777 = arith.constant 90 : index
    %get3A_778 = vector.load %arg1[%get3A_774, %get3A_775, %get3A_776, %get3A_777] : memref<1x8x8x2944xf32, #tpu.memory_space<vmem>>, vector<1x1x1x2848xf32>
    %get3A_779 = vector.shape_cast %get3A_778 : vector<1x1x1x2848xf32> to vector<2848xf32>
    %stack3A_780 = vector.shape_cast %get3A_635 : vector<2848xf32> to vector<1x2848xf32>
    %stack3A_781 = vector.shape_cast %get3A_641 : vector<2848xf32> to vector<1x2848xf32>
    %stack3A_782 = vector.shape_cast %get3A_647 : vector<2848xf32> to vector<1x2848xf32>
    %stack3A_783 = vector.shape_cast %get3A_653 : vector<2848xf32> to vector<1x2848xf32>
    %stack3A_784 = vector.shape_cast %get3A_659 : vector<2848xf32> to vector<1x2848xf32>
    %stack3A_785 = vector.shape_cast %get3A_665 : vector<2848xf32> to vector<1x2848xf32>
    %stack3A_786 = vector.shape_cast %get3A_671 : vector<2848xf32> to vector<1x2848xf32>
    %stack3A_787 = vector.shape_cast %get3A_677 : vector<2848xf32> to vector<1x2848xf32>
    %stack3A_788 = vector.shape_cast %get3A_683 : vector<2848xf32> to vector<1x2848xf32>
    %stack3A_789 = vector.shape_cast %get3A_689 : vector<2848xf32> to vector<1x2848xf32>
    %stack3A_790 = vector.shape_cast %get3A_695 : vector<2848xf32> to vector<1x2848xf32>
    %stack3A_791 = vector.shape_cast %get3A_701 : vector<2848xf32> to vector<1x2848xf32>
    %stack3A_792 = vector.shape_cast %get3A_707 : vector<2848xf32> to vector<1x2848xf32>
    %stack3A_793 = vector.shape_cast %get3A_713 : vector<2848xf32> to vector<1x2848xf32>
    %stack3A_794 = vector.shape_cast %get3A_719 : vector<2848xf32> to vector<1x2848xf32>
    %stack3A_795 = vector.shape_cast %get3A_725 : vector<2848xf32> to vector<1x2848xf32>
    %stack3A_796 = vector.shape_cast %get3A_731 : vector<2848xf32> to vector<1x2848xf32>
    %stack3A_797 = vector.shape_cast %get3A_737 : vector<2848xf32> to vector<1x2848xf32>
    %stack3A_798 = vector.shape_cast %get3A_743 : vector<2848xf32> to vector<1x2848xf32>
    %stack3A_799 = vector.shape_cast %get3A_749 : vector<2848xf32> to vector<1x2848xf32>
    %stack3A_800 = vector.shape_cast %get3A_755 : vector<2848xf32> to vector<1x2848xf32>
    %stack3A_801 = vector.shape_cast %get3A_761 : vector<2848xf32> to vector<1x2848xf32>
    %stack3A_802 = vector.shape_cast %get3A_767 : vector<2848xf32> to vector<1x2848xf32>
    %stack3A_803 = vector.shape_cast %get3A_773 : vector<2848xf32> to vector<1x2848xf32>
    %stack3A_804 = vector.shape_cast %get3A_779 : vector<2848xf32> to vector<1x2848xf32>
    %stack3A_805 = tpu.concatenate %stack3A_780, %stack3A_781, %stack3A_782, %stack3A_783, %stack3A_784, %stack3A_785, %stack3A_786, %stack3A_787, %stack3A_788, %stack3A_789, %stack3A_790, %stack3A_791, %stack3A_792, %stack3A_793, %stack3A_794, %stack3A_795, %stack3A_796, %stack3A_797, %stack3A_798, %stack3A_799, %stack3A_800, %stack3A_801, %stack3A_802, %stack3A_803, %stack3A_804 in 0 : vector<1x2848xf32>, vector<1x2848xf32>, vector<1x2848xf32>, vector<1x2848xf32>, vector<1x2848xf32>, vector<1x2848xf32>, vector<1x2848xf32>, vector<1x2848xf32>, vector<1x2848xf32>, vector<1x2848xf32>, vector<1x2848xf32>, vector<1x2848xf32>, vector<1x2848xf32>, vector<1x2848xf32>, vector<1x2848xf32>, vector<1x2848xf32>, vector<1x2848xf32>, vector<1x2848xf32>, vector<1x2848xf32>, vector<1x2848xf32>, vector<1x2848xf32>, vector<1x2848xf32>, vector<1x2848xf32>, vector<1x2848xf32>, vector<1x2848xf32> -> vector<25x2848xf32>
    %get3A_806 = arith.constant 0 : index
    %get3A_807 = arith.constant 0 : index
    %get3A_808 = vector.load %arg2[%get3A_806, %get3A_807] : memref<32x25xf32, #tpu.memory_space<vmem>>, vector<32x25xf32>
    %dot_general3A_809 = arith.constant dense<0.000000e+00> : vector<32x2848xf32>
    %dot_general3A_810 = tpu.matmul %get3A_808, %stack3A_805, %dot_general3A_809 {dimension_numbers = #tpu.dot_dimension_numbers<[1], [0], [0], [1], [0, 0, 1, 1], [], []>, transpose_lhs_hint = false} : vector<32x25xf32>, vector<25x2848xf32>, vector<32x2848xf32> -> vector<32x2848xf32>
    %get3A_811 = arith.constant 0 : index
    %get3A_812 = arith.constant 0 : index
    %get3A_813 = vector.load %arg3[%get3A_811, %get3A_812] : memref<32x1xf32, #tpu.memory_space<vmem>>, vector<32x1xf32>
    %add3A_814 = vector.broadcast %get3A_813 : vector<32x1xf32> to vector<32x2848xf32>
    %add3A_815 = arith.addf %dot_general3A_810, %add3A_814 : vector<32x2848xf32>
    %swap3A_816 = arith.constant 0 : index
    %swap3A_817 = arith.constant 1 : index
    %swap3A_818 = arith.constant 1 : index
    %swap3A_819 = arith.constant 0 : index
    %swap3A_820 = arith.constant 0 : index
    %swap3A_821 = vector.load %arg4[%swap3A_816, %swap3A_817, %swap3A_818, %swap3A_819, %swap3A_820] : memref<1x2x2x32x2848xf32, #tpu.memory_space<vmem>>, vector<1x1x1x32x2848xf32>
    %swap3A_822 = vector.shape_cast %swap3A_821 : vector<1x1x1x32x2848xf32> to vector<32x2848xf32>
    %swap3A_823 = vector.shape_cast %add3A_815 : vector<32x2848xf32> to vector<1x1x1x32x2848xf32>
    tpu.vector_store %arg4[%swap3A_816, %swap3A_817, %swap3A_818, %swap3A_819, %swap3A_820], %swap3A_823 {strides = array<i32>} : memref<1x2x2x32x2848xf32, #tpu.memory_space<vmem>>, vector<1x1x1x32x2848xf32>,
    %mul3A_824 = vector.broadcast %convert_element_type3A_17 : vector<1x2848xf32> to vector<32x2848xf32>
    %mul3A_825 = arith.mulf %add3A_815, %mul3A_824 : vector<32x2848xf32>
    %reduce_sum3A_826 = arith.constant dense<0.000000e+00> : vector<32xf32>
    %reduce_sum3A_827 = vector.multi_reduction <add>, %mul3A_825, %reduce_sum3A_826 [1] : vector<32x2848xf32> to vector<32xf32>
    %broadcast_in_dim3A_828 = vector.shape_cast %reduce_sum3A_827 : vector<32xf32> to vector<32x1xf32>
    %add3A_829 = arith.addf %add3A_624, %broadcast_in_dim3A_828 : vector<32x1xf32>
    %mul3A_830 = arith.mulf %mul3A_825, %mul3A_825 : vector<32x2848xf32>
    %reduce_sum3A_831 = arith.constant dense<0.000000e+00> : vector<32xf32>
    %reduce_sum3A_832 = vector.multi_reduction <add>, %mul3A_830, %reduce_sum3A_831 [1] : vector<32x2848xf32> to vector<32xf32>
    %broadcast_in_dim3A_833 = vector.shape_cast %reduce_sum3A_832 : vector<32xf32> to vector<32x1xf32>
    %add3A_834 = arith.addf %add3A_629, %broadcast_in_dim3A_833 : vector<32x1xf32>
    %concatenate3A = tpu.concatenate %add3A_829, %add3A_834 in 1 : vector<32x1xf32>, vector<32x1xf32> -> vector<32x2xf32>
    %swap3A_835 = arith.constant 0 : index
    %swap3A_836 = arith.constant 0 : index
    %swap3A_837 = arith.constant 0 : index
    %swap3A_838 = vector.load %arg5[%swap3A_835, %swap3A_836, %swap3A_837] : memref<1x32x2xf32, #tpu.memory_space<vmem>>, vector<1x32x2xf32>
    %swap3A_839 = vector.shape_cast %swap3A_838 : vector<1x32x2xf32> to vector<32x2xf32>
    %swap3A_840 = vector.shape_cast %concatenate3A : vector<32x2xf32> to vector<1x32x2xf32>
    tpu.vector_store %arg5[%swap3A_835, %swap3A_836, %swap3A_837], %swap3A_840 {strides = array<i32>} : memref<1x32x2xf32, #tpu.memory_space<vmem>>, vector<1x32x2xf32>,
    return
  }
  func.func @transform_0(%arg0: i32) -> (i32, i32, i32, i32) {
    %c0_i32 = arith.constant 0 : i32
    %c0_i32_0 = arith.constant 0 : i32
    %c0_i32_1 = arith.constant 0 : i32
    %c0_i32_2 = arith.constant 0 : i32
    return %arg0, %c0_i32, %c0_i32_0, %c0_i32_1 : i32, i32, i32, i32
  }
  func.func @transform_1(%arg0: i32) -> (i32, i32) {
    %c0_i32 = arith.constant 0 : i32
    %c0_i32_0 = arith.constant 0 : i32
    %c0_i32_1 = arith.constant 0 : i32
    return %c0_i32, %c0_i32_0 : i32, i32
  }
  func.func @transform_2(%arg0: i32) -> (i32, i32) {
    %c0_i32 = arith.constant 0 : i32
    %c0_i32_0 = arith.constant 0 : i32
    %c0_i32_1 = arith.constant 0 : i32
    return %c0_i32, %c0_i32_0 : i32, i32
  }
  func.func @transform_3(%arg0: i32) -> (i32, i32, i32, i32, i32) {
    %c0_i32 = arith.constant 0 : i32
    %c0_i32_0 = arith.constant 0 : i32
    %c0_i32_1 = arith.constant 0 : i32
    %c0_i32_2 = arith.constant 0 : i32
    %c0_i32_3 = arith.constant 0 : i32
    return %arg0, %c0_i32, %c0_i32_0, %c0_i32_1, %c0_i32_2 : i32, i32, i32, i32, i32
  }
  func.func @transform_4(%arg0: i32) -> (i32, i32, i32) {
    %c0_i32 = arith.constant 0 : i32
    %c0_i32_0 = arith.constant 0 : i32
    %c0_i32_1 = arith.constant 0 : i32
    return %arg0, %c0_i32, %c0_i32_0 : i32, i32, i32
  }
}

module attributes {stable_mosaic.version = 14 : i64} {
  func.func @_k4_conv2(%arg0: i32, %arg1: memref<1x2x2x32x2848xf32, #tpu.memory_space<vmem>>, %arg2: memref<32x1xf32, #tpu.memory_space<vmem>>, %arg3: memref<32x1xf32, #tpu.memory_space<vmem>>, %arg4: memref<64x800xf32, #tpu.memory_space<vmem>>, %arg5: memref<64x1xf32, #tpu.memory_space<vmem>>, %arg6: memref<1x64x3060xf32, #tpu.memory_space<vmem>>, %arg7: memref<1x64x2xf32, #tpu.memory_space<vmem>>, %arg8: memref<2x2x32x3242xf32, #tpu.memory_space<vmem>>) attributes {dimension_semantics = [#tpu.dimension_semantics<arbitrary>], iteration_bounds = array<i64: 6>, scalar_prefetch = 0 : i64, scratch_operands = 1 : i64, tpu.core_type = #tpu.core_type<tc>, window_params = [{transform_indices = @transform_0, window_bounds = array<i64: 1, 2, 2, 32, 2848>}, {pipeline_mode = #tpu.pipeline_mode<synchronous>, transform_indices = @transform_1, window_bounds = array<i64: 32, 1>}, {pipeline_mode = #tpu.pipeline_mode<synchronous>, transform_indices = @transform_2, window_bounds = array<i64: 32, 1>}, {pipeline_mode = #tpu.pipeline_mode<synchronous>, transform_indices = @transform_3, window_bounds = array<i64: 64, 800>}, {pipeline_mode = #tpu.pipeline_mode<synchronous>, transform_indices = @transform_4, window_bounds = array<i64: 64, 1>}, {transform_indices = @transform_5, window_bounds = array<i64: 1, 64, 3060>}, {transform_indices = @transform_6, window_bounds = array<i64: 1, 64, 2>}]} {
    %broadcast_in_dim3A = arith.constant 0.000000e+00 : f32
    %broadcast_in_dim3A_0 = vector.broadcast %broadcast_in_dim3A : f32 to vector<2x2x32x3242xf32>
    %swap3A = arith.constant 0 : index
    %swap3A_1 = arith.constant 0 : index
    %swap3A_2 = arith.constant 0 : index
    %swap3A_3 = arith.constant 0 : index
    %swap3A_4 = vector.load %arg8[%swap3A, %swap3A_1, %swap3A_2, %swap3A_3] : memref<2x2x32x3242xf32, #tpu.memory_space<vmem>>, vector<2x2x32x3242xf32>
    tpu.vector_store %arg8[%swap3A, %swap3A_1, %swap3A_2, %swap3A_3], %broadcast_in_dim3A_0 {strides = array<i32>} : memref<2x2x32x3242xf32, #tpu.memory_space<vmem>>, vector<2x2x32x3242xf32>,
    %get3A = arith.constant 0 : index
    %get3A_5 = arith.constant 0 : index
    %get3A_6 = arith.constant 0 : index
    %get3A_7 = arith.constant 0 : index
    %get3A_8 = arith.constant 0 : index
    %get3A_9 = vector.load %arg1[%get3A, %get3A_5, %get3A_6, %get3A_7, %get3A_8] : memref<1x2x2x32x2848xf32, #tpu.memory_space<vmem>>, vector<1x1x1x32x2848xf32>
    %get3A_10 = vector.shape_cast %get3A_9 : vector<1x1x1x32x2848xf32> to vector<32x2848xf32>
    %get3A_11 = arith.constant 0 : index
    %get3A_12 = arith.constant 0 : index
    %get3A_13 = vector.load %arg2[%get3A_11, %get3A_12] : memref<32x1xf32, #tpu.memory_space<vmem>>, vector<32x1xf32>
    %mul3A = vector.broadcast %get3A_13 : vector<32x1xf32> to vector<32x2848xf32>
    %mul3A_14 = arith.mulf %get3A_10, %mul3A : vector<32x2848xf32>
    %get3A_15 = arith.constant 0 : index
    %get3A_16 = arith.constant 0 : index
    %get3A_17 = vector.load %arg3[%get3A_15, %get3A_16] : memref<32x1xf32, #tpu.memory_space<vmem>>, vector<32x1xf32>
    %add3A = vector.broadcast %get3A_17 : vector<32x1xf32> to vector<32x2848xf32>
    %add3A_18 = arith.addf %mul3A_14, %add3A : vector<32x2848xf32>
    %max3A = arith.constant 0.000000e+00 : f32
    %max3A_19 = vector.broadcast %max3A : f32 to vector<32x2848xf32>
    %max3A_20 = arith.maximumf %add3A_18, %max3A_19 : vector<32x2848xf32>
    %slice3A = vector.extract_strided_slice %max3A_20 {offsets = [0, 0], sizes = [32, 88], strides = [1, 1]} : vector<32x2848xf32> to vector<32x88xf32>
    %swap3A_21 = arith.constant 0 : index
    %swap3A_22 = arith.constant 0 : index
    %swap3A_23 = arith.constant 0 : index
    %swap3A_24 = arith.constant 91 : index
    %swap3A_25 = vector.load %arg8[%swap3A_21, %swap3A_22, %swap3A_23, %swap3A_24] : memref<2x2x32x3242xf32, #tpu.memory_space<vmem>>, vector<1x1x32x88xf32>
    %swap3A_26 = vector.shape_cast %swap3A_25 : vector<1x1x32x88xf32> to vector<32x88xf32>
    %swap3A_27 = vector.shape_cast %slice3A : vector<32x88xf32> to vector<1x1x32x88xf32>
    tpu.vector_store %arg8[%swap3A_21, %swap3A_22, %swap3A_23, %swap3A_24], %swap3A_27 {strides = array<i32>} : memref<2x2x32x3242xf32, #tpu.memory_space<vmem>>, vector<1x1x32x88xf32>,
    %slice3A_28 = vector.extract_strided_slice %max3A_20 {offsets = [0, 89], sizes = [32, 88], strides = [1, 1]} : vector<32x2848xf32> to vector<32x88xf32>
    %swap3A_29 = arith.constant 0 : index
    %swap3A_30 = arith.constant 0 : index
    %swap3A_31 = arith.constant 0 : index
    %swap3A_32 = arith.constant 181 : index
    %swap3A_33 = vector.load %arg8[%swap3A_29, %swap3A_30, %swap3A_31, %swap3A_32] : memref<2x2x32x3242xf32, #tpu.memory_space<vmem>>, vector<1x1x32x88xf32>
    %swap3A_34 = vector.shape_cast %swap3A_33 : vector<1x1x32x88xf32> to vector<32x88xf32>
    %swap3A_35 = vector.shape_cast %slice3A_28 : vector<32x88xf32> to vector<1x1x32x88xf32>
    tpu.vector_store %arg8[%swap3A_29, %swap3A_30, %swap3A_31, %swap3A_32], %swap3A_35 {strides = array<i32>} : memref<2x2x32x3242xf32, #tpu.memory_space<vmem>>, vector<1x1x32x88xf32>,
    %slice3A_36 = vector.extract_strided_slice %max3A_20 {offsets = [0, 178], sizes = [32, 88], strides = [1, 1]} : vector<32x2848xf32> to vector<32x88xf32>
    %swap3A_37 = arith.constant 0 : index
    %swap3A_38 = arith.constant 0 : index
    %swap3A_39 = arith.constant 0 : index
    %swap3A_40 = arith.constant 271 : index
    %swap3A_41 = vector.load %arg8[%swap3A_37, %swap3A_38, %swap3A_39, %swap3A_40] : memref<2x2x32x3242xf32, #tpu.memory_space<vmem>>, vector<1x1x32x88xf32>
    %swap3A_42 = vector.shape_cast %swap3A_41 : vector<1x1x32x88xf32> to vector<32x88xf32>
    %swap3A_43 = vector.shape_cast %slice3A_36 : vector<32x88xf32> to vector<1x1x32x88xf32>
    tpu.vector_store %arg8[%swap3A_37, %swap3A_38, %swap3A_39, %swap3A_40], %swap3A_43 {strides = array<i32>} : memref<2x2x32x3242xf32, #tpu.memory_space<vmem>>, vector<1x1x32x88xf32>,
    %slice3A_44 = vector.extract_strided_slice %max3A_20 {offsets = [0, 267], sizes = [32, 88], strides = [1, 1]} : vector<32x2848xf32> to vector<32x88xf32>
    %swap3A_45 = arith.constant 0 : index
    %swap3A_46 = arith.constant 0 : index
    %swap3A_47 = arith.constant 0 : index
    %swap3A_48 = arith.constant 361 : index
    %swap3A_49 = vector.load %arg8[%swap3A_45, %swap3A_46, %swap3A_47, %swap3A_48] : memref<2x2x32x3242xf32, #tpu.memory_space<vmem>>, vector<1x1x32x88xf32>
    %swap3A_50 = vector.shape_cast %swap3A_49 : vector<1x1x32x88xf32> to vector<32x88xf32>
    %swap3A_51 = vector.shape_cast %slice3A_44 : vector<32x88xf32> to vector<1x1x32x88xf32>
    tpu.vector_store %arg8[%swap3A_45, %swap3A_46, %swap3A_47, %swap3A_48], %swap3A_51 {strides = array<i32>} : memref<2x2x32x3242xf32, #tpu.memory_space<vmem>>, vector<1x1x32x88xf32>,
    %slice3A_52 = vector.extract_strided_slice %max3A_20 {offsets = [0, 356], sizes = [32, 88], strides = [1, 1]} : vector<32x2848xf32> to vector<32x88xf32>
    %swap3A_53 = arith.constant 0 : index
    %swap3A_54 = arith.constant 0 : index
    %swap3A_55 = arith.constant 0 : index
    %swap3A_56 = arith.constant 451 : index
    %swap3A_57 = vector.load %arg8[%swap3A_53, %swap3A_54, %swap3A_55, %swap3A_56] : memref<2x2x32x3242xf32, #tpu.memory_space<vmem>>, vector<1x1x32x88xf32>
    %swap3A_58 = vector.shape_cast %swap3A_57 : vector<1x1x32x88xf32> to vector<32x88xf32>
    %swap3A_59 = vector.shape_cast %slice3A_52 : vector<32x88xf32> to vector<1x1x32x88xf32>
    tpu.vector_store %arg8[%swap3A_53, %swap3A_54, %swap3A_55, %swap3A_56], %swap3A_59 {strides = array<i32>} : memref<2x2x32x3242xf32, #tpu.memory_space<vmem>>, vector<1x1x32x88xf32>,
    %slice3A_60 = vector.extract_strided_slice %max3A_20 {offsets = [0, 445], sizes = [32, 88], strides = [1, 1]} : vector<32x2848xf32> to vector<32x88xf32>
    %swap3A_61 = arith.constant 0 : index
    %swap3A_62 = arith.constant 0 : index
    %swap3A_63 = arith.constant 0 : index
    %swap3A_64 = arith.constant 541 : index
    %swap3A_65 = vector.load %arg8[%swap3A_61, %swap3A_62, %swap3A_63, %swap3A_64] : memref<2x2x32x3242xf32, #tpu.memory_space<vmem>>, vector<1x1x32x88xf32>
    %swap3A_66 = vector.shape_cast %swap3A_65 : vector<1x1x32x88xf32> to vector<32x88xf32>
    %swap3A_67 = vector.shape_cast %slice3A_60 : vector<32x88xf32> to vector<1x1x32x88xf32>
    tpu.vector_store %arg8[%swap3A_61, %swap3A_62, %swap3A_63, %swap3A_64], %swap3A_67 {strides = array<i32>} : memref<2x2x32x3242xf32, #tpu.memory_space<vmem>>, vector<1x1x32x88xf32>,
    %slice3A_68 = vector.extract_strided_slice %max3A_20 {offsets = [0, 534], sizes = [32, 88], strides = [1, 1]} : vector<32x2848xf32> to vector<32x88xf32>
    %swap3A_69 = arith.constant 0 : index
    %swap3A_70 = arith.constant 0 : index
    %swap3A_71 = arith.constant 0 : index
    %swap3A_72 = arith.constant 631 : index
    %swap3A_73 = vector.load %arg8[%swap3A_69, %swap3A_70, %swap3A_71, %swap3A_72] : memref<2x2x32x3242xf32, #tpu.memory_space<vmem>>, vector<1x1x32x88xf32>
    %swap3A_74 = vector.shape_cast %swap3A_73 : vector<1x1x32x88xf32> to vector<32x88xf32>
    %swap3A_75 = vector.shape_cast %slice3A_68 : vector<32x88xf32> to vector<1x1x32x88xf32>
    tpu.vector_store %arg8[%swap3A_69, %swap3A_70, %swap3A_71, %swap3A_72], %swap3A_75 {strides = array<i32>} : memref<2x2x32x3242xf32, #tpu.memory_space<vmem>>, vector<1x1x32x88xf32>,
    %slice3A_76 = vector.extract_strided_slice %max3A_20 {offsets = [0, 623], sizes = [32, 88], strides = [1, 1]} : vector<32x2848xf32> to vector<32x88xf32>
    %swap3A_77 = arith.constant 0 : index
    %swap3A_78 = arith.constant 0 : index
    %swap3A_79 = arith.constant 0 : index
    %swap3A_80 = arith.constant 721 : index
    %swap3A_81 = vector.load %arg8[%swap3A_77, %swap3A_78, %swap3A_79, %swap3A_80] : memref<2x2x32x3242xf32, #tpu.memory_space<vmem>>, vector<1x1x32x88xf32>
    %swap3A_82 = vector.shape_cast %swap3A_81 : vector<1x1x32x88xf32> to vector<32x88xf32>
    %swap3A_83 = vector.shape_cast %slice3A_76 : vector<32x88xf32> to vector<1x1x32x88xf32>
    tpu.vector_store %arg8[%swap3A_77, %swap3A_78, %swap3A_79, %swap3A_80], %swap3A_83 {strides = array<i32>} : memref<2x2x32x3242xf32, #tpu.memory_space<vmem>>, vector<1x1x32x88xf32>,
    %slice3A_84 = vector.extract_strided_slice %max3A_20 {offsets = [0, 712], sizes = [32, 88], strides = [1, 1]} : vector<32x2848xf32> to vector<32x88xf32>
    %swap3A_85 = arith.constant 0 : index
    %swap3A_86 = arith.constant 0 : index
    %swap3A_87 = arith.constant 0 : index
    %swap3A_88 = arith.constant 811 : index
    %swap3A_89 = vector.load %arg8[%swap3A_85, %swap3A_86, %swap3A_87, %swap3A_88] : memref<2x2x32x3242xf32, #tpu.memory_space<vmem>>, vector<1x1x32x88xf32>
    %swap3A_90 = vector.shape_cast %swap3A_89 : vector<1x1x32x88xf32> to vector<32x88xf32>
    %swap3A_91 = vector.shape_cast %slice3A_84 : vector<32x88xf32> to vector<1x1x32x88xf32>
    tpu.vector_store %arg8[%swap3A_85, %swap3A_86, %swap3A_87, %swap3A_88], %swap3A_91 {strides = array<i32>} : memref<2x2x32x3242xf32, #tpu.memory_space<vmem>>, vector<1x1x32x88xf32>,
    %slice3A_92 = vector.extract_strided_slice %max3A_20 {offsets = [0, 801], sizes = [32, 88], strides = [1, 1]} : vector<32x2848xf32> to vector<32x88xf32>
    %swap3A_93 = arith.constant 0 : index
    %swap3A_94 = arith.constant 0 : index
    %swap3A_95 = arith.constant 0 : index
    %swap3A_96 = arith.constant 901 : index
    %swap3A_97 = vector.load %arg8[%swap3A_93, %swap3A_94, %swap3A_95, %swap3A_96] : memref<2x2x32x3242xf32, #tpu.memory_space<vmem>>, vector<1x1x32x88xf32>
    %swap3A_98 = vector.shape_cast %swap3A_97 : vector<1x1x32x88xf32> to vector<32x88xf32>
    %swap3A_99 = vector.shape_cast %slice3A_92 : vector<32x88xf32> to vector<1x1x32x88xf32>
    tpu.vector_store %arg8[%swap3A_93, %swap3A_94, %swap3A_95, %swap3A_96], %swap3A_99 {strides = array<i32>} : memref<2x2x32x3242xf32, #tpu.memory_space<vmem>>, vector<1x1x32x88xf32>,
    %slice3A_100 = vector.extract_strided_slice %max3A_20 {offsets = [0, 890], sizes = [32, 88], strides = [1, 1]} : vector<32x2848xf32> to vector<32x88xf32>
    %swap3A_101 = arith.constant 0 : index
    %swap3A_102 = arith.constant 0 : index
    %swap3A_103 = arith.constant 0 : index
    %swap3A_104 = arith.constant 991 : index
    %swap3A_105 = vector.load %arg8[%swap3A_101, %swap3A_102, %swap3A_103, %swap3A_104] : memref<2x2x32x3242xf32, #tpu.memory_space<vmem>>, vector<1x1x32x88xf32>
    %swap3A_106 = vector.shape_cast %swap3A_105 : vector<1x1x32x88xf32> to vector<32x88xf32>
    %swap3A_107 = vector.shape_cast %slice3A_100 : vector<32x88xf32> to vector<1x1x32x88xf32>
    tpu.vector_store %arg8[%swap3A_101, %swap3A_102, %swap3A_103, %swap3A_104], %swap3A_107 {strides = array<i32>} : memref<2x2x32x3242xf32, #tpu.memory_space<vmem>>, vector<1x1x32x88xf32>,
    %slice3A_108 = vector.extract_strided_slice %max3A_20 {offsets = [0, 979], sizes = [32, 88], strides = [1, 1]} : vector<32x2848xf32> to vector<32x88xf32>
    %swap3A_109 = arith.constant 0 : index
    %swap3A_110 = arith.constant 0 : index
    %swap3A_111 = arith.constant 0 : index
    %swap3A_112 = arith.constant 1081 : index
    %swap3A_113 = vector.load %arg8[%swap3A_109, %swap3A_110, %swap3A_111, %swap3A_112] : memref<2x2x32x3242xf32, #tpu.memory_space<vmem>>, vector<1x1x32x88xf32>
    %swap3A_114 = vector.shape_cast %swap3A_113 : vector<1x1x32x88xf32> to vector<32x88xf32>
    %swap3A_115 = vector.shape_cast %slice3A_108 : vector<32x88xf32> to vector<1x1x32x88xf32>
    tpu.vector_store %arg8[%swap3A_109, %swap3A_110, %swap3A_111, %swap3A_112], %swap3A_115 {strides = array<i32>} : memref<2x2x32x3242xf32, #tpu.memory_space<vmem>>, vector<1x1x32x88xf32>,
    %slice3A_116 = vector.extract_strided_slice %max3A_20 {offsets = [0, 1068], sizes = [32, 88], strides = [1, 1]} : vector<32x2848xf32> to vector<32x88xf32>
    %swap3A_117 = arith.constant 0 : index
    %swap3A_118 = arith.constant 0 : index
    %swap3A_119 = arith.constant 0 : index
    %swap3A_120 = arith.constant 1171 : index
    %swap3A_121 = vector.load %arg8[%swap3A_117, %swap3A_118, %swap3A_119, %swap3A_120] : memref<2x2x32x3242xf32, #tpu.memory_space<vmem>>, vector<1x1x32x88xf32>
    %swap3A_122 = vector.shape_cast %swap3A_121 : vector<1x1x32x88xf32> to vector<32x88xf32>
    %swap3A_123 = vector.shape_cast %slice3A_116 : vector<32x88xf32> to vector<1x1x32x88xf32>
    tpu.vector_store %arg8[%swap3A_117, %swap3A_118, %swap3A_119, %swap3A_120], %swap3A_123 {strides = array<i32>} : memref<2x2x32x3242xf32, #tpu.memory_space<vmem>>, vector<1x1x32x88xf32>,
    %slice3A_124 = vector.extract_strided_slice %max3A_20 {offsets = [0, 1157], sizes = [32, 88], strides = [1, 1]} : vector<32x2848xf32> to vector<32x88xf32>
    %swap3A_125 = arith.constant 0 : index
    %swap3A_126 = arith.constant 0 : index
    %swap3A_127 = arith.constant 0 : index
    %swap3A_128 = arith.constant 1261 : index
    %swap3A_129 = vector.load %arg8[%swap3A_125, %swap3A_126, %swap3A_127, %swap3A_128] : memref<2x2x32x3242xf32, #tpu.memory_space<vmem>>, vector<1x1x32x88xf32>
    %swap3A_130 = vector.shape_cast %swap3A_129 : vector<1x1x32x88xf32> to vector<32x88xf32>
    %swap3A_131 = vector.shape_cast %slice3A_124 : vector<32x88xf32> to vector<1x1x32x88xf32>
    tpu.vector_store %arg8[%swap3A_125, %swap3A_126, %swap3A_127, %swap3A_128], %swap3A_131 {strides = array<i32>} : memref<2x2x32x3242xf32, #tpu.memory_space<vmem>>, vector<1x1x32x88xf32>,
    %slice3A_132 = vector.extract_strided_slice %max3A_20 {offsets = [0, 1246], sizes = [32, 88], strides = [1, 1]} : vector<32x2848xf32> to vector<32x88xf32>
    %swap3A_133 = arith.constant 0 : index
    %swap3A_134 = arith.constant 0 : index
    %swap3A_135 = arith.constant 0 : index
    %swap3A_136 = arith.constant 1351 : index
    %swap3A_137 = vector.load %arg8[%swap3A_133, %swap3A_134, %swap3A_135, %swap3A_136] : memref<2x2x32x3242xf32, #tpu.memory_space<vmem>>, vector<1x1x32x88xf32>
    %swap3A_138 = vector.shape_cast %swap3A_137 : vector<1x1x32x88xf32> to vector<32x88xf32>
    %swap3A_139 = vector.shape_cast %slice3A_132 : vector<32x88xf32> to vector<1x1x32x88xf32>
    tpu.vector_store %arg8[%swap3A_133, %swap3A_134, %swap3A_135, %swap3A_136], %swap3A_139 {strides = array<i32>} : memref<2x2x32x3242xf32, #tpu.memory_space<vmem>>, vector<1x1x32x88xf32>,
    %slice3A_140 = vector.extract_strided_slice %max3A_20 {offsets = [0, 1335], sizes = [32, 88], strides = [1, 1]} : vector<32x2848xf32> to vector<32x88xf32>
    %swap3A_141 = arith.constant 0 : index
    %swap3A_142 = arith.constant 0 : index
    %swap3A_143 = arith.constant 0 : index
    %swap3A_144 = arith.constant 1441 : index
    %swap3A_145 = vector.load %arg8[%swap3A_141, %swap3A_142, %swap3A_143, %swap3A_144] : memref<2x2x32x3242xf32, #tpu.memory_space<vmem>>, vector<1x1x32x88xf32>
    %swap3A_146 = vector.shape_cast %swap3A_145 : vector<1x1x32x88xf32> to vector<32x88xf32>
    %swap3A_147 = vector.shape_cast %slice3A_140 : vector<32x88xf32> to vector<1x1x32x88xf32>
    tpu.vector_store %arg8[%swap3A_141, %swap3A_142, %swap3A_143, %swap3A_144], %swap3A_147 {strides = array<i32>} : memref<2x2x32x3242xf32, #tpu.memory_space<vmem>>, vector<1x1x32x88xf32>,
    %slice3A_148 = vector.extract_strided_slice %max3A_20 {offsets = [0, 1424], sizes = [32, 88], strides = [1, 1]} : vector<32x2848xf32> to vector<32x88xf32>
    %swap3A_149 = arith.constant 0 : index
    %swap3A_150 = arith.constant 0 : index
    %swap3A_151 = arith.constant 0 : index
    %swap3A_152 = arith.constant 1531 : index
    %swap3A_153 = vector.load %arg8[%swap3A_149, %swap3A_150, %swap3A_151, %swap3A_152] : memref<2x2x32x3242xf32, #tpu.memory_space<vmem>>, vector<1x1x32x88xf32>
    %swap3A_154 = vector.shape_cast %swap3A_153 : vector<1x1x32x88xf32> to vector<32x88xf32>
    %swap3A_155 = vector.shape_cast %slice3A_148 : vector<32x88xf32> to vector<1x1x32x88xf32>
    tpu.vector_store %arg8[%swap3A_149, %swap3A_150, %swap3A_151, %swap3A_152], %swap3A_155 {strides = array<i32>} : memref<2x2x32x3242xf32, #tpu.memory_space<vmem>>, vector<1x1x32x88xf32>,
    %slice3A_156 = vector.extract_strided_slice %max3A_20 {offsets = [0, 1513], sizes = [32, 88], strides = [1, 1]} : vector<32x2848xf32> to vector<32x88xf32>
    %swap3A_157 = arith.constant 0 : index
    %swap3A_158 = arith.constant 0 : index
    %swap3A_159 = arith.constant 0 : index
    %swap3A_160 = arith.constant 1621 : index
    %swap3A_161 = vector.load %arg8[%swap3A_157, %swap3A_158, %swap3A_159, %swap3A_160] : memref<2x2x32x3242xf32, #tpu.memory_space<vmem>>, vector<1x1x32x88xf32>
    %swap3A_162 = vector.shape_cast %swap3A_161 : vector<1x1x32x88xf32> to vector<32x88xf32>
    %swap3A_163 = vector.shape_cast %slice3A_156 : vector<32x88xf32> to vector<1x1x32x88xf32>
    tpu.vector_store %arg8[%swap3A_157, %swap3A_158, %swap3A_159, %swap3A_160], %swap3A_163 {strides = array<i32>} : memref<2x2x32x3242xf32, #tpu.memory_space<vmem>>, vector<1x1x32x88xf32>,
    %slice3A_164 = vector.extract_strided_slice %max3A_20 {offsets = [0, 1602], sizes = [32, 88], strides = [1, 1]} : vector<32x2848xf32> to vector<32x88xf32>
    %swap3A_165 = arith.constant 0 : index
    %swap3A_166 = arith.constant 0 : index
    %swap3A_167 = arith.constant 0 : index
    %swap3A_168 = arith.constant 1711 : index
    %swap3A_169 = vector.load %arg8[%swap3A_165, %swap3A_166, %swap3A_167, %swap3A_168] : memref<2x2x32x3242xf32, #tpu.memory_space<vmem>>, vector<1x1x32x88xf32>
    %swap3A_170 = vector.shape_cast %swap3A_169 : vector<1x1x32x88xf32> to vector<32x88xf32>
    %swap3A_171 = vector.shape_cast %slice3A_164 : vector<32x88xf32> to vector<1x1x32x88xf32>
    tpu.vector_store %arg8[%swap3A_165, %swap3A_166, %swap3A_167, %swap3A_168], %swap3A_171 {strides = array<i32>} : memref<2x2x32x3242xf32, #tpu.memory_space<vmem>>, vector<1x1x32x88xf32>,
    %slice3A_172 = vector.extract_strided_slice %max3A_20 {offsets = [0, 1691], sizes = [32, 88], strides = [1, 1]} : vector<32x2848xf32> to vector<32x88xf32>
    %swap3A_173 = arith.constant 0 : index
    %swap3A_174 = arith.constant 0 : index
    %swap3A_175 = arith.constant 0 : index
    %swap3A_176 = arith.constant 1801 : index
    %swap3A_177 = vector.load %arg8[%swap3A_173, %swap3A_174, %swap3A_175, %swap3A_176] : memref<2x2x32x3242xf32, #tpu.memory_space<vmem>>, vector<1x1x32x88xf32>
    %swap3A_178 = vector.shape_cast %swap3A_177 : vector<1x1x32x88xf32> to vector<32x88xf32>
    %swap3A_179 = vector.shape_cast %slice3A_172 : vector<32x88xf32> to vector<1x1x32x88xf32>
    tpu.vector_store %arg8[%swap3A_173, %swap3A_174, %swap3A_175, %swap3A_176], %swap3A_179 {strides = array<i32>} : memref<2x2x32x3242xf32, #tpu.memory_space<vmem>>, vector<1x1x32x88xf32>,
    %slice3A_180 = vector.extract_strided_slice %max3A_20 {offsets = [0, 1780], sizes = [32, 88], strides = [1, 1]} : vector<32x2848xf32> to vector<32x88xf32>
    %swap3A_181 = arith.constant 0 : index
    %swap3A_182 = arith.constant 0 : index
    %swap3A_183 = arith.constant 0 : index
    %swap3A_184 = arith.constant 1891 : index
    %swap3A_185 = vector.load %arg8[%swap3A_181, %swap3A_182, %swap3A_183, %swap3A_184] : memref<2x2x32x3242xf32, #tpu.memory_space<vmem>>, vector<1x1x32x88xf32>
    %swap3A_186 = vector.shape_cast %swap3A_185 : vector<1x1x32x88xf32> to vector<32x88xf32>
    %swap3A_187 = vector.shape_cast %slice3A_180 : vector<32x88xf32> to vector<1x1x32x88xf32>
    tpu.vector_store %arg8[%swap3A_181, %swap3A_182, %swap3A_183, %swap3A_184], %swap3A_187 {strides = array<i32>} : memref<2x2x32x3242xf32, #tpu.memory_space<vmem>>, vector<1x1x32x88xf32>,
    %slice3A_188 = vector.extract_strided_slice %max3A_20 {offsets = [0, 1869], sizes = [32, 88], strides = [1, 1]} : vector<32x2848xf32> to vector<32x88xf32>
    %swap3A_189 = arith.constant 0 : index
    %swap3A_190 = arith.constant 0 : index
    %swap3A_191 = arith.constant 0 : index
    %swap3A_192 = arith.constant 1981 : index
    %swap3A_193 = vector.load %arg8[%swap3A_189, %swap3A_190, %swap3A_191, %swap3A_192] : memref<2x2x32x3242xf32, #tpu.memory_space<vmem>>, vector<1x1x32x88xf32>
    %swap3A_194 = vector.shape_cast %swap3A_193 : vector<1x1x32x88xf32> to vector<32x88xf32>
    %swap3A_195 = vector.shape_cast %slice3A_188 : vector<32x88xf32> to vector<1x1x32x88xf32>
    tpu.vector_store %arg8[%swap3A_189, %swap3A_190, %swap3A_191, %swap3A_192], %swap3A_195 {strides = array<i32>} : memref<2x2x32x3242xf32, #tpu.memory_space<vmem>>, vector<1x1x32x88xf32>,
    %slice3A_196 = vector.extract_strided_slice %max3A_20 {offsets = [0, 1958], sizes = [32, 88], strides = [1, 1]} : vector<32x2848xf32> to vector<32x88xf32>
    %swap3A_197 = arith.constant 0 : index
    %swap3A_198 = arith.constant 0 : index
    %swap3A_199 = arith.constant 0 : index
    %swap3A_200 = arith.constant 2071 : index
    %swap3A_201 = vector.load %arg8[%swap3A_197, %swap3A_198, %swap3A_199, %swap3A_200] : memref<2x2x32x3242xf32, #tpu.memory_space<vmem>>, vector<1x1x32x88xf32>
    %swap3A_202 = vector.shape_cast %swap3A_201 : vector<1x1x32x88xf32> to vector<32x88xf32>
    %swap3A_203 = vector.shape_cast %slice3A_196 : vector<32x88xf32> to vector<1x1x32x88xf32>
    tpu.vector_store %arg8[%swap3A_197, %swap3A_198, %swap3A_199, %swap3A_200], %swap3A_203 {strides = array<i32>} : memref<2x2x32x3242xf32, #tpu.memory_space<vmem>>, vector<1x1x32x88xf32>,
    %slice3A_204 = vector.extract_strided_slice %max3A_20 {offsets = [0, 2047], sizes = [32, 88], strides = [1, 1]} : vector<32x2848xf32> to vector<32x88xf32>
    %swap3A_205 = arith.constant 0 : index
    %swap3A_206 = arith.constant 0 : index
    %swap3A_207 = arith.constant 0 : index
    %swap3A_208 = arith.constant 2161 : index
    %swap3A_209 = vector.load %arg8[%swap3A_205, %swap3A_206, %swap3A_207, %swap3A_208] : memref<2x2x32x3242xf32, #tpu.memory_space<vmem>>, vector<1x1x32x88xf32>
    %swap3A_210 = vector.shape_cast %swap3A_209 : vector<1x1x32x88xf32> to vector<32x88xf32>
    %swap3A_211 = vector.shape_cast %slice3A_204 : vector<32x88xf32> to vector<1x1x32x88xf32>
    tpu.vector_store %arg8[%swap3A_205, %swap3A_206, %swap3A_207, %swap3A_208], %swap3A_211 {strides = array<i32>} : memref<2x2x32x3242xf32, #tpu.memory_space<vmem>>, vector<1x1x32x88xf32>,
    %slice3A_212 = vector.extract_strided_slice %max3A_20 {offsets = [0, 2136], sizes = [32, 88], strides = [1, 1]} : vector<32x2848xf32> to vector<32x88xf32>
    %swap3A_213 = arith.constant 0 : index
    %swap3A_214 = arith.constant 0 : index
    %swap3A_215 = arith.constant 0 : index
    %swap3A_216 = arith.constant 2251 : index
    %swap3A_217 = vector.load %arg8[%swap3A_213, %swap3A_214, %swap3A_215, %swap3A_216] : memref<2x2x32x3242xf32, #tpu.memory_space<vmem>>, vector<1x1x32x88xf32>
    %swap3A_218 = vector.shape_cast %swap3A_217 : vector<1x1x32x88xf32> to vector<32x88xf32>
    %swap3A_219 = vector.shape_cast %slice3A_212 : vector<32x88xf32> to vector<1x1x32x88xf32>
    tpu.vector_store %arg8[%swap3A_213, %swap3A_214, %swap3A_215, %swap3A_216], %swap3A_219 {strides = array<i32>} : memref<2x2x32x3242xf32, #tpu.memory_space<vmem>>, vector<1x1x32x88xf32>,
    %slice3A_220 = vector.extract_strided_slice %max3A_20 {offsets = [0, 2225], sizes = [32, 88], strides = [1, 1]} : vector<32x2848xf32> to vector<32x88xf32>
    %swap3A_221 = arith.constant 0 : index
    %swap3A_222 = arith.constant 0 : index
    %swap3A_223 = arith.constant 0 : index
    %swap3A_224 = arith.constant 2341 : index
    %swap3A_225 = vector.load %arg8[%swap3A_221, %swap3A_222, %swap3A_223, %swap3A_224] : memref<2x2x32x3242xf32, #tpu.memory_space<vmem>>, vector<1x1x32x88xf32>
    %swap3A_226 = vector.shape_cast %swap3A_225 : vector<1x1x32x88xf32> to vector<32x88xf32>
    %swap3A_227 = vector.shape_cast %slice3A_220 : vector<32x88xf32> to vector<1x1x32x88xf32>
    tpu.vector_store %arg8[%swap3A_221, %swap3A_222, %swap3A_223, %swap3A_224], %swap3A_227 {strides = array<i32>} : memref<2x2x32x3242xf32, #tpu.memory_space<vmem>>, vector<1x1x32x88xf32>,
    %slice3A_228 = vector.extract_strided_slice %max3A_20 {offsets = [0, 2314], sizes = [32, 88], strides = [1, 1]} : vector<32x2848xf32> to vector<32x88xf32>
    %swap3A_229 = arith.constant 0 : index
    %swap3A_230 = arith.constant 0 : index
    %swap3A_231 = arith.constant 0 : index
    %swap3A_232 = arith.constant 2431 : index
    %swap3A_233 = vector.load %arg8[%swap3A_229, %swap3A_230, %swap3A_231, %swap3A_232] : memref<2x2x32x3242xf32, #tpu.memory_space<vmem>>, vector<1x1x32x88xf32>
    %swap3A_234 = vector.shape_cast %swap3A_233 : vector<1x1x32x88xf32> to vector<32x88xf32>
    %swap3A_235 = vector.shape_cast %slice3A_228 : vector<32x88xf32> to vector<1x1x32x88xf32>
    tpu.vector_store %arg8[%swap3A_229, %swap3A_230, %swap3A_231, %swap3A_232], %swap3A_235 {strides = array<i32>} : memref<2x2x32x3242xf32, #tpu.memory_space<vmem>>, vector<1x1x32x88xf32>,
    %slice3A_236 = vector.extract_strided_slice %max3A_20 {offsets = [0, 2403], sizes = [32, 88], strides = [1, 1]} : vector<32x2848xf32> to vector<32x88xf32>
    %swap3A_237 = arith.constant 0 : index
    %swap3A_238 = arith.constant 0 : index
    %swap3A_239 = arith.constant 0 : index
    %swap3A_240 = arith.constant 2521 : index
    %swap3A_241 = vector.load %arg8[%swap3A_237, %swap3A_238, %swap3A_239, %swap3A_240] : memref<2x2x32x3242xf32, #tpu.memory_space<vmem>>, vector<1x1x32x88xf32>
    %swap3A_242 = vector.shape_cast %swap3A_241 : vector<1x1x32x88xf32> to vector<32x88xf32>
    %swap3A_243 = vector.shape_cast %slice3A_236 : vector<32x88xf32> to vector<1x1x32x88xf32>
    tpu.vector_store %arg8[%swap3A_237, %swap3A_238, %swap3A_239, %swap3A_240], %swap3A_243 {strides = array<i32>} : memref<2x2x32x3242xf32, #tpu.memory_space<vmem>>, vector<1x1x32x88xf32>,
    %slice3A_244 = vector.extract_strided_slice %max3A_20 {offsets = [0, 2492], sizes = [32, 88], strides = [1, 1]} : vector<32x2848xf32> to vector<32x88xf32>
    %swap3A_245 = arith.constant 0 : index
    %swap3A_246 = arith.constant 0 : index
    %swap3A_247 = arith.constant 0 : index
    %swap3A_248 = arith.constant 2611 : index
    %swap3A_249 = vector.load %arg8[%swap3A_245, %swap3A_246, %swap3A_247, %swap3A_248] : memref<2x2x32x3242xf32, #tpu.memory_space<vmem>>, vector<1x1x32x88xf32>
    %swap3A_250 = vector.shape_cast %swap3A_249 : vector<1x1x32x88xf32> to vector<32x88xf32>
    %swap3A_251 = vector.shape_cast %slice3A_244 : vector<32x88xf32> to vector<1x1x32x88xf32>
    tpu.vector_store %arg8[%swap3A_245, %swap3A_246, %swap3A_247, %swap3A_248], %swap3A_251 {strides = array<i32>} : memref<2x2x32x3242xf32, #tpu.memory_space<vmem>>, vector<1x1x32x88xf32>,
    %slice3A_252 = vector.extract_strided_slice %max3A_20 {offsets = [0, 2581], sizes = [32, 88], strides = [1, 1]} : vector<32x2848xf32> to vector<32x88xf32>
    %swap3A_253 = arith.constant 0 : index
    %swap3A_254 = arith.constant 0 : index
    %swap3A_255 = arith.constant 0 : index
    %swap3A_256 = arith.constant 2701 : index
    %swap3A_257 = vector.load %arg8[%swap3A_253, %swap3A_254, %swap3A_255, %swap3A_256] : memref<2x2x32x3242xf32, #tpu.memory_space<vmem>>, vector<1x1x32x88xf32>
    %swap3A_258 = vector.shape_cast %swap3A_257 : vector<1x1x32x88xf32> to vector<32x88xf32>
    %swap3A_259 = vector.shape_cast %slice3A_252 : vector<32x88xf32> to vector<1x1x32x88xf32>
    tpu.vector_store %arg8[%swap3A_253, %swap3A_254, %swap3A_255, %swap3A_256], %swap3A_259 {strides = array<i32>} : memref<2x2x32x3242xf32, #tpu.memory_space<vmem>>, vector<1x1x32x88xf32>,
    %slice3A_260 = vector.extract_strided_slice %max3A_20 {offsets = [0, 2670], sizes = [32, 88], strides = [1, 1]} : vector<32x2848xf32> to vector<32x88xf32>
    %swap3A_261 = arith.constant 0 : index
    %swap3A_262 = arith.constant 0 : index
    %swap3A_263 = arith.constant 0 : index
    %swap3A_264 = arith.constant 2791 : index
    %swap3A_265 = vector.load %arg8[%swap3A_261, %swap3A_262, %swap3A_263, %swap3A_264] : memref<2x2x32x3242xf32, #tpu.memory_space<vmem>>, vector<1x1x32x88xf32>
    %swap3A_266 = vector.shape_cast %swap3A_265 : vector<1x1x32x88xf32> to vector<32x88xf32>
    %swap3A_267 = vector.shape_cast %slice3A_260 : vector<32x88xf32> to vector<1x1x32x88xf32>
    tpu.vector_store %arg8[%swap3A_261, %swap3A_262, %swap3A_263, %swap3A_264], %swap3A_267 {strides = array<i32>} : memref<2x2x32x3242xf32, #tpu.memory_space<vmem>>, vector<1x1x32x88xf32>,
    %slice3A_268 = vector.extract_strided_slice %max3A_20 {offsets = [0, 2759], sizes = [32, 88], strides = [1, 1]} : vector<32x2848xf32> to vector<32x88xf32>
    %swap3A_269 = arith.constant 0 : index
    %swap3A_270 = arith.constant 0 : index
    %swap3A_271 = arith.constant 0 : index
    %swap3A_272 = arith.constant 2881 : index
    %swap3A_273 = vector.load %arg8[%swap3A_269, %swap3A_270, %swap3A_271, %swap3A_272] : memref<2x2x32x3242xf32, #tpu.memory_space<vmem>>, vector<1x1x32x88xf32>
    %swap3A_274 = vector.shape_cast %swap3A_273 : vector<1x1x32x88xf32> to vector<32x88xf32>
    %swap3A_275 = vector.shape_cast %slice3A_268 : vector<32x88xf32> to vector<1x1x32x88xf32>
    tpu.vector_store %arg8[%swap3A_269, %swap3A_270, %swap3A_271, %swap3A_272], %swap3A_275 {strides = array<i32>} : memref<2x2x32x3242xf32, #tpu.memory_space<vmem>>, vector<1x1x32x88xf32>,
    %get3A_276 = arith.constant 0 : index
    %get3A_277 = arith.constant 0 : index
    %get3A_278 = arith.constant 1 : index
    %get3A_279 = arith.constant 0 : index
    %get3A_280 = arith.constant 0 : index
    %get3A_281 = vector.load %arg1[%get3A_276, %get3A_277, %get3A_278, %get3A_279, %get3A_280] : memref<1x2x2x32x2848xf32, #tpu.memory_space<vmem>>, vector<1x1x1x32x2848xf32>
    %get3A_282 = vector.shape_cast %get3A_281 : vector<1x1x1x32x2848xf32> to vector<32x2848xf32>
    %get3A_283 = arith.constant 0 : index
    %get3A_284 = arith.constant 0 : index
    %get3A_285 = vector.load %arg2[%get3A_283, %get3A_284] : memref<32x1xf32, #tpu.memory_space<vmem>>, vector<32x1xf32>
    %mul3A_286 = vector.broadcast %get3A_285 : vector<32x1xf32> to vector<32x2848xf32>
    %mul3A_287 = arith.mulf %get3A_282, %mul3A_286 : vector<32x2848xf32>
    %get3A_288 = arith.constant 0 : index
    %get3A_289 = arith.constant 0 : index
    %get3A_290 = vector.load %arg3[%get3A_288, %get3A_289] : memref<32x1xf32, #tpu.memory_space<vmem>>, vector<32x1xf32>
    %add3A_291 = vector.broadcast %get3A_290 : vector<32x1xf32> to vector<32x2848xf32>
    %add3A_292 = arith.addf %mul3A_287, %add3A_291 : vector<32x2848xf32>
    %max3A_293 = arith.constant 0.000000e+00 : f32
    %max3A_294 = vector.broadcast %max3A_293 : f32 to vector<32x2848xf32>
    %max3A_295 = arith.maximumf %add3A_292, %max3A_294 : vector<32x2848xf32>
    %slice3A_296 = vector.extract_strided_slice %max3A_295 {offsets = [0, 0], sizes = [32, 88], strides = [1, 1]} : vector<32x2848xf32> to vector<32x88xf32>
    %swap3A_297 = arith.constant 0 : index
    %swap3A_298 = arith.constant 1 : index
    %swap3A_299 = arith.constant 0 : index
    %swap3A_300 = arith.constant 91 : index
    %swap3A_301 = vector.load %arg8[%swap3A_297, %swap3A_298, %swap3A_299, %swap3A_300] : memref<2x2x32x3242xf32, #tpu.memory_space<vmem>>, vector<1x1x32x88xf32>
    %swap3A_302 = vector.shape_cast %swap3A_301 : vector<1x1x32x88xf32> to vector<32x88xf32>
    %swap3A_303 = vector.shape_cast %slice3A_296 : vector<32x88xf32> to vector<1x1x32x88xf32>
    tpu.vector_store %arg8[%swap3A_297, %swap3A_298, %swap3A_299, %swap3A_300], %swap3A_303 {strides = array<i32>} : memref<2x2x32x3242xf32, #tpu.memory_space<vmem>>, vector<1x1x32x88xf32>,
    %slice3A_304 = vector.extract_strided_slice %max3A_295 {offsets = [0, 89], sizes = [32, 88], strides = [1, 1]} : vector<32x2848xf32> to vector<32x88xf32>
    %swap3A_305 = arith.constant 0 : index
    %swap3A_306 = arith.constant 1 : index
    %swap3A_307 = arith.constant 0 : index
    %swap3A_308 = arith.constant 181 : index
    %swap3A_309 = vector.load %arg8[%swap3A_305, %swap3A_306, %swap3A_307, %swap3A_308] : memref<2x2x32x3242xf32, #tpu.memory_space<vmem>>, vector<1x1x32x88xf32>
    %swap3A_310 = vector.shape_cast %swap3A_309 : vector<1x1x32x88xf32> to vector<32x88xf32>
    %swap3A_311 = vector.shape_cast %slice3A_304 : vector<32x88xf32> to vector<1x1x32x88xf32>
    tpu.vector_store %arg8[%swap3A_305, %swap3A_306, %swap3A_307, %swap3A_308], %swap3A_311 {strides = array<i32>} : memref<2x2x32x3242xf32, #tpu.memory_space<vmem>>, vector<1x1x32x88xf32>,
    %slice3A_312 = vector.extract_strided_slice %max3A_295 {offsets = [0, 178], sizes = [32, 88], strides = [1, 1]} : vector<32x2848xf32> to vector<32x88xf32>
    %swap3A_313 = arith.constant 0 : index
    %swap3A_314 = arith.constant 1 : index
    %swap3A_315 = arith.constant 0 : index
    %swap3A_316 = arith.constant 271 : index
    %swap3A_317 = vector.load %arg8[%swap3A_313, %swap3A_314, %swap3A_315, %swap3A_316] : memref<2x2x32x3242xf32, #tpu.memory_space<vmem>>, vector<1x1x32x88xf32>
    %swap3A_318 = vector.shape_cast %swap3A_317 : vector<1x1x32x88xf32> to vector<32x88xf32>
    %swap3A_319 = vector.shape_cast %slice3A_312 : vector<32x88xf32> to vector<1x1x32x88xf32>
    tpu.vector_store %arg8[%swap3A_313, %swap3A_314, %swap3A_315, %swap3A_316], %swap3A_319 {strides = array<i32>} : memref<2x2x32x3242xf32, #tpu.memory_space<vmem>>, vector<1x1x32x88xf32>,
    %slice3A_320 = vector.extract_strided_slice %max3A_295 {offsets = [0, 267], sizes = [32, 88], strides = [1, 1]} : vector<32x2848xf32> to vector<32x88xf32>
    %swap3A_321 = arith.constant 0 : index
    %swap3A_322 = arith.constant 1 : index
    %swap3A_323 = arith.constant 0 : index
    %swap3A_324 = arith.constant 361 : index
    %swap3A_325 = vector.load %arg8[%swap3A_321, %swap3A_322, %swap3A_323, %swap3A_324] : memref<2x2x32x3242xf32, #tpu.memory_space<vmem>>, vector<1x1x32x88xf32>
    %swap3A_326 = vector.shape_cast %swap3A_325 : vector<1x1x32x88xf32> to vector<32x88xf32>
    %swap3A_327 = vector.shape_cast %slice3A_320 : vector<32x88xf32> to vector<1x1x32x88xf32>
    tpu.vector_store %arg8[%swap3A_321, %swap3A_322, %swap3A_323, %swap3A_324], %swap3A_327 {strides = array<i32>} : memref<2x2x32x3242xf32, #tpu.memory_space<vmem>>, vector<1x1x32x88xf32>,
    %slice3A_328 = vector.extract_strided_slice %max3A_295 {offsets = [0, 356], sizes = [32, 88], strides = [1, 1]} : vector<32x2848xf32> to vector<32x88xf32>
    %swap3A_329 = arith.constant 0 : index
    %swap3A_330 = arith.constant 1 : index
    %swap3A_331 = arith.constant 0 : index
    %swap3A_332 = arith.constant 451 : index
    %swap3A_333 = vector.load %arg8[%swap3A_329, %swap3A_330, %swap3A_331, %swap3A_332] : memref<2x2x32x3242xf32, #tpu.memory_space<vmem>>, vector<1x1x32x88xf32>
    %swap3A_334 = vector.shape_cast %swap3A_333 : vector<1x1x32x88xf32> to vector<32x88xf32>
    %swap3A_335 = vector.shape_cast %slice3A_328 : vector<32x88xf32> to vector<1x1x32x88xf32>
    tpu.vector_store %arg8[%swap3A_329, %swap3A_330, %swap3A_331, %swap3A_332], %swap3A_335 {strides = array<i32>} : memref<2x2x32x3242xf32, #tpu.memory_space<vmem>>, vector<1x1x32x88xf32>,
    %slice3A_336 = vector.extract_strided_slice %max3A_295 {offsets = [0, 445], sizes = [32, 88], strides = [1, 1]} : vector<32x2848xf32> to vector<32x88xf32>
    %swap3A_337 = arith.constant 0 : index
    %swap3A_338 = arith.constant 1 : index
    %swap3A_339 = arith.constant 0 : index
    %swap3A_340 = arith.constant 541 : index
    %swap3A_341 = vector.load %arg8[%swap3A_337, %swap3A_338, %swap3A_339, %swap3A_340] : memref<2x2x32x3242xf32, #tpu.memory_space<vmem>>, vector<1x1x32x88xf32>
    %swap3A_342 = vector.shape_cast %swap3A_341 : vector<1x1x32x88xf32> to vector<32x88xf32>
    %swap3A_343 = vector.shape_cast %slice3A_336 : vector<32x88xf32> to vector<1x1x32x88xf32>
    tpu.vector_store %arg8[%swap3A_337, %swap3A_338, %swap3A_339, %swap3A_340], %swap3A_343 {strides = array<i32>} : memref<2x2x32x3242xf32, #tpu.memory_space<vmem>>, vector<1x1x32x88xf32>,
    %slice3A_344 = vector.extract_strided_slice %max3A_295 {offsets = [0, 534], sizes = [32, 88], strides = [1, 1]} : vector<32x2848xf32> to vector<32x88xf32>
    %swap3A_345 = arith.constant 0 : index
    %swap3A_346 = arith.constant 1 : index
    %swap3A_347 = arith.constant 0 : index
    %swap3A_348 = arith.constant 631 : index
    %swap3A_349 = vector.load %arg8[%swap3A_345, %swap3A_346, %swap3A_347, %swap3A_348] : memref<2x2x32x3242xf32, #tpu.memory_space<vmem>>, vector<1x1x32x88xf32>
    %swap3A_350 = vector.shape_cast %swap3A_349 : vector<1x1x32x88xf32> to vector<32x88xf32>
    %swap3A_351 = vector.shape_cast %slice3A_344 : vector<32x88xf32> to vector<1x1x32x88xf32>
    tpu.vector_store %arg8[%swap3A_345, %swap3A_346, %swap3A_347, %swap3A_348], %swap3A_351 {strides = array<i32>} : memref<2x2x32x3242xf32, #tpu.memory_space<vmem>>, vector<1x1x32x88xf32>,
    %slice3A_352 = vector.extract_strided_slice %max3A_295 {offsets = [0, 623], sizes = [32, 88], strides = [1, 1]} : vector<32x2848xf32> to vector<32x88xf32>
    %swap3A_353 = arith.constant 0 : index
    %swap3A_354 = arith.constant 1 : index
    %swap3A_355 = arith.constant 0 : index
    %swap3A_356 = arith.constant 721 : index
    %swap3A_357 = vector.load %arg8[%swap3A_353, %swap3A_354, %swap3A_355, %swap3A_356] : memref<2x2x32x3242xf32, #tpu.memory_space<vmem>>, vector<1x1x32x88xf32>
    %swap3A_358 = vector.shape_cast %swap3A_357 : vector<1x1x32x88xf32> to vector<32x88xf32>
    %swap3A_359 = vector.shape_cast %slice3A_352 : vector<32x88xf32> to vector<1x1x32x88xf32>
    tpu.vector_store %arg8[%swap3A_353, %swap3A_354, %swap3A_355, %swap3A_356], %swap3A_359 {strides = array<i32>} : memref<2x2x32x3242xf32, #tpu.memory_space<vmem>>, vector<1x1x32x88xf32>,
    %slice3A_360 = vector.extract_strided_slice %max3A_295 {offsets = [0, 712], sizes = [32, 88], strides = [1, 1]} : vector<32x2848xf32> to vector<32x88xf32>
    %swap3A_361 = arith.constant 0 : index
    %swap3A_362 = arith.constant 1 : index
    %swap3A_363 = arith.constant 0 : index
    %swap3A_364 = arith.constant 811 : index
    %swap3A_365 = vector.load %arg8[%swap3A_361, %swap3A_362, %swap3A_363, %swap3A_364] : memref<2x2x32x3242xf32, #tpu.memory_space<vmem>>, vector<1x1x32x88xf32>
    %swap3A_366 = vector.shape_cast %swap3A_365 : vector<1x1x32x88xf32> to vector<32x88xf32>
    %swap3A_367 = vector.shape_cast %slice3A_360 : vector<32x88xf32> to vector<1x1x32x88xf32>
    tpu.vector_store %arg8[%swap3A_361, %swap3A_362, %swap3A_363, %swap3A_364], %swap3A_367 {strides = array<i32>} : memref<2x2x32x3242xf32, #tpu.memory_space<vmem>>, vector<1x1x32x88xf32>,
    %slice3A_368 = vector.extract_strided_slice %max3A_295 {offsets = [0, 801], sizes = [32, 88], strides = [1, 1]} : vector<32x2848xf32> to vector<32x88xf32>
    %swap3A_369 = arith.constant 0 : index
    %swap3A_370 = arith.constant 1 : index
    %swap3A_371 = arith.constant 0 : index
    %swap3A_372 = arith.constant 901 : index
    %swap3A_373 = vector.load %arg8[%swap3A_369, %swap3A_370, %swap3A_371, %swap3A_372] : memref<2x2x32x3242xf32, #tpu.memory_space<vmem>>, vector<1x1x32x88xf32>
    %swap3A_374 = vector.shape_cast %swap3A_373 : vector<1x1x32x88xf32> to vector<32x88xf32>
    %swap3A_375 = vector.shape_cast %slice3A_368 : vector<32x88xf32> to vector<1x1x32x88xf32>
    tpu.vector_store %arg8[%swap3A_369, %swap3A_370, %swap3A_371, %swap3A_372], %swap3A_375 {strides = array<i32>} : memref<2x2x32x3242xf32, #tpu.memory_space<vmem>>, vector<1x1x32x88xf32>,
    %slice3A_376 = vector.extract_strided_slice %max3A_295 {offsets = [0, 890], sizes = [32, 88], strides = [1, 1]} : vector<32x2848xf32> to vector<32x88xf32>
    %swap3A_377 = arith.constant 0 : index
    %swap3A_378 = arith.constant 1 : index
    %swap3A_379 = arith.constant 0 : index
    %swap3A_380 = arith.constant 991 : index
    %swap3A_381 = vector.load %arg8[%swap3A_377, %swap3A_378, %swap3A_379, %swap3A_380] : memref<2x2x32x3242xf32, #tpu.memory_space<vmem>>, vector<1x1x32x88xf32>
    %swap3A_382 = vector.shape_cast %swap3A_381 : vector<1x1x32x88xf32> to vector<32x88xf32>
    %swap3A_383 = vector.shape_cast %slice3A_376 : vector<32x88xf32> to vector<1x1x32x88xf32>
    tpu.vector_store %arg8[%swap3A_377, %swap3A_378, %swap3A_379, %swap3A_380], %swap3A_383 {strides = array<i32>} : memref<2x2x32x3242xf32, #tpu.memory_space<vmem>>, vector<1x1x32x88xf32>,
    %slice3A_384 = vector.extract_strided_slice %max3A_295 {offsets = [0, 979], sizes = [32, 88], strides = [1, 1]} : vector<32x2848xf32> to vector<32x88xf32>
    %swap3A_385 = arith.constant 0 : index
    %swap3A_386 = arith.constant 1 : index
    %swap3A_387 = arith.constant 0 : index
    %swap3A_388 = arith.constant 1081 : index
    %swap3A_389 = vector.load %arg8[%swap3A_385, %swap3A_386, %swap3A_387, %swap3A_388] : memref<2x2x32x3242xf32, #tpu.memory_space<vmem>>, vector<1x1x32x88xf32>
    %swap3A_390 = vector.shape_cast %swap3A_389 : vector<1x1x32x88xf32> to vector<32x88xf32>
    %swap3A_391 = vector.shape_cast %slice3A_384 : vector<32x88xf32> to vector<1x1x32x88xf32>
    tpu.vector_store %arg8[%swap3A_385, %swap3A_386, %swap3A_387, %swap3A_388], %swap3A_391 {strides = array<i32>} : memref<2x2x32x3242xf32, #tpu.memory_space<vmem>>, vector<1x1x32x88xf32>,
    %slice3A_392 = vector.extract_strided_slice %max3A_295 {offsets = [0, 1068], sizes = [32, 88], strides = [1, 1]} : vector<32x2848xf32> to vector<32x88xf32>
    %swap3A_393 = arith.constant 0 : index
    %swap3A_394 = arith.constant 1 : index
    %swap3A_395 = arith.constant 0 : index
    %swap3A_396 = arith.constant 1171 : index
    %swap3A_397 = vector.load %arg8[%swap3A_393, %swap3A_394, %swap3A_395, %swap3A_396] : memref<2x2x32x3242xf32, #tpu.memory_space<vmem>>, vector<1x1x32x88xf32>
    %swap3A_398 = vector.shape_cast %swap3A_397 : vector<1x1x32x88xf32> to vector<32x88xf32>
    %swap3A_399 = vector.shape_cast %slice3A_392 : vector<32x88xf32> to vector<1x1x32x88xf32>
    tpu.vector_store %arg8[%swap3A_393, %swap3A_394, %swap3A_395, %swap3A_396], %swap3A_399 {strides = array<i32>} : memref<2x2x32x3242xf32, #tpu.memory_space<vmem>>, vector<1x1x32x88xf32>,
    %slice3A_400 = vector.extract_strided_slice %max3A_295 {offsets = [0, 1157], sizes = [32, 88], strides = [1, 1]} : vector<32x2848xf32> to vector<32x88xf32>
    %swap3A_401 = arith.constant 0 : index
    %swap3A_402 = arith.constant 1 : index
    %swap3A_403 = arith.constant 0 : index
    %swap3A_404 = arith.constant 1261 : index
    %swap3A_405 = vector.load %arg8[%swap3A_401, %swap3A_402, %swap3A_403, %swap3A_404] : memref<2x2x32x3242xf32, #tpu.memory_space<vmem>>, vector<1x1x32x88xf32>
    %swap3A_406 = vector.shape_cast %swap3A_405 : vector<1x1x32x88xf32> to vector<32x88xf32>
    %swap3A_407 = vector.shape_cast %slice3A_400 : vector<32x88xf32> to vector<1x1x32x88xf32>
    tpu.vector_store %arg8[%swap3A_401, %swap3A_402, %swap3A_403, %swap3A_404], %swap3A_407 {strides = array<i32>} : memref<2x2x32x3242xf32, #tpu.memory_space<vmem>>, vector<1x1x32x88xf32>,
    %slice3A_408 = vector.extract_strided_slice %max3A_295 {offsets = [0, 1246], sizes = [32, 88], strides = [1, 1]} : vector<32x2848xf32> to vector<32x88xf32>
    %swap3A_409 = arith.constant 0 : index
    %swap3A_410 = arith.constant 1 : index
    %swap3A_411 = arith.constant 0 : index
    %swap3A_412 = arith.constant 1351 : index
    %swap3A_413 = vector.load %arg8[%swap3A_409, %swap3A_410, %swap3A_411, %swap3A_412] : memref<2x2x32x3242xf32, #tpu.memory_space<vmem>>, vector<1x1x32x88xf32>
    %swap3A_414 = vector.shape_cast %swap3A_413 : vector<1x1x32x88xf32> to vector<32x88xf32>
    %swap3A_415 = vector.shape_cast %slice3A_408 : vector<32x88xf32> to vector<1x1x32x88xf32>
    tpu.vector_store %arg8[%swap3A_409, %swap3A_410, %swap3A_411, %swap3A_412], %swap3A_415 {strides = array<i32>} : memref<2x2x32x3242xf32, #tpu.memory_space<vmem>>, vector<1x1x32x88xf32>,
    %slice3A_416 = vector.extract_strided_slice %max3A_295 {offsets = [0, 1335], sizes = [32, 88], strides = [1, 1]} : vector<32x2848xf32> to vector<32x88xf32>
    %swap3A_417 = arith.constant 0 : index
    %swap3A_418 = arith.constant 1 : index
    %swap3A_419 = arith.constant 0 : index
    %swap3A_420 = arith.constant 1441 : index
    %swap3A_421 = vector.load %arg8[%swap3A_417, %swap3A_418, %swap3A_419, %swap3A_420] : memref<2x2x32x3242xf32, #tpu.memory_space<vmem>>, vector<1x1x32x88xf32>
    %swap3A_422 = vector.shape_cast %swap3A_421 : vector<1x1x32x88xf32> to vector<32x88xf32>
    %swap3A_423 = vector.shape_cast %slice3A_416 : vector<32x88xf32> to vector<1x1x32x88xf32>
    tpu.vector_store %arg8[%swap3A_417, %swap3A_418, %swap3A_419, %swap3A_420], %swap3A_423 {strides = array<i32>} : memref<2x2x32x3242xf32, #tpu.memory_space<vmem>>, vector<1x1x32x88xf32>,
    %slice3A_424 = vector.extract_strided_slice %max3A_295 {offsets = [0, 1424], sizes = [32, 88], strides = [1, 1]} : vector<32x2848xf32> to vector<32x88xf32>
    %swap3A_425 = arith.constant 0 : index
    %swap3A_426 = arith.constant 1 : index
    %swap3A_427 = arith.constant 0 : index
    %swap3A_428 = arith.constant 1531 : index
    %swap3A_429 = vector.load %arg8[%swap3A_425, %swap3A_426, %swap3A_427, %swap3A_428] : memref<2x2x32x3242xf32, #tpu.memory_space<vmem>>, vector<1x1x32x88xf32>
    %swap3A_430 = vector.shape_cast %swap3A_429 : vector<1x1x32x88xf32> to vector<32x88xf32>
    %swap3A_431 = vector.shape_cast %slice3A_424 : vector<32x88xf32> to vector<1x1x32x88xf32>
    tpu.vector_store %arg8[%swap3A_425, %swap3A_426, %swap3A_427, %swap3A_428], %swap3A_431 {strides = array<i32>} : memref<2x2x32x3242xf32, #tpu.memory_space<vmem>>, vector<1x1x32x88xf32>,
    %slice3A_432 = vector.extract_strided_slice %max3A_295 {offsets = [0, 1513], sizes = [32, 88], strides = [1, 1]} : vector<32x2848xf32> to vector<32x88xf32>
    %swap3A_433 = arith.constant 0 : index
    %swap3A_434 = arith.constant 1 : index
    %swap3A_435 = arith.constant 0 : index
    %swap3A_436 = arith.constant 1621 : index
    %swap3A_437 = vector.load %arg8[%swap3A_433, %swap3A_434, %swap3A_435, %swap3A_436] : memref<2x2x32x3242xf32, #tpu.memory_space<vmem>>, vector<1x1x32x88xf32>
    %swap3A_438 = vector.shape_cast %swap3A_437 : vector<1x1x32x88xf32> to vector<32x88xf32>
    %swap3A_439 = vector.shape_cast %slice3A_432 : vector<32x88xf32> to vector<1x1x32x88xf32>
    tpu.vector_store %arg8[%swap3A_433, %swap3A_434, %swap3A_435, %swap3A_436], %swap3A_439 {strides = array<i32>} : memref<2x2x32x3242xf32, #tpu.memory_space<vmem>>, vector<1x1x32x88xf32>,
    %slice3A_440 = vector.extract_strided_slice %max3A_295 {offsets = [0, 1602], sizes = [32, 88], strides = [1, 1]} : vector<32x2848xf32> to vector<32x88xf32>
    %swap3A_441 = arith.constant 0 : index
    %swap3A_442 = arith.constant 1 : index
    %swap3A_443 = arith.constant 0 : index
    %swap3A_444 = arith.constant 1711 : index
    %swap3A_445 = vector.load %arg8[%swap3A_441, %swap3A_442, %swap3A_443, %swap3A_444] : memref<2x2x32x3242xf32, #tpu.memory_space<vmem>>, vector<1x1x32x88xf32>
    %swap3A_446 = vector.shape_cast %swap3A_445 : vector<1x1x32x88xf32> to vector<32x88xf32>
    %swap3A_447 = vector.shape_cast %slice3A_440 : vector<32x88xf32> to vector<1x1x32x88xf32>
    tpu.vector_store %arg8[%swap3A_441, %swap3A_442, %swap3A_443, %swap3A_444], %swap3A_447 {strides = array<i32>} : memref<2x2x32x3242xf32, #tpu.memory_space<vmem>>, vector<1x1x32x88xf32>,
    %slice3A_448 = vector.extract_strided_slice %max3A_295 {offsets = [0, 1691], sizes = [32, 88], strides = [1, 1]} : vector<32x2848xf32> to vector<32x88xf32>
    %swap3A_449 = arith.constant 0 : index
    %swap3A_450 = arith.constant 1 : index
    %swap3A_451 = arith.constant 0 : index
    %swap3A_452 = arith.constant 1801 : index
    %swap3A_453 = vector.load %arg8[%swap3A_449, %swap3A_450, %swap3A_451, %swap3A_452] : memref<2x2x32x3242xf32, #tpu.memory_space<vmem>>, vector<1x1x32x88xf32>
    %swap3A_454 = vector.shape_cast %swap3A_453 : vector<1x1x32x88xf32> to vector<32x88xf32>
    %swap3A_455 = vector.shape_cast %slice3A_448 : vector<32x88xf32> to vector<1x1x32x88xf32>
    tpu.vector_store %arg8[%swap3A_449, %swap3A_450, %swap3A_451, %swap3A_452], %swap3A_455 {strides = array<i32>} : memref<2x2x32x3242xf32, #tpu.memory_space<vmem>>, vector<1x1x32x88xf32>,
    %slice3A_456 = vector.extract_strided_slice %max3A_295 {offsets = [0, 1780], sizes = [32, 88], strides = [1, 1]} : vector<32x2848xf32> to vector<32x88xf32>
    %swap3A_457 = arith.constant 0 : index
    %swap3A_458 = arith.constant 1 : index
    %swap3A_459 = arith.constant 0 : index
    %swap3A_460 = arith.constant 1891 : index
    %swap3A_461 = vector.load %arg8[%swap3A_457, %swap3A_458, %swap3A_459, %swap3A_460] : memref<2x2x32x3242xf32, #tpu.memory_space<vmem>>, vector<1x1x32x88xf32>
    %swap3A_462 = vector.shape_cast %swap3A_461 : vector<1x1x32x88xf32> to vector<32x88xf32>
    %swap3A_463 = vector.shape_cast %slice3A_456 : vector<32x88xf32> to vector<1x1x32x88xf32>
    tpu.vector_store %arg8[%swap3A_457, %swap3A_458, %swap3A_459, %swap3A_460], %swap3A_463 {strides = array<i32>} : memref<2x2x32x3242xf32, #tpu.memory_space<vmem>>, vector<1x1x32x88xf32>,
    %slice3A_464 = vector.extract_strided_slice %max3A_295 {offsets = [0, 1869], sizes = [32, 88], strides = [1, 1]} : vector<32x2848xf32> to vector<32x88xf32>
    %swap3A_465 = arith.constant 0 : index
    %swap3A_466 = arith.constant 1 : index
    %swap3A_467 = arith.constant 0 : index
    %swap3A_468 = arith.constant 1981 : index
    %swap3A_469 = vector.load %arg8[%swap3A_465, %swap3A_466, %swap3A_467, %swap3A_468] : memref<2x2x32x3242xf32, #tpu.memory_space<vmem>>, vector<1x1x32x88xf32>
    %swap3A_470 = vector.shape_cast %swap3A_469 : vector<1x1x32x88xf32> to vector<32x88xf32>
    %swap3A_471 = vector.shape_cast %slice3A_464 : vector<32x88xf32> to vector<1x1x32x88xf32>
    tpu.vector_store %arg8[%swap3A_465, %swap3A_466, %swap3A_467, %swap3A_468], %swap3A_471 {strides = array<i32>} : memref<2x2x32x3242xf32, #tpu.memory_space<vmem>>, vector<1x1x32x88xf32>,
    %slice3A_472 = vector.extract_strided_slice %max3A_295 {offsets = [0, 1958], sizes = [32, 88], strides = [1, 1]} : vector<32x2848xf32> to vector<32x88xf32>
    %swap3A_473 = arith.constant 0 : index
    %swap3A_474 = arith.constant 1 : index
    %swap3A_475 = arith.constant 0 : index
    %swap3A_476 = arith.constant 2071 : index
    %swap3A_477 = vector.load %arg8[%swap3A_473, %swap3A_474, %swap3A_475, %swap3A_476] : memref<2x2x32x3242xf32, #tpu.memory_space<vmem>>, vector<1x1x32x88xf32>
    %swap3A_478 = vector.shape_cast %swap3A_477 : vector<1x1x32x88xf32> to vector<32x88xf32>
    %swap3A_479 = vector.shape_cast %slice3A_472 : vector<32x88xf32> to vector<1x1x32x88xf32>
    tpu.vector_store %arg8[%swap3A_473, %swap3A_474, %swap3A_475, %swap3A_476], %swap3A_479 {strides = array<i32>} : memref<2x2x32x3242xf32, #tpu.memory_space<vmem>>, vector<1x1x32x88xf32>,
    %slice3A_480 = vector.extract_strided_slice %max3A_295 {offsets = [0, 2047], sizes = [32, 88], strides = [1, 1]} : vector<32x2848xf32> to vector<32x88xf32>
    %swap3A_481 = arith.constant 0 : index
    %swap3A_482 = arith.constant 1 : index
    %swap3A_483 = arith.constant 0 : index
    %swap3A_484 = arith.constant 2161 : index
    %swap3A_485 = vector.load %arg8[%swap3A_481, %swap3A_482, %swap3A_483, %swap3A_484] : memref<2x2x32x3242xf32, #tpu.memory_space<vmem>>, vector<1x1x32x88xf32>
    %swap3A_486 = vector.shape_cast %swap3A_485 : vector<1x1x32x88xf32> to vector<32x88xf32>
    %swap3A_487 = vector.shape_cast %slice3A_480 : vector<32x88xf32> to vector<1x1x32x88xf32>
    tpu.vector_store %arg8[%swap3A_481, %swap3A_482, %swap3A_483, %swap3A_484], %swap3A_487 {strides = array<i32>} : memref<2x2x32x3242xf32, #tpu.memory_space<vmem>>, vector<1x1x32x88xf32>,
    %slice3A_488 = vector.extract_strided_slice %max3A_295 {offsets = [0, 2136], sizes = [32, 88], strides = [1, 1]} : vector<32x2848xf32> to vector<32x88xf32>
    %swap3A_489 = arith.constant 0 : index
    %swap3A_490 = arith.constant 1 : index
    %swap3A_491 = arith.constant 0 : index
    %swap3A_492 = arith.constant 2251 : index
    %swap3A_493 = vector.load %arg8[%swap3A_489, %swap3A_490, %swap3A_491, %swap3A_492] : memref<2x2x32x3242xf32, #tpu.memory_space<vmem>>, vector<1x1x32x88xf32>
    %swap3A_494 = vector.shape_cast %swap3A_493 : vector<1x1x32x88xf32> to vector<32x88xf32>
    %swap3A_495 = vector.shape_cast %slice3A_488 : vector<32x88xf32> to vector<1x1x32x88xf32>
    tpu.vector_store %arg8[%swap3A_489, %swap3A_490, %swap3A_491, %swap3A_492], %swap3A_495 {strides = array<i32>} : memref<2x2x32x3242xf32, #tpu.memory_space<vmem>>, vector<1x1x32x88xf32>,
    %slice3A_496 = vector.extract_strided_slice %max3A_295 {offsets = [0, 2225], sizes = [32, 88], strides = [1, 1]} : vector<32x2848xf32> to vector<32x88xf32>
    %swap3A_497 = arith.constant 0 : index
    %swap3A_498 = arith.constant 1 : index
    %swap3A_499 = arith.constant 0 : index
    %swap3A_500 = arith.constant 2341 : index
    %swap3A_501 = vector.load %arg8[%swap3A_497, %swap3A_498, %swap3A_499, %swap3A_500] : memref<2x2x32x3242xf32, #tpu.memory_space<vmem>>, vector<1x1x32x88xf32>
    %swap3A_502 = vector.shape_cast %swap3A_501 : vector<1x1x32x88xf32> to vector<32x88xf32>
    %swap3A_503 = vector.shape_cast %slice3A_496 : vector<32x88xf32> to vector<1x1x32x88xf32>
    tpu.vector_store %arg8[%swap3A_497, %swap3A_498, %swap3A_499, %swap3A_500], %swap3A_503 {strides = array<i32>} : memref<2x2x32x3242xf32, #tpu.memory_space<vmem>>, vector<1x1x32x88xf32>,
    %slice3A_504 = vector.extract_strided_slice %max3A_295 {offsets = [0, 2314], sizes = [32, 88], strides = [1, 1]} : vector<32x2848xf32> to vector<32x88xf32>
    %swap3A_505 = arith.constant 0 : index
    %swap3A_506 = arith.constant 1 : index
    %swap3A_507 = arith.constant 0 : index
    %swap3A_508 = arith.constant 2431 : index
    %swap3A_509 = vector.load %arg8[%swap3A_505, %swap3A_506, %swap3A_507, %swap3A_508] : memref<2x2x32x3242xf32, #tpu.memory_space<vmem>>, vector<1x1x32x88xf32>
    %swap3A_510 = vector.shape_cast %swap3A_509 : vector<1x1x32x88xf32> to vector<32x88xf32>
    %swap3A_511 = vector.shape_cast %slice3A_504 : vector<32x88xf32> to vector<1x1x32x88xf32>
    tpu.vector_store %arg8[%swap3A_505, %swap3A_506, %swap3A_507, %swap3A_508], %swap3A_511 {strides = array<i32>} : memref<2x2x32x3242xf32, #tpu.memory_space<vmem>>, vector<1x1x32x88xf32>,
    %slice3A_512 = vector.extract_strided_slice %max3A_295 {offsets = [0, 2403], sizes = [32, 88], strides = [1, 1]} : vector<32x2848xf32> to vector<32x88xf32>
    %swap3A_513 = arith.constant 0 : index
    %swap3A_514 = arith.constant 1 : index
    %swap3A_515 = arith.constant 0 : index
    %swap3A_516 = arith.constant 2521 : index
    %swap3A_517 = vector.load %arg8[%swap3A_513, %swap3A_514, %swap3A_515, %swap3A_516] : memref<2x2x32x3242xf32, #tpu.memory_space<vmem>>, vector<1x1x32x88xf32>
    %swap3A_518 = vector.shape_cast %swap3A_517 : vector<1x1x32x88xf32> to vector<32x88xf32>
    %swap3A_519 = vector.shape_cast %slice3A_512 : vector<32x88xf32> to vector<1x1x32x88xf32>
    tpu.vector_store %arg8[%swap3A_513, %swap3A_514, %swap3A_515, %swap3A_516], %swap3A_519 {strides = array<i32>} : memref<2x2x32x3242xf32, #tpu.memory_space<vmem>>, vector<1x1x32x88xf32>,
    %slice3A_520 = vector.extract_strided_slice %max3A_295 {offsets = [0, 2492], sizes = [32, 88], strides = [1, 1]} : vector<32x2848xf32> to vector<32x88xf32>
    %swap3A_521 = arith.constant 0 : index
    %swap3A_522 = arith.constant 1 : index
    %swap3A_523 = arith.constant 0 : index
    %swap3A_524 = arith.constant 2611 : index
    %swap3A_525 = vector.load %arg8[%swap3A_521, %swap3A_522, %swap3A_523, %swap3A_524] : memref<2x2x32x3242xf32, #tpu.memory_space<vmem>>, vector<1x1x32x88xf32>
    %swap3A_526 = vector.shape_cast %swap3A_525 : vector<1x1x32x88xf32> to vector<32x88xf32>
    %swap3A_527 = vector.shape_cast %slice3A_520 : vector<32x88xf32> to vector<1x1x32x88xf32>
    tpu.vector_store %arg8[%swap3A_521, %swap3A_522, %swap3A_523, %swap3A_524], %swap3A_527 {strides = array<i32>} : memref<2x2x32x3242xf32, #tpu.memory_space<vmem>>, vector<1x1x32x88xf32>,
    %slice3A_528 = vector.extract_strided_slice %max3A_295 {offsets = [0, 2581], sizes = [32, 88], strides = [1, 1]} : vector<32x2848xf32> to vector<32x88xf32>
    %swap3A_529 = arith.constant 0 : index
    %swap3A_530 = arith.constant 1 : index
    %swap3A_531 = arith.constant 0 : index
    %swap3A_532 = arith.constant 2701 : index
    %swap3A_533 = vector.load %arg8[%swap3A_529, %swap3A_530, %swap3A_531, %swap3A_532] : memref<2x2x32x3242xf32, #tpu.memory_space<vmem>>, vector<1x1x32x88xf32>
    %swap3A_534 = vector.shape_cast %swap3A_533 : vector<1x1x32x88xf32> to vector<32x88xf32>
    %swap3A_535 = vector.shape_cast %slice3A_528 : vector<32x88xf32> to vector<1x1x32x88xf32>
    tpu.vector_store %arg8[%swap3A_529, %swap3A_530, %swap3A_531, %swap3A_532], %swap3A_535 {strides = array<i32>} : memref<2x2x32x3242xf32, #tpu.memory_space<vmem>>, vector<1x1x32x88xf32>,
    %slice3A_536 = vector.extract_strided_slice %max3A_295 {offsets = [0, 2670], sizes = [32, 88], strides = [1, 1]} : vector<32x2848xf32> to vector<32x88xf32>
    %swap3A_537 = arith.constant 0 : index
    %swap3A_538 = arith.constant 1 : index
    %swap3A_539 = arith.constant 0 : index
    %swap3A_540 = arith.constant 2791 : index
    %swap3A_541 = vector.load %arg8[%swap3A_537, %swap3A_538, %swap3A_539, %swap3A_540] : memref<2x2x32x3242xf32, #tpu.memory_space<vmem>>, vector<1x1x32x88xf32>
    %swap3A_542 = vector.shape_cast %swap3A_541 : vector<1x1x32x88xf32> to vector<32x88xf32>
    %swap3A_543 = vector.shape_cast %slice3A_536 : vector<32x88xf32> to vector<1x1x32x88xf32>
    tpu.vector_store %arg8[%swap3A_537, %swap3A_538, %swap3A_539, %swap3A_540], %swap3A_543 {strides = array<i32>} : memref<2x2x32x3242xf32, #tpu.memory_space<vmem>>, vector<1x1x32x88xf32>,
    %slice3A_544 = vector.extract_strided_slice %max3A_295 {offsets = [0, 2759], sizes = [32, 88], strides = [1, 1]} : vector<32x2848xf32> to vector<32x88xf32>
    %swap3A_545 = arith.constant 0 : index
    %swap3A_546 = arith.constant 1 : index
    %swap3A_547 = arith.constant 0 : index
    %swap3A_548 = arith.constant 2881 : index
    %swap3A_549 = vector.load %arg8[%swap3A_545, %swap3A_546, %swap3A_547, %swap3A_548] : memref<2x2x32x3242xf32, #tpu.memory_space<vmem>>, vector<1x1x32x88xf32>
    %swap3A_550 = vector.shape_cast %swap3A_549 : vector<1x1x32x88xf32> to vector<32x88xf32>
    %swap3A_551 = vector.shape_cast %slice3A_544 : vector<32x88xf32> to vector<1x1x32x88xf32>
    tpu.vector_store %arg8[%swap3A_545, %swap3A_546, %swap3A_547, %swap3A_548], %swap3A_551 {strides = array<i32>} : memref<2x2x32x3242xf32, #tpu.memory_space<vmem>>, vector<1x1x32x88xf32>,
    %get3A_552 = arith.constant 0 : index
    %get3A_553 = arith.constant 1 : index
    %get3A_554 = arith.constant 0 : index
    %get3A_555 = arith.constant 0 : index
    %get3A_556 = arith.constant 0 : index
    %get3A_557 = vector.load %arg1[%get3A_552, %get3A_553, %get3A_554, %get3A_555, %get3A_556] : memref<1x2x2x32x2848xf32, #tpu.memory_space<vmem>>, vector<1x1x1x32x2848xf32>
    %get3A_558 = vector.shape_cast %get3A_557 : vector<1x1x1x32x2848xf32> to vector<32x2848xf32>
    %get3A_559 = arith.constant 0 : index
    %get3A_560 = arith.constant 0 : index
    %get3A_561 = vector.load %arg2[%get3A_559, %get3A_560] : memref<32x1xf32, #tpu.memory_space<vmem>>, vector<32x1xf32>
    %mul3A_562 = vector.broadcast %get3A_561 : vector<32x1xf32> to vector<32x2848xf32>
    %mul3A_563 = arith.mulf %get3A_558, %mul3A_562 : vector<32x2848xf32>
    %get3A_564 = arith.constant 0 : index
    %get3A_565 = arith.constant 0 : index
    %get3A_566 = vector.load %arg3[%get3A_564, %get3A_565] : memref<32x1xf32, #tpu.memory_space<vmem>>, vector<32x1xf32>
    %add3A_567 = vector.broadcast %get3A_566 : vector<32x1xf32> to vector<32x2848xf32>
    %add3A_568 = arith.addf %mul3A_563, %add3A_567 : vector<32x2848xf32>
    %max3A_569 = arith.constant 0.000000e+00 : f32
    %max3A_570 = vector.broadcast %max3A_569 : f32 to vector<32x2848xf32>
    %max3A_571 = arith.maximumf %add3A_568, %max3A_570 : vector<32x2848xf32>
    %slice3A_572 = vector.extract_strided_slice %max3A_571 {offsets = [0, 0], sizes = [32, 88], strides = [1, 1]} : vector<32x2848xf32> to vector<32x88xf32>
    %swap3A_573 = arith.constant 1 : index
    %swap3A_574 = arith.constant 0 : index
    %swap3A_575 = arith.constant 0 : index
    %swap3A_576 = arith.constant 91 : index
    %swap3A_577 = vector.load %arg8[%swap3A_573, %swap3A_574, %swap3A_575, %swap3A_576] : memref<2x2x32x3242xf32, #tpu.memory_space<vmem>>, vector<1x1x32x88xf32>
    %swap3A_578 = vector.shape_cast %swap3A_577 : vector<1x1x32x88xf32> to vector<32x88xf32>
    %swap3A_579 = vector.shape_cast %slice3A_572 : vector<32x88xf32> to vector<1x1x32x88xf32>
    tpu.vector_store %arg8[%swap3A_573, %swap3A_574, %swap3A_575, %swap3A_576], %swap3A_579 {strides = array<i32>} : memref<2x2x32x3242xf32, #tpu.memory_space<vmem>>, vector<1x1x32x88xf32>,
    %slice3A_580 = vector.extract_strided_slice %max3A_571 {offsets = [0, 89], sizes = [32, 88], strides = [1, 1]} : vector<32x2848xf32> to vector<32x88xf32>
    %swap3A_581 = arith.constant 1 : index
    %swap3A_582 = arith.constant 0 : index
    %swap3A_583 = arith.constant 0 : index
    %swap3A_584 = arith.constant 181 : index
    %swap3A_585 = vector.load %arg8[%swap3A_581, %swap3A_582, %swap3A_583, %swap3A_584] : memref<2x2x32x3242xf32, #tpu.memory_space<vmem>>, vector<1x1x32x88xf32>
    %swap3A_586 = vector.shape_cast %swap3A_585 : vector<1x1x32x88xf32> to vector<32x88xf32>
    %swap3A_587 = vector.shape_cast %slice3A_580 : vector<32x88xf32> to vector<1x1x32x88xf32>
    tpu.vector_store %arg8[%swap3A_581, %swap3A_582, %swap3A_583, %swap3A_584], %swap3A_587 {strides = array<i32>} : memref<2x2x32x3242xf32, #tpu.memory_space<vmem>>, vector<1x1x32x88xf32>,
    %slice3A_588 = vector.extract_strided_slice %max3A_571 {offsets = [0, 178], sizes = [32, 88], strides = [1, 1]} : vector<32x2848xf32> to vector<32x88xf32>
    %swap3A_589 = arith.constant 1 : index
    %swap3A_590 = arith.constant 0 : index
    %swap3A_591 = arith.constant 0 : index
    %swap3A_592 = arith.constant 271 : index
    %swap3A_593 = vector.load %arg8[%swap3A_589, %swap3A_590, %swap3A_591, %swap3A_592] : memref<2x2x32x3242xf32, #tpu.memory_space<vmem>>, vector<1x1x32x88xf32>
    %swap3A_594 = vector.shape_cast %swap3A_593 : vector<1x1x32x88xf32> to vector<32x88xf32>
    %swap3A_595 = vector.shape_cast %slice3A_588 : vector<32x88xf32> to vector<1x1x32x88xf32>
    tpu.vector_store %arg8[%swap3A_589, %swap3A_590, %swap3A_591, %swap3A_592], %swap3A_595 {strides = array<i32>} : memref<2x2x32x3242xf32, #tpu.memory_space<vmem>>, vector<1x1x32x88xf32>,
    %slice3A_596 = vector.extract_strided_slice %max3A_571 {offsets = [0, 267], sizes = [32, 88], strides = [1, 1]} : vector<32x2848xf32> to vector<32x88xf32>
    %swap3A_597 = arith.constant 1 : index
    %swap3A_598 = arith.constant 0 : index
    %swap3A_599 = arith.constant 0 : index
    %swap3A_600 = arith.constant 361 : index
    %swap3A_601 = vector.load %arg8[%swap3A_597, %swap3A_598, %swap3A_599, %swap3A_600] : memref<2x2x32x3242xf32, #tpu.memory_space<vmem>>, vector<1x1x32x88xf32>
    %swap3A_602 = vector.shape_cast %swap3A_601 : vector<1x1x32x88xf32> to vector<32x88xf32>
    %swap3A_603 = vector.shape_cast %slice3A_596 : vector<32x88xf32> to vector<1x1x32x88xf32>
    tpu.vector_store %arg8[%swap3A_597, %swap3A_598, %swap3A_599, %swap3A_600], %swap3A_603 {strides = array<i32>} : memref<2x2x32x3242xf32, #tpu.memory_space<vmem>>, vector<1x1x32x88xf32>,
    %slice3A_604 = vector.extract_strided_slice %max3A_571 {offsets = [0, 356], sizes = [32, 88], strides = [1, 1]} : vector<32x2848xf32> to vector<32x88xf32>
    %swap3A_605 = arith.constant 1 : index
    %swap3A_606 = arith.constant 0 : index
    %swap3A_607 = arith.constant 0 : index
    %swap3A_608 = arith.constant 451 : index
    %swap3A_609 = vector.load %arg8[%swap3A_605, %swap3A_606, %swap3A_607, %swap3A_608] : memref<2x2x32x3242xf32, #tpu.memory_space<vmem>>, vector<1x1x32x88xf32>
    %swap3A_610 = vector.shape_cast %swap3A_609 : vector<1x1x32x88xf32> to vector<32x88xf32>
    %swap3A_611 = vector.shape_cast %slice3A_604 : vector<32x88xf32> to vector<1x1x32x88xf32>
    tpu.vector_store %arg8[%swap3A_605, %swap3A_606, %swap3A_607, %swap3A_608], %swap3A_611 {strides = array<i32>} : memref<2x2x32x3242xf32, #tpu.memory_space<vmem>>, vector<1x1x32x88xf32>,
    %slice3A_612 = vector.extract_strided_slice %max3A_571 {offsets = [0, 445], sizes = [32, 88], strides = [1, 1]} : vector<32x2848xf32> to vector<32x88xf32>
    %swap3A_613 = arith.constant 1 : index
    %swap3A_614 = arith.constant 0 : index
    %swap3A_615 = arith.constant 0 : index
    %swap3A_616 = arith.constant 541 : index
    %swap3A_617 = vector.load %arg8[%swap3A_613, %swap3A_614, %swap3A_615, %swap3A_616] : memref<2x2x32x3242xf32, #tpu.memory_space<vmem>>, vector<1x1x32x88xf32>
    %swap3A_618 = vector.shape_cast %swap3A_617 : vector<1x1x32x88xf32> to vector<32x88xf32>
    %swap3A_619 = vector.shape_cast %slice3A_612 : vector<32x88xf32> to vector<1x1x32x88xf32>
    tpu.vector_store %arg8[%swap3A_613, %swap3A_614, %swap3A_615, %swap3A_616], %swap3A_619 {strides = array<i32>} : memref<2x2x32x3242xf32, #tpu.memory_space<vmem>>, vector<1x1x32x88xf32>,
    %slice3A_620 = vector.extract_strided_slice %max3A_571 {offsets = [0, 534], sizes = [32, 88], strides = [1, 1]} : vector<32x2848xf32> to vector<32x88xf32>
    %swap3A_621 = arith.constant 1 : index
    %swap3A_622 = arith.constant 0 : index
    %swap3A_623 = arith.constant 0 : index
    %swap3A_624 = arith.constant 631 : index
    %swap3A_625 = vector.load %arg8[%swap3A_621, %swap3A_622, %swap3A_623, %swap3A_624] : memref<2x2x32x3242xf32, #tpu.memory_space<vmem>>, vector<1x1x32x88xf32>
    %swap3A_626 = vector.shape_cast %swap3A_625 : vector<1x1x32x88xf32> to vector<32x88xf32>
    %swap3A_627 = vector.shape_cast %slice3A_620 : vector<32x88xf32> to vector<1x1x32x88xf32>
    tpu.vector_store %arg8[%swap3A_621, %swap3A_622, %swap3A_623, %swap3A_624], %swap3A_627 {strides = array<i32>} : memref<2x2x32x3242xf32, #tpu.memory_space<vmem>>, vector<1x1x32x88xf32>,
    %slice3A_628 = vector.extract_strided_slice %max3A_571 {offsets = [0, 623], sizes = [32, 88], strides = [1, 1]} : vector<32x2848xf32> to vector<32x88xf32>
    %swap3A_629 = arith.constant 1 : index
    %swap3A_630 = arith.constant 0 : index
    %swap3A_631 = arith.constant 0 : index
    %swap3A_632 = arith.constant 721 : index
    %swap3A_633 = vector.load %arg8[%swap3A_629, %swap3A_630, %swap3A_631, %swap3A_632] : memref<2x2x32x3242xf32, #tpu.memory_space<vmem>>, vector<1x1x32x88xf32>
    %swap3A_634 = vector.shape_cast %swap3A_633 : vector<1x1x32x88xf32> to vector<32x88xf32>
    %swap3A_635 = vector.shape_cast %slice3A_628 : vector<32x88xf32> to vector<1x1x32x88xf32>
    tpu.vector_store %arg8[%swap3A_629, %swap3A_630, %swap3A_631, %swap3A_632], %swap3A_635 {strides = array<i32>} : memref<2x2x32x3242xf32, #tpu.memory_space<vmem>>, vector<1x1x32x88xf32>,
    %slice3A_636 = vector.extract_strided_slice %max3A_571 {offsets = [0, 712], sizes = [32, 88], strides = [1, 1]} : vector<32x2848xf32> to vector<32x88xf32>
    %swap3A_637 = arith.constant 1 : index
    %swap3A_638 = arith.constant 0 : index
    %swap3A_639 = arith.constant 0 : index
    %swap3A_640 = arith.constant 811 : index
    %swap3A_641 = vector.load %arg8[%swap3A_637, %swap3A_638, %swap3A_639, %swap3A_640] : memref<2x2x32x3242xf32, #tpu.memory_space<vmem>>, vector<1x1x32x88xf32>
    %swap3A_642 = vector.shape_cast %swap3A_641 : vector<1x1x32x88xf32> to vector<32x88xf32>
    %swap3A_643 = vector.shape_cast %slice3A_636 : vector<32x88xf32> to vector<1x1x32x88xf32>
    tpu.vector_store %arg8[%swap3A_637, %swap3A_638, %swap3A_639, %swap3A_640], %swap3A_643 {strides = array<i32>} : memref<2x2x32x3242xf32, #tpu.memory_space<vmem>>, vector<1x1x32x88xf32>,
    %slice3A_644 = vector.extract_strided_slice %max3A_571 {offsets = [0, 801], sizes = [32, 88], strides = [1, 1]} : vector<32x2848xf32> to vector<32x88xf32>
    %swap3A_645 = arith.constant 1 : index
    %swap3A_646 = arith.constant 0 : index
    %swap3A_647 = arith.constant 0 : index
    %swap3A_648 = arith.constant 901 : index
    %swap3A_649 = vector.load %arg8[%swap3A_645, %swap3A_646, %swap3A_647, %swap3A_648] : memref<2x2x32x3242xf32, #tpu.memory_space<vmem>>, vector<1x1x32x88xf32>
    %swap3A_650 = vector.shape_cast %swap3A_649 : vector<1x1x32x88xf32> to vector<32x88xf32>
    %swap3A_651 = vector.shape_cast %slice3A_644 : vector<32x88xf32> to vector<1x1x32x88xf32>
    tpu.vector_store %arg8[%swap3A_645, %swap3A_646, %swap3A_647, %swap3A_648], %swap3A_651 {strides = array<i32>} : memref<2x2x32x3242xf32, #tpu.memory_space<vmem>>, vector<1x1x32x88xf32>,
    %slice3A_652 = vector.extract_strided_slice %max3A_571 {offsets = [0, 890], sizes = [32, 88], strides = [1, 1]} : vector<32x2848xf32> to vector<32x88xf32>
    %swap3A_653 = arith.constant 1 : index
    %swap3A_654 = arith.constant 0 : index
    %swap3A_655 = arith.constant 0 : index
    %swap3A_656 = arith.constant 991 : index
    %swap3A_657 = vector.load %arg8[%swap3A_653, %swap3A_654, %swap3A_655, %swap3A_656] : memref<2x2x32x3242xf32, #tpu.memory_space<vmem>>, vector<1x1x32x88xf32>
    %swap3A_658 = vector.shape_cast %swap3A_657 : vector<1x1x32x88xf32> to vector<32x88xf32>
    %swap3A_659 = vector.shape_cast %slice3A_652 : vector<32x88xf32> to vector<1x1x32x88xf32>
    tpu.vector_store %arg8[%swap3A_653, %swap3A_654, %swap3A_655, %swap3A_656], %swap3A_659 {strides = array<i32>} : memref<2x2x32x3242xf32, #tpu.memory_space<vmem>>, vector<1x1x32x88xf32>,
    %slice3A_660 = vector.extract_strided_slice %max3A_571 {offsets = [0, 979], sizes = [32, 88], strides = [1, 1]} : vector<32x2848xf32> to vector<32x88xf32>
    %swap3A_661 = arith.constant 1 : index
    %swap3A_662 = arith.constant 0 : index
    %swap3A_663 = arith.constant 0 : index
    %swap3A_664 = arith.constant 1081 : index
    %swap3A_665 = vector.load %arg8[%swap3A_661, %swap3A_662, %swap3A_663, %swap3A_664] : memref<2x2x32x3242xf32, #tpu.memory_space<vmem>>, vector<1x1x32x88xf32>
    %swap3A_666 = vector.shape_cast %swap3A_665 : vector<1x1x32x88xf32> to vector<32x88xf32>
    %swap3A_667 = vector.shape_cast %slice3A_660 : vector<32x88xf32> to vector<1x1x32x88xf32>
    tpu.vector_store %arg8[%swap3A_661, %swap3A_662, %swap3A_663, %swap3A_664], %swap3A_667 {strides = array<i32>} : memref<2x2x32x3242xf32, #tpu.memory_space<vmem>>, vector<1x1x32x88xf32>,
    %slice3A_668 = vector.extract_strided_slice %max3A_571 {offsets = [0, 1068], sizes = [32, 88], strides = [1, 1]} : vector<32x2848xf32> to vector<32x88xf32>
    %swap3A_669 = arith.constant 1 : index
    %swap3A_670 = arith.constant 0 : index
    %swap3A_671 = arith.constant 0 : index
    %swap3A_672 = arith.constant 1171 : index
    %swap3A_673 = vector.load %arg8[%swap3A_669, %swap3A_670, %swap3A_671, %swap3A_672] : memref<2x2x32x3242xf32, #tpu.memory_space<vmem>>, vector<1x1x32x88xf32>
    %swap3A_674 = vector.shape_cast %swap3A_673 : vector<1x1x32x88xf32> to vector<32x88xf32>
    %swap3A_675 = vector.shape_cast %slice3A_668 : vector<32x88xf32> to vector<1x1x32x88xf32>
    tpu.vector_store %arg8[%swap3A_669, %swap3A_670, %swap3A_671, %swap3A_672], %swap3A_675 {strides = array<i32>} : memref<2x2x32x3242xf32, #tpu.memory_space<vmem>>, vector<1x1x32x88xf32>,
    %slice3A_676 = vector.extract_strided_slice %max3A_571 {offsets = [0, 1157], sizes = [32, 88], strides = [1, 1]} : vector<32x2848xf32> to vector<32x88xf32>
    %swap3A_677 = arith.constant 1 : index
    %swap3A_678 = arith.constant 0 : index
    %swap3A_679 = arith.constant 0 : index
    %swap3A_680 = arith.constant 1261 : index
    %swap3A_681 = vector.load %arg8[%swap3A_677, %swap3A_678, %swap3A_679, %swap3A_680] : memref<2x2x32x3242xf32, #tpu.memory_space<vmem>>, vector<1x1x32x88xf32>
    %swap3A_682 = vector.shape_cast %swap3A_681 : vector<1x1x32x88xf32> to vector<32x88xf32>
    %swap3A_683 = vector.shape_cast %slice3A_676 : vector<32x88xf32> to vector<1x1x32x88xf32>
    tpu.vector_store %arg8[%swap3A_677, %swap3A_678, %swap3A_679, %swap3A_680], %swap3A_683 {strides = array<i32>} : memref<2x2x32x3242xf32, #tpu.memory_space<vmem>>, vector<1x1x32x88xf32>,
    %slice3A_684 = vector.extract_strided_slice %max3A_571 {offsets = [0, 1246], sizes = [32, 88], strides = [1, 1]} : vector<32x2848xf32> to vector<32x88xf32>
    %swap3A_685 = arith.constant 1 : index
    %swap3A_686 = arith.constant 0 : index
    %swap3A_687 = arith.constant 0 : index
    %swap3A_688 = arith.constant 1351 : index
    %swap3A_689 = vector.load %arg8[%swap3A_685, %swap3A_686, %swap3A_687, %swap3A_688] : memref<2x2x32x3242xf32, #tpu.memory_space<vmem>>, vector<1x1x32x88xf32>
    %swap3A_690 = vector.shape_cast %swap3A_689 : vector<1x1x32x88xf32> to vector<32x88xf32>
    %swap3A_691 = vector.shape_cast %slice3A_684 : vector<32x88xf32> to vector<1x1x32x88xf32>
    tpu.vector_store %arg8[%swap3A_685, %swap3A_686, %swap3A_687, %swap3A_688], %swap3A_691 {strides = array<i32>} : memref<2x2x32x3242xf32, #tpu.memory_space<vmem>>, vector<1x1x32x88xf32>,
    %slice3A_692 = vector.extract_strided_slice %max3A_571 {offsets = [0, 1335], sizes = [32, 88], strides = [1, 1]} : vector<32x2848xf32> to vector<32x88xf32>
    %swap3A_693 = arith.constant 1 : index
    %swap3A_694 = arith.constant 0 : index
    %swap3A_695 = arith.constant 0 : index
    %swap3A_696 = arith.constant 1441 : index
    %swap3A_697 = vector.load %arg8[%swap3A_693, %swap3A_694, %swap3A_695, %swap3A_696] : memref<2x2x32x3242xf32, #tpu.memory_space<vmem>>, vector<1x1x32x88xf32>
    %swap3A_698 = vector.shape_cast %swap3A_697 : vector<1x1x32x88xf32> to vector<32x88xf32>
    %swap3A_699 = vector.shape_cast %slice3A_692 : vector<32x88xf32> to vector<1x1x32x88xf32>
    tpu.vector_store %arg8[%swap3A_693, %swap3A_694, %swap3A_695, %swap3A_696], %swap3A_699 {strides = array<i32>} : memref<2x2x32x3242xf32, #tpu.memory_space<vmem>>, vector<1x1x32x88xf32>,
    %slice3A_700 = vector.extract_strided_slice %max3A_571 {offsets = [0, 1424], sizes = [32, 88], strides = [1, 1]} : vector<32x2848xf32> to vector<32x88xf32>
    %swap3A_701 = arith.constant 1 : index
    %swap3A_702 = arith.constant 0 : index
    %swap3A_703 = arith.constant 0 : index
    %swap3A_704 = arith.constant 1531 : index
    %swap3A_705 = vector.load %arg8[%swap3A_701, %swap3A_702, %swap3A_703, %swap3A_704] : memref<2x2x32x3242xf32, #tpu.memory_space<vmem>>, vector<1x1x32x88xf32>
    %swap3A_706 = vector.shape_cast %swap3A_705 : vector<1x1x32x88xf32> to vector<32x88xf32>
    %swap3A_707 = vector.shape_cast %slice3A_700 : vector<32x88xf32> to vector<1x1x32x88xf32>
    tpu.vector_store %arg8[%swap3A_701, %swap3A_702, %swap3A_703, %swap3A_704], %swap3A_707 {strides = array<i32>} : memref<2x2x32x3242xf32, #tpu.memory_space<vmem>>, vector<1x1x32x88xf32>,
    %slice3A_708 = vector.extract_strided_slice %max3A_571 {offsets = [0, 1513], sizes = [32, 88], strides = [1, 1]} : vector<32x2848xf32> to vector<32x88xf32>
    %swap3A_709 = arith.constant 1 : index
    %swap3A_710 = arith.constant 0 : index
    %swap3A_711 = arith.constant 0 : index
    %swap3A_712 = arith.constant 1621 : index
    %swap3A_713 = vector.load %arg8[%swap3A_709, %swap3A_710, %swap3A_711, %swap3A_712] : memref<2x2x32x3242xf32, #tpu.memory_space<vmem>>, vector<1x1x32x88xf32>
    %swap3A_714 = vector.shape_cast %swap3A_713 : vector<1x1x32x88xf32> to vector<32x88xf32>
    %swap3A_715 = vector.shape_cast %slice3A_708 : vector<32x88xf32> to vector<1x1x32x88xf32>
    tpu.vector_store %arg8[%swap3A_709, %swap3A_710, %swap3A_711, %swap3A_712], %swap3A_715 {strides = array<i32>} : memref<2x2x32x3242xf32, #tpu.memory_space<vmem>>, vector<1x1x32x88xf32>,
    %slice3A_716 = vector.extract_strided_slice %max3A_571 {offsets = [0, 1602], sizes = [32, 88], strides = [1, 1]} : vector<32x2848xf32> to vector<32x88xf32>
    %swap3A_717 = arith.constant 1 : index
    %swap3A_718 = arith.constant 0 : index
    %swap3A_719 = arith.constant 0 : index
    %swap3A_720 = arith.constant 1711 : index
    %swap3A_721 = vector.load %arg8[%swap3A_717, %swap3A_718, %swap3A_719, %swap3A_720] : memref<2x2x32x3242xf32, #tpu.memory_space<vmem>>, vector<1x1x32x88xf32>
    %swap3A_722 = vector.shape_cast %swap3A_721 : vector<1x1x32x88xf32> to vector<32x88xf32>
    %swap3A_723 = vector.shape_cast %slice3A_716 : vector<32x88xf32> to vector<1x1x32x88xf32>
    tpu.vector_store %arg8[%swap3A_717, %swap3A_718, %swap3A_719, %swap3A_720], %swap3A_723 {strides = array<i32>} : memref<2x2x32x3242xf32, #tpu.memory_space<vmem>>, vector<1x1x32x88xf32>,
    %slice3A_724 = vector.extract_strided_slice %max3A_571 {offsets = [0, 1691], sizes = [32, 88], strides = [1, 1]} : vector<32x2848xf32> to vector<32x88xf32>
    %swap3A_725 = arith.constant 1 : index
    %swap3A_726 = arith.constant 0 : index
    %swap3A_727 = arith.constant 0 : index
    %swap3A_728 = arith.constant 1801 : index
    %swap3A_729 = vector.load %arg8[%swap3A_725, %swap3A_726, %swap3A_727, %swap3A_728] : memref<2x2x32x3242xf32, #tpu.memory_space<vmem>>, vector<1x1x32x88xf32>
    %swap3A_730 = vector.shape_cast %swap3A_729 : vector<1x1x32x88xf32> to vector<32x88xf32>
    %swap3A_731 = vector.shape_cast %slice3A_724 : vector<32x88xf32> to vector<1x1x32x88xf32>
    tpu.vector_store %arg8[%swap3A_725, %swap3A_726, %swap3A_727, %swap3A_728], %swap3A_731 {strides = array<i32>} : memref<2x2x32x3242xf32, #tpu.memory_space<vmem>>, vector<1x1x32x88xf32>,
    %slice3A_732 = vector.extract_strided_slice %max3A_571 {offsets = [0, 1780], sizes = [32, 88], strides = [1, 1]} : vector<32x2848xf32> to vector<32x88xf32>
    %swap3A_733 = arith.constant 1 : index
    %swap3A_734 = arith.constant 0 : index
    %swap3A_735 = arith.constant 0 : index
    %swap3A_736 = arith.constant 1891 : index
    %swap3A_737 = vector.load %arg8[%swap3A_733, %swap3A_734, %swap3A_735, %swap3A_736] : memref<2x2x32x3242xf32, #tpu.memory_space<vmem>>, vector<1x1x32x88xf32>
    %swap3A_738 = vector.shape_cast %swap3A_737 : vector<1x1x32x88xf32> to vector<32x88xf32>
    %swap3A_739 = vector.shape_cast %slice3A_732 : vector<32x88xf32> to vector<1x1x32x88xf32>
    tpu.vector_store %arg8[%swap3A_733, %swap3A_734, %swap3A_735, %swap3A_736], %swap3A_739 {strides = array<i32>} : memref<2x2x32x3242xf32, #tpu.memory_space<vmem>>, vector<1x1x32x88xf32>,
    %slice3A_740 = vector.extract_strided_slice %max3A_571 {offsets = [0, 1869], sizes = [32, 88], strides = [1, 1]} : vector<32x2848xf32> to vector<32x88xf32>
    %swap3A_741 = arith.constant 1 : index
    %swap3A_742 = arith.constant 0 : index
    %swap3A_743 = arith.constant 0 : index
    %swap3A_744 = arith.constant 1981 : index
    %swap3A_745 = vector.load %arg8[%swap3A_741, %swap3A_742, %swap3A_743, %swap3A_744] : memref<2x2x32x3242xf32, #tpu.memory_space<vmem>>, vector<1x1x32x88xf32>
    %swap3A_746 = vector.shape_cast %swap3A_745 : vector<1x1x32x88xf32> to vector<32x88xf32>
    %swap3A_747 = vector.shape_cast %slice3A_740 : vector<32x88xf32> to vector<1x1x32x88xf32>
    tpu.vector_store %arg8[%swap3A_741, %swap3A_742, %swap3A_743, %swap3A_744], %swap3A_747 {strides = array<i32>} : memref<2x2x32x3242xf32, #tpu.memory_space<vmem>>, vector<1x1x32x88xf32>,
    %slice3A_748 = vector.extract_strided_slice %max3A_571 {offsets = [0, 1958], sizes = [32, 88], strides = [1, 1]} : vector<32x2848xf32> to vector<32x88xf32>
    %swap3A_749 = arith.constant 1 : index
    %swap3A_750 = arith.constant 0 : index
    %swap3A_751 = arith.constant 0 : index
    %swap3A_752 = arith.constant 2071 : index
    %swap3A_753 = vector.load %arg8[%swap3A_749, %swap3A_750, %swap3A_751, %swap3A_752] : memref<2x2x32x3242xf32, #tpu.memory_space<vmem>>, vector<1x1x32x88xf32>
    %swap3A_754 = vector.shape_cast %swap3A_753 : vector<1x1x32x88xf32> to vector<32x88xf32>
    %swap3A_755 = vector.shape_cast %slice3A_748 : vector<32x88xf32> to vector<1x1x32x88xf32>
    tpu.vector_store %arg8[%swap3A_749, %swap3A_750, %swap3A_751, %swap3A_752], %swap3A_755 {strides = array<i32>} : memref<2x2x32x3242xf32, #tpu.memory_space<vmem>>, vector<1x1x32x88xf32>,
    %slice3A_756 = vector.extract_strided_slice %max3A_571 {offsets = [0, 2047], sizes = [32, 88], strides = [1, 1]} : vector<32x2848xf32> to vector<32x88xf32>
    %swap3A_757 = arith.constant 1 : index
    %swap3A_758 = arith.constant 0 : index
    %swap3A_759 = arith.constant 0 : index
    %swap3A_760 = arith.constant 2161 : index
    %swap3A_761 = vector.load %arg8[%swap3A_757, %swap3A_758, %swap3A_759, %swap3A_760] : memref<2x2x32x3242xf32, #tpu.memory_space<vmem>>, vector<1x1x32x88xf32>
    %swap3A_762 = vector.shape_cast %swap3A_761 : vector<1x1x32x88xf32> to vector<32x88xf32>
    %swap3A_763 = vector.shape_cast %slice3A_756 : vector<32x88xf32> to vector<1x1x32x88xf32>
    tpu.vector_store %arg8[%swap3A_757, %swap3A_758, %swap3A_759, %swap3A_760], %swap3A_763 {strides = array<i32>} : memref<2x2x32x3242xf32, #tpu.memory_space<vmem>>, vector<1x1x32x88xf32>,
    %slice3A_764 = vector.extract_strided_slice %max3A_571 {offsets = [0, 2136], sizes = [32, 88], strides = [1, 1]} : vector<32x2848xf32> to vector<32x88xf32>
    %swap3A_765 = arith.constant 1 : index
    %swap3A_766 = arith.constant 0 : index
    %swap3A_767 = arith.constant 0 : index
    %swap3A_768 = arith.constant 2251 : index
    %swap3A_769 = vector.load %arg8[%swap3A_765, %swap3A_766, %swap3A_767, %swap3A_768] : memref<2x2x32x3242xf32, #tpu.memory_space<vmem>>, vector<1x1x32x88xf32>
    %swap3A_770 = vector.shape_cast %swap3A_769 : vector<1x1x32x88xf32> to vector<32x88xf32>
    %swap3A_771 = vector.shape_cast %slice3A_764 : vector<32x88xf32> to vector<1x1x32x88xf32>
    tpu.vector_store %arg8[%swap3A_765, %swap3A_766, %swap3A_767, %swap3A_768], %swap3A_771 {strides = array<i32>} : memref<2x2x32x3242xf32, #tpu.memory_space<vmem>>, vector<1x1x32x88xf32>,
    %slice3A_772 = vector.extract_strided_slice %max3A_571 {offsets = [0, 2225], sizes = [32, 88], strides = [1, 1]} : vector<32x2848xf32> to vector<32x88xf32>
    %swap3A_773 = arith.constant 1 : index
    %swap3A_774 = arith.constant 0 : index
    %swap3A_775 = arith.constant 0 : index
    %swap3A_776 = arith.constant 2341 : index
    %swap3A_777 = vector.load %arg8[%swap3A_773, %swap3A_774, %swap3A_775, %swap3A_776] : memref<2x2x32x3242xf32, #tpu.memory_space<vmem>>, vector<1x1x32x88xf32>
    %swap3A_778 = vector.shape_cast %swap3A_777 : vector<1x1x32x88xf32> to vector<32x88xf32>
    %swap3A_779 = vector.shape_cast %slice3A_772 : vector<32x88xf32> to vector<1x1x32x88xf32>
    tpu.vector_store %arg8[%swap3A_773, %swap3A_774, %swap3A_775, %swap3A_776], %swap3A_779 {strides = array<i32>} : memref<2x2x32x3242xf32, #tpu.memory_space<vmem>>, vector<1x1x32x88xf32>,
    %slice3A_780 = vector.extract_strided_slice %max3A_571 {offsets = [0, 2314], sizes = [32, 88], strides = [1, 1]} : vector<32x2848xf32> to vector<32x88xf32>
    %swap3A_781 = arith.constant 1 : index
    %swap3A_782 = arith.constant 0 : index
    %swap3A_783 = arith.constant 0 : index
    %swap3A_784 = arith.constant 2431 : index
    %swap3A_785 = vector.load %arg8[%swap3A_781, %swap3A_782, %swap3A_783, %swap3A_784] : memref<2x2x32x3242xf32, #tpu.memory_space<vmem>>, vector<1x1x32x88xf32>
    %swap3A_786 = vector.shape_cast %swap3A_785 : vector<1x1x32x88xf32> to vector<32x88xf32>
    %swap3A_787 = vector.shape_cast %slice3A_780 : vector<32x88xf32> to vector<1x1x32x88xf32>
    tpu.vector_store %arg8[%swap3A_781, %swap3A_782, %swap3A_783, %swap3A_784], %swap3A_787 {strides = array<i32>} : memref<2x2x32x3242xf32, #tpu.memory_space<vmem>>, vector<1x1x32x88xf32>,
    %slice3A_788 = vector.extract_strided_slice %max3A_571 {offsets = [0, 2403], sizes = [32, 88], strides = [1, 1]} : vector<32x2848xf32> to vector<32x88xf32>
    %swap3A_789 = arith.constant 1 : index
    %swap3A_790 = arith.constant 0 : index
    %swap3A_791 = arith.constant 0 : index
    %swap3A_792 = arith.constant 2521 : index
    %swap3A_793 = vector.load %arg8[%swap3A_789, %swap3A_790, %swap3A_791, %swap3A_792] : memref<2x2x32x3242xf32, #tpu.memory_space<vmem>>, vector<1x1x32x88xf32>
    %swap3A_794 = vector.shape_cast %swap3A_793 : vector<1x1x32x88xf32> to vector<32x88xf32>
    %swap3A_795 = vector.shape_cast %slice3A_788 : vector<32x88xf32> to vector<1x1x32x88xf32>
    tpu.vector_store %arg8[%swap3A_789, %swap3A_790, %swap3A_791, %swap3A_792], %swap3A_795 {strides = array<i32>} : memref<2x2x32x3242xf32, #tpu.memory_space<vmem>>, vector<1x1x32x88xf32>,
    %slice3A_796 = vector.extract_strided_slice %max3A_571 {offsets = [0, 2492], sizes = [32, 88], strides = [1, 1]} : vector<32x2848xf32> to vector<32x88xf32>
    %swap3A_797 = arith.constant 1 : index
    %swap3A_798 = arith.constant 0 : index
    %swap3A_799 = arith.constant 0 : index
    %swap3A_800 = arith.constant 2611 : index
    %swap3A_801 = vector.load %arg8[%swap3A_797, %swap3A_798, %swap3A_799, %swap3A_800] : memref<2x2x32x3242xf32, #tpu.memory_space<vmem>>, vector<1x1x32x88xf32>
    %swap3A_802 = vector.shape_cast %swap3A_801 : vector<1x1x32x88xf32> to vector<32x88xf32>
    %swap3A_803 = vector.shape_cast %slice3A_796 : vector<32x88xf32> to vector<1x1x32x88xf32>
    tpu.vector_store %arg8[%swap3A_797, %swap3A_798, %swap3A_799, %swap3A_800], %swap3A_803 {strides = array<i32>} : memref<2x2x32x3242xf32, #tpu.memory_space<vmem>>, vector<1x1x32x88xf32>,
    %slice3A_804 = vector.extract_strided_slice %max3A_571 {offsets = [0, 2581], sizes = [32, 88], strides = [1, 1]} : vector<32x2848xf32> to vector<32x88xf32>
    %swap3A_805 = arith.constant 1 : index
    %swap3A_806 = arith.constant 0 : index
    %swap3A_807 = arith.constant 0 : index
    %swap3A_808 = arith.constant 2701 : index
    %swap3A_809 = vector.load %arg8[%swap3A_805, %swap3A_806, %swap3A_807, %swap3A_808] : memref<2x2x32x3242xf32, #tpu.memory_space<vmem>>, vector<1x1x32x88xf32>
    %swap3A_810 = vector.shape_cast %swap3A_809 : vector<1x1x32x88xf32> to vector<32x88xf32>
    %swap3A_811 = vector.shape_cast %slice3A_804 : vector<32x88xf32> to vector<1x1x32x88xf32>
    tpu.vector_store %arg8[%swap3A_805, %swap3A_806, %swap3A_807, %swap3A_808], %swap3A_811 {strides = array<i32>} : memref<2x2x32x3242xf32, #tpu.memory_space<vmem>>, vector<1x1x32x88xf32>,
    %slice3A_812 = vector.extract_strided_slice %max3A_571 {offsets = [0, 2670], sizes = [32, 88], strides = [1, 1]} : vector<32x2848xf32> to vector<32x88xf32>
    %swap3A_813 = arith.constant 1 : index
    %swap3A_814 = arith.constant 0 : index
    %swap3A_815 = arith.constant 0 : index
    %swap3A_816 = arith.constant 2791 : index
    %swap3A_817 = vector.load %arg8[%swap3A_813, %swap3A_814, %swap3A_815, %swap3A_816] : memref<2x2x32x3242xf32, #tpu.memory_space<vmem>>, vector<1x1x32x88xf32>
    %swap3A_818 = vector.shape_cast %swap3A_817 : vector<1x1x32x88xf32> to vector<32x88xf32>
    %swap3A_819 = vector.shape_cast %slice3A_812 : vector<32x88xf32> to vector<1x1x32x88xf32>
    tpu.vector_store %arg8[%swap3A_813, %swap3A_814, %swap3A_815, %swap3A_816], %swap3A_819 {strides = array<i32>} : memref<2x2x32x3242xf32, #tpu.memory_space<vmem>>, vector<1x1x32x88xf32>,
    %slice3A_820 = vector.extract_strided_slice %max3A_571 {offsets = [0, 2759], sizes = [32, 88], strides = [1, 1]} : vector<32x2848xf32> to vector<32x88xf32>
    %swap3A_821 = arith.constant 1 : index
    %swap3A_822 = arith.constant 0 : index
    %swap3A_823 = arith.constant 0 : index
    %swap3A_824 = arith.constant 2881 : index
    %swap3A_825 = vector.load %arg8[%swap3A_821, %swap3A_822, %swap3A_823, %swap3A_824] : memref<2x2x32x3242xf32, #tpu.memory_space<vmem>>, vector<1x1x32x88xf32>
    %swap3A_826 = vector.shape_cast %swap3A_825 : vector<1x1x32x88xf32> to vector<32x88xf32>
    %swap3A_827 = vector.shape_cast %slice3A_820 : vector<32x88xf32> to vector<1x1x32x88xf32>
    tpu.vector_store %arg8[%swap3A_821, %swap3A_822, %swap3A_823, %swap3A_824], %swap3A_827 {strides = array<i32>} : memref<2x2x32x3242xf32, #tpu.memory_space<vmem>>, vector<1x1x32x88xf32>,
    %get3A_828 = arith.constant 0 : index
    %get3A_829 = arith.constant 1 : index
    %get3A_830 = arith.constant 1 : index
    %get3A_831 = arith.constant 0 : index
    %get3A_832 = arith.constant 0 : index
    %get3A_833 = vector.load %arg1[%get3A_828, %get3A_829, %get3A_830, %get3A_831, %get3A_832] : memref<1x2x2x32x2848xf32, #tpu.memory_space<vmem>>, vector<1x1x1x32x2848xf32>
    %get3A_834 = vector.shape_cast %get3A_833 : vector<1x1x1x32x2848xf32> to vector<32x2848xf32>
    %get3A_835 = arith.constant 0 : index
    %get3A_836 = arith.constant 0 : index
    %get3A_837 = vector.load %arg2[%get3A_835, %get3A_836] : memref<32x1xf32, #tpu.memory_space<vmem>>, vector<32x1xf32>
    %mul3A_838 = vector.broadcast %get3A_837 : vector<32x1xf32> to vector<32x2848xf32>
    %mul3A_839 = arith.mulf %get3A_834, %mul3A_838 : vector<32x2848xf32>
    %get3A_840 = arith.constant 0 : index
    %get3A_841 = arith.constant 0 : index
    %get3A_842 = vector.load %arg3[%get3A_840, %get3A_841] : memref<32x1xf32, #tpu.memory_space<vmem>>, vector<32x1xf32>
    %add3A_843 = vector.broadcast %get3A_842 : vector<32x1xf32> to vector<32x2848xf32>
    %add3A_844 = arith.addf %mul3A_839, %add3A_843 : vector<32x2848xf32>
    %max3A_845 = arith.constant 0.000000e+00 : f32
    %max3A_846 = vector.broadcast %max3A_845 : f32 to vector<32x2848xf32>
    %max3A_847 = arith.maximumf %add3A_844, %max3A_846 : vector<32x2848xf32>
    %slice3A_848 = vector.extract_strided_slice %max3A_847 {offsets = [0, 0], sizes = [32, 88], strides = [1, 1]} : vector<32x2848xf32> to vector<32x88xf32>
    %swap3A_849 = arith.constant 1 : index
    %swap3A_850 = arith.constant 1 : index
    %swap3A_851 = arith.constant 0 : index
    %swap3A_852 = arith.constant 91 : index
    %swap3A_853 = vector.load %arg8[%swap3A_849, %swap3A_850, %swap3A_851, %swap3A_852] : memref<2x2x32x3242xf32, #tpu.memory_space<vmem>>, vector<1x1x32x88xf32>
    %swap3A_854 = vector.shape_cast %swap3A_853 : vector<1x1x32x88xf32> to vector<32x88xf32>
    %swap3A_855 = vector.shape_cast %slice3A_848 : vector<32x88xf32> to vector<1x1x32x88xf32>
    tpu.vector_store %arg8[%swap3A_849, %swap3A_850, %swap3A_851, %swap3A_852], %swap3A_855 {strides = array<i32>} : memref<2x2x32x3242xf32, #tpu.memory_space<vmem>>, vector<1x1x32x88xf32>,
    %slice3A_856 = vector.extract_strided_slice %max3A_847 {offsets = [0, 89], sizes = [32, 88], strides = [1, 1]} : vector<32x2848xf32> to vector<32x88xf32>
    %swap3A_857 = arith.constant 1 : index
    %swap3A_858 = arith.constant 1 : index
    %swap3A_859 = arith.constant 0 : index
    %swap3A_860 = arith.constant 181 : index
    %swap3A_861 = vector.load %arg8[%swap3A_857, %swap3A_858, %swap3A_859, %swap3A_860] : memref<2x2x32x3242xf32, #tpu.memory_space<vmem>>, vector<1x1x32x88xf32>
    %swap3A_862 = vector.shape_cast %swap3A_861 : vector<1x1x32x88xf32> to vector<32x88xf32>
    %swap3A_863 = vector.shape_cast %slice3A_856 : vector<32x88xf32> to vector<1x1x32x88xf32>
    tpu.vector_store %arg8[%swap3A_857, %swap3A_858, %swap3A_859, %swap3A_860], %swap3A_863 {strides = array<i32>} : memref<2x2x32x3242xf32, #tpu.memory_space<vmem>>, vector<1x1x32x88xf32>,
    %slice3A_864 = vector.extract_strided_slice %max3A_847 {offsets = [0, 178], sizes = [32, 88], strides = [1, 1]} : vector<32x2848xf32> to vector<32x88xf32>
    %swap3A_865 = arith.constant 1 : index
    %swap3A_866 = arith.constant 1 : index
    %swap3A_867 = arith.constant 0 : index
    %swap3A_868 = arith.constant 271 : index
    %swap3A_869 = vector.load %arg8[%swap3A_865, %swap3A_866, %swap3A_867, %swap3A_868] : memref<2x2x32x3242xf32, #tpu.memory_space<vmem>>, vector<1x1x32x88xf32>
    %swap3A_870 = vector.shape_cast %swap3A_869 : vector<1x1x32x88xf32> to vector<32x88xf32>
    %swap3A_871 = vector.shape_cast %slice3A_864 : vector<32x88xf32> to vector<1x1x32x88xf32>
    tpu.vector_store %arg8[%swap3A_865, %swap3A_866, %swap3A_867, %swap3A_868], %swap3A_871 {strides = array<i32>} : memref<2x2x32x3242xf32, #tpu.memory_space<vmem>>, vector<1x1x32x88xf32>,
    %slice3A_872 = vector.extract_strided_slice %max3A_847 {offsets = [0, 267], sizes = [32, 88], strides = [1, 1]} : vector<32x2848xf32> to vector<32x88xf32>
    %swap3A_873 = arith.constant 1 : index
    %swap3A_874 = arith.constant 1 : index
    %swap3A_875 = arith.constant 0 : index
    %swap3A_876 = arith.constant 361 : index
    %swap3A_877 = vector.load %arg8[%swap3A_873, %swap3A_874, %swap3A_875, %swap3A_876] : memref<2x2x32x3242xf32, #tpu.memory_space<vmem>>, vector<1x1x32x88xf32>
    %swap3A_878 = vector.shape_cast %swap3A_877 : vector<1x1x32x88xf32> to vector<32x88xf32>
    %swap3A_879 = vector.shape_cast %slice3A_872 : vector<32x88xf32> to vector<1x1x32x88xf32>
    tpu.vector_store %arg8[%swap3A_873, %swap3A_874, %swap3A_875, %swap3A_876], %swap3A_879 {strides = array<i32>} : memref<2x2x32x3242xf32, #tpu.memory_space<vmem>>, vector<1x1x32x88xf32>,
    %slice3A_880 = vector.extract_strided_slice %max3A_847 {offsets = [0, 356], sizes = [32, 88], strides = [1, 1]} : vector<32x2848xf32> to vector<32x88xf32>
    %swap3A_881 = arith.constant 1 : index
    %swap3A_882 = arith.constant 1 : index
    %swap3A_883 = arith.constant 0 : index
    %swap3A_884 = arith.constant 451 : index
    %swap3A_885 = vector.load %arg8[%swap3A_881, %swap3A_882, %swap3A_883, %swap3A_884] : memref<2x2x32x3242xf32, #tpu.memory_space<vmem>>, vector<1x1x32x88xf32>
    %swap3A_886 = vector.shape_cast %swap3A_885 : vector<1x1x32x88xf32> to vector<32x88xf32>
    %swap3A_887 = vector.shape_cast %slice3A_880 : vector<32x88xf32> to vector<1x1x32x88xf32>
    tpu.vector_store %arg8[%swap3A_881, %swap3A_882, %swap3A_883, %swap3A_884], %swap3A_887 {strides = array<i32>} : memref<2x2x32x3242xf32, #tpu.memory_space<vmem>>, vector<1x1x32x88xf32>,
    %slice3A_888 = vector.extract_strided_slice %max3A_847 {offsets = [0, 445], sizes = [32, 88], strides = [1, 1]} : vector<32x2848xf32> to vector<32x88xf32>
    %swap3A_889 = arith.constant 1 : index
    %swap3A_890 = arith.constant 1 : index
    %swap3A_891 = arith.constant 0 : index
    %swap3A_892 = arith.constant 541 : index
    %swap3A_893 = vector.load %arg8[%swap3A_889, %swap3A_890, %swap3A_891, %swap3A_892] : memref<2x2x32x3242xf32, #tpu.memory_space<vmem>>, vector<1x1x32x88xf32>
    %swap3A_894 = vector.shape_cast %swap3A_893 : vector<1x1x32x88xf32> to vector<32x88xf32>
    %swap3A_895 = vector.shape_cast %slice3A_888 : vector<32x88xf32> to vector<1x1x32x88xf32>
    tpu.vector_store %arg8[%swap3A_889, %swap3A_890, %swap3A_891, %swap3A_892], %swap3A_895 {strides = array<i32>} : memref<2x2x32x3242xf32, #tpu.memory_space<vmem>>, vector<1x1x32x88xf32>,
    %slice3A_896 = vector.extract_strided_slice %max3A_847 {offsets = [0, 534], sizes = [32, 88], strides = [1, 1]} : vector<32x2848xf32> to vector<32x88xf32>
    %swap3A_897 = arith.constant 1 : index
    %swap3A_898 = arith.constant 1 : index
    %swap3A_899 = arith.constant 0 : index
    %swap3A_900 = arith.constant 631 : index
    %swap3A_901 = vector.load %arg8[%swap3A_897, %swap3A_898, %swap3A_899, %swap3A_900] : memref<2x2x32x3242xf32, #tpu.memory_space<vmem>>, vector<1x1x32x88xf32>
    %swap3A_902 = vector.shape_cast %swap3A_901 : vector<1x1x32x88xf32> to vector<32x88xf32>
    %swap3A_903 = vector.shape_cast %slice3A_896 : vector<32x88xf32> to vector<1x1x32x88xf32>
    tpu.vector_store %arg8[%swap3A_897, %swap3A_898, %swap3A_899, %swap3A_900], %swap3A_903 {strides = array<i32>} : memref<2x2x32x3242xf32, #tpu.memory_space<vmem>>, vector<1x1x32x88xf32>,
    %slice3A_904 = vector.extract_strided_slice %max3A_847 {offsets = [0, 623], sizes = [32, 88], strides = [1, 1]} : vector<32x2848xf32> to vector<32x88xf32>
    %swap3A_905 = arith.constant 1 : index
    %swap3A_906 = arith.constant 1 : index
    %swap3A_907 = arith.constant 0 : index
    %swap3A_908 = arith.constant 721 : index
    %swap3A_909 = vector.load %arg8[%swap3A_905, %swap3A_906, %swap3A_907, %swap3A_908] : memref<2x2x32x3242xf32, #tpu.memory_space<vmem>>, vector<1x1x32x88xf32>
    %swap3A_910 = vector.shape_cast %swap3A_909 : vector<1x1x32x88xf32> to vector<32x88xf32>
    %swap3A_911 = vector.shape_cast %slice3A_904 : vector<32x88xf32> to vector<1x1x32x88xf32>
    tpu.vector_store %arg8[%swap3A_905, %swap3A_906, %swap3A_907, %swap3A_908], %swap3A_911 {strides = array<i32>} : memref<2x2x32x3242xf32, #tpu.memory_space<vmem>>, vector<1x1x32x88xf32>,
    %slice3A_912 = vector.extract_strided_slice %max3A_847 {offsets = [0, 712], sizes = [32, 88], strides = [1, 1]} : vector<32x2848xf32> to vector<32x88xf32>
    %swap3A_913 = arith.constant 1 : index
    %swap3A_914 = arith.constant 1 : index
    %swap3A_915 = arith.constant 0 : index
    %swap3A_916 = arith.constant 811 : index
    %swap3A_917 = vector.load %arg8[%swap3A_913, %swap3A_914, %swap3A_915, %swap3A_916] : memref<2x2x32x3242xf32, #tpu.memory_space<vmem>>, vector<1x1x32x88xf32>
    %swap3A_918 = vector.shape_cast %swap3A_917 : vector<1x1x32x88xf32> to vector<32x88xf32>
    %swap3A_919 = vector.shape_cast %slice3A_912 : vector<32x88xf32> to vector<1x1x32x88xf32>
    tpu.vector_store %arg8[%swap3A_913, %swap3A_914, %swap3A_915, %swap3A_916], %swap3A_919 {strides = array<i32>} : memref<2x2x32x3242xf32, #tpu.memory_space<vmem>>, vector<1x1x32x88xf32>,
    %slice3A_920 = vector.extract_strided_slice %max3A_847 {offsets = [0, 801], sizes = [32, 88], strides = [1, 1]} : vector<32x2848xf32> to vector<32x88xf32>
    %swap3A_921 = arith.constant 1 : index
    %swap3A_922 = arith.constant 1 : index
    %swap3A_923 = arith.constant 0 : index
    %swap3A_924 = arith.constant 901 : index
    %swap3A_925 = vector.load %arg8[%swap3A_921, %swap3A_922, %swap3A_923, %swap3A_924] : memref<2x2x32x3242xf32, #tpu.memory_space<vmem>>, vector<1x1x32x88xf32>
    %swap3A_926 = vector.shape_cast %swap3A_925 : vector<1x1x32x88xf32> to vector<32x88xf32>
    %swap3A_927 = vector.shape_cast %slice3A_920 : vector<32x88xf32> to vector<1x1x32x88xf32>
    tpu.vector_store %arg8[%swap3A_921, %swap3A_922, %swap3A_923, %swap3A_924], %swap3A_927 {strides = array<i32>} : memref<2x2x32x3242xf32, #tpu.memory_space<vmem>>, vector<1x1x32x88xf32>,
    %slice3A_928 = vector.extract_strided_slice %max3A_847 {offsets = [0, 890], sizes = [32, 88], strides = [1, 1]} : vector<32x2848xf32> to vector<32x88xf32>
    %swap3A_929 = arith.constant 1 : index
    %swap3A_930 = arith.constant 1 : index
    %swap3A_931 = arith.constant 0 : index
    %swap3A_932 = arith.constant 991 : index
    %swap3A_933 = vector.load %arg8[%swap3A_929, %swap3A_930, %swap3A_931, %swap3A_932] : memref<2x2x32x3242xf32, #tpu.memory_space<vmem>>, vector<1x1x32x88xf32>
    %swap3A_934 = vector.shape_cast %swap3A_933 : vector<1x1x32x88xf32> to vector<32x88xf32>
    %swap3A_935 = vector.shape_cast %slice3A_928 : vector<32x88xf32> to vector<1x1x32x88xf32>
    tpu.vector_store %arg8[%swap3A_929, %swap3A_930, %swap3A_931, %swap3A_932], %swap3A_935 {strides = array<i32>} : memref<2x2x32x3242xf32, #tpu.memory_space<vmem>>, vector<1x1x32x88xf32>,
    %slice3A_936 = vector.extract_strided_slice %max3A_847 {offsets = [0, 979], sizes = [32, 88], strides = [1, 1]} : vector<32x2848xf32> to vector<32x88xf32>
    %swap3A_937 = arith.constant 1 : index
    %swap3A_938 = arith.constant 1 : index
    %swap3A_939 = arith.constant 0 : index
    %swap3A_940 = arith.constant 1081 : index
    %swap3A_941 = vector.load %arg8[%swap3A_937, %swap3A_938, %swap3A_939, %swap3A_940] : memref<2x2x32x3242xf32, #tpu.memory_space<vmem>>, vector<1x1x32x88xf32>
    %swap3A_942 = vector.shape_cast %swap3A_941 : vector<1x1x32x88xf32> to vector<32x88xf32>
    %swap3A_943 = vector.shape_cast %slice3A_936 : vector<32x88xf32> to vector<1x1x32x88xf32>
    tpu.vector_store %arg8[%swap3A_937, %swap3A_938, %swap3A_939, %swap3A_940], %swap3A_943 {strides = array<i32>} : memref<2x2x32x3242xf32, #tpu.memory_space<vmem>>, vector<1x1x32x88xf32>,
    %slice3A_944 = vector.extract_strided_slice %max3A_847 {offsets = [0, 1068], sizes = [32, 88], strides = [1, 1]} : vector<32x2848xf32> to vector<32x88xf32>
    %swap3A_945 = arith.constant 1 : index
    %swap3A_946 = arith.constant 1 : index
    %swap3A_947 = arith.constant 0 : index
    %swap3A_948 = arith.constant 1171 : index
    %swap3A_949 = vector.load %arg8[%swap3A_945, %swap3A_946, %swap3A_947, %swap3A_948] : memref<2x2x32x3242xf32, #tpu.memory_space<vmem>>, vector<1x1x32x88xf32>
    %swap3A_950 = vector.shape_cast %swap3A_949 : vector<1x1x32x88xf32> to vector<32x88xf32>
    %swap3A_951 = vector.shape_cast %slice3A_944 : vector<32x88xf32> to vector<1x1x32x88xf32>
    tpu.vector_store %arg8[%swap3A_945, %swap3A_946, %swap3A_947, %swap3A_948], %swap3A_951 {strides = array<i32>} : memref<2x2x32x3242xf32, #tpu.memory_space<vmem>>, vector<1x1x32x88xf32>,
    %slice3A_952 = vector.extract_strided_slice %max3A_847 {offsets = [0, 1157], sizes = [32, 88], strides = [1, 1]} : vector<32x2848xf32> to vector<32x88xf32>
    %swap3A_953 = arith.constant 1 : index
    %swap3A_954 = arith.constant 1 : index
    %swap3A_955 = arith.constant 0 : index
    %swap3A_956 = arith.constant 1261 : index
    %swap3A_957 = vector.load %arg8[%swap3A_953, %swap3A_954, %swap3A_955, %swap3A_956] : memref<2x2x32x3242xf32, #tpu.memory_space<vmem>>, vector<1x1x32x88xf32>
    %swap3A_958 = vector.shape_cast %swap3A_957 : vector<1x1x32x88xf32> to vector<32x88xf32>
    %swap3A_959 = vector.shape_cast %slice3A_952 : vector<32x88xf32> to vector<1x1x32x88xf32>
    tpu.vector_store %arg8[%swap3A_953, %swap3A_954, %swap3A_955, %swap3A_956], %swap3A_959 {strides = array<i32>} : memref<2x2x32x3242xf32, #tpu.memory_space<vmem>>, vector<1x1x32x88xf32>,
    %slice3A_960 = vector.extract_strided_slice %max3A_847 {offsets = [0, 1246], sizes = [32, 88], strides = [1, 1]} : vector<32x2848xf32> to vector<32x88xf32>
    %swap3A_961 = arith.constant 1 : index
    %swap3A_962 = arith.constant 1 : index
    %swap3A_963 = arith.constant 0 : index
    %swap3A_964 = arith.constant 1351 : index
    %swap3A_965 = vector.load %arg8[%swap3A_961, %swap3A_962, %swap3A_963, %swap3A_964] : memref<2x2x32x3242xf32, #tpu.memory_space<vmem>>, vector<1x1x32x88xf32>
    %swap3A_966 = vector.shape_cast %swap3A_965 : vector<1x1x32x88xf32> to vector<32x88xf32>
    %swap3A_967 = vector.shape_cast %slice3A_960 : vector<32x88xf32> to vector<1x1x32x88xf32>
    tpu.vector_store %arg8[%swap3A_961, %swap3A_962, %swap3A_963, %swap3A_964], %swap3A_967 {strides = array<i32>} : memref<2x2x32x3242xf32, #tpu.memory_space<vmem>>, vector<1x1x32x88xf32>,
    %slice3A_968 = vector.extract_strided_slice %max3A_847 {offsets = [0, 1335], sizes = [32, 88], strides = [1, 1]} : vector<32x2848xf32> to vector<32x88xf32>
    %swap3A_969 = arith.constant 1 : index
    %swap3A_970 = arith.constant 1 : index
    %swap3A_971 = arith.constant 0 : index
    %swap3A_972 = arith.constant 1441 : index
    %swap3A_973 = vector.load %arg8[%swap3A_969, %swap3A_970, %swap3A_971, %swap3A_972] : memref<2x2x32x3242xf32, #tpu.memory_space<vmem>>, vector<1x1x32x88xf32>
    %swap3A_974 = vector.shape_cast %swap3A_973 : vector<1x1x32x88xf32> to vector<32x88xf32>
    %swap3A_975 = vector.shape_cast %slice3A_968 : vector<32x88xf32> to vector<1x1x32x88xf32>
    tpu.vector_store %arg8[%swap3A_969, %swap3A_970, %swap3A_971, %swap3A_972], %swap3A_975 {strides = array<i32>} : memref<2x2x32x3242xf32, #tpu.memory_space<vmem>>, vector<1x1x32x88xf32>,
    %slice3A_976 = vector.extract_strided_slice %max3A_847 {offsets = [0, 1424], sizes = [32, 88], strides = [1, 1]} : vector<32x2848xf32> to vector<32x88xf32>
    %swap3A_977 = arith.constant 1 : index
    %swap3A_978 = arith.constant 1 : index
    %swap3A_979 = arith.constant 0 : index
    %swap3A_980 = arith.constant 1531 : index
    %swap3A_981 = vector.load %arg8[%swap3A_977, %swap3A_978, %swap3A_979, %swap3A_980] : memref<2x2x32x3242xf32, #tpu.memory_space<vmem>>, vector<1x1x32x88xf32>
    %swap3A_982 = vector.shape_cast %swap3A_981 : vector<1x1x32x88xf32> to vector<32x88xf32>
    %swap3A_983 = vector.shape_cast %slice3A_976 : vector<32x88xf32> to vector<1x1x32x88xf32>
    tpu.vector_store %arg8[%swap3A_977, %swap3A_978, %swap3A_979, %swap3A_980], %swap3A_983 {strides = array<i32>} : memref<2x2x32x3242xf32, #tpu.memory_space<vmem>>, vector<1x1x32x88xf32>,
    %slice3A_984 = vector.extract_strided_slice %max3A_847 {offsets = [0, 1513], sizes = [32, 88], strides = [1, 1]} : vector<32x2848xf32> to vector<32x88xf32>
    %swap3A_985 = arith.constant 1 : index
    %swap3A_986 = arith.constant 1 : index
    %swap3A_987 = arith.constant 0 : index
    %swap3A_988 = arith.constant 1621 : index
    %swap3A_989 = vector.load %arg8[%swap3A_985, %swap3A_986, %swap3A_987, %swap3A_988] : memref<2x2x32x3242xf32, #tpu.memory_space<vmem>>, vector<1x1x32x88xf32>
    %swap3A_990 = vector.shape_cast %swap3A_989 : vector<1x1x32x88xf32> to vector<32x88xf32>
    %swap3A_991 = vector.shape_cast %slice3A_984 : vector<32x88xf32> to vector<1x1x32x88xf32>
    tpu.vector_store %arg8[%swap3A_985, %swap3A_986, %swap3A_987, %swap3A_988], %swap3A_991 {strides = array<i32>} : memref<2x2x32x3242xf32, #tpu.memory_space<vmem>>, vector<1x1x32x88xf32>,
    %slice3A_992 = vector.extract_strided_slice %max3A_847 {offsets = [0, 1602], sizes = [32, 88], strides = [1, 1]} : vector<32x2848xf32> to vector<32x88xf32>
    %swap3A_993 = arith.constant 1 : index
    %swap3A_994 = arith.constant 1 : index
    %swap3A_995 = arith.constant 0 : index
    %swap3A_996 = arith.constant 1711 : index
    %swap3A_997 = vector.load %arg8[%swap3A_993, %swap3A_994, %swap3A_995, %swap3A_996] : memref<2x2x32x3242xf32, #tpu.memory_space<vmem>>, vector<1x1x32x88xf32>
    %swap3A_998 = vector.shape_cast %swap3A_997 : vector<1x1x32x88xf32> to vector<32x88xf32>
    %swap3A_999 = vector.shape_cast %slice3A_992 : vector<32x88xf32> to vector<1x1x32x88xf32>
    tpu.vector_store %arg8[%swap3A_993, %swap3A_994, %swap3A_995, %swap3A_996], %swap3A_999 {strides = array<i32>} : memref<2x2x32x3242xf32, #tpu.memory_space<vmem>>, vector<1x1x32x88xf32>,
    %slice3A_1000 = vector.extract_strided_slice %max3A_847 {offsets = [0, 1691], sizes = [32, 88], strides = [1, 1]} : vector<32x2848xf32> to vector<32x88xf32>
    %swap3A_1001 = arith.constant 1 : index
    %swap3A_1002 = arith.constant 1 : index
    %swap3A_1003 = arith.constant 0 : index
    %swap3A_1004 = arith.constant 1801 : index
    %swap3A_1005 = vector.load %arg8[%swap3A_1001, %swap3A_1002, %swap3A_1003, %swap3A_1004] : memref<2x2x32x3242xf32, #tpu.memory_space<vmem>>, vector<1x1x32x88xf32>
    %swap3A_1006 = vector.shape_cast %swap3A_1005 : vector<1x1x32x88xf32> to vector<32x88xf32>
    %swap3A_1007 = vector.shape_cast %slice3A_1000 : vector<32x88xf32> to vector<1x1x32x88xf32>
    tpu.vector_store %arg8[%swap3A_1001, %swap3A_1002, %swap3A_1003, %swap3A_1004], %swap3A_1007 {strides = array<i32>} : memref<2x2x32x3242xf32, #tpu.memory_space<vmem>>, vector<1x1x32x88xf32>,
    %slice3A_1008 = vector.extract_strided_slice %max3A_847 {offsets = [0, 1780], sizes = [32, 88], strides = [1, 1]} : vector<32x2848xf32> to vector<32x88xf32>
    %swap3A_1009 = arith.constant 1 : index
    %swap3A_1010 = arith.constant 1 : index
    %swap3A_1011 = arith.constant 0 : index
    %swap3A_1012 = arith.constant 1891 : index
    %swap3A_1013 = vector.load %arg8[%swap3A_1009, %swap3A_1010, %swap3A_1011, %swap3A_1012] : memref<2x2x32x3242xf32, #tpu.memory_space<vmem>>, vector<1x1x32x88xf32>
    %swap3A_1014 = vector.shape_cast %swap3A_1013 : vector<1x1x32x88xf32> to vector<32x88xf32>
    %swap3A_1015 = vector.shape_cast %slice3A_1008 : vector<32x88xf32> to vector<1x1x32x88xf32>
    tpu.vector_store %arg8[%swap3A_1009, %swap3A_1010, %swap3A_1011, %swap3A_1012], %swap3A_1015 {strides = array<i32>} : memref<2x2x32x3242xf32, #tpu.memory_space<vmem>>, vector<1x1x32x88xf32>,
    %slice3A_1016 = vector.extract_strided_slice %max3A_847 {offsets = [0, 1869], sizes = [32, 88], strides = [1, 1]} : vector<32x2848xf32> to vector<32x88xf32>
    %swap3A_1017 = arith.constant 1 : index
    %swap3A_1018 = arith.constant 1 : index
    %swap3A_1019 = arith.constant 0 : index
    %swap3A_1020 = arith.constant 1981 : index
    %swap3A_1021 = vector.load %arg8[%swap3A_1017, %swap3A_1018, %swap3A_1019, %swap3A_1020] : memref<2x2x32x3242xf32, #tpu.memory_space<vmem>>, vector<1x1x32x88xf32>
    %swap3A_1022 = vector.shape_cast %swap3A_1021 : vector<1x1x32x88xf32> to vector<32x88xf32>
    %swap3A_1023 = vector.shape_cast %slice3A_1016 : vector<32x88xf32> to vector<1x1x32x88xf32>
    tpu.vector_store %arg8[%swap3A_1017, %swap3A_1018, %swap3A_1019, %swap3A_1020], %swap3A_1023 {strides = array<i32>} : memref<2x2x32x3242xf32, #tpu.memory_space<vmem>>, vector<1x1x32x88xf32>,
    %slice3A_1024 = vector.extract_strided_slice %max3A_847 {offsets = [0, 1958], sizes = [32, 88], strides = [1, 1]} : vector<32x2848xf32> to vector<32x88xf32>
    %swap3A_1025 = arith.constant 1 : index
    %swap3A_1026 = arith.constant 1 : index
    %swap3A_1027 = arith.constant 0 : index
    %swap3A_1028 = arith.constant 2071 : index
    %swap3A_1029 = vector.load %arg8[%swap3A_1025, %swap3A_1026, %swap3A_1027, %swap3A_1028] : memref<2x2x32x3242xf32, #tpu.memory_space<vmem>>, vector<1x1x32x88xf32>
    %swap3A_1030 = vector.shape_cast %swap3A_1029 : vector<1x1x32x88xf32> to vector<32x88xf32>
    %swap3A_1031 = vector.shape_cast %slice3A_1024 : vector<32x88xf32> to vector<1x1x32x88xf32>
    tpu.vector_store %arg8[%swap3A_1025, %swap3A_1026, %swap3A_1027, %swap3A_1028], %swap3A_1031 {strides = array<i32>} : memref<2x2x32x3242xf32, #tpu.memory_space<vmem>>, vector<1x1x32x88xf32>,
    %slice3A_1032 = vector.extract_strided_slice %max3A_847 {offsets = [0, 2047], sizes = [32, 88], strides = [1, 1]} : vector<32x2848xf32> to vector<32x88xf32>
    %swap3A_1033 = arith.constant 1 : index
    %swap3A_1034 = arith.constant 1 : index
    %swap3A_1035 = arith.constant 0 : index
    %swap3A_1036 = arith.constant 2161 : index
    %swap3A_1037 = vector.load %arg8[%swap3A_1033, %swap3A_1034, %swap3A_1035, %swap3A_1036] : memref<2x2x32x3242xf32, #tpu.memory_space<vmem>>, vector<1x1x32x88xf32>
    %swap3A_1038 = vector.shape_cast %swap3A_1037 : vector<1x1x32x88xf32> to vector<32x88xf32>
    %swap3A_1039 = vector.shape_cast %slice3A_1032 : vector<32x88xf32> to vector<1x1x32x88xf32>
    tpu.vector_store %arg8[%swap3A_1033, %swap3A_1034, %swap3A_1035, %swap3A_1036], %swap3A_1039 {strides = array<i32>} : memref<2x2x32x3242xf32, #tpu.memory_space<vmem>>, vector<1x1x32x88xf32>,
    %slice3A_1040 = vector.extract_strided_slice %max3A_847 {offsets = [0, 2136], sizes = [32, 88], strides = [1, 1]} : vector<32x2848xf32> to vector<32x88xf32>
    %swap3A_1041 = arith.constant 1 : index
    %swap3A_1042 = arith.constant 1 : index
    %swap3A_1043 = arith.constant 0 : index
    %swap3A_1044 = arith.constant 2251 : index
    %swap3A_1045 = vector.load %arg8[%swap3A_1041, %swap3A_1042, %swap3A_1043, %swap3A_1044] : memref<2x2x32x3242xf32, #tpu.memory_space<vmem>>, vector<1x1x32x88xf32>
    %swap3A_1046 = vector.shape_cast %swap3A_1045 : vector<1x1x32x88xf32> to vector<32x88xf32>
    %swap3A_1047 = vector.shape_cast %slice3A_1040 : vector<32x88xf32> to vector<1x1x32x88xf32>
    tpu.vector_store %arg8[%swap3A_1041, %swap3A_1042, %swap3A_1043, %swap3A_1044], %swap3A_1047 {strides = array<i32>} : memref<2x2x32x3242xf32, #tpu.memory_space<vmem>>, vector<1x1x32x88xf32>,
    %slice3A_1048 = vector.extract_strided_slice %max3A_847 {offsets = [0, 2225], sizes = [32, 88], strides = [1, 1]} : vector<32x2848xf32> to vector<32x88xf32>
    %swap3A_1049 = arith.constant 1 : index
    %swap3A_1050 = arith.constant 1 : index
    %swap3A_1051 = arith.constant 0 : index
    %swap3A_1052 = arith.constant 2341 : index
    %swap3A_1053 = vector.load %arg8[%swap3A_1049, %swap3A_1050, %swap3A_1051, %swap3A_1052] : memref<2x2x32x3242xf32, #tpu.memory_space<vmem>>, vector<1x1x32x88xf32>
    %swap3A_1054 = vector.shape_cast %swap3A_1053 : vector<1x1x32x88xf32> to vector<32x88xf32>
    %swap3A_1055 = vector.shape_cast %slice3A_1048 : vector<32x88xf32> to vector<1x1x32x88xf32>
    tpu.vector_store %arg8[%swap3A_1049, %swap3A_1050, %swap3A_1051, %swap3A_1052], %swap3A_1055 {strides = array<i32>} : memref<2x2x32x3242xf32, #tpu.memory_space<vmem>>, vector<1x1x32x88xf32>,
    %slice3A_1056 = vector.extract_strided_slice %max3A_847 {offsets = [0, 2314], sizes = [32, 88], strides = [1, 1]} : vector<32x2848xf32> to vector<32x88xf32>
    %swap3A_1057 = arith.constant 1 : index
    %swap3A_1058 = arith.constant 1 : index
    %swap3A_1059 = arith.constant 0 : index
    %swap3A_1060 = arith.constant 2431 : index
    %swap3A_1061 = vector.load %arg8[%swap3A_1057, %swap3A_1058, %swap3A_1059, %swap3A_1060] : memref<2x2x32x3242xf32, #tpu.memory_space<vmem>>, vector<1x1x32x88xf32>
    %swap3A_1062 = vector.shape_cast %swap3A_1061 : vector<1x1x32x88xf32> to vector<32x88xf32>
    %swap3A_1063 = vector.shape_cast %slice3A_1056 : vector<32x88xf32> to vector<1x1x32x88xf32>
    tpu.vector_store %arg8[%swap3A_1057, %swap3A_1058, %swap3A_1059, %swap3A_1060], %swap3A_1063 {strides = array<i32>} : memref<2x2x32x3242xf32, #tpu.memory_space<vmem>>, vector<1x1x32x88xf32>,
    %slice3A_1064 = vector.extract_strided_slice %max3A_847 {offsets = [0, 2403], sizes = [32, 88], strides = [1, 1]} : vector<32x2848xf32> to vector<32x88xf32>
    %swap3A_1065 = arith.constant 1 : index
    %swap3A_1066 = arith.constant 1 : index
    %swap3A_1067 = arith.constant 0 : index
    %swap3A_1068 = arith.constant 2521 : index
    %swap3A_1069 = vector.load %arg8[%swap3A_1065, %swap3A_1066, %swap3A_1067, %swap3A_1068] : memref<2x2x32x3242xf32, #tpu.memory_space<vmem>>, vector<1x1x32x88xf32>
    %swap3A_1070 = vector.shape_cast %swap3A_1069 : vector<1x1x32x88xf32> to vector<32x88xf32>
    %swap3A_1071 = vector.shape_cast %slice3A_1064 : vector<32x88xf32> to vector<1x1x32x88xf32>
    tpu.vector_store %arg8[%swap3A_1065, %swap3A_1066, %swap3A_1067, %swap3A_1068], %swap3A_1071 {strides = array<i32>} : memref<2x2x32x3242xf32, #tpu.memory_space<vmem>>, vector<1x1x32x88xf32>,
    %slice3A_1072 = vector.extract_strided_slice %max3A_847 {offsets = [0, 2492], sizes = [32, 88], strides = [1, 1]} : vector<32x2848xf32> to vector<32x88xf32>
    %swap3A_1073 = arith.constant 1 : index
    %swap3A_1074 = arith.constant 1 : index
    %swap3A_1075 = arith.constant 0 : index
    %swap3A_1076 = arith.constant 2611 : index
    %swap3A_1077 = vector.load %arg8[%swap3A_1073, %swap3A_1074, %swap3A_1075, %swap3A_1076] : memref<2x2x32x3242xf32, #tpu.memory_space<vmem>>, vector<1x1x32x88xf32>
    %swap3A_1078 = vector.shape_cast %swap3A_1077 : vector<1x1x32x88xf32> to vector<32x88xf32>
    %swap3A_1079 = vector.shape_cast %slice3A_1072 : vector<32x88xf32> to vector<1x1x32x88xf32>
    tpu.vector_store %arg8[%swap3A_1073, %swap3A_1074, %swap3A_1075, %swap3A_1076], %swap3A_1079 {strides = array<i32>} : memref<2x2x32x3242xf32, #tpu.memory_space<vmem>>, vector<1x1x32x88xf32>,
    %slice3A_1080 = vector.extract_strided_slice %max3A_847 {offsets = [0, 2581], sizes = [32, 88], strides = [1, 1]} : vector<32x2848xf32> to vector<32x88xf32>
    %swap3A_1081 = arith.constant 1 : index
    %swap3A_1082 = arith.constant 1 : index
    %swap3A_1083 = arith.constant 0 : index
    %swap3A_1084 = arith.constant 2701 : index
    %swap3A_1085 = vector.load %arg8[%swap3A_1081, %swap3A_1082, %swap3A_1083, %swap3A_1084] : memref<2x2x32x3242xf32, #tpu.memory_space<vmem>>, vector<1x1x32x88xf32>
    %swap3A_1086 = vector.shape_cast %swap3A_1085 : vector<1x1x32x88xf32> to vector<32x88xf32>
    %swap3A_1087 = vector.shape_cast %slice3A_1080 : vector<32x88xf32> to vector<1x1x32x88xf32>
    tpu.vector_store %arg8[%swap3A_1081, %swap3A_1082, %swap3A_1083, %swap3A_1084], %swap3A_1087 {strides = array<i32>} : memref<2x2x32x3242xf32, #tpu.memory_space<vmem>>, vector<1x1x32x88xf32>,
    %slice3A_1088 = vector.extract_strided_slice %max3A_847 {offsets = [0, 2670], sizes = [32, 88], strides = [1, 1]} : vector<32x2848xf32> to vector<32x88xf32>
    %swap3A_1089 = arith.constant 1 : index
    %swap3A_1090 = arith.constant 1 : index
    %swap3A_1091 = arith.constant 0 : index
    %swap3A_1092 = arith.constant 2791 : index
    %swap3A_1093 = vector.load %arg8[%swap3A_1089, %swap3A_1090, %swap3A_1091, %swap3A_1092] : memref<2x2x32x3242xf32, #tpu.memory_space<vmem>>, vector<1x1x32x88xf32>
    %swap3A_1094 = vector.shape_cast %swap3A_1093 : vector<1x1x32x88xf32> to vector<32x88xf32>
    %swap3A_1095 = vector.shape_cast %slice3A_1088 : vector<32x88xf32> to vector<1x1x32x88xf32>
    tpu.vector_store %arg8[%swap3A_1089, %swap3A_1090, %swap3A_1091, %swap3A_1092], %swap3A_1095 {strides = array<i32>} : memref<2x2x32x3242xf32, #tpu.memory_space<vmem>>, vector<1x1x32x88xf32>,
    %slice3A_1096 = vector.extract_strided_slice %max3A_847 {offsets = [0, 2759], sizes = [32, 88], strides = [1, 1]} : vector<32x2848xf32> to vector<32x88xf32>
    %swap3A_1097 = arith.constant 1 : index
    %swap3A_1098 = arith.constant 1 : index
    %swap3A_1099 = arith.constant 0 : index
    %swap3A_1100 = arith.constant 2881 : index
    %swap3A_1101 = vector.load %arg8[%swap3A_1097, %swap3A_1098, %swap3A_1099, %swap3A_1100] : memref<2x2x32x3242xf32, #tpu.memory_space<vmem>>, vector<1x1x32x88xf32>
    %swap3A_1102 = vector.shape_cast %swap3A_1101 : vector<1x1x32x88xf32> to vector<32x88xf32>
    %swap3A_1103 = vector.shape_cast %slice3A_1096 : vector<32x88xf32> to vector<1x1x32x88xf32>
    tpu.vector_store %arg8[%swap3A_1097, %swap3A_1098, %swap3A_1099, %swap3A_1100], %swap3A_1103 {strides = array<i32>} : memref<2x2x32x3242xf32, #tpu.memory_space<vmem>>, vector<1x1x32x88xf32>,
    %get3A_1104 = arith.constant 0 : index
    %get3A_1105 = arith.constant 0 : index
    %get3A_1106 = arith.constant 0 : index
    %get3A_1107 = arith.constant 0 : index
    %get3A_1108 = vector.load %arg8[%get3A_1104, %get3A_1105, %get3A_1106, %get3A_1107] : memref<2x2x32x3242xf32, #tpu.memory_space<vmem>>, vector<1x1x32x3060xf32>
    %get3A_1109 = vector.shape_cast %get3A_1108 : vector<1x1x32x3060xf32> to vector<32x3060xf32>
    %get3A_1110 = arith.constant 0 : index
    %get3A_1111 = arith.constant 1 : index
    %get3A_1112 = arith.constant 0 : index
    %get3A_1113 = arith.constant 0 : index
    %get3A_1114 = vector.load %arg8[%get3A_1110, %get3A_1111, %get3A_1112, %get3A_1113] : memref<2x2x32x3242xf32, #tpu.memory_space<vmem>>, vector<1x1x32x3060xf32>
    %get3A_1115 = vector.shape_cast %get3A_1114 : vector<1x1x32x3060xf32> to vector<32x3060xf32>
    %get3A_1116 = arith.constant 0 : index
    %get3A_1117 = arith.constant 0 : index
    %get3A_1118 = arith.constant 0 : index
    %get3A_1119 = arith.constant 1 : index
    %get3A_1120 = vector.load %arg8[%get3A_1116, %get3A_1117, %get3A_1118, %get3A_1119] : memref<2x2x32x3242xf32, #tpu.memory_space<vmem>>, vector<1x1x32x3060xf32>
    %get3A_1121 = vector.shape_cast %get3A_1120 : vector<1x1x32x3060xf32> to vector<32x3060xf32>
    %get3A_1122 = arith.constant 0 : index
    %get3A_1123 = arith.constant 1 : index
    %get3A_1124 = arith.constant 0 : index
    %get3A_1125 = arith.constant 1 : index
    %get3A_1126 = vector.load %arg8[%get3A_1122, %get3A_1123, %get3A_1124, %get3A_1125] : memref<2x2x32x3242xf32, #tpu.memory_space<vmem>>, vector<1x1x32x3060xf32>
    %get3A_1127 = vector.shape_cast %get3A_1126 : vector<1x1x32x3060xf32> to vector<32x3060xf32>
    %get3A_1128 = arith.constant 0 : index
    %get3A_1129 = arith.constant 0 : index
    %get3A_1130 = arith.constant 0 : index
    %get3A_1131 = arith.constant 2 : index
    %get3A_1132 = vector.load %arg8[%get3A_1128, %get3A_1129, %get3A_1130, %get3A_1131] : memref<2x2x32x3242xf32, #tpu.memory_space<vmem>>, vector<1x1x32x3060xf32>
    %get3A_1133 = vector.shape_cast %get3A_1132 : vector<1x1x32x3060xf32> to vector<32x3060xf32>
    %get3A_1134 = arith.constant 1 : index
    %get3A_1135 = arith.constant 0 : index
    %get3A_1136 = arith.constant 0 : index
    %get3A_1137 = arith.constant 0 : index
    %get3A_1138 = vector.load %arg8[%get3A_1134, %get3A_1135, %get3A_1136, %get3A_1137] : memref<2x2x32x3242xf32, #tpu.memory_space<vmem>>, vector<1x1x32x3060xf32>
    %get3A_1139 = vector.shape_cast %get3A_1138 : vector<1x1x32x3060xf32> to vector<32x3060xf32>
    %get3A_1140 = arith.constant 1 : index
    %get3A_1141 = arith.constant 1 : index
    %get3A_1142 = arith.constant 0 : index
    %get3A_1143 = arith.constant 0 : index
    %get3A_1144 = vector.load %arg8[%get3A_1140, %get3A_1141, %get3A_1142, %get3A_1143] : memref<2x2x32x3242xf32, #tpu.memory_space<vmem>>, vector<1x1x32x3060xf32>
    %get3A_1145 = vector.shape_cast %get3A_1144 : vector<1x1x32x3060xf32> to vector<32x3060xf32>
    %get3A_1146 = arith.constant 1 : index
    %get3A_1147 = arith.constant 0 : index
    %get3A_1148 = arith.constant 0 : index
    %get3A_1149 = arith.constant 1 : index
    %get3A_1150 = vector.load %arg8[%get3A_1146, %get3A_1147, %get3A_1148, %get3A_1149] : memref<2x2x32x3242xf32, #tpu.memory_space<vmem>>, vector<1x1x32x3060xf32>
    %get3A_1151 = vector.shape_cast %get3A_1150 : vector<1x1x32x3060xf32> to vector<32x3060xf32>
    %get3A_1152 = arith.constant 1 : index
    %get3A_1153 = arith.constant 1 : index
    %get3A_1154 = arith.constant 0 : index
    %get3A_1155 = arith.constant 1 : index
    %get3A_1156 = vector.load %arg8[%get3A_1152, %get3A_1153, %get3A_1154, %get3A_1155] : memref<2x2x32x3242xf32, #tpu.memory_space<vmem>>, vector<1x1x32x3060xf32>
    %get3A_1157 = vector.shape_cast %get3A_1156 : vector<1x1x32x3060xf32> to vector<32x3060xf32>
    %get3A_1158 = arith.constant 1 : index
    %get3A_1159 = arith.constant 0 : index
    %get3A_1160 = arith.constant 0 : index
    %get3A_1161 = arith.constant 2 : index
    %get3A_1162 = vector.load %arg8[%get3A_1158, %get3A_1159, %get3A_1160, %get3A_1161] : memref<2x2x32x3242xf32, #tpu.memory_space<vmem>>, vector<1x1x32x3060xf32>
    %get3A_1163 = vector.shape_cast %get3A_1162 : vector<1x1x32x3060xf32> to vector<32x3060xf32>
    %get3A_1164 = arith.constant 0 : index
    %get3A_1165 = arith.constant 0 : index
    %get3A_1166 = arith.constant 0 : index
    %get3A_1167 = arith.constant 90 : index
    %get3A_1168 = vector.load %arg8[%get3A_1164, %get3A_1165, %get3A_1166, %get3A_1167] : memref<2x2x32x3242xf32, #tpu.memory_space<vmem>>, vector<1x1x32x3060xf32>
    %get3A_1169 = vector.shape_cast %get3A_1168 : vector<1x1x32x3060xf32> to vector<32x3060xf32>
    %get3A_1170 = arith.constant 0 : index
    %get3A_1171 = arith.constant 1 : index
    %get3A_1172 = arith.constant 0 : index
    %get3A_1173 = arith.constant 90 : index
    %get3A_1174 = vector.load %arg8[%get3A_1170, %get3A_1171, %get3A_1172, %get3A_1173] : memref<2x2x32x3242xf32, #tpu.memory_space<vmem>>, vector<1x1x32x3060xf32>
    %get3A_1175 = vector.shape_cast %get3A_1174 : vector<1x1x32x3060xf32> to vector<32x3060xf32>
    %get3A_1176 = arith.constant 0 : index
    %get3A_1177 = arith.constant 0 : index
    %get3A_1178 = arith.constant 0 : index
    %get3A_1179 = arith.constant 91 : index
    %get3A_1180 = vector.load %arg8[%get3A_1176, %get3A_1177, %get3A_1178, %get3A_1179] : memref<2x2x32x3242xf32, #tpu.memory_space<vmem>>, vector<1x1x32x3060xf32>
    %get3A_1181 = vector.shape_cast %get3A_1180 : vector<1x1x32x3060xf32> to vector<32x3060xf32>
    %get3A_1182 = arith.constant 0 : index
    %get3A_1183 = arith.constant 1 : index
    %get3A_1184 = arith.constant 0 : index
    %get3A_1185 = arith.constant 91 : index
    %get3A_1186 = vector.load %arg8[%get3A_1182, %get3A_1183, %get3A_1184, %get3A_1185] : memref<2x2x32x3242xf32, #tpu.memory_space<vmem>>, vector<1x1x32x3060xf32>
    %get3A_1187 = vector.shape_cast %get3A_1186 : vector<1x1x32x3060xf32> to vector<32x3060xf32>
    %get3A_1188 = arith.constant 0 : index
    %get3A_1189 = arith.constant 0 : index
    %get3A_1190 = arith.constant 0 : index
    %get3A_1191 = arith.constant 92 : index
    %get3A_1192 = vector.load %arg8[%get3A_1188, %get3A_1189, %get3A_1190, %get3A_1191] : memref<2x2x32x3242xf32, #tpu.memory_space<vmem>>, vector<1x1x32x3060xf32>
    %get3A_1193 = vector.shape_cast %get3A_1192 : vector<1x1x32x3060xf32> to vector<32x3060xf32>
    %get3A_1194 = arith.constant 1 : index
    %get3A_1195 = arith.constant 0 : index
    %get3A_1196 = arith.constant 0 : index
    %get3A_1197 = arith.constant 90 : index
    %get3A_1198 = vector.load %arg8[%get3A_1194, %get3A_1195, %get3A_1196, %get3A_1197] : memref<2x2x32x3242xf32, #tpu.memory_space<vmem>>, vector<1x1x32x3060xf32>
    %get3A_1199 = vector.shape_cast %get3A_1198 : vector<1x1x32x3060xf32> to vector<32x3060xf32>
    %get3A_1200 = arith.constant 1 : index
    %get3A_1201 = arith.constant 1 : index
    %get3A_1202 = arith.constant 0 : index
    %get3A_1203 = arith.constant 90 : index
    %get3A_1204 = vector.load %arg8[%get3A_1200, %get3A_1201, %get3A_1202, %get3A_1203] : memref<2x2x32x3242xf32, #tpu.memory_space<vmem>>, vector<1x1x32x3060xf32>
    %get3A_1205 = vector.shape_cast %get3A_1204 : vector<1x1x32x3060xf32> to vector<32x3060xf32>
    %get3A_1206 = arith.constant 1 : index
    %get3A_1207 = arith.constant 0 : index
    %get3A_1208 = arith.constant 0 : index
    %get3A_1209 = arith.constant 91 : index
    %get3A_1210 = vector.load %arg8[%get3A_1206, %get3A_1207, %get3A_1208, %get3A_1209] : memref<2x2x32x3242xf32, #tpu.memory_space<vmem>>, vector<1x1x32x3060xf32>
    %get3A_1211 = vector.shape_cast %get3A_1210 : vector<1x1x32x3060xf32> to vector<32x3060xf32>
    %get3A_1212 = arith.constant 1 : index
    %get3A_1213 = arith.constant 1 : index
    %get3A_1214 = arith.constant 0 : index
    %get3A_1215 = arith.constant 91 : index
    %get3A_1216 = vector.load %arg8[%get3A_1212, %get3A_1213, %get3A_1214, %get3A_1215] : memref<2x2x32x3242xf32, #tpu.memory_space<vmem>>, vector<1x1x32x3060xf32>
    %get3A_1217 = vector.shape_cast %get3A_1216 : vector<1x1x32x3060xf32> to vector<32x3060xf32>
    %get3A_1218 = arith.constant 1 : index
    %get3A_1219 = arith.constant 0 : index
    %get3A_1220 = arith.constant 0 : index
    %get3A_1221 = arith.constant 92 : index
    %get3A_1222 = vector.load %arg8[%get3A_1218, %get3A_1219, %get3A_1220, %get3A_1221] : memref<2x2x32x3242xf32, #tpu.memory_space<vmem>>, vector<1x1x32x3060xf32>
    %get3A_1223 = vector.shape_cast %get3A_1222 : vector<1x1x32x3060xf32> to vector<32x3060xf32>
    %get3A_1224 = arith.constant 0 : index
    %get3A_1225 = arith.constant 0 : index
    %get3A_1226 = arith.constant 0 : index
    %get3A_1227 = arith.constant 180 : index
    %get3A_1228 = vector.load %arg8[%get3A_1224, %get3A_1225, %get3A_1226, %get3A_1227] : memref<2x2x32x3242xf32, #tpu.memory_space<vmem>>, vector<1x1x32x3060xf32>
    %get3A_1229 = vector.shape_cast %get3A_1228 : vector<1x1x32x3060xf32> to vector<32x3060xf32>
    %get3A_1230 = arith.constant 0 : index
    %get3A_1231 = arith.constant 1 : index
    %get3A_1232 = arith.constant 0 : index
    %get3A_1233 = arith.constant 180 : index
    %get3A_1234 = vector.load %arg8[%get3A_1230, %get3A_1231, %get3A_1232, %get3A_1233] : memref<2x2x32x3242xf32, #tpu.memory_space<vmem>>, vector<1x1x32x3060xf32>
    %get3A_1235 = vector.shape_cast %get3A_1234 : vector<1x1x32x3060xf32> to vector<32x3060xf32>
    %get3A_1236 = arith.constant 0 : index
    %get3A_1237 = arith.constant 0 : index
    %get3A_1238 = arith.constant 0 : index
    %get3A_1239 = arith.constant 181 : index
    %get3A_1240 = vector.load %arg8[%get3A_1236, %get3A_1237, %get3A_1238, %get3A_1239] : memref<2x2x32x3242xf32, #tpu.memory_space<vmem>>, vector<1x1x32x3060xf32>
    %get3A_1241 = vector.shape_cast %get3A_1240 : vector<1x1x32x3060xf32> to vector<32x3060xf32>
    %get3A_1242 = arith.constant 0 : index
    %get3A_1243 = arith.constant 1 : index
    %get3A_1244 = arith.constant 0 : index
    %get3A_1245 = arith.constant 181 : index
    %get3A_1246 = vector.load %arg8[%get3A_1242, %get3A_1243, %get3A_1244, %get3A_1245] : memref<2x2x32x3242xf32, #tpu.memory_space<vmem>>, vector<1x1x32x3060xf32>
    %get3A_1247 = vector.shape_cast %get3A_1246 : vector<1x1x32x3060xf32> to vector<32x3060xf32>
    %get3A_1248 = arith.constant 0 : index
    %get3A_1249 = arith.constant 0 : index
    %get3A_1250 = arith.constant 0 : index
    %get3A_1251 = arith.constant 182 : index
    %get3A_1252 = vector.load %arg8[%get3A_1248, %get3A_1249, %get3A_1250, %get3A_1251] : memref<2x2x32x3242xf32, #tpu.memory_space<vmem>>, vector<1x1x32x3060xf32>
    %get3A_1253 = vector.shape_cast %get3A_1252 : vector<1x1x32x3060xf32> to vector<32x3060xf32>
    %concatenate3A = tpu.concatenate %get3A_1109, %get3A_1115, %get3A_1121, %get3A_1127, %get3A_1133, %get3A_1139, %get3A_1145, %get3A_1151, %get3A_1157, %get3A_1163, %get3A_1169, %get3A_1175, %get3A_1181, %get3A_1187, %get3A_1193, %get3A_1199, %get3A_1205, %get3A_1211, %get3A_1217, %get3A_1223, %get3A_1229, %get3A_1235, %get3A_1241, %get3A_1247, %get3A_1253 in 0 : vector<32x3060xf32>, vector<32x3060xf32>, vector<32x3060xf32>, vector<32x3060xf32>, vector<32x3060xf32>, vector<32x3060xf32>, vector<32x3060xf32>, vector<32x3060xf32>, vector<32x3060xf32>, vector<32x3060xf32>, vector<32x3060xf32>, vector<32x3060xf32>, vector<32x3060xf32>, vector<32x3060xf32>, vector<32x3060xf32>, vector<32x3060xf32>, vector<32x3060xf32>, vector<32x3060xf32>, vector<32x3060xf32>, vector<32x3060xf32>, vector<32x3060xf32>, vector<32x3060xf32>, vector<32x3060xf32>, vector<32x3060xf32>, vector<32x3060xf32> -> vector<800x3060xf32>
    %get3A_1254 = arith.constant 0 : index
    %get3A_1255 = arith.constant 0 : index
    %get3A_1256 = vector.load %arg4[%get3A_1254, %get3A_1255] : memref<64x800xf32, #tpu.memory_space<vmem>>, vector<64x800xf32>
    %dot_general3A = arith.constant dense<0.000000e+00> : vector<64x3060xf32>
    %dot_general3A_1257 = tpu.matmul %get3A_1256, %concatenate3A, %dot_general3A {dimension_numbers = #tpu.dot_dimension_numbers<[1], [0], [0], [1], [0, 0, 1, 1], [], []>, transpose_lhs_hint = false} : vector<64x800xf32>, vector<800x3060xf32>, vector<64x3060xf32> -> vector<64x3060xf32>
    %get3A_1258 = arith.constant 0 : index
    %get3A_1259 = arith.constant 0 : index
    %get3A_1260 = vector.load %arg5[%get3A_1258, %get3A_1259] : memref<64x1xf32, #tpu.memory_space<vmem>>, vector<64x1xf32>
    %add3A_1261 = vector.broadcast %get3A_1260 : vector<64x1xf32> to vector<64x3060xf32>
    %add3A_1262 = arith.addf %dot_general3A_1257, %add3A_1261 : vector<64x3060xf32>
    %iota3A = tpu.iota {dimensions = array<i32: 1>} : vector<1x3060xi32>
    %jit3A = arith.constant 90 : i32
    %eq3A = arith.constant 0 : i32
    %eq3A_1263 = arith.cmpi eq, %jit3A, %eq3A : i32
    %jit3A_1264 = arith.constant 1 : i32
    %select_n3A = arith.select %eq3A_1263, %jit3A_1264, %jit3A : i32
    %rem3A = vector.broadcast %select_n3A : i32 to vector<1x3060xi32>
    %rem3A_1265 = arith.remsi %iota3A, %rem3A : vector<1x3060xi32>
    %ne3A = arith.constant 0 : i32
    %ne3A_1266 = vector.broadcast %ne3A : i32 to vector<1x3060xi32>
    %ne3A_1267 = arith.cmpi ne, %rem3A_1265, %ne3A_1266 : vector<1x3060xi32>
    %lt3A = arith.constant 0 : i32
    %lt3A_1268 = vector.broadcast %lt3A : i32 to vector<1x3060xi32>
    %lt3A_1269 = arith.cmpi slt, %rem3A_1265, %lt3A_1268 : vector<1x3060xi32>
    %lt3A_1270 = arith.constant 0 : i32
    %lt3A_1271 = arith.cmpi slt, %select_n3A, %lt3A_1270 : i32
    %ne3A_1272 = vector.broadcast %lt3A_1271 : i1 to vector<1x3060xi1>
    %ne3A_1273 = vector.broadcast %ne3A_1272 : vector<1x3060xi1> to vector<1x3060xi1>
    %ne3A_1274 = arith.xori %lt3A_1269, %ne3A_1273 : vector<1x3060xi1>
    %and3A = arith.andi %ne3A_1274, %ne3A_1267 : vector<1x3060xi1>
    %add3A_1275 = vector.broadcast %select_n3A : i32 to vector<1x3060xi32>
    %add3A_1276 = arith.addi %rem3A_1265, %add3A_1275 : vector<1x3060xi32>
    %select_n3A_1277 = arith.select %and3A, %add3A_1276, %rem3A_1265 : vector<1x3060xi1>, vector<1x3060xi32>
    %lt3A_1278 = arith.constant 88 : i32
    %lt3A_1279 = vector.broadcast %lt3A_1278 : i32 to vector<1x3060xi32>
    %lt3A_1280 = arith.cmpi slt, %select_n3A_1277, %lt3A_1279 : vector<1x3060xi32>
    %lt3A_1281 = arith.constant 2880 : i32
    %lt3A_1282 = vector.broadcast %lt3A_1281 : i32 to vector<1x3060xi32>
    %lt3A_1283 = arith.cmpi slt, %iota3A, %lt3A_1282 : vector<1x3060xi32>
    %and3A_1284 = arith.andi %lt3A_1280, %lt3A_1283 : vector<1x3060xi1>
    %convert_element_type3A = arith.extui %and3A_1284 : vector<1x3060xi1> to vector<1x3060xi32>
    %convert_element_type3A_1285 = arith.sitofp %convert_element_type3A : vector<1x3060xi32> to vector<1x3060xf32>
    %mul3A_1286 = vector.broadcast %convert_element_type3A_1285 : vector<1x3060xf32> to vector<64x3060xf32>
    %mul3A_1287 = arith.mulf %add3A_1262, %mul3A_1286 : vector<64x3060xf32>
    %swap3A_1288 = arith.constant 0 : index
    %swap3A_1289 = arith.constant 0 : index
    %swap3A_1290 = arith.constant 0 : index
    %swap3A_1291 = vector.load %arg6[%swap3A_1288, %swap3A_1289, %swap3A_1290] : memref<1x64x3060xf32, #tpu.memory_space<vmem>>, vector<1x64x3060xf32>
    %swap3A_1292 = vector.shape_cast %swap3A_1291 : vector<1x64x3060xf32> to vector<64x3060xf32>
    %swap3A_1293 = vector.shape_cast %mul3A_1287 : vector<64x3060xf32> to vector<1x64x3060xf32>
    tpu.vector_store %arg6[%swap3A_1288, %swap3A_1289, %swap3A_1290], %swap3A_1293 {strides = array<i32>} : memref<1x64x3060xf32, #tpu.memory_space<vmem>>, vector<1x64x3060xf32>,
    %reduce_sum3A = arith.constant dense<0.000000e+00> : vector<64xf32>
    %reduce_sum3A_1294 = vector.multi_reduction <add>, %mul3A_1287, %reduce_sum3A [1] : vector<64x3060xf32> to vector<64xf32>
    %broadcast_in_dim3A_1295 = vector.shape_cast %reduce_sum3A_1294 : vector<64xf32> to vector<64x1xf32>
    %mul3A_1296 = arith.mulf %mul3A_1287, %mul3A_1287 : vector<64x3060xf32>
    %reduce_sum3A_1297 = arith.constant dense<0.000000e+00> : vector<64xf32>
    %reduce_sum3A_1298 = vector.multi_reduction <add>, %mul3A_1296, %reduce_sum3A_1297 [1] : vector<64x3060xf32> to vector<64xf32>
    %broadcast_in_dim3A_1299 = vector.shape_cast %reduce_sum3A_1298 : vector<64xf32> to vector<64x1xf32>
    %concatenate3A_1300 = tpu.concatenate %broadcast_in_dim3A_1295, %broadcast_in_dim3A_1299 in 1 : vector<64x1xf32>, vector<64x1xf32> -> vector<64x2xf32>
    %swap3A_1301 = arith.constant 0 : index
    %swap3A_1302 = arith.constant 0 : index
    %swap3A_1303 = arith.constant 0 : index
    %swap3A_1304 = vector.load %arg7[%swap3A_1301, %swap3A_1302, %swap3A_1303] : memref<1x64x2xf32, #tpu.memory_space<vmem>>, vector<1x64x2xf32>
    %swap3A_1305 = vector.shape_cast %swap3A_1304 : vector<1x64x2xf32> to vector<64x2xf32>
    %swap3A_1306 = vector.shape_cast %concatenate3A_1300 : vector<64x2xf32> to vector<1x64x2xf32>
    tpu.vector_store %arg7[%swap3A_1301, %swap3A_1302, %swap3A_1303], %swap3A_1306 {strides = array<i32>} : memref<1x64x2xf32, #tpu.memory_space<vmem>>, vector<1x64x2xf32>,
    return
  }
  func.func @transform_0(%arg0: i32) -> (i32, i32, i32, i32, i32) {
    %c0_i32 = arith.constant 0 : i32
    %c0_i32_0 = arith.constant 0 : i32
    %c0_i32_1 = arith.constant 0 : i32
    %c0_i32_2 = arith.constant 0 : i32
    %c0_i32_3 = arith.constant 0 : i32
    return %arg0, %c0_i32, %c0_i32_0, %c0_i32_1, %c0_i32_2 : i32, i32, i32, i32, i32
  }
  func.func @transform_1(%arg0: i32) -> (i32, i32) {
    %c0_i32 = arith.constant 0 : i32
    %c0_i32_0 = arith.constant 0 : i32
    %c0_i32_1 = arith.constant 0 : i32
    return %c0_i32, %c0_i32_0 : i32, i32
  }
  func.func @transform_2(%arg0: i32) -> (i32, i32) {
    %c0_i32 = arith.constant 0 : i32
    %c0_i32_0 = arith.constant 0 : i32
    %c0_i32_1 = arith.constant 0 : i32
    return %c0_i32, %c0_i32_0 : i32, i32
  }
  func.func @transform_3(%arg0: i32) -> (i32, i32) {
    %c0_i32 = arith.constant 0 : i32
    %c0_i32_0 = arith.constant 0 : i32
    %c0_i32_1 = arith.constant 0 : i32
    return %c0_i32, %c0_i32_0 : i32, i32
  }
  func.func @transform_4(%arg0: i32) -> (i32, i32) {
    %c0_i32 = arith.constant 0 : i32
    %c0_i32_0 = arith.constant 0 : i32
    %c0_i32_1 = arith.constant 0 : i32
    return %c0_i32, %c0_i32_0 : i32, i32
  }
  func.func @transform_5(%arg0: i32) -> (i32, i32, i32) {
    %c0_i32 = arith.constant 0 : i32
    %c0_i32_0 = arith.constant 0 : i32
    %c0_i32_1 = arith.constant 0 : i32
    return %arg0, %c0_i32, %c0_i32_0 : i32, i32, i32
  }
  func.func @transform_6(%arg0: i32) -> (i32, i32, i32) {
    %c0_i32 = arith.constant 0 : i32
    %c0_i32_0 = arith.constant 0 : i32
    %c0_i32_1 = arith.constant 0 : i32
    return %arg0, %c0_i32, %c0_i32_0 : i32, i32, i32
  }
}

module attributes {stable_mosaic.version = 14 : i64} {
  func.func @_k5_fuse(%arg0: i32, %arg1: memref<1x64x3060xf32, #tpu.memory_space<vmem>>, %arg2: memref<1x256x32x88xf32, #tpu.memory_space<vmem>>, %arg3: memref<64x1xf32, #tpu.memory_space<vmem>>, %arg4: memref<64x1xf32, #tpu.memory_space<vmem>>, %arg5: memref<256x2880xf32, #tpu.memory_space<vmem>>, %arg6: memref<256x1xf32, #tpu.memory_space<vmem>>, %arg7: memref<1x3060x256xf32, #tpu.memory_space<vmem>>, %arg8: memref<1x256x2xf32, #tpu.memory_space<vmem>>, %arg9: memref<320x3242xf32, #tpu.memory_space<vmem>>) attributes {dimension_semantics = [#tpu.dimension_semantics<arbitrary>], iteration_bounds = array<i64: 6>, scalar_prefetch = 0 : i64, scratch_operands = 1 : i64, tpu.core_type = #tpu.core_type<tc>, window_params = [{transform_indices = @transform_0, window_bounds = array<i64: 1, 64, 3060>}, {transform_indices = @transform_1, window_bounds = array<i64: 1, 256, 32, 88>}, {pipeline_mode = #tpu.pipeline_mode<synchronous>, transform_indices = @transform_2, window_bounds = array<i64: 64, 1>}, {pipeline_mode = #tpu.pipeline_mode<synchronous>, transform_indices = @transform_3, window_bounds = array<i64: 64, 1>}, {pipeline_mode = #tpu.pipeline_mode<synchronous>, transform_indices = @transform_4, window_bounds = array<i64: 256, 2880>}, {pipeline_mode = #tpu.pipeline_mode<synchronous>, transform_indices = @transform_5, window_bounds = array<i64: 256, 1>}, {transform_indices = @transform_6, window_bounds = array<i64: 1, 3060, 256>}, {transform_indices = @transform_7, window_bounds = array<i64: 1, 256, 2>}]} {
    %broadcast_in_dim3A = arith.constant 0.000000e+00 : f32
    %broadcast_in_dim3A_0 = vector.broadcast %broadcast_in_dim3A : f32 to vector<320x3242xf32>
    %swap3A = arith.constant 0 : index
    %swap3A_1 = arith.constant 0 : index
    %swap3A_2 = vector.load %arg9[%swap3A, %swap3A_1] : memref<320x3242xf32, #tpu.memory_space<vmem>>, vector<320x3242xf32>
    tpu.vector_store %arg9[%swap3A, %swap3A_1], %broadcast_in_dim3A_0 {strides = array<i32>} : memref<320x3242xf32, #tpu.memory_space<vmem>>, vector<320x3242xf32>,
    %get3A = arith.constant 0 : index
    %get3A_3 = arith.constant 0 : index
    %get3A_4 = arith.constant 0 : index
    %get3A_5 = vector.load %arg1[%get3A, %get3A_3, %get3A_4] : memref<1x64x3060xf32, #tpu.memory_space<vmem>>, vector<1x64x3060xf32>
    %get3A_6 = vector.shape_cast %get3A_5 : vector<1x64x3060xf32> to vector<64x3060xf32>
    %get3A_7 = arith.constant 0 : index
    %get3A_8 = arith.constant 0 : index
    %get3A_9 = vector.load %arg3[%get3A_7, %get3A_8] : memref<64x1xf32, #tpu.memory_space<vmem>>, vector<64x1xf32>
    %mul3A = vector.broadcast %get3A_9 : vector<64x1xf32> to vector<64x3060xf32>
    %mul3A_10 = arith.mulf %get3A_6, %mul3A : vector<64x3060xf32>
    %get3A_11 = arith.constant 0 : index
    %get3A_12 = arith.constant 0 : index
    %get3A_13 = vector.load %arg4[%get3A_11, %get3A_12] : memref<64x1xf32, #tpu.memory_space<vmem>>, vector<64x1xf32>
    %add3A = vector.broadcast %get3A_13 : vector<64x1xf32> to vector<64x3060xf32>
    %add3A_14 = arith.addf %mul3A_10, %add3A : vector<64x3060xf32>
    %max3A = arith.constant 0.000000e+00 : f32
    %max3A_15 = vector.broadcast %max3A : f32 to vector<64x3060xf32>
    %max3A_16 = arith.maximumf %add3A_14, %max3A_15 : vector<64x3060xf32>
    %get3A_17 = arith.constant 0 : index
    %get3A_18 = arith.constant 0 : index
    %get3A_19 = arith.constant 0 : index
    %get3A_20 = arith.constant 0 : index
    %get3A_21 = vector.load %arg2[%get3A_17, %get3A_18, %get3A_19, %get3A_20] : memref<1x256x32x88xf32, #tpu.memory_space<vmem>>, vector<1x256x32x88xf32>
    %get3A_22 = vector.shape_cast %get3A_21 : vector<1x256x32x88xf32> to vector<256x32x88xf32>
    %slice3A = vector.extract_strided_slice %max3A_16 {offsets = [0, 0], sizes = [64, 88], strides = [1, 1]} : vector<64x3060xf32> to vector<64x88xf32>
    %slice3A_23 = vector.extract_strided_slice %get3A_22 {offsets = [0, 0, 0], sizes = [256, 1, 88], strides = [1, 1, 1]} : vector<256x32x88xf32> to vector<256x1x88xf32>
    %squeeze3A = vector.shape_cast %slice3A_23 : vector<256x1x88xf32> to vector<256x88xf32>
    %concatenate3A = tpu.concatenate %slice3A, %squeeze3A in 0 : vector<64x88xf32>, vector<256x88xf32> -> vector<320x88xf32>
    %swap3A_24 = arith.constant 0 : index
    %swap3A_25 = arith.constant 91 : index
    %swap3A_26 = vector.load %arg9[%swap3A_24, %swap3A_25] : memref<320x3242xf32, #tpu.memory_space<vmem>>, vector<320x88xf32>
    tpu.vector_store %arg9[%swap3A_24, %swap3A_25], %concatenate3A {strides = array<i32>} : memref<320x3242xf32, #tpu.memory_space<vmem>>, vector<320x88xf32>,
    %slice3A_27 = vector.extract_strided_slice %max3A_16 {offsets = [0, 90], sizes = [64, 88], strides = [1, 1]} : vector<64x3060xf32> to vector<64x88xf32>
    %slice3A_28 = vector.extract_strided_slice %get3A_22 {offsets = [0, 1, 0], sizes = [256, 1, 88], strides = [1, 1, 1]} : vector<256x32x88xf32> to vector<256x1x88xf32>
    %squeeze3A_29 = vector.shape_cast %slice3A_28 : vector<256x1x88xf32> to vector<256x88xf32>
    %concatenate3A_30 = tpu.concatenate %slice3A_27, %squeeze3A_29 in 0 : vector<64x88xf32>, vector<256x88xf32> -> vector<320x88xf32>
    %swap3A_31 = arith.constant 0 : index
    %swap3A_32 = arith.constant 181 : index
    %swap3A_33 = vector.load %arg9[%swap3A_31, %swap3A_32] : memref<320x3242xf32, #tpu.memory_space<vmem>>, vector<320x88xf32>
    tpu.vector_store %arg9[%swap3A_31, %swap3A_32], %concatenate3A_30 {strides = array<i32>} : memref<320x3242xf32, #tpu.memory_space<vmem>>, vector<320x88xf32>,
    %slice3A_34 = vector.extract_strided_slice %max3A_16 {offsets = [0, 180], sizes = [64, 88], strides = [1, 1]} : vector<64x3060xf32> to vector<64x88xf32>
    %slice3A_35 = vector.extract_strided_slice %get3A_22 {offsets = [0, 2, 0], sizes = [256, 1, 88], strides = [1, 1, 1]} : vector<256x32x88xf32> to vector<256x1x88xf32>
    %squeeze3A_36 = vector.shape_cast %slice3A_35 : vector<256x1x88xf32> to vector<256x88xf32>
    %concatenate3A_37 = tpu.concatenate %slice3A_34, %squeeze3A_36 in 0 : vector<64x88xf32>, vector<256x88xf32> -> vector<320x88xf32>
    %swap3A_38 = arith.constant 0 : index
    %swap3A_39 = arith.constant 271 : index
    %swap3A_40 = vector.load %arg9[%swap3A_38, %swap3A_39] : memref<320x3242xf32, #tpu.memory_space<vmem>>, vector<320x88xf32>
    tpu.vector_store %arg9[%swap3A_38, %swap3A_39], %concatenate3A_37 {strides = array<i32>} : memref<320x3242xf32, #tpu.memory_space<vmem>>, vector<320x88xf32>,
    %slice3A_41 = vector.extract_strided_slice %max3A_16 {offsets = [0, 270], sizes = [64, 88], strides = [1, 1]} : vector<64x3060xf32> to vector<64x88xf32>
    %slice3A_42 = vector.extract_strided_slice %get3A_22 {offsets = [0, 3, 0], sizes = [256, 1, 88], strides = [1, 1, 1]} : vector<256x32x88xf32> to vector<256x1x88xf32>
    %squeeze3A_43 = vector.shape_cast %slice3A_42 : vector<256x1x88xf32> to vector<256x88xf32>
    %concatenate3A_44 = tpu.concatenate %slice3A_41, %squeeze3A_43 in 0 : vector<64x88xf32>, vector<256x88xf32> -> vector<320x88xf32>
    %swap3A_45 = arith.constant 0 : index
    %swap3A_46 = arith.constant 361 : index
    %swap3A_47 = vector.load %arg9[%swap3A_45, %swap3A_46] : memref<320x3242xf32, #tpu.memory_space<vmem>>, vector<320x88xf32>
    tpu.vector_store %arg9[%swap3A_45, %swap3A_46], %concatenate3A_44 {strides = array<i32>} : memref<320x3242xf32, #tpu.memory_space<vmem>>, vector<320x88xf32>,
    %slice3A_48 = vector.extract_strided_slice %max3A_16 {offsets = [0, 360], sizes = [64, 88], strides = [1, 1]} : vector<64x3060xf32> to vector<64x88xf32>
    %slice3A_49 = vector.extract_strided_slice %get3A_22 {offsets = [0, 4, 0], sizes = [256, 1, 88], strides = [1, 1, 1]} : vector<256x32x88xf32> to vector<256x1x88xf32>
    %squeeze3A_50 = vector.shape_cast %slice3A_49 : vector<256x1x88xf32> to vector<256x88xf32>
    %concatenate3A_51 = tpu.concatenate %slice3A_48, %squeeze3A_50 in 0 : vector<64x88xf32>, vector<256x88xf32> -> vector<320x88xf32>
    %swap3A_52 = arith.constant 0 : index
    %swap3A_53 = arith.constant 451 : index
    %swap3A_54 = vector.load %arg9[%swap3A_52, %swap3A_53] : memref<320x3242xf32, #tpu.memory_space<vmem>>, vector<320x88xf32>
    tpu.vector_store %arg9[%swap3A_52, %swap3A_53], %concatenate3A_51 {strides = array<i32>} : memref<320x3242xf32, #tpu.memory_space<vmem>>, vector<320x88xf32>,
    %slice3A_55 = vector.extract_strided_slice %max3A_16 {offsets = [0, 450], sizes = [64, 88], strides = [1, 1]} : vector<64x3060xf32> to vector<64x88xf32>
    %slice3A_56 = vector.extract_strided_slice %get3A_22 {offsets = [0, 5, 0], sizes = [256, 1, 88], strides = [1, 1, 1]} : vector<256x32x88xf32> to vector<256x1x88xf32>
    %squeeze3A_57 = vector.shape_cast %slice3A_56 : vector<256x1x88xf32> to vector<256x88xf32>
    %concatenate3A_58 = tpu.concatenate %slice3A_55, %squeeze3A_57 in 0 : vector<64x88xf32>, vector<256x88xf32> -> vector<320x88xf32>
    %swap3A_59 = arith.constant 0 : index
    %swap3A_60 = arith.constant 541 : index
    %swap3A_61 = vector.load %arg9[%swap3A_59, %swap3A_60] : memref<320x3242xf32, #tpu.memory_space<vmem>>, vector<320x88xf32>
    tpu.vector_store %arg9[%swap3A_59, %swap3A_60], %concatenate3A_58 {strides = array<i32>} : memref<320x3242xf32, #tpu.memory_space<vmem>>, vector<320x88xf32>,
    %slice3A_62 = vector.extract_strided_slice %max3A_16 {offsets = [0, 540], sizes = [64, 88], strides = [1, 1]} : vector<64x3060xf32> to vector<64x88xf32>
    %slice3A_63 = vector.extract_strided_slice %get3A_22 {offsets = [0, 6, 0], sizes = [256, 1, 88], strides = [1, 1, 1]} : vector<256x32x88xf32> to vector<256x1x88xf32>
    %squeeze3A_64 = vector.shape_cast %slice3A_63 : vector<256x1x88xf32> to vector<256x88xf32>
    %concatenate3A_65 = tpu.concatenate %slice3A_62, %squeeze3A_64 in 0 : vector<64x88xf32>, vector<256x88xf32> -> vector<320x88xf32>
    %swap3A_66 = arith.constant 0 : index
    %swap3A_67 = arith.constant 631 : index
    %swap3A_68 = vector.load %arg9[%swap3A_66, %swap3A_67] : memref<320x3242xf32, #tpu.memory_space<vmem>>, vector<320x88xf32>
    tpu.vector_store %arg9[%swap3A_66, %swap3A_67], %concatenate3A_65 {strides = array<i32>} : memref<320x3242xf32, #tpu.memory_space<vmem>>, vector<320x88xf32>,
    %slice3A_69 = vector.extract_strided_slice %max3A_16 {offsets = [0, 630], sizes = [64, 88], strides = [1, 1]} : vector<64x3060xf32> to vector<64x88xf32>
    %slice3A_70 = vector.extract_strided_slice %get3A_22 {offsets = [0, 7, 0], sizes = [256, 1, 88], strides = [1, 1, 1]} : vector<256x32x88xf32> to vector<256x1x88xf32>
    %squeeze3A_71 = vector.shape_cast %slice3A_70 : vector<256x1x88xf32> to vector<256x88xf32>
    %concatenate3A_72 = tpu.concatenate %slice3A_69, %squeeze3A_71 in 0 : vector<64x88xf32>, vector<256x88xf32> -> vector<320x88xf32>
    %swap3A_73 = arith.constant 0 : index
    %swap3A_74 = arith.constant 721 : index
    %swap3A_75 = vector.load %arg9[%swap3A_73, %swap3A_74] : memref<320x3242xf32, #tpu.memory_space<vmem>>, vector<320x88xf32>
    tpu.vector_store %arg9[%swap3A_73, %swap3A_74], %concatenate3A_72 {strides = array<i32>} : memref<320x3242xf32, #tpu.memory_space<vmem>>, vector<320x88xf32>,
    %slice3A_76 = vector.extract_strided_slice %max3A_16 {offsets = [0, 720], sizes = [64, 88], strides = [1, 1]} : vector<64x3060xf32> to vector<64x88xf32>
    %slice3A_77 = vector.extract_strided_slice %get3A_22 {offsets = [0, 8, 0], sizes = [256, 1, 88], strides = [1, 1, 1]} : vector<256x32x88xf32> to vector<256x1x88xf32>
    %squeeze3A_78 = vector.shape_cast %slice3A_77 : vector<256x1x88xf32> to vector<256x88xf32>
    %concatenate3A_79 = tpu.concatenate %slice3A_76, %squeeze3A_78 in 0 : vector<64x88xf32>, vector<256x88xf32> -> vector<320x88xf32>
    %swap3A_80 = arith.constant 0 : index
    %swap3A_81 = arith.constant 811 : index
    %swap3A_82 = vector.load %arg9[%swap3A_80, %swap3A_81] : memref<320x3242xf32, #tpu.memory_space<vmem>>, vector<320x88xf32>
    tpu.vector_store %arg9[%swap3A_80, %swap3A_81], %concatenate3A_79 {strides = array<i32>} : memref<320x3242xf32, #tpu.memory_space<vmem>>, vector<320x88xf32>,
    %slice3A_83 = vector.extract_strided_slice %max3A_16 {offsets = [0, 810], sizes = [64, 88], strides = [1, 1]} : vector<64x3060xf32> to vector<64x88xf32>
    %slice3A_84 = vector.extract_strided_slice %get3A_22 {offsets = [0, 9, 0], sizes = [256, 1, 88], strides = [1, 1, 1]} : vector<256x32x88xf32> to vector<256x1x88xf32>
    %squeeze3A_85 = vector.shape_cast %slice3A_84 : vector<256x1x88xf32> to vector<256x88xf32>
    %concatenate3A_86 = tpu.concatenate %slice3A_83, %squeeze3A_85 in 0 : vector<64x88xf32>, vector<256x88xf32> -> vector<320x88xf32>
    %swap3A_87 = arith.constant 0 : index
    %swap3A_88 = arith.constant 901 : index
    %swap3A_89 = vector.load %arg9[%swap3A_87, %swap3A_88] : memref<320x3242xf32, #tpu.memory_space<vmem>>, vector<320x88xf32>
    tpu.vector_store %arg9[%swap3A_87, %swap3A_88], %concatenate3A_86 {strides = array<i32>} : memref<320x3242xf32, #tpu.memory_space<vmem>>, vector<320x88xf32>,
    %slice3A_90 = vector.extract_strided_slice %max3A_16 {offsets = [0, 900], sizes = [64, 88], strides = [1, 1]} : vector<64x3060xf32> to vector<64x88xf32>
    %slice3A_91 = vector.extract_strided_slice %get3A_22 {offsets = [0, 10, 0], sizes = [256, 1, 88], strides = [1, 1, 1]} : vector<256x32x88xf32> to vector<256x1x88xf32>
    %squeeze3A_92 = vector.shape_cast %slice3A_91 : vector<256x1x88xf32> to vector<256x88xf32>
    %concatenate3A_93 = tpu.concatenate %slice3A_90, %squeeze3A_92 in 0 : vector<64x88xf32>, vector<256x88xf32> -> vector<320x88xf32>
    %swap3A_94 = arith.constant 0 : index
    %swap3A_95 = arith.constant 991 : index
    %swap3A_96 = vector.load %arg9[%swap3A_94, %swap3A_95] : memref<320x3242xf32, #tpu.memory_space<vmem>>, vector<320x88xf32>
    tpu.vector_store %arg9[%swap3A_94, %swap3A_95], %concatenate3A_93 {strides = array<i32>} : memref<320x3242xf32, #tpu.memory_space<vmem>>, vector<320x88xf32>,
    %slice3A_97 = vector.extract_strided_slice %max3A_16 {offsets = [0, 990], sizes = [64, 88], strides = [1, 1]} : vector<64x3060xf32> to vector<64x88xf32>
    %slice3A_98 = vector.extract_strided_slice %get3A_22 {offsets = [0, 11, 0], sizes = [256, 1, 88], strides = [1, 1, 1]} : vector<256x32x88xf32> to vector<256x1x88xf32>
    %squeeze3A_99 = vector.shape_cast %slice3A_98 : vector<256x1x88xf32> to vector<256x88xf32>
    %concatenate3A_100 = tpu.concatenate %slice3A_97, %squeeze3A_99 in 0 : vector<64x88xf32>, vector<256x88xf32> -> vector<320x88xf32>
    %swap3A_101 = arith.constant 0 : index
    %swap3A_102 = arith.constant 1081 : index
    %swap3A_103 = vector.load %arg9[%swap3A_101, %swap3A_102] : memref<320x3242xf32, #tpu.memory_space<vmem>>, vector<320x88xf32>
    tpu.vector_store %arg9[%swap3A_101, %swap3A_102], %concatenate3A_100 {strides = array<i32>} : memref<320x3242xf32, #tpu.memory_space<vmem>>, vector<320x88xf32>,
    %slice3A_104 = vector.extract_strided_slice %max3A_16 {offsets = [0, 1080], sizes = [64, 88], strides = [1, 1]} : vector<64x3060xf32> to vector<64x88xf32>
    %slice3A_105 = vector.extract_strided_slice %get3A_22 {offsets = [0, 12, 0], sizes = [256, 1, 88], strides = [1, 1, 1]} : vector<256x32x88xf32> to vector<256x1x88xf32>
    %squeeze3A_106 = vector.shape_cast %slice3A_105 : vector<256x1x88xf32> to vector<256x88xf32>
    %concatenate3A_107 = tpu.concatenate %slice3A_104, %squeeze3A_106 in 0 : vector<64x88xf32>, vector<256x88xf32> -> vector<320x88xf32>
    %swap3A_108 = arith.constant 0 : index
    %swap3A_109 = arith.constant 1171 : index
    %swap3A_110 = vector.load %arg9[%swap3A_108, %swap3A_109] : memref<320x3242xf32, #tpu.memory_space<vmem>>, vector<320x88xf32>
    tpu.vector_store %arg9[%swap3A_108, %swap3A_109], %concatenate3A_107 {strides = array<i32>} : memref<320x3242xf32, #tpu.memory_space<vmem>>, vector<320x88xf32>,
    %slice3A_111 = vector.extract_strided_slice %max3A_16 {offsets = [0, 1170], sizes = [64, 88], strides = [1, 1]} : vector<64x3060xf32> to vector<64x88xf32>
    %slice3A_112 = vector.extract_strided_slice %get3A_22 {offsets = [0, 13, 0], sizes = [256, 1, 88], strides = [1, 1, 1]} : vector<256x32x88xf32> to vector<256x1x88xf32>
    %squeeze3A_113 = vector.shape_cast %slice3A_112 : vector<256x1x88xf32> to vector<256x88xf32>
    %concatenate3A_114 = tpu.concatenate %slice3A_111, %squeeze3A_113 in 0 : vector<64x88xf32>, vector<256x88xf32> -> vector<320x88xf32>
    %swap3A_115 = arith.constant 0 : index
    %swap3A_116 = arith.constant 1261 : index
    %swap3A_117 = vector.load %arg9[%swap3A_115, %swap3A_116] : memref<320x3242xf32, #tpu.memory_space<vmem>>, vector<320x88xf32>
    tpu.vector_store %arg9[%swap3A_115, %swap3A_116], %concatenate3A_114 {strides = array<i32>} : memref<320x3242xf32, #tpu.memory_space<vmem>>, vector<320x88xf32>,
    %slice3A_118 = vector.extract_strided_slice %max3A_16 {offsets = [0, 1260], sizes = [64, 88], strides = [1, 1]} : vector<64x3060xf32> to vector<64x88xf32>
    %slice3A_119 = vector.extract_strided_slice %get3A_22 {offsets = [0, 14, 0], sizes = [256, 1, 88], strides = [1, 1, 1]} : vector<256x32x88xf32> to vector<256x1x88xf32>
    %squeeze3A_120 = vector.shape_cast %slice3A_119 : vector<256x1x88xf32> to vector<256x88xf32>
    %concatenate3A_121 = tpu.concatenate %slice3A_118, %squeeze3A_120 in 0 : vector<64x88xf32>, vector<256x88xf32> -> vector<320x88xf32>
    %swap3A_122 = arith.constant 0 : index
    %swap3A_123 = arith.constant 1351 : index
    %swap3A_124 = vector.load %arg9[%swap3A_122, %swap3A_123] : memref<320x3242xf32, #tpu.memory_space<vmem>>, vector<320x88xf32>
    tpu.vector_store %arg9[%swap3A_122, %swap3A_123], %concatenate3A_121 {strides = array<i32>} : memref<320x3242xf32, #tpu.memory_space<vmem>>, vector<320x88xf32>,
    %slice3A_125 = vector.extract_strided_slice %max3A_16 {offsets = [0, 1350], sizes = [64, 88], strides = [1, 1]} : vector<64x3060xf32> to vector<64x88xf32>
    %slice3A_126 = vector.extract_strided_slice %get3A_22 {offsets = [0, 15, 0], sizes = [256, 1, 88], strides = [1, 1, 1]} : vector<256x32x88xf32> to vector<256x1x88xf32>
    %squeeze3A_127 = vector.shape_cast %slice3A_126 : vector<256x1x88xf32> to vector<256x88xf32>
    %concatenate3A_128 = tpu.concatenate %slice3A_125, %squeeze3A_127 in 0 : vector<64x88xf32>, vector<256x88xf32> -> vector<320x88xf32>
    %swap3A_129 = arith.constant 0 : index
    %swap3A_130 = arith.constant 1441 : index
    %swap3A_131 = vector.load %arg9[%swap3A_129, %swap3A_130] : memref<320x3242xf32, #tpu.memory_space<vmem>>, vector<320x88xf32>
    tpu.vector_store %arg9[%swap3A_129, %swap3A_130], %concatenate3A_128 {strides = array<i32>} : memref<320x3242xf32, #tpu.memory_space<vmem>>, vector<320x88xf32>,
    %slice3A_132 = vector.extract_strided_slice %max3A_16 {offsets = [0, 1440], sizes = [64, 88], strides = [1, 1]} : vector<64x3060xf32> to vector<64x88xf32>
    %slice3A_133 = vector.extract_strided_slice %get3A_22 {offsets = [0, 16, 0], sizes = [256, 1, 88], strides = [1, 1, 1]} : vector<256x32x88xf32> to vector<256x1x88xf32>
    %squeeze3A_134 = vector.shape_cast %slice3A_133 : vector<256x1x88xf32> to vector<256x88xf32>
    %concatenate3A_135 = tpu.concatenate %slice3A_132, %squeeze3A_134 in 0 : vector<64x88xf32>, vector<256x88xf32> -> vector<320x88xf32>
    %swap3A_136 = arith.constant 0 : index
    %swap3A_137 = arith.constant 1531 : index
    %swap3A_138 = vector.load %arg9[%swap3A_136, %swap3A_137] : memref<320x3242xf32, #tpu.memory_space<vmem>>, vector<320x88xf32>
    tpu.vector_store %arg9[%swap3A_136, %swap3A_137], %concatenate3A_135 {strides = array<i32>} : memref<320x3242xf32, #tpu.memory_space<vmem>>, vector<320x88xf32>,
    %slice3A_139 = vector.extract_strided_slice %max3A_16 {offsets = [0, 1530], sizes = [64, 88], strides = [1, 1]} : vector<64x3060xf32> to vector<64x88xf32>
    %slice3A_140 = vector.extract_strided_slice %get3A_22 {offsets = [0, 17, 0], sizes = [256, 1, 88], strides = [1, 1, 1]} : vector<256x32x88xf32> to vector<256x1x88xf32>
    %squeeze3A_141 = vector.shape_cast %slice3A_140 : vector<256x1x88xf32> to vector<256x88xf32>
    %concatenate3A_142 = tpu.concatenate %slice3A_139, %squeeze3A_141 in 0 : vector<64x88xf32>, vector<256x88xf32> -> vector<320x88xf32>
    %swap3A_143 = arith.constant 0 : index
    %swap3A_144 = arith.constant 1621 : index
    %swap3A_145 = vector.load %arg9[%swap3A_143, %swap3A_144] : memref<320x3242xf32, #tpu.memory_space<vmem>>, vector<320x88xf32>
    tpu.vector_store %arg9[%swap3A_143, %swap3A_144], %concatenate3A_142 {strides = array<i32>} : memref<320x3242xf32, #tpu.memory_space<vmem>>, vector<320x88xf32>,
    %slice3A_146 = vector.extract_strided_slice %max3A_16 {offsets = [0, 1620], sizes = [64, 88], strides = [1, 1]} : vector<64x3060xf32> to vector<64x88xf32>
    %slice3A_147 = vector.extract_strided_slice %get3A_22 {offsets = [0, 18, 0], sizes = [256, 1, 88], strides = [1, 1, 1]} : vector<256x32x88xf32> to vector<256x1x88xf32>
    %squeeze3A_148 = vector.shape_cast %slice3A_147 : vector<256x1x88xf32> to vector<256x88xf32>
    %concatenate3A_149 = tpu.concatenate %slice3A_146, %squeeze3A_148 in 0 : vector<64x88xf32>, vector<256x88xf32> -> vector<320x88xf32>
    %swap3A_150 = arith.constant 0 : index
    %swap3A_151 = arith.constant 1711 : index
    %swap3A_152 = vector.load %arg9[%swap3A_150, %swap3A_151] : memref<320x3242xf32, #tpu.memory_space<vmem>>, vector<320x88xf32>
    tpu.vector_store %arg9[%swap3A_150, %swap3A_151], %concatenate3A_149 {strides = array<i32>} : memref<320x3242xf32, #tpu.memory_space<vmem>>, vector<320x88xf32>,
    %slice3A_153 = vector.extract_strided_slice %max3A_16 {offsets = [0, 1710], sizes = [64, 88], strides = [1, 1]} : vector<64x3060xf32> to vector<64x88xf32>
    %slice3A_154 = vector.extract_strided_slice %get3A_22 {offsets = [0, 19, 0], sizes = [256, 1, 88], strides = [1, 1, 1]} : vector<256x32x88xf32> to vector<256x1x88xf32>
    %squeeze3A_155 = vector.shape_cast %slice3A_154 : vector<256x1x88xf32> to vector<256x88xf32>
    %concatenate3A_156 = tpu.concatenate %slice3A_153, %squeeze3A_155 in 0 : vector<64x88xf32>, vector<256x88xf32> -> vector<320x88xf32>
    %swap3A_157 = arith.constant 0 : index
    %swap3A_158 = arith.constant 1801 : index
    %swap3A_159 = vector.load %arg9[%swap3A_157, %swap3A_158] : memref<320x3242xf32, #tpu.memory_space<vmem>>, vector<320x88xf32>
    tpu.vector_store %arg9[%swap3A_157, %swap3A_158], %concatenate3A_156 {strides = array<i32>} : memref<320x3242xf32, #tpu.memory_space<vmem>>, vector<320x88xf32>,
    %slice3A_160 = vector.extract_strided_slice %max3A_16 {offsets = [0, 1800], sizes = [64, 88], strides = [1, 1]} : vector<64x3060xf32> to vector<64x88xf32>
    %slice3A_161 = vector.extract_strided_slice %get3A_22 {offsets = [0, 20, 0], sizes = [256, 1, 88], strides = [1, 1, 1]} : vector<256x32x88xf32> to vector<256x1x88xf32>
    %squeeze3A_162 = vector.shape_cast %slice3A_161 : vector<256x1x88xf32> to vector<256x88xf32>
    %concatenate3A_163 = tpu.concatenate %slice3A_160, %squeeze3A_162 in 0 : vector<64x88xf32>, vector<256x88xf32> -> vector<320x88xf32>
    %swap3A_164 = arith.constant 0 : index
    %swap3A_165 = arith.constant 1891 : index
    %swap3A_166 = vector.load %arg9[%swap3A_164, %swap3A_165] : memref<320x3242xf32, #tpu.memory_space<vmem>>, vector<320x88xf32>
    tpu.vector_store %arg9[%swap3A_164, %swap3A_165], %concatenate3A_163 {strides = array<i32>} : memref<320x3242xf32, #tpu.memory_space<vmem>>, vector<320x88xf32>,
    %slice3A_167 = vector.extract_strided_slice %max3A_16 {offsets = [0, 1890], sizes = [64, 88], strides = [1, 1]} : vector<64x3060xf32> to vector<64x88xf32>
    %slice3A_168 = vector.extract_strided_slice %get3A_22 {offsets = [0, 21, 0], sizes = [256, 1, 88], strides = [1, 1, 1]} : vector<256x32x88xf32> to vector<256x1x88xf32>
    %squeeze3A_169 = vector.shape_cast %slice3A_168 : vector<256x1x88xf32> to vector<256x88xf32>
    %concatenate3A_170 = tpu.concatenate %slice3A_167, %squeeze3A_169 in 0 : vector<64x88xf32>, vector<256x88xf32> -> vector<320x88xf32>
    %swap3A_171 = arith.constant 0 : index
    %swap3A_172 = arith.constant 1981 : index
    %swap3A_173 = vector.load %arg9[%swap3A_171, %swap3A_172] : memref<320x3242xf32, #tpu.memory_space<vmem>>, vector<320x88xf32>
    tpu.vector_store %arg9[%swap3A_171, %swap3A_172], %concatenate3A_170 {strides = array<i32>} : memref<320x3242xf32, #tpu.memory_space<vmem>>, vector<320x88xf32>,
    %slice3A_174 = vector.extract_strided_slice %max3A_16 {offsets = [0, 1980], sizes = [64, 88], strides = [1, 1]} : vector<64x3060xf32> to vector<64x88xf32>
    %slice3A_175 = vector.extract_strided_slice %get3A_22 {offsets = [0, 22, 0], sizes = [256, 1, 88], strides = [1, 1, 1]} : vector<256x32x88xf32> to vector<256x1x88xf32>
    %squeeze3A_176 = vector.shape_cast %slice3A_175 : vector<256x1x88xf32> to vector<256x88xf32>
    %concatenate3A_177 = tpu.concatenate %slice3A_174, %squeeze3A_176 in 0 : vector<64x88xf32>, vector<256x88xf32> -> vector<320x88xf32>
    %swap3A_178 = arith.constant 0 : index
    %swap3A_179 = arith.constant 2071 : index
    %swap3A_180 = vector.load %arg9[%swap3A_178, %swap3A_179] : memref<320x3242xf32, #tpu.memory_space<vmem>>, vector<320x88xf32>
    tpu.vector_store %arg9[%swap3A_178, %swap3A_179], %concatenate3A_177 {strides = array<i32>} : memref<320x3242xf32, #tpu.memory_space<vmem>>, vector<320x88xf32>,
    %slice3A_181 = vector.extract_strided_slice %max3A_16 {offsets = [0, 2070], sizes = [64, 88], strides = [1, 1]} : vector<64x3060xf32> to vector<64x88xf32>
    %slice3A_182 = vector.extract_strided_slice %get3A_22 {offsets = [0, 23, 0], sizes = [256, 1, 88], strides = [1, 1, 1]} : vector<256x32x88xf32> to vector<256x1x88xf32>
    %squeeze3A_183 = vector.shape_cast %slice3A_182 : vector<256x1x88xf32> to vector<256x88xf32>
    %concatenate3A_184 = tpu.concatenate %slice3A_181, %squeeze3A_183 in 0 : vector<64x88xf32>, vector<256x88xf32> -> vector<320x88xf32>
    %swap3A_185 = arith.constant 0 : index
    %swap3A_186 = arith.constant 2161 : index
    %swap3A_187 = vector.load %arg9[%swap3A_185, %swap3A_186] : memref<320x3242xf32, #tpu.memory_space<vmem>>, vector<320x88xf32>
    tpu.vector_store %arg9[%swap3A_185, %swap3A_186], %concatenate3A_184 {strides = array<i32>} : memref<320x3242xf32, #tpu.memory_space<vmem>>, vector<320x88xf32>,
    %slice3A_188 = vector.extract_strided_slice %max3A_16 {offsets = [0, 2160], sizes = [64, 88], strides = [1, 1]} : vector<64x3060xf32> to vector<64x88xf32>
    %slice3A_189 = vector.extract_strided_slice %get3A_22 {offsets = [0, 24, 0], sizes = [256, 1, 88], strides = [1, 1, 1]} : vector<256x32x88xf32> to vector<256x1x88xf32>
    %squeeze3A_190 = vector.shape_cast %slice3A_189 : vector<256x1x88xf32> to vector<256x88xf32>
    %concatenate3A_191 = tpu.concatenate %slice3A_188, %squeeze3A_190 in 0 : vector<64x88xf32>, vector<256x88xf32> -> vector<320x88xf32>
    %swap3A_192 = arith.constant 0 : index
    %swap3A_193 = arith.constant 2251 : index
    %swap3A_194 = vector.load %arg9[%swap3A_192, %swap3A_193] : memref<320x3242xf32, #tpu.memory_space<vmem>>, vector<320x88xf32>
    tpu.vector_store %arg9[%swap3A_192, %swap3A_193], %concatenate3A_191 {strides = array<i32>} : memref<320x3242xf32, #tpu.memory_space<vmem>>, vector<320x88xf32>,
    %slice3A_195 = vector.extract_strided_slice %max3A_16 {offsets = [0, 2250], sizes = [64, 88], strides = [1, 1]} : vector<64x3060xf32> to vector<64x88xf32>
    %slice3A_196 = vector.extract_strided_slice %get3A_22 {offsets = [0, 25, 0], sizes = [256, 1, 88], strides = [1, 1, 1]} : vector<256x32x88xf32> to vector<256x1x88xf32>
    %squeeze3A_197 = vector.shape_cast %slice3A_196 : vector<256x1x88xf32> to vector<256x88xf32>
    %concatenate3A_198 = tpu.concatenate %slice3A_195, %squeeze3A_197 in 0 : vector<64x88xf32>, vector<256x88xf32> -> vector<320x88xf32>
    %swap3A_199 = arith.constant 0 : index
    %swap3A_200 = arith.constant 2341 : index
    %swap3A_201 = vector.load %arg9[%swap3A_199, %swap3A_200] : memref<320x3242xf32, #tpu.memory_space<vmem>>, vector<320x88xf32>
    tpu.vector_store %arg9[%swap3A_199, %swap3A_200], %concatenate3A_198 {strides = array<i32>} : memref<320x3242xf32, #tpu.memory_space<vmem>>, vector<320x88xf32>,
    %slice3A_202 = vector.extract_strided_slice %max3A_16 {offsets = [0, 2340], sizes = [64, 88], strides = [1, 1]} : vector<64x3060xf32> to vector<64x88xf32>
    %slice3A_203 = vector.extract_strided_slice %get3A_22 {offsets = [0, 26, 0], sizes = [256, 1, 88], strides = [1, 1, 1]} : vector<256x32x88xf32> to vector<256x1x88xf32>
    %squeeze3A_204 = vector.shape_cast %slice3A_203 : vector<256x1x88xf32> to vector<256x88xf32>
    %concatenate3A_205 = tpu.concatenate %slice3A_202, %squeeze3A_204 in 0 : vector<64x88xf32>, vector<256x88xf32> -> vector<320x88xf32>
    %swap3A_206 = arith.constant 0 : index
    %swap3A_207 = arith.constant 2431 : index
    %swap3A_208 = vector.load %arg9[%swap3A_206, %swap3A_207] : memref<320x3242xf32, #tpu.memory_space<vmem>>, vector<320x88xf32>
    tpu.vector_store %arg9[%swap3A_206, %swap3A_207], %concatenate3A_205 {strides = array<i32>} : memref<320x3242xf32, #tpu.memory_space<vmem>>, vector<320x88xf32>,
    %slice3A_209 = vector.extract_strided_slice %max3A_16 {offsets = [0, 2430], sizes = [64, 88], strides = [1, 1]} : vector<64x3060xf32> to vector<64x88xf32>
    %slice3A_210 = vector.extract_strided_slice %get3A_22 {offsets = [0, 27, 0], sizes = [256, 1, 88], strides = [1, 1, 1]} : vector<256x32x88xf32> to vector<256x1x88xf32>
    %squeeze3A_211 = vector.shape_cast %slice3A_210 : vector<256x1x88xf32> to vector<256x88xf32>
    %concatenate3A_212 = tpu.concatenate %slice3A_209, %squeeze3A_211 in 0 : vector<64x88xf32>, vector<256x88xf32> -> vector<320x88xf32>
    %swap3A_213 = arith.constant 0 : index
    %swap3A_214 = arith.constant 2521 : index
    %swap3A_215 = vector.load %arg9[%swap3A_213, %swap3A_214] : memref<320x3242xf32, #tpu.memory_space<vmem>>, vector<320x88xf32>
    tpu.vector_store %arg9[%swap3A_213, %swap3A_214], %concatenate3A_212 {strides = array<i32>} : memref<320x3242xf32, #tpu.memory_space<vmem>>, vector<320x88xf32>,
    %slice3A_216 = vector.extract_strided_slice %max3A_16 {offsets = [0, 2520], sizes = [64, 88], strides = [1, 1]} : vector<64x3060xf32> to vector<64x88xf32>
    %slice3A_217 = vector.extract_strided_slice %get3A_22 {offsets = [0, 28, 0], sizes = [256, 1, 88], strides = [1, 1, 1]} : vector<256x32x88xf32> to vector<256x1x88xf32>
    %squeeze3A_218 = vector.shape_cast %slice3A_217 : vector<256x1x88xf32> to vector<256x88xf32>
    %concatenate3A_219 = tpu.concatenate %slice3A_216, %squeeze3A_218 in 0 : vector<64x88xf32>, vector<256x88xf32> -> vector<320x88xf32>
    %swap3A_220 = arith.constant 0 : index
    %swap3A_221 = arith.constant 2611 : index
    %swap3A_222 = vector.load %arg9[%swap3A_220, %swap3A_221] : memref<320x3242xf32, #tpu.memory_space<vmem>>, vector<320x88xf32>
    tpu.vector_store %arg9[%swap3A_220, %swap3A_221], %concatenate3A_219 {strides = array<i32>} : memref<320x3242xf32, #tpu.memory_space<vmem>>, vector<320x88xf32>,
    %slice3A_223 = vector.extract_strided_slice %max3A_16 {offsets = [0, 2610], sizes = [64, 88], strides = [1, 1]} : vector<64x3060xf32> to vector<64x88xf32>
    %slice3A_224 = vector.extract_strided_slice %get3A_22 {offsets = [0, 29, 0], sizes = [256, 1, 88], strides = [1, 1, 1]} : vector<256x32x88xf32> to vector<256x1x88xf32>
    %squeeze3A_225 = vector.shape_cast %slice3A_224 : vector<256x1x88xf32> to vector<256x88xf32>
    %concatenate3A_226 = tpu.concatenate %slice3A_223, %squeeze3A_225 in 0 : vector<64x88xf32>, vector<256x88xf32> -> vector<320x88xf32>
    %swap3A_227 = arith.constant 0 : index
    %swap3A_228 = arith.constant 2701 : index
    %swap3A_229 = vector.load %arg9[%swap3A_227, %swap3A_228] : memref<320x3242xf32, #tpu.memory_space<vmem>>, vector<320x88xf32>
    tpu.vector_store %arg9[%swap3A_227, %swap3A_228], %concatenate3A_226 {strides = array<i32>} : memref<320x3242xf32, #tpu.memory_space<vmem>>, vector<320x88xf32>,
    %slice3A_230 = vector.extract_strided_slice %max3A_16 {offsets = [0, 2700], sizes = [64, 88], strides = [1, 1]} : vector<64x3060xf32> to vector<64x88xf32>
    %slice3A_231 = vector.extract_strided_slice %get3A_22 {offsets = [0, 30, 0], sizes = [256, 1, 88], strides = [1, 1, 1]} : vector<256x32x88xf32> to vector<256x1x88xf32>
    %squeeze3A_232 = vector.shape_cast %slice3A_231 : vector<256x1x88xf32> to vector<256x88xf32>
    %concatenate3A_233 = tpu.concatenate %slice3A_230, %squeeze3A_232 in 0 : vector<64x88xf32>, vector<256x88xf32> -> vector<320x88xf32>
    %swap3A_234 = arith.constant 0 : index
    %swap3A_235 = arith.constant 2791 : index
    %swap3A_236 = vector.load %arg9[%swap3A_234, %swap3A_235] : memref<320x3242xf32, #tpu.memory_space<vmem>>, vector<320x88xf32>
    tpu.vector_store %arg9[%swap3A_234, %swap3A_235], %concatenate3A_233 {strides = array<i32>} : memref<320x3242xf32, #tpu.memory_space<vmem>>, vector<320x88xf32>,
    %slice3A_237 = vector.extract_strided_slice %max3A_16 {offsets = [0, 2790], sizes = [64, 88], strides = [1, 1]} : vector<64x3060xf32> to vector<64x88xf32>
    %slice3A_238 = vector.extract_strided_slice %get3A_22 {offsets = [0, 31, 0], sizes = [256, 1, 88], strides = [1, 1, 1]} : vector<256x32x88xf32> to vector<256x1x88xf32>
    %squeeze3A_239 = vector.shape_cast %slice3A_238 : vector<256x1x88xf32> to vector<256x88xf32>
    %concatenate3A_240 = tpu.concatenate %slice3A_237, %squeeze3A_239 in 0 : vector<64x88xf32>, vector<256x88xf32> -> vector<320x88xf32>
    %swap3A_241 = arith.constant 0 : index
    %swap3A_242 = arith.constant 2881 : index
    %swap3A_243 = vector.load %arg9[%swap3A_241, %swap3A_242] : memref<320x3242xf32, #tpu.memory_space<vmem>>, vector<320x88xf32>
    tpu.vector_store %arg9[%swap3A_241, %swap3A_242], %concatenate3A_240 {strides = array<i32>} : memref<320x3242xf32, #tpu.memory_space<vmem>>, vector<320x88xf32>,
    %get3A_244 = arith.constant 0 : index
    %get3A_245 = arith.constant 0 : index
    %get3A_246 = vector.load %arg9[%get3A_244, %get3A_245] : memref<320x3242xf32, #tpu.memory_space<vmem>>, vector<320x3060xf32>
    %get3A_247 = arith.constant 0 : index
    %get3A_248 = arith.constant 0 : index
    %get3A_249 = vector.load %arg5[%get3A_247, %get3A_248] : memref<256x2880xf32, #tpu.memory_space<vmem>>, vector<256x320xf32>
    %dot_general3A = arith.constant dense<0.000000e+00> : vector<256x3060xf32>
    %dot_general3A_250 = tpu.matmul %get3A_249, %get3A_246, %dot_general3A {dimension_numbers = #tpu.dot_dimension_numbers<[1], [0], [0], [1], [0, 0, 1, 1], [], []>, transpose_lhs_hint = false} : vector<256x320xf32>, vector<320x3060xf32>, vector<256x3060xf32> -> vector<256x3060xf32>
    %get3A_251 = arith.constant 0 : index
    %get3A_252 = arith.constant 1 : index
    %get3A_253 = vector.load %arg9[%get3A_251, %get3A_252] : memref<320x3242xf32, #tpu.memory_space<vmem>>, vector<320x3060xf32>
    %get3A_254 = arith.constant 0 : index
    %get3A_255 = arith.constant 320 : index
    %get3A_256 = vector.load %arg5[%get3A_254, %get3A_255] : memref<256x2880xf32, #tpu.memory_space<vmem>>, vector<256x320xf32>
    %dot_general3A_257 = arith.constant dense<0.000000e+00> : vector<256x3060xf32>
    %dot_general3A_258 = tpu.matmul %get3A_256, %get3A_253, %dot_general3A_257 {dimension_numbers = #tpu.dot_dimension_numbers<[1], [0], [0], [1], [0, 0, 1, 1], [], []>, transpose_lhs_hint = false} : vector<256x320xf32>, vector<320x3060xf32>, vector<256x3060xf32> -> vector<256x3060xf32>
    %add3A_259 = arith.addf %dot_general3A_250, %dot_general3A_258 : vector<256x3060xf32>
    %get3A_260 = arith.constant 0 : index
    %get3A_261 = arith.constant 2 : index
    %get3A_262 = vector.load %arg9[%get3A_260, %get3A_261] : memref<320x3242xf32, #tpu.memory_space<vmem>>, vector<320x3060xf32>
    %get3A_263 = arith.constant 0 : index
    %get3A_264 = arith.constant 640 : index
    %get3A_265 = vector.load %arg5[%get3A_263, %get3A_264] : memref<256x2880xf32, #tpu.memory_space<vmem>>, vector<256x320xf32>
    %dot_general3A_266 = arith.constant dense<0.000000e+00> : vector<256x3060xf32>
    %dot_general3A_267 = tpu.matmul %get3A_265, %get3A_262, %dot_general3A_266 {dimension_numbers = #tpu.dot_dimension_numbers<[1], [0], [0], [1], [0, 0, 1, 1], [], []>, transpose_lhs_hint = false} : vector<256x320xf32>, vector<320x3060xf32>, vector<256x3060xf32> -> vector<256x3060xf32>
    %add3A_268 = arith.addf %add3A_259, %dot_general3A_267 : vector<256x3060xf32>
    %get3A_269 = arith.constant 0 : index
    %get3A_270 = arith.constant 90 : index
    %get3A_271 = vector.load %arg9[%get3A_269, %get3A_270] : memref<320x3242xf32, #tpu.memory_space<vmem>>, vector<320x3060xf32>
    %get3A_272 = arith.constant 0 : index
    %get3A_273 = arith.constant 960 : index
    %get3A_274 = vector.load %arg5[%get3A_272, %get3A_273] : memref<256x2880xf32, #tpu.memory_space<vmem>>, vector<256x320xf32>
    %dot_general3A_275 = arith.constant dense<0.000000e+00> : vector<256x3060xf32>
    %dot_general3A_276 = tpu.matmul %get3A_274, %get3A_271, %dot_general3A_275 {dimension_numbers = #tpu.dot_dimension_numbers<[1], [0], [0], [1], [0, 0, 1, 1], [], []>, transpose_lhs_hint = false} : vector<256x320xf32>, vector<320x3060xf32>, vector<256x3060xf32> -> vector<256x3060xf32>
    %add3A_277 = arith.addf %add3A_268, %dot_general3A_276 : vector<256x3060xf32>
    %get3A_278 = arith.constant 0 : index
    %get3A_279 = arith.constant 91 : index
    %get3A_280 = vector.load %arg9[%get3A_278, %get3A_279] : memref<320x3242xf32, #tpu.memory_space<vmem>>, vector<320x3060xf32>
    %get3A_281 = arith.constant 0 : index
    %get3A_282 = arith.constant 1280 : index
    %get3A_283 = vector.load %arg5[%get3A_281, %get3A_282] : memref<256x2880xf32, #tpu.memory_space<vmem>>, vector<256x320xf32>
    %dot_general3A_284 = arith.constant dense<0.000000e+00> : vector<256x3060xf32>
    %dot_general3A_285 = tpu.matmul %get3A_283, %get3A_280, %dot_general3A_284 {dimension_numbers = #tpu.dot_dimension_numbers<[1], [0], [0], [1], [0, 0, 1, 1], [], []>, transpose_lhs_hint = false} : vector<256x320xf32>, vector<320x3060xf32>, vector<256x3060xf32> -> vector<256x3060xf32>
    %add3A_286 = arith.addf %add3A_277, %dot_general3A_285 : vector<256x3060xf32>
    %get3A_287 = arith.constant 0 : index
    %get3A_288 = arith.constant 92 : index
    %get3A_289 = vector.load %arg9[%get3A_287, %get3A_288] : memref<320x3242xf32, #tpu.memory_space<vmem>>, vector<320x3060xf32>
    %get3A_290 = arith.constant 0 : index
    %get3A_291 = arith.constant 1600 : index
    %get3A_292 = vector.load %arg5[%get3A_290, %get3A_291] : memref<256x2880xf32, #tpu.memory_space<vmem>>, vector<256x320xf32>
    %dot_general3A_293 = arith.constant dense<0.000000e+00> : vector<256x3060xf32>
    %dot_general3A_294 = tpu.matmul %get3A_292, %get3A_289, %dot_general3A_293 {dimension_numbers = #tpu.dot_dimension_numbers<[1], [0], [0], [1], [0, 0, 1, 1], [], []>, transpose_lhs_hint = false} : vector<256x320xf32>, vector<320x3060xf32>, vector<256x3060xf32> -> vector<256x3060xf32>
    %add3A_295 = arith.addf %add3A_286, %dot_general3A_294 : vector<256x3060xf32>
    %get3A_296 = arith.constant 0 : index
    %get3A_297 = arith.constant 180 : index
    %get3A_298 = vector.load %arg9[%get3A_296, %get3A_297] : memref<320x3242xf32, #tpu.memory_space<vmem>>, vector<320x3060xf32>
    %get3A_299 = arith.constant 0 : index
    %get3A_300 = arith.constant 1920 : index
    %get3A_301 = vector.load %arg5[%get3A_299, %get3A_300] : memref<256x2880xf32, #tpu.memory_space<vmem>>, vector<256x320xf32>
    %dot_general3A_302 = arith.constant dense<0.000000e+00> : vector<256x3060xf32>
    %dot_general3A_303 = tpu.matmul %get3A_301, %get3A_298, %dot_general3A_302 {dimension_numbers = #tpu.dot_dimension_numbers<[1], [0], [0], [1], [0, 0, 1, 1], [], []>, transpose_lhs_hint = false} : vector<256x320xf32>, vector<320x3060xf32>, vector<256x3060xf32> -> vector<256x3060xf32>
    %add3A_304 = arith.addf %add3A_295, %dot_general3A_303 : vector<256x3060xf32>
    %get3A_305 = arith.constant 0 : index
    %get3A_306 = arith.constant 181 : index
    %get3A_307 = vector.load %arg9[%get3A_305, %get3A_306] : memref<320x3242xf32, #tpu.memory_space<vmem>>, vector<320x3060xf32>
    %get3A_308 = arith.constant 0 : index
    %get3A_309 = arith.constant 2240 : index
    %get3A_310 = vector.load %arg5[%get3A_308, %get3A_309] : memref<256x2880xf32, #tpu.memory_space<vmem>>, vector<256x320xf32>
    %dot_general3A_311 = arith.constant dense<0.000000e+00> : vector<256x3060xf32>
    %dot_general3A_312 = tpu.matmul %get3A_310, %get3A_307, %dot_general3A_311 {dimension_numbers = #tpu.dot_dimension_numbers<[1], [0], [0], [1], [0, 0, 1, 1], [], []>, transpose_lhs_hint = false} : vector<256x320xf32>, vector<320x3060xf32>, vector<256x3060xf32> -> vector<256x3060xf32>
    %add3A_313 = arith.addf %add3A_304, %dot_general3A_312 : vector<256x3060xf32>
    %get3A_314 = arith.constant 0 : index
    %get3A_315 = arith.constant 182 : index
    %get3A_316 = vector.load %arg9[%get3A_314, %get3A_315] : memref<320x3242xf32, #tpu.memory_space<vmem>>, vector<320x3060xf32>
    %get3A_317 = arith.constant 0 : index
    %get3A_318 = arith.constant 2560 : index
    %get3A_319 = vector.load %arg5[%get3A_317, %get3A_318] : memref<256x2880xf32, #tpu.memory_space<vmem>>, vector<256x320xf32>
    %dot_general3A_320 = arith.constant dense<0.000000e+00> : vector<256x3060xf32>
    %dot_general3A_321 = tpu.matmul %get3A_319, %get3A_316, %dot_general3A_320 {dimension_numbers = #tpu.dot_dimension_numbers<[1], [0], [0], [1], [0, 0, 1, 1], [], []>, transpose_lhs_hint = false} : vector<256x320xf32>, vector<320x3060xf32>, vector<256x3060xf32> -> vector<256x3060xf32>
    %add3A_322 = arith.addf %add3A_313, %dot_general3A_321 : vector<256x3060xf32>
    %get3A_323 = arith.constant 0 : index
    %get3A_324 = arith.constant 0 : index
    %get3A_325 = vector.load %arg6[%get3A_323, %get3A_324] : memref<256x1xf32, #tpu.memory_space<vmem>>, vector<256x1xf32>
    %add3A_326 = vector.broadcast %get3A_325 : vector<256x1xf32> to vector<256x3060xf32>
    %add3A_327 = arith.addf %add3A_322, %add3A_326 : vector<256x3060xf32>
    %iota3A = tpu.iota {dimensions = array<i32: 1>} : vector<1x3060xi32>
    %jit3A = arith.constant 90 : i32
    %eq3A = arith.constant 0 : i32
    %eq3A_328 = arith.cmpi eq, %jit3A, %eq3A : i32
    %jit3A_329 = arith.constant 1 : i32
    %select_n3A = arith.select %eq3A_328, %jit3A_329, %jit3A : i32
    %rem3A = vector.broadcast %select_n3A : i32 to vector<1x3060xi32>
    %rem3A_330 = arith.remsi %iota3A, %rem3A : vector<1x3060xi32>
    %ne3A = arith.constant 0 : i32
    %ne3A_331 = vector.broadcast %ne3A : i32 to vector<1x3060xi32>
    %ne3A_332 = arith.cmpi ne, %rem3A_330, %ne3A_331 : vector<1x3060xi32>
    %lt3A = arith.constant 0 : i32
    %lt3A_333 = vector.broadcast %lt3A : i32 to vector<1x3060xi32>
    %lt3A_334 = arith.cmpi slt, %rem3A_330, %lt3A_333 : vector<1x3060xi32>
    %lt3A_335 = arith.constant 0 : i32
    %lt3A_336 = arith.cmpi slt, %select_n3A, %lt3A_335 : i32
    %ne3A_337 = vector.broadcast %lt3A_336 : i1 to vector<1x3060xi1>
    %ne3A_338 = vector.broadcast %ne3A_337 : vector<1x3060xi1> to vector<1x3060xi1>
    %ne3A_339 = arith.xori %lt3A_334, %ne3A_338 : vector<1x3060xi1>
    %and3A = arith.andi %ne3A_339, %ne3A_332 : vector<1x3060xi1>
    %add3A_340 = vector.broadcast %select_n3A : i32 to vector<1x3060xi32>
    %add3A_341 = arith.addi %rem3A_330, %add3A_340 : vector<1x3060xi32>
    %select_n3A_342 = arith.select %and3A, %add3A_341, %rem3A_330 : vector<1x3060xi1>, vector<1x3060xi32>
    %lt3A_343 = arith.constant 88 : i32
    %lt3A_344 = vector.broadcast %lt3A_343 : i32 to vector<1x3060xi32>
    %lt3A_345 = arith.cmpi slt, %select_n3A_342, %lt3A_344 : vector<1x3060xi32>
    %lt3A_346 = arith.constant 2880 : i32
    %lt3A_347 = vector.broadcast %lt3A_346 : i32 to vector<1x3060xi32>
    %lt3A_348 = arith.cmpi slt, %iota3A, %lt3A_347 : vector<1x3060xi32>
    %and3A_349 = arith.andi %lt3A_345, %lt3A_348 : vector<1x3060xi1>
    %convert_element_type3A = arith.extui %and3A_349 : vector<1x3060xi1> to vector<1x3060xi32>
    %convert_element_type3A_350 = arith.sitofp %convert_element_type3A : vector<1x3060xi32> to vector<1x3060xf32>
    %mul3A_351 = vector.broadcast %convert_element_type3A_350 : vector<1x3060xf32> to vector<256x3060xf32>
    %mul3A_352 = arith.mulf %add3A_327, %mul3A_351 : vector<256x3060xf32>
    %reduce_sum3A = arith.constant dense<0.000000e+00> : vector<256xf32>
    %reduce_sum3A_353 = vector.multi_reduction <add>, %mul3A_352, %reduce_sum3A [1] : vector<256x3060xf32> to vector<256xf32>
    %broadcast_in_dim3A_354 = vector.shape_cast %reduce_sum3A_353 : vector<256xf32> to vector<256x1xf32>
    %mul3A_355 = arith.mulf %mul3A_352, %mul3A_352 : vector<256x3060xf32>
    %reduce_sum3A_356 = arith.constant dense<0.000000e+00> : vector<256xf32>
    %reduce_sum3A_357 = vector.multi_reduction <add>, %mul3A_355, %reduce_sum3A_356 [1] : vector<256x3060xf32> to vector<256xf32>
    %broadcast_in_dim3A_358 = vector.shape_cast %reduce_sum3A_357 : vector<256xf32> to vector<256x1xf32>
    %concatenate3A_359 = tpu.concatenate %broadcast_in_dim3A_354, %broadcast_in_dim3A_358 in 1 : vector<256x1xf32>, vector<256x1xf32> -> vector<256x2xf32>
    %swap3A_360 = arith.constant 0 : index
    %swap3A_361 = arith.constant 0 : index
    %swap3A_362 = arith.constant 0 : index
    %swap3A_363 = vector.load %arg8[%swap3A_360, %swap3A_361, %swap3A_362] : memref<1x256x2xf32, #tpu.memory_space<vmem>>, vector<1x256x2xf32>
    %swap3A_364 = vector.shape_cast %swap3A_363 : vector<1x256x2xf32> to vector<256x2xf32>
    %swap3A_365 = vector.shape_cast %concatenate3A_359 : vector<256x2xf32> to vector<1x256x2xf32>
    tpu.vector_store %arg8[%swap3A_360, %swap3A_361, %swap3A_362], %swap3A_365 {strides = array<i32>} : memref<1x256x2xf32, #tpu.memory_space<vmem>>, vector<1x256x2xf32>,
    %transpose3A = tpu.transpose %mul3A_352, [1, 0] : vector<256x3060xf32> -> vector<3060x256xf32>
    %swap3A_366 = arith.constant 0 : index
    %swap3A_367 = arith.constant 0 : index
    %swap3A_368 = arith.constant 0 : index
    %swap3A_369 = vector.load %arg7[%swap3A_366, %swap3A_367, %swap3A_368] : memref<1x3060x256xf32, #tpu.memory_space<vmem>>, vector<1x3060x256xf32>
    %swap3A_370 = vector.shape_cast %swap3A_369 : vector<1x3060x256xf32> to vector<3060x256xf32>
    %swap3A_371 = vector.shape_cast %transpose3A : vector<3060x256xf32> to vector<1x3060x256xf32>
    tpu.vector_store %arg7[%swap3A_366, %swap3A_367, %swap3A_368], %swap3A_371 {strides = array<i32>} : memref<1x3060x256xf32, #tpu.memory_space<vmem>>, vector<1x3060x256xf32>,
    return
  }
  func.func @transform_0(%arg0: i32) -> (i32, i32, i32) {
    %c0_i32 = arith.constant 0 : i32
    %c0_i32_0 = arith.constant 0 : i32
    %c0_i32_1 = arith.constant 0 : i32
    return %arg0, %c0_i32, %c0_i32_0 : i32, i32, i32
  }
  func.func @transform_1(%arg0: i32) -> (i32, i32, i32, i32) {
    %c0_i32 = arith.constant 0 : i32
    %c0_i32_0 = arith.constant 0 : i32
    %c0_i32_1 = arith.constant 0 : i32
    %c0_i32_2 = arith.constant 0 : i32
    return %arg0, %c0_i32, %c0_i32_0, %c0_i32_1 : i32, i32, i32, i32
  }
  func.func @transform_2(%arg0: i32) -> (i32, i32) {
    %c0_i32 = arith.constant 0 : i32
    %c0_i32_0 = arith.constant 0 : i32
    %c0_i32_1 = arith.constant 0 : i32
    return %c0_i32, %c0_i32_0 : i32, i32
  }
  func.func @transform_3(%arg0: i32) -> (i32, i32) {
    %c0_i32 = arith.constant 0 : i32
    %c0_i32_0 = arith.constant 0 : i32
    %c0_i32_1 = arith.constant 0 : i32
    return %c0_i32, %c0_i32_0 : i32, i32
  }
  func.func @transform_4(%arg0: i32) -> (i32, i32) {
    %c0_i32 = arith.constant 0 : i32
    %c0_i32_0 = arith.constant 0 : i32
    %c0_i32_1 = arith.constant 0 : i32
    return %c0_i32, %c0_i32_0 : i32, i32
  }
  func.func @transform_5(%arg0: i32) -> (i32, i32) {
    %c0_i32 = arith.constant 0 : i32
    %c0_i32_0 = arith.constant 0 : i32
    %c0_i32_1 = arith.constant 0 : i32
    return %c0_i32, %c0_i32_0 : i32, i32
  }
  func.func @transform_6(%arg0: i32) -> (i32, i32, i32) {
    %c0_i32 = arith.constant 0 : i32
    %c0_i32_0 = arith.constant 0 : i32
    %c0_i32_1 = arith.constant 0 : i32
    return %arg0, %c0_i32, %c0_i32_0 : i32, i32, i32
  }
  func.func @transform_7(%arg0: i32) -> (i32, i32, i32) {
    %c0_i32 = arith.constant 0 : i32
    %c0_i32_0 = arith.constant 0 : i32
    %c0_i32_1 = arith.constant 0 : i32
    return %arg0, %c0_i32, %c0_i32_0 : i32, i32, i32
  }
}

module attributes {stable_mosaic.version = 14 : i64} {
  func.func @_k8a_final(%arg0: i32, %arg1: memref<2048x256xf32, #tpu.memory_space<vmem>>, %arg2: memref<80x256xf32, #tpu.memory_space<vmem>>, %arg3: memref<1x1x2048xf32, #tpu.memory_space<vmem>>, %arg4: memref<80x1xf32, #tpu.memory_space<vmem>>, %arg5: memref<80x1xf32, #tpu.memory_space<vmem>>, %arg6: memref<80x2048xf32, #tpu.memory_space<vmem>>, %arg7: memref<1x80x2xf32, #tpu.memory_space<vmem>>) attributes {dimension_semantics = [#tpu.dimension_semantics<arbitrary>], iteration_bounds = array<i64: 20>, scalar_prefetch = 0 : i64, scratch_operands = 0 : i64, tpu.core_type = #tpu.core_type<tc>, window_params = [{transform_indices = @transform_0, window_bounds = array<i64: 2048, 256>}, {pipeline_mode = #tpu.pipeline_mode<synchronous>, transform_indices = @transform_1, window_bounds = array<i64: 80, 256>}, {transform_indices = @transform_2, window_bounds = array<i64: 1, 1, 2048>}, {pipeline_mode = #tpu.pipeline_mode<synchronous>, transform_indices = @transform_3, window_bounds = array<i64: 80, 1>}, {pipeline_mode = #tpu.pipeline_mode<synchronous>, transform_indices = @transform_4, window_bounds = array<i64: 80, 1>}, {transform_indices = @transform_5, window_bounds = array<i64: 80, 2048>}, {transform_indices = @transform_6, window_bounds = array<i64: 1, 80, 2>}]} {
    %get3A = arith.constant 0 : index
    %get3A_0 = arith.constant 0 : index
    %get3A_1 = vector.load %arg2[%get3A, %get3A_0] : memref<80x256xf32, #tpu.memory_space<vmem>>, vector<80x256xf32>
    %get3A_2 = arith.constant 0 : index
    %get3A_3 = arith.constant 0 : index
    %get3A_4 = vector.load %arg1[%get3A_2, %get3A_3] : memref<2048x256xf32, #tpu.memory_space<vmem>>, vector<2048x256xf32>
    %dot_general3A = arith.constant dense<0.000000e+00> : vector<80x2048xf32>
    %dot_general3A_5 = tpu.matmul %get3A_1, %get3A_4, %dot_general3A {dimension_numbers = #tpu.dot_dimension_numbers<[1], [1], [0], [0], [0, 0, 1, 0], [], []>, transpose_lhs_hint = false} : vector<80x256xf32>, vector<2048x256xf32>, vector<80x2048xf32> -> vector<80x2048xf32>
    %get3A_6 = arith.constant 0 : index
    %get3A_7 = arith.constant 0 : index
    %get3A_8 = vector.load %arg4[%get3A_6, %get3A_7] : memref<80x1xf32, #tpu.memory_space<vmem>>, vector<80x1xf32>
    %get3A_9 = arith.constant 0 : index
    %get3A_10 = arith.constant 0 : index
    %get3A_11 = arith.constant 0 : index
    %get3A_12 = vector.load %arg3[%get3A_9, %get3A_10, %get3A_11] : memref<1x1x2048xf32, #tpu.memory_space<vmem>>, vector<1x1x2048xf32>
    %get3A_13 = vector.shape_cast %get3A_12 : vector<1x1x2048xf32> to vector<1x2048xf32>
    %mul3A = vector.broadcast %get3A_8 : vector<80x1xf32> to vector<80x2048xf32>
    %mul3A_14 = vector.broadcast %get3A_13 : vector<1x2048xf32> to vector<80x2048xf32>
    %mul3A_15 = arith.mulf %mul3A, %mul3A_14 : vector<80x2048xf32>
    %add3A = arith.addf %dot_general3A_5, %mul3A_15 : vector<80x2048xf32>
    %get3A_16 = arith.constant 0 : index
    %get3A_17 = arith.constant 0 : index
    %get3A_18 = vector.load %arg5[%get3A_16, %get3A_17] : memref<80x1xf32, #tpu.memory_space<vmem>>, vector<80x1xf32>
    %add3A_19 = vector.broadcast %get3A_18 : vector<80x1xf32> to vector<80x2048xf32>
    %add3A_20 = arith.addf %add3A, %add3A_19 : vector<80x2048xf32>
    %iota3A = tpu.iota {dimensions = array<i32: 1>} : vector<1x2048xi32>
    %mul3A_21 = arith.constant 2048 : i32
    %mul3A_22 = arith.muli %arg0, %mul3A_21 : i32
    %add3A_23 = vector.broadcast %mul3A_22 : i32 to vector<1x2048xi32>
    %add3A_24 = arith.addi %iota3A, %add3A_23 : vector<1x2048xi32>
    %lt3A = arith.constant 40000 : i32
    %lt3A_25 = vector.broadcast %lt3A : i32 to vector<1x2048xi32>
    %lt3A_26 = arith.cmpi slt, %add3A_24, %lt3A_25 : vector<1x2048xi32>
    %convert_element_type3A = arith.extui %lt3A_26 : vector<1x2048xi1> to vector<1x2048xi32>
    %convert_element_type3A_27 = arith.sitofp %convert_element_type3A : vector<1x2048xi32> to vector<1x2048xf32>
    %mul3A_28 = vector.broadcast %convert_element_type3A_27 : vector<1x2048xf32> to vector<80x2048xf32>
    %mul3A_29 = arith.mulf %add3A_20, %mul3A_28 : vector<80x2048xf32>
    %swap3A = arith.constant 0 : index
    %swap3A_30 = arith.constant 0 : index
    %swap3A_31 = vector.load %arg6[%swap3A, %swap3A_30] : memref<80x2048xf32, #tpu.memory_space<vmem>>, vector<80x2048xf32>
    tpu.vector_store %arg6[%swap3A, %swap3A_30], %mul3A_29 {strides = array<i32>} : memref<80x2048xf32, #tpu.memory_space<vmem>>, vector<80x2048xf32>,
    %reduce_sum3A = arith.constant dense<0.000000e+00> : vector<80xf32>
    %reduce_sum3A_32 = vector.multi_reduction <add>, %mul3A_29, %reduce_sum3A [1] : vector<80x2048xf32> to vector<80xf32>
    %broadcast_in_dim3A = vector.shape_cast %reduce_sum3A_32 : vector<80xf32> to vector<80x1xf32>
    %mul3A_33 = arith.mulf %mul3A_29, %mul3A_29 : vector<80x2048xf32>
    %reduce_sum3A_34 = arith.constant dense<0.000000e+00> : vector<80xf32>
    %reduce_sum3A_35 = vector.multi_reduction <add>, %mul3A_33, %reduce_sum3A_34 [1] : vector<80x2048xf32> to vector<80xf32>
    %broadcast_in_dim3A_36 = vector.shape_cast %reduce_sum3A_35 : vector<80xf32> to vector<80x1xf32>
    %concatenate3A = tpu.concatenate %broadcast_in_dim3A, %broadcast_in_dim3A_36 in 1 : vector<80x1xf32>, vector<80x1xf32> -> vector<80x2xf32>
    %swap3A_37 = arith.constant 0 : index
    %swap3A_38 = arith.constant 0 : index
    %swap3A_39 = arith.constant 0 : index
    %swap3A_40 = vector.load %arg7[%swap3A_37, %swap3A_38, %swap3A_39] : memref<1x80x2xf32, #tpu.memory_space<vmem>>, vector<1x80x2xf32>
    %swap3A_41 = vector.shape_cast %swap3A_40 : vector<1x80x2xf32> to vector<80x2xf32>
    %swap3A_42 = vector.shape_cast %concatenate3A : vector<80x2xf32> to vector<1x80x2xf32>
    tpu.vector_store %arg7[%swap3A_37, %swap3A_38, %swap3A_39], %swap3A_42 {strides = array<i32>} : memref<1x80x2xf32, #tpu.memory_space<vmem>>, vector<1x80x2xf32>,
    return
  }
  func.func @transform_0(%arg0: i32) -> (i32, i32) {
    %c0_i32 = arith.constant 0 : i32
    %c0_i32_0 = arith.constant 0 : i32
    return %arg0, %c0_i32 : i32, i32
  }
  func.func @transform_1(%arg0: i32) -> (i32, i32) {
    %c0_i32 = arith.constant 0 : i32
    %c0_i32_0 = arith.constant 0 : i32
    %c0_i32_1 = arith.constant 0 : i32
    return %c0_i32, %c0_i32_0 : i32, i32
  }
  func.func @transform_2(%arg0: i32) -> (i32, i32, i32) {
    %c0_i32 = arith.constant 0 : i32
    %c0_i32_0 = arith.constant 0 : i32
    %c0_i32_1 = arith.constant 0 : i32
    return %arg0, %c0_i32, %c0_i32_0 : i32, i32, i32
  }
  func.func @transform_3(%arg0: i32) -> (i32, i32) {
    %c0_i32 = arith.constant 0 : i32
    %c0_i32_0 = arith.constant 0 : i32
    %c0_i32_1 = arith.constant 0 : i32
    return %c0_i32, %c0_i32_0 : i32, i32
  }
  func.func @transform_4(%arg0: i32) -> (i32, i32) {
    %c0_i32 = arith.constant 0 : i32
    %c0_i32_0 = arith.constant 0 : i32
    %c0_i32_1 = arith.constant 0 : i32
    return %c0_i32, %c0_i32_0 : i32, i32
  }
  func.func @transform_5(%arg0: i32) -> (i32, i32) {
    %c0_i32 = arith.constant 0 : i32
    %c0_i32_0 = arith.constant 0 : i32
    return %c0_i32, %arg0 : i32, i32
  }
  func.func @transform_6(%arg0: i32) -> (i32, i32, i32) {
    %c0_i32 = arith.constant 0 : i32
    %c0_i32_0 = arith.constant 0 : i32
    %c0_i32_1 = arith.constant 0 : i32
    return %arg0, %c0_i32, %c0_i32_0 : i32, i32, i32
  }
}

module attributes {stable_mosaic.version = 14 : i64} {
  func.func @_k8b_mask(%arg0: i32, %arg1: memref<80x2048xf32, #tpu.memory_space<vmem>>, %arg2: memref<80x1xf32, #tpu.memory_space<vmem>>, %arg3: memref<80x1xf32, #tpu.memory_space<vmem>>, %arg4: memref<1x80xf32, #tpu.memory_space<vmem>>, %arg5: memref<1x1xf32, #tpu.memory_space<vmem>>, %arg6: memref<80x2048xf32, #tpu.memory_space<vmem>>) attributes {dimension_semantics = [#tpu.dimension_semantics<arbitrary>], iteration_bounds = array<i64: 20>, scalar_prefetch = 0 : i64, scratch_operands = 0 : i64, tpu.core_type = #tpu.core_type<tc>, window_params = [{transform_indices = @transform_0, window_bounds = array<i64: 80, 2048>}, {pipeline_mode = #tpu.pipeline_mode<synchronous>, transform_indices = @transform_1, window_bounds = array<i64: 80, 1>}, {pipeline_mode = #tpu.pipeline_mode<synchronous>, transform_indices = @transform_2, window_bounds = array<i64: 80, 1>}, {pipeline_mode = #tpu.pipeline_mode<synchronous>, transform_indices = @transform_3, window_bounds = array<i64: 1, 80>}, {pipeline_mode = #tpu.pipeline_mode<synchronous>, transform_indices = @transform_4, window_bounds = array<i64: 1, 1>}, {transform_indices = @transform_5, window_bounds = array<i64: 80, 2048>}]} {
    %get3A = arith.constant 0 : index
    %get3A_0 = arith.constant 0 : index
    %get3A_1 = vector.load %arg1[%get3A, %get3A_0] : memref<80x2048xf32, #tpu.memory_space<vmem>>, vector<80x2048xf32>
    %get3A_2 = arith.constant 0 : index
    %get3A_3 = arith.constant 0 : index
    %get3A_4 = vector.load %arg2[%get3A_2, %get3A_3] : memref<80x1xf32, #tpu.memory_space<vmem>>, vector<80x1xf32>
    %mul3A = vector.broadcast %get3A_4 : vector<80x1xf32> to vector<80x2048xf32>
    %mul3A_5 = arith.mulf %get3A_1, %mul3A : vector<80x2048xf32>
    %get3A_6 = arith.constant 0 : index
    %get3A_7 = arith.constant 0 : index
    %get3A_8 = vector.load %arg3[%get3A_6, %get3A_7] : memref<80x1xf32, #tpu.memory_space<vmem>>, vector<80x1xf32>
    %add3A = vector.broadcast %get3A_8 : vector<80x1xf32> to vector<80x2048xf32>
    %add3A_9 = arith.addf %mul3A_5, %add3A : vector<80x2048xf32>
    %max3A = arith.constant 0.000000e+00 : f32
    %max3A_10 = vector.broadcast %max3A : f32 to vector<80x2048xf32>
    %max3A_11 = arith.maximumf %add3A_9, %max3A_10 : vector<80x2048xf32>
    %get3A_12 = arith.constant 0 : index
    %get3A_13 = arith.constant 0 : index
    %get3A_14 = vector.load %arg4[%get3A_12, %get3A_13] : memref<1x80xf32, #tpu.memory_space<vmem>>, vector<1x80xf32>
    %dot_general3A = arith.constant dense<0.000000e+00> : vector<1x2048xf32>
    %dot_general3A_15 = tpu.matmul %get3A_14, %max3A_11, %dot_general3A {dimension_numbers = #tpu.dot_dimension_numbers<[1], [0], [0], [1], [0, 0, 1, 1], [], []>, transpose_lhs_hint = false} : vector<1x80xf32>, vector<80x2048xf32>, vector<1x2048xf32> -> vector<1x2048xf32>
    %get3A_16 = arith.constant 0 : index
    %get3A_17 = arith.constant 0 : index
    %get3A_18 = vector.load %arg5[%get3A_16, %get3A_17] : memref<1x1xf32, #tpu.memory_space<vmem>>, vector<1x1xf32>
    %add3A_19 = vector.broadcast %get3A_18 : vector<1x1xf32> to vector<1x2048xf32>
    %add3A_20 = arith.addf %dot_general3A_15, %add3A_19 : vector<1x2048xf32>
    %logistic3A = arith.negf %add3A_20 : vector<1x2048xf32>
    %logistic3A_21 = math.exp %logistic3A : vector<1x2048xf32>
    %logistic3A_22 = arith.constant 1.000000e+00 : f32
    %logistic3A_23 = vector.broadcast %logistic3A_22 : f32 to vector<1x2048xf32>
    %logistic3A_24 = arith.addf %logistic3A_23, %logistic3A_21 : vector<1x2048xf32>
    %logistic3A_25 = arith.divf %logistic3A_23, %logistic3A_24 : vector<1x2048xf32>
    %mul3A_26 = vector.broadcast %logistic3A_25 : vector<1x2048xf32> to vector<80x2048xf32>
    %mul3A_27 = arith.mulf %max3A_11, %mul3A_26 : vector<80x2048xf32>
    %swap3A = arith.constant 0 : index
    %swap3A_28 = arith.constant 0 : index
    %swap3A_29 = vector.load %arg6[%swap3A, %swap3A_28] : memref<80x2048xf32, #tpu.memory_space<vmem>>, vector<80x2048xf32>
    tpu.vector_store %arg6[%swap3A, %swap3A_28], %mul3A_27 {strides = array<i32>} : memref<80x2048xf32, #tpu.memory_space<vmem>>, vector<80x2048xf32>,
    return
  }
  func.func @transform_0(%arg0: i32) -> (i32, i32) {
    %c0_i32 = arith.constant 0 : i32
    %c0_i32_0 = arith.constant 0 : i32
    return %c0_i32, %arg0 : i32, i32
  }
  func.func @transform_1(%arg0: i32) -> (i32, i32) {
    %c0_i32 = arith.constant 0 : i32
    %c0_i32_0 = arith.constant 0 : i32
    %c0_i32_1 = arith.constant 0 : i32
    return %c0_i32, %c0_i32_0 : i32, i32
  }
  func.func @transform_2(%arg0: i32) -> (i32, i32) {
    %c0_i32 = arith.constant 0 : i32
    %c0_i32_0 = arith.constant 0 : i32
    %c0_i32_1 = arith.constant 0 : i32
    return %c0_i32, %c0_i32_0 : i32, i32
  }
  func.func @transform_3(%arg0: i32) -> (i32, i32) {
    %c0_i32 = arith.constant 0 : i32
    %c0_i32_0 = arith.constant 0 : i32
    %c0_i32_1 = arith.constant 0 : i32
    return %c0_i32, %c0_i32_0 : i32, i32
  }
  func.func @transform_4(%arg0: i32) -> (i32, i32) {
    %c0_i32 = arith.constant 0 : i32
    %c0_i32_0 = arith.constant 0 : i32
    %c0_i32_1 = arith.constant 0 : i32
    return %c0_i32, %c0_i32_0 : i32, i32
  }
  func.func @transform_5(%arg0: i32) -> (i32, i32) {
    %c0_i32 = arith.constant 0 : i32
    %c0_i32_0 = arith.constant 0 : i32
    return %c0_i32, %arg0 : i32, i32
  }
}

</mosaic_0001>

<sc_bundles>
// kernel: kernel.10.cloned.1.call-start
scs
__scs_entry_jumppad:
0x0: {  	(pc) =	sbr.rel $0x88, $3  }
0x1: {  	(tag) =	ssettag $0x0;
	lr =	simm.s32 $0x1  }
0x2: {  	[smem:$0x3F8A] =	sst lr;
	_ =	strace $0xD0000000  }
0x3: {  	_ = 	snop  }
0x4: {  	_ = 	snop  }
0x5: {  	_ = 	snop  }
0x6: {  	_ = 	snop  }
0x7: {  	_ = 	snop  }
__scs_overlays_trampoline_lowered:
0x8: {  	[smem:$0x3F99] =	sst s0  }
0x9: {  	[smem:$0x3F9A] =	sst s1  }
0xa: {  	[smem:$0x3F9B] =	sst s2  }
0xb: {  	[smem:$0x3F9C] =	sst s3  }
0xc: {  	[smem:$0x3F9D] =	sst s4  }
0xd: {  	[smem:$0x3F9E] =	sst s5  }
0xe: {  	[smem:$0x3F9F] =	sst s6  }
0xf: {  	[smem:$0x3FA0] =	sst s7  }
0x10: {  	[smem:$0x3FA1] =	sst s8  }
0x11: {  	[smem:$0x3FA2] =	sst s9;
	s0 =	simm.s32 @!p0 $0x0  }
0x12: {  	s1 =	sld [smem:$0x3F88];
	s0 =	simm.s32 @p0 $0x1  }
0x13: {  	[smem:$0x3FA3] =	sst s0;
	s0 =	simm.s32 @!p1 $0x0  }
0x14: {  	s2 =	sld [smem:$0x3F87];
	s0 =	simm.s32 @p1 $0x1  }
0x15: {  	[smem:$0x3FA4] =	sst s0;
	s0 =	simm.s32 @!p2 $0x0  }
0x16: {  	s3 =	sld [smem:$0x3FDB];
	s0 =	simm.s32 @p2 $0x1  }
0x17: {  	s4 =	simm.s32 $0x1BF5;
	[smem:$0x3FA6] =	sst s0  }
0x18: {  	s0 =	sld [smem:$0x3F89];
	_ =	swait.ge [sflag:s4], $0x0  }
0x19: {  	s7 =	sld [smem:$0x3F8A]  }
0x1a: {  	s8 =	sadd.s32 $0xFFFFE003, lr  }
0x1b: {  	s9 =	sadd.s32 $0xFFFFFEF7, lr;
	s5 =	simm.s32 $0xFFFFFFFF;
	p2 =	slt.u32 s8, $0xFFFFF086  }
0x1c: {  	p1 =	slt.u32 s9, $0xF7A;
	s5 =	simm.s32 @!p2 $0x0  }
0x1d: {  	s5 =	simm.s32 @p1 $0x1;
	p0 =	seq.s32 s7, s2  }
0x1e: {  	s7 =	smul.u32 @!p0 $0xF7A, s2;
	p2 =	seq.s32 @!p0 s5, $0x0  }
0x1f: {  	s9 =	smul.u32 $0xF7A, s1;
	s8 =	simm.s32 @!p0 $0x1BF5;
	p2 =	por !p2, p0  }
0x20: {  	[sflag:s8] =	ssyncset.s32 @!p0 $0xFFFFF086;
	s6 =	sadd.s32 @!p0 s3, s7;
	s7 =	simm.s32 @!p0 $0x108  }
0x21: {  	s3 =	sadd.s32 s3, s9;
	s6 =	sadd.s32 @!p0 $0x88, s6;
	s7 =	simm.s32 @p2 $0x1082  }
0x22: {  	[simem:s7], [sflag:s8] =	dma.local @!p0 [hbm:s6], $0xF7A  }
0x23: {  	s9 =	sor.u32 $0xD0000000, s2;
	s6 =	simm.s32 $0x108;
	_ =	swait.ge @!p0 [sflag:s8], $0x0  }
0x24: {  	s3 =	sadd.s32 $0x88, s3;
	s6 =	simm.s32 @!p1 $0x1082;
	[sflag:s4] =	ssyncset.s32 $0xFFFFF086  }
0x25: {  	[simem:s6], [sflag:s4] =	dma.local [hbm:s3], $0xF7A  }
0x26: {  	[smem:$0x3F8A] =	sst s1;
	(tag) =	ssettag s2;
	_ =	strace s9  }
0x27: {  	s1 =	sld [smem:$0x3F9A]  }
0x28: {  	s2 =	sld [smem:$0x3F9B]  }
0x29: {  	s4 =	sld [smem:$0x3F9D]  }
0x2a: {  	p0 =	seq.s32 s5, $0x0;
	s5 =	sld [smem:$0x3F9E]  }
0x2b: {  	s6 =	sld [smem:$0x3F9F]  }
0x2c: {  	s7 =	sld [smem:$0x3FA0]  }
0x2d: {  	s3 =	simm.s32 $0x108;
	s8 =	sld [smem:$0x3FA1]  }
0x2e: {  	s3 =	simm.s32 @!p0 $0x1082;
	s9 =	sld [smem:$0x3FA2]  }
0x2f: {  	lr =	sadd.s32 s0, s3;
	s0 =	sld [smem:$0x3F99]  }
0x30: {  	s3 =	sld [smem:$0x3F9C]  }
0x31: {  	[smem:$0x3FA5] =	sst s10  }
0x32: {  	s10 =	sld [smem:$0x3FA3];
	_ =	sdelay $0x3  }
0x33: {  	p0 =	seq.s32 s10, $0x1;
	s10 =	sld [smem:$0x3FA5];
	_ =	sdelay $0x3  }
0x34: {  	[smem:$0x3FA5] =	sst s10  }
0x35: {  	s10 =	sld [smem:$0x3FA4];
	_ =	sdelay $0x3  }
0x36: {  	p1 =	seq.s32 s10, $0x1;
	s10 =	sld [smem:$0x3FA5];
	_ =	sdelay $0x3  }
0x37: {  	[smem:$0x3FA5] =	sst s10  }
0x38: {  	s10 =	sld [smem:$0x3FA6]  }
0x39: {  	_ = 	snop;
	(pc) =	sbr.ind lr, $3  }
0x3a: {  	_ = 	snop  }
0x3b: {  	_ = 	snop  }
0x3c: {  	p2 =	seq.s32 s10, $0x1;
	s10 =	sld [smem:$0x3FA5]  }
0x3d: {  	_ =	shalt  }
0x3e: {  	_ =	shalt  }
0x3f: {  	_ =	shalt  }
0x40: {  	_ =	shalt  }
0x41: {  	_ =	shalt  }
0x42: {  	_ =	shalt  }
0x43: {  	_ =	shalt  }
0x44: {  	_ =	shalt  }
0x45: {  	_ =	shalt  }
0x46: {  	_ =	shalt  }
0x47: {  	_ =	shalt  }
0x48: {  	_ =	shalt  }
0x49: {  	_ =	shalt  }
0x4a: {  	_ =	shalt  }
0x4b: {  	_ =	shalt  }
0x4c: {  	_ =	shalt  }
0x4d: {  	_ =	shalt  }
0x4e: {  	_ =	shalt  }
0x4f: {  	_ =	shalt  }
0x50: {  	_ =	shalt  }
0x51: {  	_ =	shalt  }
0x52: {  	_ =	shalt  }
0x53: {  	_ =	shalt  }
0x54: {  	_ =	shalt  }
0x55: {  	_ =	shalt  }
0x56: {  	_ =	shalt  }
0x57: {  	_ =	shalt  }
0x58: {  	_ =	shalt  }
0x59: {  	_ =	shalt  }
0x5a: {  	_ =	shalt  }
0x5b: {  	_ =	shalt  }
0x5c: {  	_ =	shalt  }
0x5d: {  	_ =	shalt  }
0x5e: {  	_ =	shalt  }
0x5f: {  	_ =	shalt  }
0x60: {  	_ =	shalt  }
0x61: {  	_ =	shalt  }
0x62: {  	_ =	shalt  }
0x63: {  	_ =	shalt  }
0x64: {  	_ =	shalt  }
0x65: {  	_ =	shalt  }
0x66: {  	_ =	shalt  }
0x67: {  	_ =	shalt  }
0x68: {  	_ =	shalt  }
0x69: {  	_ =	shalt  }
0x6a: {  	_ =	shalt  }
0x6b: {  	_ =	shalt  }
0x6c: {  	_ =	shalt  }
0x6d: {  	_ =	shalt  }
0x6e: {  	_ =	shalt  }
0x6f: {  	_ =	shalt  }
0x70: {  	_ =	shalt  }
0x71: {  	_ =	shalt  }
0x72: {  	_ =	shalt  }
0x73: {  	_ =	shalt  }
0x74: {  	_ =	shalt  }
0x75: {  	_ =	shalt  }
0x76: {  	_ =	shalt  }
0x77: {  	_ =	shalt  }
0x78: {  	_ =	shalt  }
0x79: {  	_ =	shalt  }
0x7a: {  	_ =	shalt  }
0x7b: {  	_ =	shalt  }
0x7c: {  	_ =	shalt  }
0x7d: {  	_ =	shalt  }
0x7e: {  	_ =	shalt  }
0x7f: {  	_ =	shalt  }
0x80: {  	_ =	shalt  }
0x81: {  	_ =	shalt  }
0x82: {  	_ =	shalt  }
0x83: {  	_ =	shalt  }
0x84: {  	_ =	shalt  }
0x85: {  	_ =	shalt  }
0x86: {  	_ =	shalt  }
0x87: {  	_ =	shalt  }
.Lfunc_end0:
.L_simem_size_0:
called_computation_lowered:
.L_overlay_start_0:
0x88: {  	s2 =	sld [smem:$0x3FD9]  }
0x89: {  	s3 =	sld [smem:$0x3FFE];
	_ =	sdelay $0x1  }
0x8a: {  	s1 =	srdreg.scid  }
0x8b: {  	s0 =	sand.u32 $0x1, s1  }
0x8c: {  	s17 =	sshll.u32 s0, $0xA;
	s2 =	sadd.s32 s3, s2  }
0x8d: {  	s2 =	sadd.s32 s2, s17  }
0x8e: {  	[smem:$0x3FB1] =	sst s2  }
0x8f: {  	_ = 	snop  }
0x90: {  	s2 =	sld [smem:$0x3FD0];
	(tm) =	ssettm $0x1  }
0x91: {  	s18 =	sld [smem:$0x3FFB];
	_ =	sdelay $0x3  }
0x92: {  	_ =	strace s18  }
0x93: {  	s3 =	sld [smem:$0x3FFC];
	_ =	sdelay $0x3  }
0x94: {  	_ =	strace s3  }
0x95: {  	s3 =	sld [smem:$0x3FFD];
	_ =	sdelay $0x3  }
0x96: {  	_ =	strace s3  }
0x97: {  	_ =	strace $0x8FFFFFFF  }
0x98: {  	s19 =	sld [smem:$0x3FDB];
	_ =	sdelay $0x1  }
0x99: {  	s4 =	simm.s32 $_scs_section_size  }
0x9a: {  	s5 =	simm.s32 $_size__tile_overlayer_lowered;
	s6 =	simm.s32 $_tile_overlayer_lowered  }
0x9b: {  	s22 =	simm.s32 $0x1BFF;
	s21 =	sshll.u32 s6, $0x1;
	s3 =	sadd.s32 s4, s19  }
0x9c: {  	s7 =	simm.s32 $0x0;
	s20 =	sshll.u32 s5, $0x1;
	s5 =	sadd.s32 s21, s3  }
0x9d: {  	[timem:s7], [sflag:s22] =	dma.local [hbm:s5], s20  }
0x9e: {  	_ =	swait.ge [sflag:s22], s20  }
0x9f: {  	s4 =	ssub.s32 $0x0, s20;
	[sflag:s22] =	ssyncset.done $0x0  }
0xa0: {  	[sflag:s22] =	ssyncadd.s32 s4;
	_ =	sdelay $0x1  }
0xa1: {  	s23 =	simm.s32 $0x1B8B  }
0xa2: {  	_ =	swait.ge [sflag:s23], $0x1  }
0xa3: {  	[sflag:s23] =	ssyncset.done $0x0  }
0xa4: {  	s25 =	simm.s32 $0x1B8E;
	s24 =	sld [smem:$0x3FFE];
	[sflag:s23] =	ssyncadd.s32 $0xFFFFFFFF  }
0xa5: {  	s26 =	simm.s32 $execute0_lowered;
	[smem:$0x3FD2] =	sst s25  }
0xa6: {  	s5 =	sshll.u32 s26, $0x1;
	_ =	strace $0x80000046;
	[dreg:$0x1] =	wrdreg $0xFFFFFFFF  }
0xa7: {  	s28 =	simm.s32 $_size_execute0_lowered;
	s3 =	sadd.s32 s3, s5;
	[dreg:$0x0] =	wrdreg $0x0  }
0xa8: {  	s5 =	sshll.u32 s28, $0x1;
	[dreg:$0x2] =	wrdreg s3  }
0xa9: {  	[dreg:$0x3] =	wrdreg s5  }
0xaa: {  	[dreg:$0x4] =	wrdreg $0xC0  }
0xab: {  	_ =	task [dreg:s7], $0x5FFFF  }
0xac: {  	[dreg:$0x1] =	wrdreg $0xFFFFFFFF  }
0xad: {  	[dreg:$0x0] =	wrdreg $0x60  }
0xae: {  	[dreg:$0x2] =	wrdreg s24  }
0xaf: {  	[dreg:$0x3] =	wrdreg s2  }
0xb0: {  	[dreg:$0x4] =	wrdreg $0x9  }
0xb1: {  	_ =	task.clear_ibuf [dreg:s7], $0x5FFFF;
	_ =	strace $0x90000046  }
0xb2: {  	s29 =	simm.s32 $0x9;
	_ =	strace $0x80000048  }
0xb3: {  	_ =	swait.ge [sflag:s29], $0x1  }
0xb4: {  	[sflag:s29] =	ssyncadd.s32 $0xFFFFFFFF  }
0xb5: {  	_ =	strace $0x90000048  }
0xb6: {  	_ =	sfence  }
0xb7: {  	s30 =	sld [smem:$0x0];
	_ =	sdelay $0x2  }
0xb8: {  	s31 =	sshll.u32 s1, $0xD;
	s1 =	sshrl.u32 s1, $0x2  }
0xb9: {  	s3 =	sand.u32 $0x4000, s31;
	s1 =	sadd.s32 s1, s30  }
0xba: {  	s0 =	sor.u32 s3, s0;
	s1 =	sshll.u32 s1, $0x11  }
0xbb: {  	s0 =	sor.u32 s1, s0  }
0xbc: {  	s0 =	sadd.s32 $0x8F2B, s0  }
0xbd: {  	[sflag:s0] =	ssyncadd.remote.s32 $0x1  }
0xbe: {  	_ =	sfence.sel $0xFFFF  }
0xbf: {  	[dreg:$0x0] =	wrdreg $0xFFFFFFFF;
	(pc) =	sbr.abs _section_cstart, $3  }
0xc0: {  	[dreg:$0x1] =	wrdreg $0xFFFFFFFF  }
0xc1: {  	_ =	task.clear_ibuf [dreg:s7], $0x2FFFF;
	_ =	strace $0x9FFFFFFF  }
0xc2: {  	(tm) =	ssettm $0x7FFFFFFF  }
0xc3: {  	_ =	shalt  }
tec
execute0_lowered:
.L_overlay_start_1:
0x0: {  	(tag) =	ssettag $0x1  }
0x1: {  	s1 =	stileid.u32  }
0x2: {  	p0 =	seq.s32 s1, $0xF  }
.Ltmp0:
0x3: {  	_ = 	snop;
	(pc) =	sbr.rel @p0 .LBB2_5-.Ltmp0, $4  }
0x4: {  	s4 =	rddreg [dreg:$0x0]  }
0x5: {  	s3 =	rddreg [dreg:$0x1];
	s2 =	simm.s32 $0x0  }
0x6: {  	[smem:$0x7FF] =	sst s2  }
0x7: {  	s0 =	rddreg [dreg:$0x2];
	_ =	strace $0x80000047  }
0x8: {  	s5 =	srdreg.scid  }
0x9: {  	s6 =	sshll.u32 s1, $0x1;
	s5 =	sand.u32 $0x1, s5  }
0xa: {  	s6 =	sor.u32 s5, s6  }
0xb: {  	s7 =	smul.u32 $0x34, s6;
	_ =	sdelay $0x1  }
0xc: {  	s7 =	sshrl.u32 s7, $0x8  }
0xd: {  	s8 =	smul.u32 $0x5, s7;
	_ =	sdelay $0x1  }
0xe: {  	s15 =	smulhi.u32 $0x33333334, s6;
	s9 =	ssub.s32 s6, s8  }
0xf: {  	s10 =	sadd.s32 $0x2C00, s4;
	s7 =	smul.u32 $0x2C2C0, s7;
	s8 =	sand.u32 $0xFF, s9  }
0x10: {  	s12 =	sadd.s32 $0xDE00, s4;
	s5 =	ssub.s32 $0x2, s5;
	s11 =	smul.u32 $0x8F00, s8  }
0x11: {  	s4 =	sadd.s32 $0x19000, s4;
	s30 =	sshrl.u32 s5, $0x1;
	s31 =	sshll.u32 s15, $0x7  }
0x12: {  	p0 =	seq.s32 s8, $0x4;
	s13 =	sadd.s32 s11, s7;
	s7 =	sshrl.u32 s7, $0x3  }
0x13: {  	s14 =	sadd.s32 $0x8F00, s11;
	v0 =	vmov s11;
	s11 =	simm.s32 $0x9300;
	s13 =	sshrl.u32 s13, $0x3  }
0x14: {  	s7 =	sadd.s32 s3, s7;
	s14 =	simm.s32 @p0 $0x2C2C0;
	p0 =	sgt.u32 s8, $0x3  }
0x15: {  	s8 =	sadd.s32 s31, s10;
	s3 =	sadd.s32 s3, s13;
	s13 =	ssub.s32 s5, s30  }
0x16: {  	s5 =	sadd.s32 $0x4780, s7;
	s7 =	sadd.s32 s31, s12;
	s12 =	sand.u32 @p0 $0xFF, s9  }
0x17: {  	s10 =	simm.s32 $0x8F00;
	s9 =	simm.s32 $0x1;
	p1 =	sne.s32 @p0 s12, $0x4  }
0x18: {  	v1 =	vmov s14;
	s6 =	smax.u32 s13, $0x1;
	s12 =	simm.s32 $0x0;
	p1 =	por p1, !p0  }
.LBB2_2:
0x19: {  	s13 =	simm.s32 $0x0  }
0x1a: {  	[tilespmem:s13], [sflag:$0x1] =	stream.linear.gather [hbm4b:s4+s13], $0x8F00, $0x38;
	[tilespmem:$0x9700] =	vst v63  }
0x1b: {  	_ =	swait.ge [sflag:s9], $0x8F00  }
0x1c: {  	[sflag:s9] =	ssyncset.done $0x0  }
0x1d: {  	[sflag:s9] =	ssyncadd.s32 $0xFFFF7100  }
.LBB2_3:
0x1e: {  	s14 =	sadd.s32 s13, s8  }
0x1f: {  	[tilespmem:s10], [sflag:$0x1] =	stream.linear.gather [hbm4b:s14+s2], $0x400, $0x38;
	[tilespmem:$0x9700] =	vst v63  }
0x20: {  	_ =	swait.ge [sflag:s9], $0x400  }
0x21: {  	[sflag:s9] =	ssyncset.done $0x0  }
0x22: {  	s31 =	sadd.s32 s13, s7;
	[sflag:s9] =	ssyncadd.s32 $0xFFFFFC00  }
0x23: {  	[tilespmem:s11], [sflag:$0x1] =	stream.linear.gather [hbm4b:s31+s2], $0x400, $0x38;
	[tilespmem:$0x9700] =	vst v63  }
0x24: {  	_ =	swait.ge [sflag:s9], $0x400  }
0x25: {  	[sflag:s9] =	ssyncset.done $0x0  }
0x26: {  	[sflag:s9] =	ssyncadd.s32 $0xFFFFFC00  }
0x27: {  	v2 =	vld [tilespmem:$0x8F00];
	_ =	sdelay $0x4  }
0x28: {  	vm0 =	vge.s32 v2, v0;
	vm1 =	vlt.s32 v2, v1  }
0x29: {  	v2 =	vsub.s32 v2, v0;
	vm0 =	vmand vm0, vm1  }
0x2a: {  	v3 =	vld [tilespmem:$0x9300];
	v2 =	vnsel vm0, $0x0, v2;
	_ =	sdelay $0x4  }
0x2b: {  	[tilespmem:v2+s2+$0x0] =	vst.idx.msk vm0, v3  }
0x2c: {  	v2 =	vld [tilespmem:$0x8F10];
	_ =	sdelay $0x4  }
0x2d: {  	vm10 =	vge.s32 v2, v0;
	vm11 =	vlt.s32 v2, v1  }
0x2e: {  	v2 =	vsub.s32 v2, v0;
	vm0 =	vmand vm10, vm11  }
0x2f: {  	v3 =	vld [tilespmem:$0x9310];
	v2 =	vnsel vm0, $0x0, v2;
	_ =	sdelay $0x4  }
0x30: {  	[tilespmem:v2+s2+$0x0] =	vst.idx.msk vm0, v3  }
0x31: {  	v2 =	vld [tilespmem:$0x8F20];
	_ =	sdelay $0x4  }
0x32: {  	vm12 =	vge.s32 v2, v0;
	vm13 =	vlt.s32 v2, v1  }
0x33: {  	v2 =	vsub.s32 v2, v0;
	vm0 =	vmand vm12, vm13  }
0x34: {  	v3 =	vld [tilespmem:$0x9320];
	v2 =	vnsel vm0, $0x0, v2;
	_ =	sdelay $0x4  }
0x35: {  	[tilespmem:v2+s2+$0x0] =	vst.idx.msk vm0, v3  }
0x36: {  	v2 =	vld [tilespmem:$0x8F30];
	_ =	sdelay $0x4  }
0x37: {  	vm14 =	vge.s32 v2, v0;
	vm15 =	vlt.s32 v2, v1  }
0x38: {  	v2 =	vsub.s32 v2, v0;
	vm0 =	vmand vm14, vm15  }
0x39: {  	v3 =	vld [tilespmem:$0x9330];
	v2 =	vnsel vm0, $0x0, v2;
	_ =	sdelay $0x4  }
0x3a: {  	[tilespmem:v2+s2+$0x0] =	vst.idx.msk vm0, v3  }
0x3b: {  	v2 =	vld [tilespmem:$0x8F40];
	_ =	sdelay $0x4  }
0x3c: {  	vm4 =	vge.s32 v2, v0;
	vm5 =	vlt.s32 v2, v1  }
0x3d: {  	v2 =	vsub.s32 v2, v0;
	vm0 =	vmand vm4, vm5  }
0x3e: {  	v3 =	vld [tilespmem:$0x9340];
	v2 =	vnsel vm0, $0x0, v2;
	_ =	sdelay $0x4  }
0x3f: {  	[tilespmem:v2+s2+$0x0] =	vst.idx.msk vm0, v3  }
0x40: {  	v2 =	vld [tilespmem:$0x8F50];
	_ =	sdelay $0x4  }
0x41: {  	vm6 =	vge.s32 v2, v0;
	vm7 =	vlt.s32 v2, v1  }
0x42: {  	v2 =	vsub.s32 v2, v0;
	vm0 =	vmand vm6, vm7  }
0x43: {  	v3 =	vld [tilespmem:$0x9350];
	v2 =	vnsel vm0, $0x0, v2;
	_ =	sdelay $0x4  }
0x44: {  	[tilespmem:v2+s2+$0x0] =	vst.idx.msk vm0, v3  }
0x45: {  	v2 =	vld [tilespmem:$0x8F60];
	_ =	sdelay $0x4  }
0x46: {  	vm8 =	vge.s32 v2, v0;
	vm9 =	vlt.s32 v2, v1  }
0x47: {  	v2 =	vsub.s32 v2, v0;
	vm0 =	vmand vm8, vm9  }
0x48: {  	v3 =	vld [tilespmem:$0x9360];
	v2 =	vnsel vm0, $0x0, v2;
	_ =	sdelay $0x4  }
0x49: {  	[tilespmem:v2+s2+$0x0] =	vst.idx.msk vm0, v3  }
0x4a: {  	v2 =	vld [tilespmem:$0x8F70];
	_ =	sdelay $0x4  }
0x4b: {  	vm10 =	vge.s32 v2, v0;
	vm11 =	vlt.s32 v2, v1  }
0x4c: {  	v2 =	vsub.s32 v2, v0;
	vm0 =	vmand vm10, vm11  }
0x4d: {  	v3 =	vld [tilespmem:$0x9370];
	v2 =	vnsel vm0, $0x0, v2;
	_ =	sdelay $0x4  }
0x4e: {  	[tilespmem:v2+s2+$0x0] =	vst.idx.msk vm0, v3  }
0x4f: {  	v2 =	vld [tilespmem:$0x8F80];
	_ =	sdelay $0x4  }
0x50: {  	vm12 =	vge.s32 v2, v0;
	vm13 =	vlt.s32 v2, v1  }
0x51: {  	v2 =	vsub.s32 v2, v0;
	vm0 =	vmand vm12, vm13  }
0x52: {  	v3 =	vld [tilespmem:$0x9380];
	v2 =	vnsel vm0, $0x0, v2;
	_ =	sdelay $0x4  }
0x53: {  	[tilespmem:v2+s2+$0x0] =	vst.idx.msk vm0, v3  }
0x54: {  	v2 =	vld [tilespmem:$0x8F90];
	_ =	sdelay $0x4  }
0x55: {  	vm14 =	vge.s32 v2, v0;
	vm15 =	vlt.s32 v2, v1  }
0x56: {  	v2 =	vsub.s32 v2, v0;
	vm0 =	vmand vm14, vm15  }
0x57: {  	v3 =	vld [tilespmem:$0x9390];
	v2 =	vnsel vm0, $0x0, v2;
	_ =	sdelay $0x4  }
0x58: {  	[tilespmem:v2+s2+$0x0] =	vst.idx.msk vm0, v3  }
0x59: {  	v2 =	vld [tilespmem:$0x8FA0];
	_ =	sdelay $0x4  }
0x5a: {  	vm4 =	vge.s32 v2, v0;
	vm5 =	vlt.s32 v2, v1  }
0x5b: {  	v2 =	vsub.s32 v2, v0;
	vm0 =	vmand vm4, vm5  }
0x5c: {  	v3 =	vld [tilespmem:$0x93A0];
	v2 =	vnsel vm0, $0x0, v2;
	_ =	sdelay $0x4  }
0x5d: {  	[tilespmem:v2+s2+$0x0] =	vst.idx.msk vm0, v3  }
0x5e: {  	v2 =	vld [tilespmem:$0x8FB0];
	_ =	sdelay $0x4  }
0x5f: {  	vm6 =	vge.s32 v2, v0;
	vm7 =	vlt.s32 v2, v1  }
0x60: {  	v2 =	vsub.s32 v2, v0;
	vm0 =	vmand vm6, vm7  }
0x61: {  	v3 =	vld [tilespmem:$0x93B0];
	v2 =	vnsel vm0, $0x0, v2;
	_ =	sdelay $0x4  }
0x62: {  	[tilespmem:v2+s2+$0x0] =	vst.idx.msk vm0, v3  }
0x63: {  	v2 =	vld [tilespmem:$0x8FC0];
	_ =	sdelay $0x4  }
0x64: {  	vm8 =	vge.s32 v2, v0;
	vm9 =	vlt.s32 v2, v1  }
0x65: {  	v2 =	vsub.s32 v2, v0;
	vm0 =	vmand vm8, vm9  }
0x66: {  	v3 =	vld [tilespmem:$0x93C0];
	v2 =	vnsel vm0, $0x0, v2;
	_ =	sdelay $0x4  }
0x67: {  	[tilespmem:v2+s2+$0x0] =	vst.idx.msk vm0, v3  }
0x68: {  	v2 =	vld [tilespmem:$0x8FD0];
	_ =	sdelay $0x4  }
0x69: {  	vm10 =	vge.s32 v2, v0;
	vm11 =	vlt.s32 v2, v1  }
0x6a: {  	v2 =	vsub.s32 v2, v0;
	vm0 =	vmand vm10, vm11  }
0x6b: {  	v3 =	vld [tilespmem:$0x93D0];
	v2 =	vnsel vm0, $0x0, v2;
	_ =	sdelay $0x4  }
0x6c: {  	[tilespmem:v2+s2+$0x0] =	vst.idx.msk vm0, v3  }
0x6d: {  	v2 =	vld [tilespmem:$0x8FE0];
	_ =	sdelay $0x4  }
0x6e: {  	vm12 =	vge.s32 v2, v0;
	vm13 =	vlt.s32 v2, v1  }
0x6f: {  	v2 =	vsub.s32 v2, v0;
	vm0 =	vmand vm12, vm13  }
0x70: {  	v3 =	vld [tilespmem:$0x93E0];
	v2 =	vnsel vm0, $0x0, v2;
	_ =	sdelay $0x4  }
0x71: {  	[tilespmem:v2+s2+$0x0] =	vst.idx.msk vm0, v3  }
0x72: {  	v2 =	vld [tilespmem:$0x8FF0];
	_ =	sdelay $0x4  }
0x73: {  	vm14 =	vge.s32 v2, v0;
	vm15 =	vlt.s32 v2, v1  }
0x74: {  	v2 =	vsub.s32 v2, v0;
	vm0 =	vmand vm14, vm15  }
0x75: {  	v3 =	vld [tilespmem:$0x93F0];
	v2 =	vnsel vm0, $0x0, v2;
	_ =	sdelay $0x4  }
0x76: {  	[tilespmem:v2+s2+$0x0] =	vst.idx.msk vm0, v3  }
0x77: {  	v2 =	vld [tilespmem:$0x9000];
	_ =	sdelay $0x4  }
0x78: {  	vm4 =	vge.s32 v2, v0;
	vm5 =	vlt.s32 v2, v1  }
0x79: {  	v2 =	vsub.s32 v2, v0;
	vm0 =	vmand vm4, vm5  }
0x7a: {  	v3 =	vld [tilespmem:$0x9400];
	v2 =	vnsel vm0, $0x0, v2;
	_ =	sdelay $0x4  }
0x7b: {  	[tilespmem:v2+s2+$0x0] =	vst.idx.msk vm0, v3  }
0x7c: {  	v2 =	vld [tilespmem:$0x9010];
	_ =	sdelay $0x4  }
0x7d: {  	vm6 =	vge.s32 v2, v0;
	vm7 =	vlt.s32 v2, v1  }
0x7e: {  	v2 =	vsub.s32 v2, v0;
	vm0 =	vmand vm6, vm7  }
0x7f: {  	v3 =	vld [tilespmem:$0x9410];
	v2 =	vnsel vm0, $0x0, v2;
	_ =	sdelay $0x4  }
0x80: {  	[tilespmem:v2+s2+$0x0] =	vst.idx.msk vm0, v3  }
0x81: {  	v2 =	vld [tilespmem:$0x9020];
	_ =	sdelay $0x4  }
0x82: {  	vm8 =	vge.s32 v2, v0;
	vm9 =	vlt.s32 v2, v1  }
0x83: {  	v2 =	vsub.s32 v2, v0;
	vm0 =	vmand vm8, vm9  }
0x84: {  	v3 =	vld [tilespmem:$0x9420];
	v2 =	vnsel vm0, $0x0, v2;
	_ =	sdelay $0x4  }
0x85: {  	[tilespmem:v2+s2+$0x0] =	vst.idx.msk vm0, v3  }
0x86: {  	v2 =	vld [tilespmem:$0x9030];
	_ =	sdelay $0x4  }
0x87: {  	vm10 =	vge.s32 v2, v0;
	vm11 =	vlt.s32 v2, v1  }
0x88: {  	v2 =	vsub.s32 v2, v0;
	vm0 =	vmand vm10, vm11  }
0x89: {  	v3 =	vld [tilespmem:$0x9430];
	v2 =	vnsel vm0, $0x0, v2;
	_ =	sdelay $0x4  }
0x8a: {  	[tilespmem:v2+s2+$0x0] =	vst.idx.msk vm0, v3  }
0x8b: {  	v2 =	vld [tilespmem:$0x9040];
	_ =	sdelay $0x4  }
0x8c: {  	vm12 =	vge.s32 v2, v0;
	vm13 =	vlt.s32 v2, v1  }
0x8d: {  	v2 =	vsub.s32 v2, v0;
	vm0 =	vmand vm12, vm13  }
0x8e: {  	v3 =	vld [tilespmem:$0x9440];
	v2 =	vnsel vm0, $0x0, v2;
	_ =	sdelay $0x4  }
0x8f: {  	[tilespmem:v2+s2+$0x0] =	vst.idx.msk vm0, v3  }
0x90: {  	v2 =	vld [tilespmem:$0x9050];
	_ =	sdelay $0x4  }
0x91: {  	vm14 =	vge.s32 v2, v0;
	vm15 =	vlt.s32 v2, v1  }
0x92: {  	v2 =	vsub.s32 v2, v0;
	vm0 =	vmand vm14, vm15  }
0x93: {  	v3 =	vld [tilespmem:$0x9450];
	v2 =	vnsel vm0, $0x0, v2;
	_ =	sdelay $0x4  }
0x94: {  	[tilespmem:v2+s2+$0x0] =	vst.idx.msk vm0, v3  }
0x95: {  	v2 =	vld [tilespmem:$0x9060];
	_ =	sdelay $0x4  }
0x96: {  	vm4 =	vge.s32 v2, v0;
	vm5 =	vlt.s32 v2, v1  }
0x97: {  	v2 =	vsub.s32 v2, v0;
	vm0 =	vmand vm4, vm5  }
0x98: {  	v3 =	vld [tilespmem:$0x9460];
	v2 =	vnsel vm0, $0x0, v2;
	_ =	sdelay $0x4  }
0x99: {  	[tilespmem:v2+s2+$0x0] =	vst.idx.msk vm0, v3  }
0x9a: {  	v2 =	vld [tilespmem:$0x9070];
	_ =	sdelay $0x4  }
0x9b: {  	vm6 =	vge.s32 v2, v0;
	vm7 =	vlt.s32 v2, v1  }
0x9c: {  	v2 =	vsub.s32 v2, v0;
	vm0 =	vmand vm6, vm7  }
0x9d: {  	v3 =	vld [tilespmem:$0x9470];
	v2 =	vnsel vm0, $0x0, v2;
	_ =	sdelay $0x4  }
0x9e: {  	[tilespmem:v2+s2+$0x0] =	vst.idx.msk vm0, v3  }
0x9f: {  	v2 =	vld [tilespmem:$0x9080];
	_ =	sdelay $0x4  }
0xa0: {  	vm8 =	vge.s32 v2, v0;
	vm9 =	vlt.s32 v2, v1  }
0xa1: {  	v2 =	vsub.s32 v2, v0;
	vm0 =	vmand vm8, vm9  }
0xa2: {  	v3 =	vld [tilespmem:$0x9480];
	v2 =	vnsel vm0, $0x0, v2;
	_ =	sdelay $0x4  }
0xa3: {  	[tilespmem:v2+s2+$0x0] =	vst.idx.msk vm0, v3  }
0xa4: {  	v2 =	vld [tilespmem:$0x9090];
	_ =	sdelay $0x4  }
0xa5: {  	vm10 =	vge.s32 v2, v0;
	vm11 =	vlt.s32 v2, v1  }
0xa6: {  	v2 =	vsub.s32 v2, v0;
	vm0 =	vmand vm10, vm11  }
0xa7: {  	v3 =	vld [tilespmem:$0x9490];
	v2 =	vnsel vm0, $0x0, v2;
	_ =	sdelay $0x4  }
0xa8: {  	[tilespmem:v2+s2+$0x0] =	vst.idx.msk vm0, v3  }
0xa9: {  	v2 =	vld [tilespmem:$0x90A0];
	_ =	sdelay $0x4  }
0xaa: {  	vm12 =	vge.s32 v2, v0;
	vm13 =	vlt.s32 v2, v1  }
0xab: {  	v2 =	vsub.s32 v2, v0;
	vm0 =	vmand vm12, vm13  }
0xac: {  	v3 =	vld [tilespmem:$0x94A0];
	v2 =	vnsel vm0, $0x0, v2;
	_ =	sdelay $0x4  }
0xad: {  	[tilespmem:v2+s2+$0x0] =	vst.idx.msk vm0, v3  }
0xae: {  	v2 =	vld [tilespmem:$0x90B0];
	_ =	sdelay $0x4  }
0xaf: {  	vm14 =	vge.s32 v2, v0;
	vm15 =	vlt.s32 v2, v1  }
0xb0: {  	v2 =	vsub.s32 v2, v0;
	vm0 =	vmand vm14, vm15  }
0xb1: {  	v3 =	vld [tilespmem:$0x94B0];
	v2 =	vnsel vm0, $0x0, v2;
	_ =	sdelay $0x4  }
0xb2: {  	[tilespmem:v2+s2+$0x0] =	vst.idx.msk vm0, v3  }
0xb3: {  	v2 =	vld [tilespmem:$0x90C0];
	_ =	sdelay $0x4  }
0xb4: {  	vm4 =	vge.s32 v2, v0;
	vm5 =	vlt.s32 v2, v1  }
0xb5: {  	v2 =	vsub.s32 v2, v0;
	vm0 =	vmand vm4, vm5  }
0xb6: {  	v3 =	vld [tilespmem:$0x94C0];
	v2 =	vnsel vm0, $0x0, v2;
	_ =	sdelay $0x4  }
0xb7: {  	[tilespmem:v2+s2+$0x0] =	vst.idx.msk vm0, v3  }
0xb8: {  	v2 =	vld [tilespmem:$0x90D0];
	_ =	sdelay $0x4  }
0xb9: {  	vm6 =	vge.s32 v2, v0;
	vm7 =	vlt.s32 v2, v1  }
0xba: {  	v2 =	vsub.s32 v2, v0;
	vm0 =	vmand vm6, vm7  }
0xbb: {  	v3 =	vld [tilespmem:$0x94D0];
	v2 =	vnsel vm0, $0x0, v2;
	_ =	sdelay $0x4  }
0xbc: {  	[tilespmem:v2+s2+$0x0] =	vst.idx.msk vm0, v3  }
0xbd: {  	v2 =	vld [tilespmem:$0x90E0];
	_ =	sdelay $0x4  }
0xbe: {  	vm8 =	vge.s32 v2, v0;
	vm9 =	vlt.s32 v2, v1  }
0xbf: {  	v2 =	vsub.s32 v2, v0;
	vm0 =	vmand vm8, vm9  }
0xc0: {  	v3 =	vld [tilespmem:$0x94E0];
	v2 =	vnsel vm0, $0x0, v2;
	_ =	sdelay $0x4  }
0xc1: {  	[tilespmem:v2+s2+$0x0] =	vst.idx.msk vm0, v3  }
0xc2: {  	v2 =	vld [tilespmem:$0x90F0];
	_ =	sdelay $0x4  }
0xc3: {  	vm10 =	vge.s32 v2, v0;
	vm11 =	vlt.s32 v2, v1  }
0xc4: {  	v2 =	vsub.s32 v2, v0;
	vm0 =	vmand vm10, vm11  }
0xc5: {  	v3 =	vld [tilespmem:$0x94F0];
	v2 =	vnsel vm0, $0x0, v2;
	_ =	sdelay $0x4  }
0xc6: {  	[tilespmem:v2+s2+$0x0] =	vst.idx.msk vm0, v3  }
0xc7: {  	v2 =	vld [tilespmem:$0x9100];
	_ =	sdelay $0x4  }
0xc8: {  	vm12 =	vge.s32 v2, v0;
	vm13 =	vlt.s32 v2, v1  }
0xc9: {  	v2 =	vsub.s32 v2, v0;
	vm0 =	vmand vm12, vm13  }
0xca: {  	v3 =	vld [tilespmem:$0x9500];
	v2 =	vnsel vm0, $0x0, v2;
	_ =	sdelay $0x4  }
0xcb: {  	[tilespmem:v2+s2+$0x0] =	vst.idx.msk vm0, v3  }
0xcc: {  	v2 =	vld [tilespmem:$0x9110];
	_ =	sdelay $0x4  }
0xcd: {  	vm14 =	vge.s32 v2, v0;
	vm15 =	vlt.s32 v2, v1  }
0xce: {  	v2 =	vsub.s32 v2, v0;
	vm0 =	vmand vm14, vm15  }
0xcf: {  	v3 =	vld [tilespmem:$0x9510];
	v2 =	vnsel vm0, $0x0, v2;
	_ =	sdelay $0x4  }
0xd0: {  	[tilespmem:v2+s2+$0x0] =	vst.idx.msk vm0, v3  }
0xd1: {  	v2 =	vld [tilespmem:$0x9120];
	_ =	sdelay $0x4  }
0xd2: {  	vm4 =	vge.s32 v2, v0;
	vm5 =	vlt.s32 v2, v1  }
0xd3: {  	v2 =	vsub.s32 v2, v0;
	vm0 =	vmand vm4, vm5  }
0xd4: {  	v3 =	vld [tilespmem:$0x9520];
	v2 =	vnsel vm0, $0x0, v2;
	_ =	sdelay $0x4  }
0xd5: {  	[tilespmem:v2+s2+$0x0] =	vst.idx.msk vm0, v3  }
0xd6: {  	v2 =	vld [tilespmem:$0x9130];
	_ =	sdelay $0x4  }
0xd7: {  	vm6 =	vge.s32 v2, v0;
	vm7 =	vlt.s32 v2, v1  }
0xd8: {  	v2 =	vsub.s32 v2, v0;
	vm0 =	vmand vm6, vm7  }
0xd9: {  	v3 =	vld [tilespmem:$0x9530];
	v2 =	vnsel vm0, $0x0, v2;
	_ =	sdelay $0x4  }
0xda: {  	[tilespmem:v2+s2+$0x0] =	vst.idx.msk vm0, v3  }
0xdb: {  	v2 =	vld [tilespmem:$0x9140];
	_ =	sdelay $0x4  }
0xdc: {  	vm8 =	vge.s32 v2, v0;
	vm9 =	vlt.s32 v2, v1  }
0xdd: {  	v2 =	vsub.s32 v2, v0;
	vm0 =	vmand vm8, vm9  }
0xde: {  	v3 =	vld [tilespmem:$0x9540];
	v2 =	vnsel vm0, $0x0, v2;
	_ =	sdelay $0x4  }
0xdf: {  	[tilespmem:v2+s2+$0x0] =	vst.idx.msk vm0, v3  }
0xe0: {  	v2 =	vld [tilespmem:$0x9150];
	_ =	sdelay $0x4  }
0xe1: {  	vm10 =	vge.s32 v2, v0;
	vm11 =	vlt.s32 v2, v1  }
0xe2: {  	v2 =	vsub.s32 v2, v0;
	vm0 =	vmand vm10, vm11  }
0xe3: {  	v3 =	vld [tilespmem:$0x9550];
	v2 =	vnsel vm0, $0x0, v2;
	_ =	sdelay $0x4  }
0xe4: {  	[tilespmem:v2+s2+$0x0] =	vst.idx.msk vm0, v3  }
0xe5: {  	v2 =	vld [tilespmem:$0x9160];
	_ =	sdelay $0x4  }
0xe6: {  	vm12 =	vge.s32 v2, v0;
	vm13 =	vlt.s32 v2, v1  }
0xe7: {  	v2 =	vsub.s32 v2, v0;
	vm0 =	vmand vm12, vm13  }
0xe8: {  	v3 =	vld [tilespmem:$0x9560];
	v2 =	vnsel vm0, $0x0, v2;
	_ =	sdelay $0x4  }
0xe9: {  	[tilespmem:v2+s2+$0x0] =	vst.idx.msk vm0, v3  }
0xea: {  	v2 =	vld [tilespmem:$0x9170];
	_ =	sdelay $0x4  }
0xeb: {  	vm14 =	vge.s32 v2, v0;
	vm15 =	vlt.s32 v2, v1  }
0xec: {  	v2 =	vsub.s32 v2, v0;
	vm0 =	vmand vm14, vm15  }
0xed: {  	v3 =	vld [tilespmem:$0x9570];
	v2 =	vnsel vm0, $0x0, v2;
	_ =	sdelay $0x4  }
0xee: {  	[tilespmem:v2+s2+$0x0] =	vst.idx.msk vm0, v3  }
0xef: {  	v2 =	vld [tilespmem:$0x9180];
	_ =	sdelay $0x4  }
0xf0: {  	vm4 =	vge.s32 v2, v0;
	vm5 =	vlt.s32 v2, v1  }
0xf1: {  	v2 =	vsub.s32 v2, v0;
	vm0 =	vmand vm4, vm5  }
0xf2: {  	v3 =	vld [tilespmem:$0x9580];
	v2 =	vnsel vm0, $0x0, v2;
	_ =	sdelay $0x4  }
0xf3: {  	[tilespmem:v2+s2+$0x0] =	vst.idx.msk vm0, v3  }
0xf4: {  	v2 =	vld [tilespmem:$0x9190];
	_ =	sdelay $0x4  }
0xf5: {  	vm6 =	vge.s32 v2, v0;
	vm7 =	vlt.s32 v2, v1  }
0xf6: {  	v2 =	vsub.s32 v2, v0;
	vm0 =	vmand vm6, vm7  }
0xf7: {  	v3 =	vld [tilespmem:$0x9590];
	v2 =	vnsel vm0, $0x0, v2;
	_ =	sdelay $0x4  }
0xf8: {  	[tilespmem:v2+s2+$0x0] =	vst.idx.msk vm0, v3  }
0xf9: {  	v2 =	vld [tilespmem:$0x91A0];
	_ =	sdelay $0x4  }
0xfa: {  	vm8 =	vge.s32 v2, v0;
	vm9 =	vlt.s32 v2, v1  }
0xfb: {  	v2 =	vsub.s32 v2, v0;
	vm0 =	vmand vm8, vm9  }
0xfc: {  	v3 =	vld [tilespmem:$0x95A0];
	v2 =	vnsel vm0, $0x0, v2;
	_ =	sdelay $0x4  }
0xfd: {  	[tilespmem:v2+s2+$0x0] =	vst.idx.msk vm0, v3  }
0xfe: {  	v2 =	vld [tilespmem:$0x91B0];
	_ =	sdelay $0x4  }
0xff: {  	vm10 =	vge.s32 v2, v0;
	vm11 =	vlt.s32 v2, v1  }
0x100: {  	v2 =	vsub.s32 v2, v0;
	vm0 =	vmand vm10, vm11  }
0x101: {  	v3 =	vld [tilespmem:$0x95B0];
	v2 =	vnsel vm0, $0x0, v2;
	_ =	sdelay $0x4  }
0x102: {  	[tilespmem:v2+s2+$0x0] =	vst.idx.msk vm0, v3  }
0x103: {  	v2 =	vld [tilespmem:$0x91C0];
	_ =	sdelay $0x4  }
0x104: {  	vm12 =	vge.s32 v2, v0;
	vm13 =	vlt.s32 v2, v1  }
0x105: {  	v2 =	vsub.s32 v2, v0;
	vm0 =	vmand vm12, vm13  }
0x106: {  	v3 =	vld [tilespmem:$0x95C0];
	v2 =	vnsel vm0, $0x0, v2;
	_ =	sdelay $0x4  }
0x107: {  	[tilespmem:v2+s2+$0x0] =	vst.idx.msk vm0, v3  }
0x108: {  	v2 =	vld [tilespmem:$0x91D0];
	_ =	sdelay $0x4  }
0x109: {  	vm14 =	vge.s32 v2, v0;
	vm15 =	vlt.s32 v2, v1  }
0x10a: {  	v2 =	vsub.s32 v2, v0;
	vm0 =	vmand vm14, vm15  }
0x10b: {  	v3 =	vld [tilespmem:$0x95D0];
	v2 =	vnsel vm0, $0x0, v2;
	_ =	sdelay $0x4  }
0x10c: {  	[tilespmem:v2+s2+$0x0] =	vst.idx.msk vm0, v3  }
0x10d: {  	v2 =	vld [tilespmem:$0x91E0];
	_ =	sdelay $0x4  }
0x10e: {  	vm4 =	vge.s32 v2, v0;
	vm5 =	vlt.s32 v2, v1  }
0x10f: {  	v2 =	vsub.s32 v2, v0;
	vm0 =	vmand vm4, vm5  }
0x110: {  	v3 =	vld [tilespmem:$0x95E0];
	v2 =	vnsel vm0, $0x0, v2;
	_ =	sdelay $0x4  }
0x111: {  	[tilespmem:v2+s2+$0x0] =	vst.idx.msk vm0, v3  }
0x112: {  	v2 =	vld [tilespmem:$0x91F0];
	_ =	sdelay $0x4  }
0x113: {  	vm6 =	vge.s32 v2, v0;
	vm7 =	vlt.s32 v2, v1  }
0x114: {  	v2 =	vsub.s32 v2, v0;
	vm0 =	vmand vm6, vm7  }
0x115: {  	v3 =	vld [tilespmem:$0x95F0];
	v2 =	vnsel vm0, $0x0, v2;
	_ =	sdelay $0x4  }
0x116: {  	[tilespmem:v2+s2+$0x0] =	vst.idx.msk vm0, v3  }
0x117: {  	v2 =	vld [tilespmem:$0x9200];
	_ =	sdelay $0x4  }
0x118: {  	vm8 =	vge.s32 v2, v0;
	vm9 =	vlt.s32 v2, v1  }
0x119: {  	v2 =	vsub.s32 v2, v0;
	vm0 =	vmand vm8, vm9  }
0x11a: {  	v3 =	vld [tilespmem:$0x9600];
	v2 =	vnsel vm0, $0x0, v2;
	_ =	sdelay $0x4  }
0x11b: {  	[tilespmem:v2+s2+$0x0] =	vst.idx.msk vm0, v3  }
0x11c: {  	v2 =	vld [tilespmem:$0x9210];
	_ =	sdelay $0x4  }
0x11d: {  	vm10 =	vge.s32 v2, v0;
	vm11 =	vlt.s32 v2, v1  }
0x11e: {  	v2 =	vsub.s32 v2, v0;
	vm0 =	vmand vm10, vm11  }
0x11f: {  	v3 =	vld [tilespmem:$0x9610];
	v2 =	vnsel vm0, $0x0, v2;
	_ =	sdelay $0x4  }
0x120: {  	[tilespmem:v2+s2+$0x0] =	vst.idx.msk vm0, v3  }
0x121: {  	v2 =	vld [tilespmem:$0x9220];
	_ =	sdelay $0x4  }
0x122: {  	vm12 =	vge.s32 v2, v0;
	vm13 =	vlt.s32 v2, v1  }
0x123: {  	v2 =	vsub.s32 v2, v0;
	vm0 =	vmand vm12, vm13  }
0x124: {  	v3 =	vld [tilespmem:$0x9620];
	v2 =	vnsel vm0, $0x0, v2;
	_ =	sdelay $0x4  }
0x125: {  	[tilespmem:v2+s2+$0x0] =	vst.idx.msk vm0, v3  }
0x126: {  	v2 =	vld [tilespmem:$0x9230];
	_ =	sdelay $0x4  }
0x127: {  	vm14 =	vge.s32 v2, v0;
	vm15 =	vlt.s32 v2, v1  }
0x128: {  	v2 =	vsub.s32 v2, v0;
	vm0 =	vmand vm14, vm15  }
0x129: {  	v3 =	vld [tilespmem:$0x9630];
	v2 =	vnsel vm0, $0x0, v2;
	_ =	sdelay $0x4  }
0x12a: {  	[tilespmem:v2+s2+$0x0] =	vst.idx.msk vm0, v3  }
0x12b: {  	v2 =	vld [tilespmem:$0x9240];
	_ =	sdelay $0x4  }
0x12c: {  	vm4 =	vge.s32 v2, v0;
	vm5 =	vlt.s32 v2, v1  }
0x12d: {  	v2 =	vsub.s32 v2, v0;
	vm0 =	vmand vm4, vm5  }
0x12e: {  	v3 =	vld [tilespmem:$0x9640];
	v2 =	vnsel vm0, $0x0, v2;
	_ =	sdelay $0x4  }
0x12f: {  	[tilespmem:v2+s2+$0x0] =	vst.idx.msk vm0, v3  }
0x130: {  	v2 =	vld [tilespmem:$0x9250];
	_ =	sdelay $0x4  }
0x131: {  	vm6 =	vge.s32 v2, v0;
	vm7 =	vlt.s32 v2, v1  }
0x132: {  	v2 =	vsub.s32 v2, v0;
	vm0 =	vmand vm6, vm7  }
0x133: {  	v3 =	vld [tilespmem:$0x9650];
	v2 =	vnsel vm0, $0x0, v2;
	_ =	sdelay $0x4  }
0x134: {  	[tilespmem:v2+s2+$0x0] =	vst.idx.msk vm0, v3  }
0x135: {  	v2 =	vld [tilespmem:$0x9260];
	_ =	sdelay $0x4  }
0x136: {  	vm8 =	vge.s32 v2, v0;
	vm9 =	vlt.s32 v2, v1  }
0x137: {  	v2 =	vsub.s32 v2, v0;
	vm0 =	vmand vm8, vm9  }
0x138: {  	v3 =	vld [tilespmem:$0x9660];
	v2 =	vnsel vm0, $0x0, v2;
	_ =	sdelay $0x4  }
0x139: {  	[tilespmem:v2+s2+$0x0] =	vst.idx.msk vm0, v3  }
0x13a: {  	v2 =	vld [tilespmem:$0x9270];
	_ =	sdelay $0x4  }
0x13b: {  	vm10 =	vge.s32 v2, v0;
	vm11 =	vlt.s32 v2, v1  }
0x13c: {  	v2 =	vsub.s32 v2, v0;
	vm0 =	vmand vm10, vm11  }
0x13d: {  	v3 =	vld [tilespmem:$0x9670];
	v2 =	vnsel vm0, $0x0, v2;
	_ =	sdelay $0x4  }
0x13e: {  	[tilespmem:v2+s2+$0x0] =	vst.idx.msk vm0, v3  }
0x13f: {  	v2 =	vld [tilespmem:$0x9280];
	_ =	sdelay $0x4  }
0x140: {  	vm12 =	vge.s32 v2, v0;
	vm13 =	vlt.s32 v2, v1  }
0x141: {  	v2 =	vsub.s32 v2, v0;
	vm0 =	vmand vm12, vm13  }
0x142: {  	v3 =	vld [tilespmem:$0x9680];
	v2 =	vnsel vm0, $0x0, v2;
	_ =	sdelay $0x4  }
0x143: {  	[tilespmem:v2+s2+$0x0] =	vst.idx.msk vm0, v3  }
0x144: {  	v2 =	vld [tilespmem:$0x9290];
	_ =	sdelay $0x4  }
0x145: {  	vm14 =	vge.s32 v2, v0;
	vm15 =	vlt.s32 v2, v1  }
0x146: {  	v2 =	vsub.s32 v2, v0;
	vm0 =	vmand vm14, vm15  }
0x147: {  	v3 =	vld [tilespmem:$0x9690];
	v2 =	vnsel vm0, $0x0, v2;
	_ =	sdelay $0x4  }
0x148: {  	[tilespmem:v2+s2+$0x0] =	vst.idx.msk vm0, v3  }
0x149: {  	v2 =	vld [tilespmem:$0x92A0];
	_ =	sdelay $0x4  }
0x14a: {  	vm4 =	vge.s32 v2, v0;
	vm5 =	vlt.s32 v2, v1  }
0x14b: {  	v2 =	vsub.s32 v2, v0;
	vm0 =	vmand vm4, vm5  }
0x14c: {  	v3 =	vld [tilespmem:$0x96A0];
	v2 =	vnsel vm0, $0x0, v2;
	_ =	sdelay $0x4  }
0x14d: {  	[tilespmem:v2+s2+$0x0] =	vst.idx.msk vm0, v3  }
0x14e: {  	v2 =	vld [tilespmem:$0x92B0];
	_ =	sdelay $0x4  }
0x14f: {  	vm6 =	vge.s32 v2, v0;
	vm7 =	vlt.s32 v2, v1  }
0x150: {  	v2 =	vsub.s32 v2, v0;
	vm0 =	vmand vm6, vm7  }
0x151: {  	v3 =	vld [tilespmem:$0x96B0];
	v2 =	vnsel vm0, $0x0, v2;
	_ =	sdelay $0x4  }
0x152: {  	[tilespmem:v2+s2+$0x0] =	vst.idx.msk vm0, v3  }
0x153: {  	v2 =	vld [tilespmem:$0x92C0];
	_ =	sdelay $0x4  }
0x154: {  	vm8 =	vge.s32 v2, v0;
	vm9 =	vlt.s32 v2, v1  }
0x155: {  	v2 =	vsub.s32 v2, v0;
	vm0 =	vmand vm8, vm9  }
0x156: {  	v3 =	vld [tilespmem:$0x96C0];
	v2 =	vnsel vm0, $0x0, v2;
	_ =	sdelay $0x4  }
0x157: {  	[tilespmem:v2+s2+$0x0] =	vst.idx.msk vm0, v3  }
0x158: {  	v2 =	vld [tilespmem:$0x92D0];
	_ =	sdelay $0x4  }
0x159: {  	vm10 =	vge.s32 v2, v0;
	vm11 =	vlt.s32 v2, v1  }
0x15a: {  	v2 =	vsub.s32 v2, v0;
	vm0 =	vmand vm10, vm11  }
0x15b: {  	v3 =	vld [tilespmem:$0x96D0];
	v2 =	vnsel vm0, $0x0, v2;
	_ =	sdelay $0x4  }
0x15c: {  	[tilespmem:v2+s2+$0x0] =	vst.idx.msk vm0, v3  }
0x15d: {  	v2 =	vld [tilespmem:$0x92E0];
	_ =	sdelay $0x4  }
0x15e: {  	vm12 =	vge.s32 v2, v0;
	vm13 =	vlt.s32 v2, v1  }
0x15f: {  	v2 =	vsub.s32 v2, v0;
	vm0 =	vmand vm12, vm13  }
0x160: {  	v3 =	vld [tilespmem:$0x96E0];
	v2 =	vnsel vm0, $0x0, v2;
	_ =	sdelay $0x4  }
0x161: {  	[tilespmem:v2+s2+$0x0] =	vst.idx.msk vm0, v3  }
0x162: {  	v2 =	vld [tilespmem:$0x92F0];
	_ =	sdelay $0x4  }
0x163: {  	vm14 =	vge.s32 v2, v0;
	vm15 =	vlt.s32 v2, v1  }
0x164: {  	v2 =	vsub.s32 v2, v0;
	vm0 =	vmand vm14, vm15  }
0x165: {  	p2 =	sne.s32 s13, $0xAE00;
	v3 =	vld [tilespmem:$0x96F0];
	v2 =	vnsel vm0, $0x0, v2  }
.Ltmp1:
0x166: {  	_ = 	snop;
	(pc) =	sbr.rel @p2 .LBB2_3-.Ltmp1, $2  }
0x167: {  	_ =	sdelay $0x2  }
0x168: {  	s13 =	sadd.s32 $0x300, s13;
	[tilespmem:v2+s2+$0x0] =	vst.idx.msk vm0, v3  }
0x169: {  	s13 =	simm.s32 @!p1 $0x0  }
0x16a: {  	[hbm4b:s5+s13] =	stream.linear.scatter @!p1 [tilespmem:s13], [sflag:$0x1], $0x86C0, $0x38;
	[tilespmem:$0x9700] =	vst v63  }
0x16b: {  	s13 =	simm.s32 @!p1 $0x1  }
0x16c: {  	_ =	swait.ge @!p1 [sflag:s13], $0x86C0  }
0x16d: {  	s12 =	sadd.s32 $0x1, s12;
	[sflag:s13] =	ssyncset.done @!p1 $0x0  }
0x16e: {  	p2 =	sne.s32 s12, s6;
	[sflag:s13] =	ssyncadd.s32 @!p1 $0xFFFF7940;
	s13 =	simm.s32 @!p0 $0x0  }
0x16f: {  	[hbm4b:s3+s13] =	stream.linear.scatter @!p0 [tilespmem:s13], [sflag:$0x1], $0x8F00, $0x38;
	[tilespmem:$0x9700] =	vst v63  }
.Ltmp2:
0x170: {  	_ = 	snop;
	(pc) =	sbr.rel @p2 .LBB2_2-.Ltmp2, $4  }
0x171: {  	s13 =	simm.s32 @!p0 $0x1  }
0x172: {  	_ =	swait.ge @!p0 [sflag:s13], $0x8F00  }
0x173: {  	[sflag:s13] =	ssyncset.done @!p0 $0x0  }
0x174: {  	[sflag:s13] =	ssyncadd.s32 @!p0 $0xFFFF7100  }
.LBB2_5:
0x175: {  	_ =	sfence.sel $0x180000  }
0x176: {  	[bflag:$0x0] =	sbarrier.arrive $0xFFFF  }
0x177: {  	p0 =	sne.s32 s1, $0x0;
	_ =	strace $0x90000047  }
0x178: {  	s0 =	sadd.s32 @!p0 $0x100000, s0;
	[bflag:$0x2] =	sbarrier.arrive $0xFFFF  }
0x179: {  	[sflag:s0] =	ssyncadd.tile.s32 @!p0 $0x1;
	_ =	shalt  }
.Lfunc_end2:
_tile_overlayer_lowered:
.L_overlay_start_2:
0x17a: {  	(tag) =	ssettag $0x2  }
0x17b: {  	s0 =	rddreg [dreg:$0x0];
	s2 =	stileid.u32  }
0x17c: {  	s1 =	rddreg [dreg:$0x1];
	p0 =	sne.s32 s2, $0x0  }
0x17d: {  	s3 =	rddreg [dreg:$0x2];
	[bflag:$0x3] =	sbarrier.arrive $0xFFFF;
	s2 =	simm.s32 @!p0 $0x1C01  }
0x17e: {  	[timem:s3], [sflag:s2] =	dma.local @!p0 [hbm:s0], s1  }
0x17f: {  	s0 =	simm.s32 @!p0 $0x1  }
0x180: {  	_ =	swait.ge @!p0 [sflag:s0], s1  }
0x181: {  	s1 =	ssub.s32 @!p0 $0x0, s1;
	[sflag:s0] =	ssyncset.done @!p0 $0x0  }
0x182: {  	[sflag:s0] =	ssyncadd.s32 @!p0 s1  }
0x183: {  	[bflag:$0x3] =	sbarrier.arrive $0xFFFF  }
0x184: {  	_ =	shalt  }

// kernel: kernel.13.cloned.1.call-start
scs
__scs_entry_jumppad:
0x0: {  	(pc) =	sbr.rel $0x88, $3  }
0x1: {  	(tag) =	ssettag $0x0;
	lr =	simm.s32 $0x1  }
0x2: {  	[smem:$0x3F8A] =	sst lr;
	_ =	strace $0xD0000000  }
0x3: {  	_ = 	snop  }
0x4: {  	_ = 	snop  }
0x5: {  	_ = 	snop  }
0x6: {  	_ = 	snop  }
0x7: {  	_ = 	snop  }
__scs_overlays_trampoline_lowered:
0x8: {  	[smem:$0x3F99] =	sst s0  }
0x9: {  	[smem:$0x3F9A] =	sst s1  }
0xa: {  	[smem:$0x3F9B] =	sst s2  }
0xb: {  	[smem:$0x3F9C] =	sst s3  }
0xc: {  	[smem:$0x3F9D] =	sst s4  }
0xd: {  	[smem:$0x3F9E] =	sst s5  }
0xe: {  	[smem:$0x3F9F] =	sst s6  }
0xf: {  	[smem:$0x3FA0] =	sst s7  }
0x10: {  	[smem:$0x3FA1] =	sst s8  }
0x11: {  	[smem:$0x3FA2] =	sst s9;
	s0 =	simm.s32 @!p0 $0x0  }
0x12: {  	s1 =	sld [smem:$0x3F88];
	s0 =	simm.s32 @p0 $0x1  }
0x13: {  	[smem:$0x3FA3] =	sst s0;
	s0 =	simm.s32 @!p1 $0x0  }
0x14: {  	s2 =	sld [smem:$0x3F87];
	s0 =	simm.s32 @p1 $0x1  }
0x15: {  	[smem:$0x3FA4] =	sst s0;
	s0 =	simm.s32 @!p2 $0x0  }
0x16: {  	s3 =	sld [smem:$0x3FDB];
	s0 =	simm.s32 @p2 $0x1  }
0x17: {  	s4 =	simm.s32 $0x1BF5;
	[smem:$0x3FA6] =	sst s0  }
0x18: {  	s0 =	sld [smem:$0x3F89];
	_ =	swait.ge [sflag:s4], $0x0  }
0x19: {  	s7 =	sld [smem:$0x3F8A]  }
0x1a: {  	s8 =	sadd.s32 $0xFFFFE003, lr  }
0x1b: {  	s9 =	sadd.s32 $0xFFFFFEF7, lr;
	s5 =	simm.s32 $0xFFFFFFFF;
	p2 =	slt.u32 s8, $0xFFFFF086  }
0x1c: {  	p1 =	slt.u32 s9, $0xF7A;
	s5 =	simm.s32 @!p2 $0x0  }
0x1d: {  	s5 =	simm.s32 @p1 $0x1;
	p0 =	seq.s32 s7, s2  }
0x1e: {  	s7 =	smul.u32 @!p0 $0xF7A, s2;
	p2 =	seq.s32 @!p0 s5, $0x0  }
0x1f: {  	s9 =	smul.u32 $0xF7A, s1;
	s8 =	simm.s32 @!p0 $0x1BF5;
	p2 =	por !p2, p0  }
0x20: {  	[sflag:s8] =	ssyncset.s32 @!p0 $0xFFFFF086;
	s6 =	sadd.s32 @!p0 s3, s7;
	s7 =	simm.s32 @!p0 $0x108  }
0x21: {  	s3 =	sadd.s32 s3, s9;
	s6 =	sadd.s32 @!p0 $0x88, s6;
	s7 =	simm.s32 @p2 $0x1082  }
0x22: {  	[simem:s7], [sflag:s8] =	dma.local @!p0 [hbm:s6], $0xF7A  }
0x23: {  	s9 =	sor.u32 $0xD0000000, s2;
	s6 =	simm.s32 $0x108;
	_ =	swait.ge @!p0 [sflag:s8], $0x0  }
0x24: {  	s3 =	sadd.s32 $0x88, s3;
	s6 =	simm.s32 @!p1 $0x1082;
	[sflag:s4] =	ssyncset.s32 $0xFFFFF086  }
0x25: {  	[simem:s6], [sflag:s4] =	dma.local [hbm:s3], $0xF7A  }
0x26: {  	[smem:$0x3F8A] =	sst s1;
	(tag) =	ssettag s2;
	_ =	strace s9  }
0x27: {  	s1 =	sld [smem:$0x3F9A]  }
0x28: {  	s2 =	sld [smem:$0x3F9B]  }
0x29: {  	s4 =	sld [smem:$0x3F9D]  }
0x2a: {  	p0 =	seq.s32 s5, $0x0;
	s5 =	sld [smem:$0x3F9E]  }
0x2b: {  	s6 =	sld [smem:$0x3F9F]  }
0x2c: {  	s7 =	sld [smem:$0x3FA0]  }
0x2d: {  	s3 =	simm.s32 $0x108;
	s8 =	sld [smem:$0x3FA1]  }
0x2e: {  	s3 =	simm.s32 @!p0 $0x1082;
	s9 =	sld [smem:$0x3FA2]  }
0x2f: {  	lr =	sadd.s32 s0, s3;
	s0 =	sld [smem:$0x3F99]  }
0x30: {  	s3 =	sld [smem:$0x3F9C]  }
0x31: {  	[smem:$0x3FA5] =	sst s10  }
0x32: {  	s10 =	sld [smem:$0x3FA3];
	_ =	sdelay $0x3  }
0x33: {  	p0 =	seq.s32 s10, $0x1;
	s10 =	sld [smem:$0x3FA5];
	_ =	sdelay $0x3  }
0x34: {  	[smem:$0x3FA5] =	sst s10  }
0x35: {  	s10 =	sld [smem:$0x3FA4];
	_ =	sdelay $0x3  }
0x36: {  	p1 =	seq.s32 s10, $0x1;
	s10 =	sld [smem:$0x3FA5];
	_ =	sdelay $0x3  }
0x37: {  	[smem:$0x3FA5] =	sst s10  }
0x38: {  	s10 =	sld [smem:$0x3FA6]  }
0x39: {  	_ = 	snop;
	(pc) =	sbr.ind lr, $3  }
0x3a: {  	_ = 	snop  }
0x3b: {  	_ = 	snop  }
0x3c: {  	p2 =	seq.s32 s10, $0x1;
	s10 =	sld [smem:$0x3FA5]  }
0x3d: {  	_ =	shalt  }
0x3e: {  	_ =	shalt  }
0x3f: {  	_ =	shalt  }
0x40: {  	_ =	shalt  }
0x41: {  	_ =	shalt  }
0x42: {  	_ =	shalt  }
0x43: {  	_ =	shalt  }
0x44: {  	_ =	shalt  }
0x45: {  	_ =	shalt  }
0x46: {  	_ =	shalt  }
0x47: {  	_ =	shalt  }
0x48: {  	_ =	shalt  }
0x49: {  	_ =	shalt  }
0x4a: {  	_ =	shalt  }
0x4b: {  	_ =	shalt  }
0x4c: {  	_ =	shalt  }
0x4d: {  	_ =	shalt  }
0x4e: {  	_ =	shalt  }
0x4f: {  	_ =	shalt  }
0x50: {  	_ =	shalt  }
0x51: {  	_ =	shalt  }
0x52: {  	_ =	shalt  }
0x53: {  	_ =	shalt  }
0x54: {  	_ =	shalt  }
0x55: {  	_ =	shalt  }
0x56: {  	_ =	shalt  }
0x57: {  	_ =	shalt  }
0x58: {  	_ =	shalt  }
0x59: {  	_ =	shalt  }
0x5a: {  	_ =	shalt  }
0x5b: {  	_ =	shalt  }
0x5c: {  	_ =	shalt  }
0x5d: {  	_ =	shalt  }
0x5e: {  	_ =	shalt  }
0x5f: {  	_ =	shalt  }
0x60: {  	_ =	shalt  }
0x61: {  	_ =	shalt  }
0x62: {  	_ =	shalt  }
0x63: {  	_ =	shalt  }
0x64: {  	_ =	shalt  }
0x65: {  	_ =	shalt  }
0x66: {  	_ =	shalt  }
0x67: {  	_ =	shalt  }
0x68: {  	_ =	shalt  }
0x69: {  	_ =	shalt  }
0x6a: {  	_ =	shalt  }
0x6b: {  	_ =	shalt  }
0x6c: {  	_ =	shalt  }
0x6d: {  	_ =	shalt  }
0x6e: {  	_ =	shalt  }
0x6f: {  	_ =	shalt  }
0x70: {  	_ =	shalt  }
0x71: {  	_ =	shalt  }
0x72: {  	_ =	shalt  }
0x73: {  	_ =	shalt  }
0x74: {  	_ =	shalt  }
0x75: {  	_ =	shalt  }
0x76: {  	_ =	shalt  }
0x77: {  	_ =	shalt  }
0x78: {  	_ =	shalt  }
0x79: {  	_ =	shalt  }
0x7a: {  	_ =	shalt  }
0x7b: {  	_ =	shalt  }
0x7c: {  	_ =	shalt  }
0x7d: {  	_ =	shalt  }
0x7e: {  	_ =	shalt  }
0x7f: {  	_ =	shalt  }
0x80: {  	_ =	shalt  }
0x81: {  	_ =	shalt  }
0x82: {  	_ =	shalt  }
0x83: {  	_ =	shalt  }
0x84: {  	_ =	shalt  }
0x85: {  	_ =	shalt  }
0x86: {  	_ =	shalt  }
0x87: {  	_ =	shalt  }
.Lfunc_end0:
.L_simem_size_0:
called_computation.1_lowered:
.L_overlay_start_0:
0x88: {  	s1 =	sld [smem:$0x3FD9]  }
0x89: {  	s2 =	sld [smem:$0x3FFE];
	_ =	sdelay $0x1  }
0x8a: {  	s3 =	srdreg.scid  }
0x8b: {  	s0 =	sand.u32 $0x1, s3  }
0x8c: {  	s17 =	sshll.u32 s0, $0xA;
	s1 =	sadd.s32 s2, s1  }
0x8d: {  	s1 =	sadd.s32 s1, s17  }
0x8e: {  	[smem:$0x3FB1] =	sst s1  }
0x8f: {  	_ = 	snop  }
0x90: {  	(tm) =	ssettm $0x1  }
0x91: {  	s18 =	sld [smem:$0x3FFB];
	_ =	sdelay $0x3  }
0x92: {  	_ =	strace s18  }
0x93: {  	s1 =	sld [smem:$0x3FFC];
	_ =	sdelay $0x3  }
0x94: {  	_ =	strace s1  }
0x95: {  	s1 =	sld [smem:$0x3FFD];
	_ =	sdelay $0x3  }
0x96: {  	_ =	strace s1  }
0x97: {  	_ =	strace $0x8FFFFFFF  }
0x98: {  	s19 =	sld [smem:$0x3FDB];
	_ =	sdelay $0x1  }
0x99: {  	s20 =	simm.s32 $_scs_section_size  }
0x9a: {  	s4 =	simm.s32 $_size__tile_overlayer_lowered;
	s5 =	simm.s32 $_tile_overlayer_lowered  }
0x9b: {  	s23 =	simm.s32 $0x1BFF;
	s22 =	sshll.u32 s5, $0x1;
	s1 =	sadd.s32 s20, s19  }
0x9c: {  	s6 =	simm.s32 $0x0;
	s21 =	sshll.u32 s4, $0x1;
	s4 =	sadd.s32 s22, s1  }
0x9d: {  	[timem:s6], [sflag:s23] =	dma.local [hbm:s4], s21  }
0x9e: {  	_ =	swait.ge [sflag:s23], s21  }
0x9f: {  	s2 =	ssub.s32 $0x0, s21;
	[sflag:s23] =	ssyncset.done $0x0  }
0xa0: {  	[sflag:s23] =	ssyncadd.s32 s2;
	_ =	sdelay $0x1  }
0xa1: {  	s24 =	simm.s32 $0x1B8B  }
0xa2: {  	_ =	swait.ge [sflag:s24], $0x1  }
0xa3: {  	[sflag:s24] =	ssyncset.done $0x0  }
0xa4: {  	s25 =	simm.s32 $0x1B8E;
	[sflag:s24] =	ssyncadd.s32 $0xFFFFFFFF  }
0xa5: {  	s26 =	simm.s32 $execute0_lowered;
	[smem:$0x3FD2] =	sst s25  }
0xa6: {  	s2 =	sshll.u32 s26, $0x1;
	_ =	strace $0x80000049;
	[dreg:$0x1] =	wrdreg $0xFFFFFFFF  }
0xa7: {  	s28 =	simm.s32 $_size_execute0_lowered;
	s1 =	sadd.s32 s1, s2;
	[dreg:$0x0] =	wrdreg $0x0  }
0xa8: {  	s2 =	sshll.u32 s28, $0x1;
	[dreg:$0x2] =	wrdreg s1  }
0xa9: {  	[dreg:$0x3] =	wrdreg s2  }
0xaa: {  	[dreg:$0x4] =	wrdreg $0xC0  }
0xab: {  	_ =	task [dreg:s6], $0x5FFFF  }
0xac: {  	[dreg:$0x1] =	wrdreg $0xFFFFFFFF  }
0xad: {  	[dreg:$0x0] =	wrdreg $0x60  }
0xae: {  	[dreg:$0x2] =	wrdreg $0x9  }
0xaf: {  	_ =	task.clear_ibuf [dreg:s6], $0x3FFFF;
	_ =	strace $0x90000049  }
0xb0: {  	s29 =	simm.s32 $0x9;
	_ =	strace $0x8000004B  }
0xb1: {  	_ =	swait.ge [sflag:s29], $0x1  }
0xb2: {  	[sflag:s29] =	ssyncadd.s32 $0xFFFFFFFF  }
0xb3: {  	_ =	strace $0x9000004B  }
0xb4: {  	_ =	sfence  }
0xb5: {  	s30 =	sld [smem:$0x0];
	_ =	sdelay $0x2  }
0xb6: {  	s31 =	sshll.u32 s3, $0xD;
	s3 =	sshrl.u32 s3, $0x2  }
0xb7: {  	s2 =	sand.u32 $0x4000, s31;
	s1 =	sadd.s32 s3, s30  }
0xb8: {  	s0 =	sor.u32 s2, s0;
	s1 =	sshll.u32 s1, $0x11  }
0xb9: {  	s0 =	sor.u32 s1, s0  }
0xba: {  	s0 =	sadd.s32 $0x8F2B, s0  }
0xbb: {  	[sflag:s0] =	ssyncadd.remote.s32 $0x1  }
0xbc: {  	_ =	sfence.sel $0xFFFF  }
0xbd: {  	[dreg:$0x0] =	wrdreg $0xFFFFFFFF;
	(pc) =	sbr.abs _section_cstart, $3  }
0xbe: {  	[dreg:$0x1] =	wrdreg $0xFFFFFFFF  }
0xbf: {  	_ =	task.clear_ibuf [dreg:s6], $0x2FFFF;
	_ =	strace $0x9FFFFFFF  }
0xc0: {  	(tm) =	ssettm $0x7FFFFFFF  }
0xc1: {  	_ =	shalt  }
tec
execute0_lowered:
.L_overlay_start_1:
0x0: {  	(tag) =	ssettag $0x1  }
0x1: {  	s0 =	rddreg [dreg:$0x0];
	_ =	strace $0x8000004A  }
0x2: {  	_ =	sfence.sel $0x180000  }
0x3: {  	s1 =	stileid.u32;
	[bflag:$0x0] =	sbarrier.arrive $0xFFFF  }
0x4: {  	p0 =	sne.s32 s1, $0x0;
	_ =	strace $0x9000004A  }
0x5: {  	s0 =	sadd.s32 @!p0 $0x100000, s0;
	[bflag:$0x2] =	sbarrier.arrive $0xFFFF  }
0x6: {  	[sflag:s0] =	ssyncadd.tile.s32 @!p0 $0x1;
	_ =	shalt  }
.Lfunc_end2:
_tile_overlayer_lowered:
.L_overlay_start_2:
0x7: {  	(tag) =	ssettag $0x2  }
0x8: {  	s0 =	rddreg [dreg:$0x0];
	s2 =	stileid.u32  }
0x9: {  	s1 =	rddreg [dreg:$0x1];
	p0 =	sne.s32 s2, $0x0  }
0xa: {  	s3 =	rddreg [dreg:$0x2];
	[bflag:$0x3] =	sbarrier.arrive $0xFFFF;
	s2 =	simm.s32 @!p0 $0x1C01  }
0xb: {  	[timem:s3], [sflag:s2] =	dma.local @!p0 [hbm:s0], s1  }
0xc: {  	s0 =	simm.s32 @!p0 $0x1  }
0xd: {  	_ =	swait.ge @!p0 [sflag:s0], s1  }
0xe: {  	s1 =	ssub.s32 @!p0 $0x0, s1;
	[sflag:s0] =	ssyncset.done @!p0 $0x0  }
0xf: {  	[sflag:s0] =	ssyncadd.s32 @!p0 s1  }
0x10: {  	[bflag:$0x3] =	sbarrier.arrive $0xFFFF  }
0x11: {  	_ =	shalt  }

</sc_bundles>
